<compile_context>
chip_gen: v7x
topology: tpu7x:2x2x1
jax: 0.10.2.dev20260603
libtpu: 0.0.44.dev20260713+nightly
codegen_flags: <defaults>
</compile_context>

<pallas_src>
import functools

import jax
import jax.numpy as jnp
from jax import lax
from jax.experimental import pallas as pl
from jax.experimental.pallas import tpu as pltpu
from jax.experimental.pallas import tpu_sc as plsc

EMBED = 64
EMBED_PAD = 128
BATCH = 16384
FIELDS = 26
FIELDS_PAD = 32
LANES = 16

NC, NS = 2, 16
NW = NC * NS
ROWS_W = BATCH // NW
BLK = 32
NBLK = ROWS_W // BLK
CHUNK = BLK * FIELDS


_mesh = plsc.VectorSubcoreMesh(
    core_axis_name="c", subcore_axis_name="s", num_cores=NC, num_subcores=NS
)


@functools.partial(
    pl.kernel,
    mesh=_mesh,
    out_type=jax.ShapeDtypeStruct((BATCH, FIELDS_PAD, EMBED_PAD), jnp.float32),
    scratch_types=[
        pltpu.VMEM((BLK, FIELDS_PAD), jnp.float32),
        pltpu.VMEM((2, CHUNK), jnp.int32),
        pltpu.VMEM((2 * CHUNK, EMBED), jnp.float32),
        pltpu.SemaphoreType.DMA,
        pltpu.SemaphoreType.DMA,
        pltpu.SemaphoreType.DMA,
        pltpu.SemaphoreType.DMA,
    ],
    compiler_params=pltpu.CompilerParams(
        use_tc_tiling_on_sc=False, needs_layout_passes=False
    ),
)
def _gather(idx_hbm, table_hbm, out_hbm, blk_v, idx_v, rows_v, g0, g1, s0, s1):
    wid = lax.axis_index("s") * NC + lax.axis_index("c")
    base = wid * ROWS_W
    gsem = (g0, g1)
    ssem = (s0, s1)

    def _flatten_step(d):
        def step(r, carry):
            idx_v[d, pl.ds(r * FIELDS, LANES)] = plsc.bitcast(
                blk_v[r, pl.ds(0, LANES)], jnp.int32
            )
            idx_v[d, pl.ds(r * FIELDS + FIELDS - LANES, LANES)] = plsc.bitcast(
                blk_v[r, pl.ds(FIELDS - LANES, LANES)], jnp.int32
            )
            return carry
        return step

    def _stage_and_fire(c):
        d = c % 2
        r0 = base + c * BLK
        pltpu.sync_copy(idx_hbm.at[pl.ds(r0, BLK)], blk_v)
        lax.fori_loop(0, BLK, _flatten_step(d), 0)
        pltpu.async_copy(
            table_hbm.at[idx_v.at[d]],
            rows_v.at[pl.ds(d * CHUNK, CHUNK)],
            gsem[d],
        )

    def _out_view(r0, k):
        return out_hbm.at[r0 + k, pl.ds(0, FIELDS), pl.ds(0, EMBED)]

    def _row_copy(d, k, r0, sem):
        return pltpu.make_async_copy(
            rows_v.at[pl.ds(d * CHUNK + k * FIELDS, FIELDS)],
            _out_view(r0, k),
            sem,
        )

    _stage_and_fire(0)
    for c in range(NBLK):
        d = c % 2
        if c + 1 < NBLK:
            _stage_and_fire(c + 1)
        pltpu.make_async_copy(
            table_hbm.at[idx_v.at[d]],
            rows_v.at[pl.ds(d * CHUNK, CHUNK)],
            gsem[d],
        ).wait()
        r0 = base + c * BLK

        def fire(k, r0):
            pltpu.async_copy(
                rows_v.at[pl.ds(d * CHUNK + k * FIELDS, FIELDS)],
                _out_view(r0, k),
                ssem[d],
            )
            return r0

        def drain(k, r0):
            _row_copy(d, k, r0, ssem[d]).wait()
            return r0

        lax.fori_loop(0, BLK, fire, r0)
        lax.fori_loop(0, BLK, drain, r0)


def kernel(x, weight):
    xf = jax.lax.bitcast_convert_type(x, jnp.float32)
    xp = jnp.pad(xf, ((0, 0), (0, FIELDS_PAD - FIELDS)))
    out3 = _gather(xp, weight)
    return out3[:, :FIELDS, :EMBED]

# --- scband reference (transcript-rebuilt; emitter-appended) ---
"""Pipeline reference for scband-embedding-79654463472316 (READ-ONLY COPY).

The authoritative reference and input builder live on the scoring server;
editing this copy changes nothing except your own understanding.
"""

import jax, jax.numpy as jnp
import numpy as np

VOCAB = 1000000
EMBED = 64
BATCH = 16384
FIELDS = 26

def setup_inputs(seed: int = 0) -> dict:
    key = jax.random.key(seed)
    k_idx, k_w = jax.random.split(key)
    x = jax.random.randint(k_idx, (BATCH, FIELDS), 0, VOCAB, dtype=jnp.int64 if jax.config.jax_enable_x64 else jnp.int32)
    # nn.Embedding default init: N(0, 1)
    weight = jax.random.normal(k_w, (VOCAB, EMBED), dtype=jnp.float32)
    return {"x": x, "weight": weight}

def reference(x, weight):
    # Embedding lookup: gather rows of the table
    return jnp.take(weight, x, axis=0)

if __name__ == "__main__":
    import jax
    _d = setup_inputs()
    print(jax.jit(kernel)(*tuple(_d.values())))

</pallas_src>

<mosaic_0001>
#map = affine_map<(d0, d1) -> (0, 0)>
#map1 = affine_map<(d0, d1) -> (0, 0, 0)>
module attributes {stable_mosaic.version = 14 : i64} {
  func.func @_gather(%arg0: i32, %arg1: i32, %arg2: memref<16384x32xf32, #tpu.memory_space<hbm>>, %arg3: memref<1000000x64xf32, #tpu.memory_space<hbm>>, %arg4: memref<16384x32x128xf32, #tpu.memory_space<hbm>>, %arg5: memref<32x32xf32, #tpu.memory_space<vmem>>, %arg6: memref<2x832xi32, #tpu.memory_space<vmem>>, %arg7: memref<1664x64xf32, #tpu.memory_space<vmem>>, %arg8: memref<!tpu.dma_semaphore, #tpu.memory_space<semaphore_mem>>, %arg9: memref<!tpu.dma_semaphore, #tpu.memory_space<semaphore_mem>>, %arg10: memref<!tpu.dma_semaphore, #tpu.memory_space<semaphore_mem>>, %arg11: memref<!tpu.dma_semaphore, #tpu.memory_space<semaphore_mem>>) attributes {dimension_semantics = [#tpu.dimension_semantics<core_parallel>, #tpu.dimension_semantics<subcore_parallel>], iteration_bounds = array<i64: 2, 16>, scalar_prefetch = 0 : i64, scratch_operands = 7 : i64, tpu.core_type = #tpu.core_type<sc_vector_subcore>, window_params = [{transform_indices = #map}, {transform_indices = #map}, {transform_indices = #map1}]} {
    %mul3A = arith.constant 2 : i32
    %mul3A_0 = arith.muli %arg1, %mul3A : i32
    %add3A = arith.addi %mul3A_0, %arg0 : i32
    %mul3A_1 = arith.constant 512 : i32
    %mul3A_2 = arith.muli %add3A, %mul3A_1 : i32
    %add3A_3 = arith.constant 0 : i32
    %add3A_4 = arith.addi %mul3A_2, %add3A_3 : i32
    "tpu.region"() ({
      %run_scoped3A = tpu.sem_alloc : memref<!tpu.dma_semaphore, #tpu.memory_space<semaphore_mem>>
      %dma_start3A_640 = arith.constant 0 : i32
      %dma_start3A_641 = tpu.memref_slice %arg2[%add3A_4, %dma_start3A_640] : memref<16384x32xf32, #tpu.memory_space<hbm>> -> memref<32x32xf32, #tpu.memory_space<hbm>>
      %dma_start3A_642 = arith.constant 0 : i32
      %dma_start3A_643 = tpu.memref_slice %arg2[%add3A_4, %dma_start3A_642] : memref<16384x32xf32, #tpu.memory_space<hbm>> -> memref<32x32xf32, #tpu.memory_space<hbm>>
      tpu.enqueue_dma source(%dma_start3A_643 : memref<32x32xf32, #tpu.memory_space<hbm>>) target(%arg5 : memref<32x32xf32, #tpu.memory_space<vmem>>) target_semaphore(%run_scoped3A : memref<!tpu.dma_semaphore, #tpu.memory_space<semaphore_mem>>)
      %dma_wait3A_644 = arith.constant 0 : i32
      %dma_wait3A_645 = tpu.memref_slice %arg2[%add3A_4, %dma_wait3A_644] : memref<16384x32xf32, #tpu.memory_space<hbm>> -> memref<32x32xf32, #tpu.memory_space<hbm>>
      %dma_wait3A_646 = arith.constant 0 : i32
      %dma_wait3A_647 = tpu.memref_slice %arg2[%add3A_4, %dma_wait3A_646] : memref<16384x32xf32, #tpu.memory_space<hbm>> -> memref<32x32xf32, #tpu.memory_space<hbm>>
      tpu.wait_dma2 semaphore(%run_scoped3A : memref<!tpu.dma_semaphore, #tpu.memory_space<semaphore_mem>>) src(%dma_wait3A_647 : memref<32x32xf32, #tpu.memory_space<hbm>>) dst(%arg5 : memref<32x32xf32, #tpu.memory_space<vmem>>)
      tpu.yield
    }) : () -> ()
    %scan3A = arith.constant 0 : i32
    %scan3A_5 = arith.constant 0 : i32
    %scan3A_6 = arith.constant 32 : i32
    %scan3A_7 = arith.addi %scan3A_5, %scan3A_6 : i32
    %scan3A_8 = arith.constant 1 : i32
    scf.for %scan3A_640 = %scan3A_5 to %scan3A_7 step %scan3A_8  : i32 {
      %get3A = arith.index_cast %scan3A_640 : i32 to index
      %get3A_641 = arith.constant 0 : index
      %get3A_642 = tpu.vector_load %arg5[%get3A, %get3A_641] {strides = array<i32>} : memref<32x32xf32, #tpu.memory_space<vmem>>, vector<16xf32>,
      %bitcast3A = vector.bitcast %get3A_642 : vector<16xf32> to vector<16xi32>
      %mul3A_643 = arith.constant 26 : i32
      %mul3A_644 = arith.muli %scan3A_640, %mul3A_643 : i32
      %swap3A = arith.constant 0 : i32
      %swap3A_645 = arith.index_cast %swap3A : i32 to index
      %swap3A_646 = arith.index_cast %mul3A_644 : i32 to index
      %swap3A_647 = tpu.vector_load %arg6[%swap3A_645, %swap3A_646] {strides = array<i32>} : memref<2x832xi32, #tpu.memory_space<vmem>>, vector<16xi32>,
      tpu.vector_store %arg6[%swap3A_645, %swap3A_646], %bitcast3A {strides = array<i32>} : memref<2x832xi32, #tpu.memory_space<vmem>>, vector<16xi32>,
      %get3A_648 = arith.index_cast %scan3A_640 : i32 to index
      %get3A_649 = arith.constant 10 : index
      %get3A_650 = tpu.vector_load %arg5[%get3A_648, %get3A_649] {strides = array<i32>} : memref<32x32xf32, #tpu.memory_space<vmem>>, vector<16xf32>,
      %bitcast3A_651 = vector.bitcast %get3A_650 : vector<16xf32> to vector<16xi32>
      %mul3A_652 = arith.constant 26 : i32
      %mul3A_653 = arith.muli %scan3A_640, %mul3A_652 : i32
      %add3A_654 = arith.constant 26 : i32
      %add3A_655 = arith.addi %mul3A_653, %add3A_654 : i32
      %sub3A = arith.constant 16 : i32
      %sub3A_656 = arith.subi %add3A_655, %sub3A : i32
      %swap3A_657 = arith.constant 0 : i32
      %swap3A_658 = arith.index_cast %swap3A_657 : i32 to index
      %swap3A_659 = arith.index_cast %sub3A_656 : i32 to index
      %swap3A_660 = tpu.vector_load %arg6[%swap3A_658, %swap3A_659] {strides = array<i32>} : memref<2x832xi32, #tpu.memory_space<vmem>>, vector<16xi32>,
      tpu.vector_store %arg6[%swap3A_658, %swap3A_659], %bitcast3A_651 {strides = array<i32>} : memref<2x832xi32, #tpu.memory_space<vmem>>, vector<16xi32>,
    }
    %scan3A_9 = arith.constant 32 : i32
    %dma_start3A = arith.constant 0 : i32
    %dma_start3A_10 = arith.constant 0 : i32
    %dma_start3A_11 = arith.constant 0 : i32
    %dma_start3A_12 = tpu.memref_slice %arg7[%dma_start3A_10, %dma_start3A_11] : memref<1664x64xf32, #tpu.memory_space<vmem>> -> memref<832x64xf32, #tpu.memory_space<vmem>>
    %dma_start3A_13 = arith.constant 0 : i32
    %dma_start3A_14 = tpu.memref_slice %arg6[%dma_start3A, %dma_start3A_13] : memref<2x832xi32, #tpu.memory_space<vmem>> -> memref<1x832xi32, #tpu.memory_space<vmem>>
    %dma_start3A_15 = tpu.memref_squeeze %dma_start3A_14 : memref<1x832xi32, #tpu.memory_space<vmem>> -> memref<832xi32, #tpu.memory_space<vmem>>
    %dma_start3A_16 = arith.constant 0 : i32
    %dma_start3A_17 = arith.constant 0 : i32
    %dma_start3A_18 = tpu.memref_slice %arg3[%dma_start3A_16, %dma_start3A_17] : memref<1000000x64xf32, #tpu.memory_space<hbm>> -> memref<1000000x64xf32, #tpu.memory_space<hbm>>
    tpu.enqueue_indirect_dma source(%dma_start3A_18 : memref<1000000x64xf32, #tpu.memory_space<hbm>>) target(%dma_start3A_12 : memref<832x64xf32, #tpu.memory_space<vmem>>) offsets(%dma_start3A_15 : memref<832xi32, #tpu.memory_space<vmem>>) semaphore(%arg8 : memref<!tpu.dma_semaphore, #tpu.memory_space<semaphore_mem>>)
    %add3A_19 = arith.constant 32 : i32
    %add3A_20 = arith.addi %mul3A_2, %add3A_19 : i32
    "tpu.region"() ({
      %run_scoped3A = tpu.sem_alloc : memref<!tpu.dma_semaphore, #tpu.memory_space<semaphore_mem>>
      %dma_start3A_640 = arith.constant 0 : i32
      %dma_start3A_641 = tpu.memref_slice %arg2[%add3A_20, %dma_start3A_640] : memref<16384x32xf32, #tpu.memory_space<hbm>> -> memref<32x32xf32, #tpu.memory_space<hbm>>
      %dma_start3A_642 = arith.constant 0 : i32
      %dma_start3A_643 = tpu.memref_slice %arg2[%add3A_20, %dma_start3A_642] : memref<16384x32xf32, #tpu.memory_space<hbm>> -> memref<32x32xf32, #tpu.memory_space<hbm>>
      tpu.enqueue_dma source(%dma_start3A_643 : memref<32x32xf32, #tpu.memory_space<hbm>>) target(%arg5 : memref<32x32xf32, #tpu.memory_space<vmem>>) target_semaphore(%run_scoped3A : memref<!tpu.dma_semaphore, #tpu.memory_space<semaphore_mem>>)
      %dma_wait3A_644 = arith.constant 0 : i32
      %dma_wait3A_645 = tpu.memref_slice %arg2[%add3A_20, %dma_wait3A_644] : memref<16384x32xf32, #tpu.memory_space<hbm>> -> memref<32x32xf32, #tpu.memory_space<hbm>>
      %dma_wait3A_646 = arith.constant 0 : i32
      %dma_wait3A_647 = tpu.memref_slice %arg2[%add3A_20, %dma_wait3A_646] : memref<16384x32xf32, #tpu.memory_space<hbm>> -> memref<32x32xf32, #tpu.memory_space<hbm>>
      tpu.wait_dma2 semaphore(%run_scoped3A : memref<!tpu.dma_semaphore, #tpu.memory_space<semaphore_mem>>) src(%dma_wait3A_647 : memref<32x32xf32, #tpu.memory_space<hbm>>) dst(%arg5 : memref<32x32xf32, #tpu.memory_space<vmem>>)
      tpu.yield
    }) : () -> ()
    %scan3A_21 = arith.constant 0 : i32
    %scan3A_22 = arith.constant 0 : i32
    %scan3A_23 = arith.constant 32 : i32
    %scan3A_24 = arith.addi %scan3A_22, %scan3A_23 : i32
    %scan3A_25 = arith.constant 1 : i32
    scf.for %scan3A_640 = %scan3A_22 to %scan3A_24 step %scan3A_25  : i32 {
      %get3A = arith.index_cast %scan3A_640 : i32 to index
      %get3A_641 = arith.constant 0 : index
      %get3A_642 = tpu.vector_load %arg5[%get3A, %get3A_641] {strides = array<i32>} : memref<32x32xf32, #tpu.memory_space<vmem>>, vector<16xf32>,
      %bitcast3A = vector.bitcast %get3A_642 : vector<16xf32> to vector<16xi32>
      %mul3A_643 = arith.constant 26 : i32
      %mul3A_644 = arith.muli %scan3A_640, %mul3A_643 : i32
      %swap3A = arith.constant 1 : i32
      %swap3A_645 = arith.index_cast %swap3A : i32 to index
      %swap3A_646 = arith.index_cast %mul3A_644 : i32 to index
      %swap3A_647 = tpu.vector_load %arg6[%swap3A_645, %swap3A_646] {strides = array<i32>} : memref<2x832xi32, #tpu.memory_space<vmem>>, vector<16xi32>,
      tpu.vector_store %arg6[%swap3A_645, %swap3A_646], %bitcast3A {strides = array<i32>} : memref<2x832xi32, #tpu.memory_space<vmem>>, vector<16xi32>,
      %get3A_648 = arith.index_cast %scan3A_640 : i32 to index
      %get3A_649 = arith.constant 10 : index
      %get3A_650 = tpu.vector_load %arg5[%get3A_648, %get3A_649] {strides = array<i32>} : memref<32x32xf32, #tpu.memory_space<vmem>>, vector<16xf32>,
      %bitcast3A_651 = vector.bitcast %get3A_650 : vector<16xf32> to vector<16xi32>
      %mul3A_652 = arith.constant 26 : i32
      %mul3A_653 = arith.muli %scan3A_640, %mul3A_652 : i32
      %add3A_654 = arith.constant 26 : i32
      %add3A_655 = arith.addi %mul3A_653, %add3A_654 : i32
      %sub3A = arith.constant 16 : i32
      %sub3A_656 = arith.subi %add3A_655, %sub3A : i32
      %swap3A_657 = arith.constant 1 : i32
      %swap3A_658 = arith.index_cast %swap3A_657 : i32 to index
      %swap3A_659 = arith.index_cast %sub3A_656 : i32 to index
      %swap3A_660 = tpu.vector_load %arg6[%swap3A_658, %swap3A_659] {strides = array<i32>} : memref<2x832xi32, #tpu.memory_space<vmem>>, vector<16xi32>,
      tpu.vector_store %arg6[%swap3A_658, %swap3A_659], %bitcast3A_651 {strides = array<i32>} : memref<2x832xi32, #tpu.memory_space<vmem>>, vector<16xi32>,
    }
    %scan3A_26 = arith.constant 32 : i32
    %dma_start3A_27 = arith.constant 1 : i32
    %dma_start3A_28 = arith.constant 832 : i32
    %dma_start3A_29 = arith.constant 0 : i32
    %dma_start3A_30 = tpu.memref_slice %arg7[%dma_start3A_28, %dma_start3A_29] : memref<1664x64xf32, #tpu.memory_space<vmem>> -> memref<832x64xf32, #tpu.memory_space<vmem>>
    %dma_start3A_31 = arith.constant 0 : i32
    %dma_start3A_32 = tpu.memref_slice %arg6[%dma_start3A_27, %dma_start3A_31] : memref<2x832xi32, #tpu.memory_space<vmem>> -> memref<1x832xi32, #tpu.memory_space<vmem>>
    %dma_start3A_33 = tpu.memref_squeeze %dma_start3A_32 : memref<1x832xi32, #tpu.memory_space<vmem>> -> memref<832xi32, #tpu.memory_space<vmem>>
    %dma_start3A_34 = arith.constant 0 : i32
    %dma_start3A_35 = arith.constant 0 : i32
    %dma_start3A_36 = tpu.memref_slice %arg3[%dma_start3A_34, %dma_start3A_35] : memref<1000000x64xf32, #tpu.memory_space<hbm>> -> memref<1000000x64xf32, #tpu.memory_space<hbm>>
    tpu.enqueue_indirect_dma source(%dma_start3A_36 : memref<1000000x64xf32, #tpu.memory_space<hbm>>) target(%dma_start3A_30 : memref<832x64xf32, #tpu.memory_space<vmem>>) offsets(%dma_start3A_33 : memref<832xi32, #tpu.memory_space<vmem>>) semaphore(%arg9 : memref<!tpu.dma_semaphore, #tpu.memory_space<semaphore_mem>>)
    %dma_wait3A = arith.constant 0 : i32
    %dma_wait3A_37 = arith.constant 0 : i32
    %dma_wait3A_38 = arith.constant 0 : i32
    %dma_wait3A_39 = tpu.memref_slice %arg7[%dma_wait3A_37, %dma_wait3A_38] : memref<1664x64xf32, #tpu.memory_space<vmem>> -> memref<832x64xf32, #tpu.memory_space<vmem>>
    %dma_wait3A_40 = arith.constant 0 : i32
    %dma_wait3A_41 = tpu.memref_slice %arg6[%dma_wait3A, %dma_wait3A_40] : memref<2x832xi32, #tpu.memory_space<vmem>> -> memref<1x832xi32, #tpu.memory_space<vmem>>
    %dma_wait3A_42 = tpu.memref_squeeze %dma_wait3A_41 : memref<1x832xi32, #tpu.memory_space<vmem>> -> memref<832xi32, #tpu.memory_space<vmem>>
    %dma_wait3A_43 = arith.constant 0 : i32
    %dma_wait3A_44 = arith.constant 0 : i32
    %dma_wait3A_45 = tpu.memref_slice %arg3[%dma_wait3A_43, %dma_wait3A_44] : memref<1000000x64xf32, #tpu.memory_space<hbm>> -> memref<1000000x64xf32, #tpu.memory_space<hbm>>
    tpu.wait_indirect_dma semaphore(%arg8 : memref<!tpu.dma_semaphore, #tpu.memory_space<semaphore_mem>>) src(%dma_wait3A_45 : memref<1000000x64xf32, #tpu.memory_space<hbm>>) dst(%dma_wait3A_39 : memref<832x64xf32, #tpu.memory_space<vmem>>)
    %add3A_46 = arith.constant 0 : i32
    %add3A_47 = arith.addi %mul3A_2, %add3A_46 : i32
    %scan3A_48 = arith.constant 0 : i32
    %scan3A_49 = arith.constant 32 : i32
    %scan3A_50 = arith.addi %scan3A_48, %scan3A_49 : i32
    %scan3A_51 = arith.constant 1 : i32
    scf.for %scan3A_640 = %scan3A_48 to %scan3A_50 step %scan3A_51  : i32 {
      %mul3A_641 = arith.constant 26 : i32
      %mul3A_642 = arith.muli %scan3A_640, %mul3A_641 : i32
      %add3A_643 = arith.constant 0 : i32
      %add3A_644 = arith.addi %add3A_643, %mul3A_642 : i32
      %add3A_645 = arith.addi %add3A_47, %scan3A_640 : i32
      %dma_start3A_646 = arith.constant 0 : i32
      %dma_start3A_647 = tpu.memref_slice %arg7[%add3A_644, %dma_start3A_646] : memref<1664x64xf32, #tpu.memory_space<vmem>> -> memref<26x64xf32, #tpu.memory_space<vmem>>
      %dma_start3A_648 = arith.constant 0 : i32
      %dma_start3A_649 = arith.constant 0 : i32
      %dma_start3A_650 = tpu.memref_slice %arg4[%add3A_645, %dma_start3A_648, %dma_start3A_649] : memref<16384x32x128xf32, #tpu.memory_space<hbm>> -> memref<1x26x64xf32, #tpu.memory_space<hbm>>
      %dma_start3A_651 = tpu.memref_squeeze %dma_start3A_650 : memref<1x26x64xf32, #tpu.memory_space<hbm>> -> memref<26x64xf32, #tpu.memory_space<hbm>>
      %dma_start3A_652 = arith.constant 0 : i32
      %dma_start3A_653 = arith.constant 0 : i32
      %dma_start3A_654 = tpu.memref_slice %arg4[%add3A_645, %dma_start3A_652, %dma_start3A_653] : memref<16384x32x128xf32, #tpu.memory_space<hbm>> -> memref<1x26x64xf32, #tpu.memory_space<hbm>>
      %dma_start3A_655 = tpu.memref_squeeze %dma_start3A_654 : memref<1x26x64xf32, #tpu.memory_space<hbm>> -> memref<26x64xf32, #tpu.memory_space<hbm>>
      %dma_start3A_656 = arith.constant 0 : i32
      %dma_start3A_657 = tpu.memref_slice %arg7[%add3A_644, %dma_start3A_656] : memref<1664x64xf32, #tpu.memory_space<vmem>> -> memref<26x64xf32, #tpu.memory_space<vmem>>
      tpu.enqueue_dma source(%dma_start3A_657 : memref<26x64xf32, #tpu.memory_space<vmem>>) target(%dma_start3A_655 : memref<26x64xf32, #tpu.memory_space<hbm>>) target_semaphore(%arg10 : memref<!tpu.dma_semaphore, #tpu.memory_space<semaphore_mem>>)
    }
    %scan3A_52 = arith.constant 32 : i32
    %scan3A_53 = arith.constant 0 : i32
    %scan3A_54 = arith.constant 32 : i32
    %scan3A_55 = arith.addi %scan3A_53, %scan3A_54 : i32
    %scan3A_56 = arith.constant 1 : i32
    scf.for %scan3A_640 = %scan3A_53 to %scan3A_55 step %scan3A_56  : i32 {
      %mul3A_641 = arith.constant 26 : i32
      %mul3A_642 = arith.muli %scan3A_640, %mul3A_641 : i32
      %add3A_643 = arith.constant 0 : i32
      %add3A_644 = arith.addi %add3A_643, %mul3A_642 : i32
      %add3A_645 = arith.addi %add3A_47, %scan3A_640 : i32
      %dma_wait3A_646 = arith.constant 0 : i32
      %dma_wait3A_647 = tpu.memref_slice %arg7[%add3A_644, %dma_wait3A_646] : memref<1664x64xf32, #tpu.memory_space<vmem>> -> memref<26x64xf32, #tpu.memory_space<vmem>>
      %dma_wait3A_648 = arith.constant 0 : i32
      %dma_wait3A_649 = arith.constant 0 : i32
      %dma_wait3A_650 = tpu.memref_slice %arg4[%add3A_645, %dma_wait3A_648, %dma_wait3A_649] : memref<16384x32x128xf32, #tpu.memory_space<hbm>> -> memref<1x26x64xf32, #tpu.memory_space<hbm>>
      %dma_wait3A_651 = tpu.memref_squeeze %dma_wait3A_650 : memref<1x26x64xf32, #tpu.memory_space<hbm>> -> memref<26x64xf32, #tpu.memory_space<hbm>>
      %dma_wait3A_652 = arith.constant 0 : i32
      %dma_wait3A_653 = arith.constant 0 : i32
      %dma_wait3A_654 = tpu.memref_slice %arg4[%add3A_645, %dma_wait3A_652, %dma_wait3A_653] : memref<16384x32x128xf32, #tpu.memory_space<hbm>> -> memref<1x26x64xf32, #tpu.memory_space<hbm>>
      %dma_wait3A_655 = tpu.memref_squeeze %dma_wait3A_654 : memref<1x26x64xf32, #tpu.memory_space<hbm>> -> memref<26x64xf32, #tpu.memory_space<hbm>>
      %dma_wait3A_656 = arith.constant 0 : i32
      %dma_wait3A_657 = tpu.memref_slice %arg7[%add3A_644, %dma_wait3A_656] : memref<1664x64xf32, #tpu.memory_space<vmem>> -> memref<26x64xf32, #tpu.memory_space<vmem>>
      tpu.wait_dma2 semaphore(%arg10 : memref<!tpu.dma_semaphore, #tpu.memory_space<semaphore_mem>>) src(%dma_wait3A_657 : memref<26x64xf32, #tpu.memory_space<vmem>>) dst(%dma_wait3A_655 : memref<26x64xf32, #tpu.memory_space<hbm>>)
    }
    %scan3A_57 = arith.constant 32 : i32
    %add3A_58 = arith.constant 64 : i32
    %add3A_59 = arith.addi %mul3A_2, %add3A_58 : i32
    "tpu.region"() ({
      %run_scoped3A = tpu.sem_alloc : memref<!tpu.dma_semaphore, #tpu.memory_space<semaphore_mem>>
      %dma_start3A_640 = arith.constant 0 : i32
      %dma_start3A_641 = tpu.memref_slice %arg2[%add3A_59, %dma_start3A_640] : memref<16384x32xf32, #tpu.memory_space<hbm>> -> memref<32x32xf32, #tpu.memory_space<hbm>>
      %dma_start3A_642 = arith.constant 0 : i32
      %dma_start3A_643 = tpu.memref_slice %arg2[%add3A_59, %dma_start3A_642] : memref<16384x32xf32, #tpu.memory_space<hbm>> -> memref<32x32xf32, #tpu.memory_space<hbm>>
      tpu.enqueue_dma source(%dma_start3A_643 : memref<32x32xf32, #tpu.memory_space<hbm>>) target(%arg5 : memref<32x32xf32, #tpu.memory_space<vmem>>) target_semaphore(%run_scoped3A : memref<!tpu.dma_semaphore, #tpu.memory_space<semaphore_mem>>)
      %dma_wait3A_644 = arith.constant 0 : i32
      %dma_wait3A_645 = tpu.memref_slice %arg2[%add3A_59, %dma_wait3A_644] : memref<16384x32xf32, #tpu.memory_space<hbm>> -> memref<32x32xf32, #tpu.memory_space<hbm>>
      %dma_wait3A_646 = arith.constant 0 : i32
      %dma_wait3A_647 = tpu.memref_slice %arg2[%add3A_59, %dma_wait3A_646] : memref<16384x32xf32, #tpu.memory_space<hbm>> -> memref<32x32xf32, #tpu.memory_space<hbm>>
      tpu.wait_dma2 semaphore(%run_scoped3A : memref<!tpu.dma_semaphore, #tpu.memory_space<semaphore_mem>>) src(%dma_wait3A_647 : memref<32x32xf32, #tpu.memory_space<hbm>>) dst(%arg5 : memref<32x32xf32, #tpu.memory_space<vmem>>)
      tpu.yield
    }) : () -> ()
    %scan3A_60 = arith.constant 0 : i32
    %scan3A_61 = arith.constant 0 : i32
    %scan3A_62 = arith.constant 32 : i32
    %scan3A_63 = arith.addi %scan3A_61, %scan3A_62 : i32
    %scan3A_64 = arith.constant 1 : i32
    scf.for %scan3A_640 = %scan3A_61 to %scan3A_63 step %scan3A_64  : i32 {
      %get3A = arith.index_cast %scan3A_640 : i32 to index
      %get3A_641 = arith.constant 0 : index
      %get3A_642 = tpu.vector_load %arg5[%get3A, %get3A_641] {strides = array<i32>} : memref<32x32xf32, #tpu.memory_space<vmem>>, vector<16xf32>,
      %bitcast3A = vector.bitcast %get3A_642 : vector<16xf32> to vector<16xi32>
      %mul3A_643 = arith.constant 26 : i32
      %mul3A_644 = arith.muli %scan3A_640, %mul3A_643 : i32
      %swap3A = arith.constant 0 : i32
      %swap3A_645 = arith.index_cast %swap3A : i32 to index
      %swap3A_646 = arith.index_cast %mul3A_644 : i32 to index
      %swap3A_647 = tpu.vector_load %arg6[%swap3A_645, %swap3A_646] {strides = array<i32>} : memref<2x832xi32, #tpu.memory_space<vmem>>, vector<16xi32>,
      tpu.vector_store %arg6[%swap3A_645, %swap3A_646], %bitcast3A {strides = array<i32>} : memref<2x832xi32, #tpu.memory_space<vmem>>, vector<16xi32>,
      %get3A_648 = arith.index_cast %scan3A_640 : i32 to index
      %get3A_649 = arith.constant 10 : index
      %get3A_650 = tpu.vector_load %arg5[%get3A_648, %get3A_649] {strides = array<i32>} : memref<32x32xf32, #tpu.memory_space<vmem>>, vector<16xf32>,
      %bitcast3A_651 = vector.bitcast %get3A_650 : vector<16xf32> to vector<16xi32>
      %mul3A_652 = arith.constant 26 : i32
      %mul3A_653 = arith.muli %scan3A_640, %mul3A_652 : i32
      %add3A_654 = arith.constant 26 : i32
      %add3A_655 = arith.addi %mul3A_653, %add3A_654 : i32
      %sub3A = arith.constant 16 : i32
      %sub3A_656 = arith.subi %add3A_655, %sub3A : i32
      %swap3A_657 = arith.constant 0 : i32
      %swap3A_658 = arith.index_cast %swap3A_657 : i32 to index
      %swap3A_659 = arith.index_cast %sub3A_656 : i32 to index
      %swap3A_660 = tpu.vector_load %arg6[%swap3A_658, %swap3A_659] {strides = array<i32>} : memref<2x832xi32, #tpu.memory_space<vmem>>, vector<16xi32>,
      tpu.vector_store %arg6[%swap3A_658, %swap3A_659], %bitcast3A_651 {strides = array<i32>} : memref<2x832xi32, #tpu.memory_space<vmem>>, vector<16xi32>,
    }
    %scan3A_65 = arith.constant 32 : i32
    %dma_start3A_66 = arith.constant 0 : i32
    %dma_start3A_67 = arith.constant 0 : i32
    %dma_start3A_68 = arith.constant 0 : i32
    %dma_start3A_69 = tpu.memref_slice %arg7[%dma_start3A_67, %dma_start3A_68] : memref<1664x64xf32, #tpu.memory_space<vmem>> -> memref<832x64xf32, #tpu.memory_space<vmem>>
    %dma_start3A_70 = arith.constant 0 : i32
    %dma_start3A_71 = tpu.memref_slice %arg6[%dma_start3A_66, %dma_start3A_70] : memref<2x832xi32, #tpu.memory_space<vmem>> -> memref<1x832xi32, #tpu.memory_space<vmem>>
    %dma_start3A_72 = tpu.memref_squeeze %dma_start3A_71 : memref<1x832xi32, #tpu.memory_space<vmem>> -> memref<832xi32, #tpu.memory_space<vmem>>
    %dma_start3A_73 = arith.constant 0 : i32
    %dma_start3A_74 = arith.constant 0 : i32
    %dma_start3A_75 = tpu.memref_slice %arg3[%dma_start3A_73, %dma_start3A_74] : memref<1000000x64xf32, #tpu.memory_space<hbm>> -> memref<1000000x64xf32, #tpu.memory_space<hbm>>
    tpu.enqueue_indirect_dma source(%dma_start3A_75 : memref<1000000x64xf32, #tpu.memory_space<hbm>>) target(%dma_start3A_69 : memref<832x64xf32, #tpu.memory_space<vmem>>) offsets(%dma_start3A_72 : memref<832xi32, #tpu.memory_space<vmem>>) semaphore(%arg8 : memref<!tpu.dma_semaphore, #tpu.memory_space<semaphore_mem>>)
    %dma_wait3A_76 = arith.constant 1 : i32
    %dma_wait3A_77 = arith.constant 832 : i32
    %dma_wait3A_78 = arith.constant 0 : i32
    %dma_wait3A_79 = tpu.memref_slice %arg7[%dma_wait3A_77, %dma_wait3A_78] : memref<1664x64xf32, #tpu.memory_space<vmem>> -> memref<832x64xf32, #tpu.memory_space<vmem>>
    %dma_wait3A_80 = arith.constant 0 : i32
    %dma_wait3A_81 = tpu.memref_slice %arg6[%dma_wait3A_76, %dma_wait3A_80] : memref<2x832xi32, #tpu.memory_space<vmem>> -> memref<1x832xi32, #tpu.memory_space<vmem>>
    %dma_wait3A_82 = tpu.memref_squeeze %dma_wait3A_81 : memref<1x832xi32, #tpu.memory_space<vmem>> -> memref<832xi32, #tpu.memory_space<vmem>>
    %dma_wait3A_83 = arith.constant 0 : i32
    %dma_wait3A_84 = arith.constant 0 : i32
    %dma_wait3A_85 = tpu.memref_slice %arg3[%dma_wait3A_83, %dma_wait3A_84] : memref<1000000x64xf32, #tpu.memory_space<hbm>> -> memref<1000000x64xf32, #tpu.memory_space<hbm>>
    tpu.wait_indirect_dma semaphore(%arg9 : memref<!tpu.dma_semaphore, #tpu.memory_space<semaphore_mem>>) src(%dma_wait3A_85 : memref<1000000x64xf32, #tpu.memory_space<hbm>>) dst(%dma_wait3A_79 : memref<832x64xf32, #tpu.memory_space<vmem>>)
    %add3A_86 = arith.constant 32 : i32
    %add3A_87 = arith.addi %mul3A_2, %add3A_86 : i32
    %scan3A_88 = arith.constant 0 : i32
    %scan3A_89 = arith.constant 32 : i32
    %scan3A_90 = arith.addi %scan3A_88, %scan3A_89 : i32
    %scan3A_91 = arith.constant 1 : i32
    scf.for %scan3A_640 = %scan3A_88 to %scan3A_90 step %scan3A_91  : i32 {
      %mul3A_641 = arith.constant 26 : i32
      %mul3A_642 = arith.muli %scan3A_640, %mul3A_641 : i32
      %add3A_643 = arith.constant 832 : i32
      %add3A_644 = arith.addi %add3A_643, %mul3A_642 : i32
      %add3A_645 = arith.addi %add3A_87, %scan3A_640 : i32
      %dma_start3A_646 = arith.constant 0 : i32
      %dma_start3A_647 = tpu.memref_slice %arg7[%add3A_644, %dma_start3A_646] : memref<1664x64xf32, #tpu.memory_space<vmem>> -> memref<26x64xf32, #tpu.memory_space<vmem>>
      %dma_start3A_648 = arith.constant 0 : i32
      %dma_start3A_649 = arith.constant 0 : i32
      %dma_start3A_650 = tpu.memref_slice %arg4[%add3A_645, %dma_start3A_648, %dma_start3A_649] : memref<16384x32x128xf32, #tpu.memory_space<hbm>> -> memref<1x26x64xf32, #tpu.memory_space<hbm>>
      %dma_start3A_651 = tpu.memref_squeeze %dma_start3A_650 : memref<1x26x64xf32, #tpu.memory_space<hbm>> -> memref<26x64xf32, #tpu.memory_space<hbm>>
      %dma_start3A_652 = arith.constant 0 : i32
      %dma_start3A_653 = arith.constant 0 : i32
      %dma_start3A_654 = tpu.memref_slice %arg4[%add3A_645, %dma_start3A_652, %dma_start3A_653] : memref<16384x32x128xf32, #tpu.memory_space<hbm>> -> memref<1x26x64xf32, #tpu.memory_space<hbm>>
      %dma_start3A_655 = tpu.memref_squeeze %dma_start3A_654 : memref<1x26x64xf32, #tpu.memory_space<hbm>> -> memref<26x64xf32, #tpu.memory_space<hbm>>
      %dma_start3A_656 = arith.constant 0 : i32
      %dma_start3A_657 = tpu.memref_slice %arg7[%add3A_644, %dma_start3A_656] : memref<1664x64xf32, #tpu.memory_space<vmem>> -> memref<26x64xf32, #tpu.memory_space<vmem>>
      tpu.enqueue_dma source(%dma_start3A_657 : memref<26x64xf32, #tpu.memory_space<vmem>>) target(%dma_start3A_655 : memref<26x64xf32, #tpu.memory_space<hbm>>) target_semaphore(%arg11 : memref<!tpu.dma_semaphore, #tpu.memory_space<semaphore_mem>>)
    }
    %scan3A_92 = arith.constant 32 : i32
    %scan3A_93 = arith.constant 0 : i32
    %scan3A_94 = arith.constant 32 : i32
    %scan3A_95 = arith.addi %scan3A_93, %scan3A_94 : i32
    %scan3A_96 = arith.constant 1 : i32
    scf.for %scan3A_640 = %scan3A_93 to %scan3A_95 step %scan3A_96  : i32 {
      %mul3A_641 = arith.constant 26 : i32
      %mul3A_642 = arith.muli %scan3A_640, %mul3A_641 : i32
      %add3A_643 = arith.constant 832 : i32
      %add3A_644 = arith.addi %add3A_643, %mul3A_642 : i32
      %add3A_645 = arith.addi %add3A_87, %scan3A_640 : i32
      %dma_wait3A_646 = arith.constant 0 : i32
      %dma_wait3A_647 = tpu.memref_slice %arg7[%add3A_644, %dma_wait3A_646] : memref<1664x64xf32, #tpu.memory_space<vmem>> -> memref<26x64xf32, #tpu.memory_space<vmem>>
      %dma_wait3A_648 = arith.constant 0 : i32
      %dma_wait3A_649 = arith.constant 0 : i32
      %dma_wait3A_650 = tpu.memref_slice %arg4[%add3A_645, %dma_wait3A_648, %dma_wait3A_649] : memref<16384x32x128xf32, #tpu.memory_space<hbm>> -> memref<1x26x64xf32, #tpu.memory_space<hbm>>
      %dma_wait3A_651 = tpu.memref_squeeze %dma_wait3A_650 : memref<1x26x64xf32, #tpu.memory_space<hbm>> -> memref<26x64xf32, #tpu.memory_space<hbm>>
      %dma_wait3A_652 = arith.constant 0 : i32
      %dma_wait3A_653 = arith.constant 0 : i32
      %dma_wait3A_654 = tpu.memref_slice %arg4[%add3A_645, %dma_wait3A_652, %dma_wait3A_653] : memref<16384x32x128xf32, #tpu.memory_space<hbm>> -> memref<1x26x64xf32, #tpu.memory_space<hbm>>
      %dma_wait3A_655 = tpu.memref_squeeze %dma_wait3A_654 : memref<1x26x64xf32, #tpu.memory_space<hbm>> -> memref<26x64xf32, #tpu.memory_space<hbm>>
      %dma_wait3A_656 = arith.constant 0 : i32
      %dma_wait3A_657 = tpu.memref_slice %arg7[%add3A_644, %dma_wait3A_656] : memref<1664x64xf32, #tpu.memory_space<vmem>> -> memref<26x64xf32, #tpu.memory_space<vmem>>
      tpu.wait_dma2 semaphore(%arg11 : memref<!tpu.dma_semaphore, #tpu.memory_space<semaphore_mem>>) src(%dma_wait3A_657 : memref<26x64xf32, #tpu.memory_space<vmem>>) dst(%dma_wait3A_655 : memref<26x64xf32, #tpu.memory_space<hbm>>)
    }
    %scan3A_97 = arith.constant 32 : i32
    %add3A_98 = arith.constant 96 : i32
    %add3A_99 = arith.addi %mul3A_2, %add3A_98 : i32
    "tpu.region"() ({
      %run_scoped3A = tpu.sem_alloc : memref<!tpu.dma_semaphore, #tpu.memory_space<semaphore_mem>>
      %dma_start3A_640 = arith.constant 0 : i32
      %dma_start3A_641 = tpu.memref_slice %arg2[%add3A_99, %dma_start3A_640] : memref<16384x32xf32, #tpu.memory_space<hbm>> -> memref<32x32xf32, #tpu.memory_space<hbm>>
      %dma_start3A_642 = arith.constant 0 : i32
      %dma_start3A_643 = tpu.memref_slice %arg2[%add3A_99, %dma_start3A_642] : memref<16384x32xf32, #tpu.memory_space<hbm>> -> memref<32x32xf32, #tpu.memory_space<hbm>>
      tpu.enqueue_dma source(%dma_start3A_643 : memref<32x32xf32, #tpu.memory_space<hbm>>) target(%arg5 : memref<32x32xf32, #tpu.memory_space<vmem>>) target_semaphore(%run_scoped3A : memref<!tpu.dma_semaphore, #tpu.memory_space<semaphore_mem>>)
      %dma_wait3A_644 = arith.constant 0 : i32
      %dma_wait3A_645 = tpu.memref_slice %arg2[%add3A_99, %dma_wait3A_644] : memref<16384x32xf32, #tpu.memory_space<hbm>> -> memref<32x32xf32, #tpu.memory_space<hbm>>
      %dma_wait3A_646 = arith.constant 0 : i32
      %dma_wait3A_647 = tpu.memref_slice %arg2[%add3A_99, %dma_wait3A_646] : memref<16384x32xf32, #tpu.memory_space<hbm>> -> memref<32x32xf32, #tpu.memory_space<hbm>>
      tpu.wait_dma2 semaphore(%run_scoped3A : memref<!tpu.dma_semaphore, #tpu.memory_space<semaphore_mem>>) src(%dma_wait3A_647 : memref<32x32xf32, #tpu.memory_space<hbm>>) dst(%arg5 : memref<32x32xf32, #tpu.memory_space<vmem>>)
      tpu.yield
    }) : () -> ()
    %scan3A_100 = arith.constant 0 : i32
    %scan3A_101 = arith.constant 0 : i32
    %scan3A_102 = arith.constant 32 : i32
    %scan3A_103 = arith.addi %scan3A_101, %scan3A_102 : i32
    %scan3A_104 = arith.constant 1 : i32
    scf.for %scan3A_640 = %scan3A_101 to %scan3A_103 step %scan3A_104  : i32 {
      %get3A = arith.index_cast %scan3A_640 : i32 to index
      %get3A_641 = arith.constant 0 : index
      %get3A_642 = tpu.vector_load %arg5[%get3A, %get3A_641] {strides = array<i32>} : memref<32x32xf32, #tpu.memory_space<vmem>>, vector<16xf32>,
      %bitcast3A = vector.bitcast %get3A_642 : vector<16xf32> to vector<16xi32>
      %mul3A_643 = arith.constant 26 : i32
      %mul3A_644 = arith.muli %scan3A_640, %mul3A_643 : i32
      %swap3A = arith.constant 1 : i32
      %swap3A_645 = arith.index_cast %swap3A : i32 to index
      %swap3A_646 = arith.index_cast %mul3A_644 : i32 to index
      %swap3A_647 = tpu.vector_load %arg6[%swap3A_645, %swap3A_646] {strides = array<i32>} : memref<2x832xi32, #tpu.memory_space<vmem>>, vector<16xi32>,
      tpu.vector_store %arg6[%swap3A_645, %swap3A_646], %bitcast3A {strides = array<i32>} : memref<2x832xi32, #tpu.memory_space<vmem>>, vector<16xi32>,
      %get3A_648 = arith.index_cast %scan3A_640 : i32 to index
      %get3A_649 = arith.constant 10 : index
      %get3A_650 = tpu.vector_load %arg5[%get3A_648, %get3A_649] {strides = array<i32>} : memref<32x32xf32, #tpu.memory_space<vmem>>, vector<16xf32>,
      %bitcast3A_651 = vector.bitcast %get3A_650 : vector<16xf32> to vector<16xi32>
      %mul3A_652 = arith.constant 26 : i32
      %mul3A_653 = arith.muli %scan3A_640, %mul3A_652 : i32
      %add3A_654 = arith.constant 26 : i32
      %add3A_655 = arith.addi %mul3A_653, %add3A_654 : i32
      %sub3A = arith.constant 16 : i32
      %sub3A_656 = arith.subi %add3A_655, %sub3A : i32
      %swap3A_657 = arith.constant 1 : i32
      %swap3A_658 = arith.index_cast %swap3A_657 : i32 to index
      %swap3A_659 = arith.index_cast %sub3A_656 : i32 to index
      %swap3A_660 = tpu.vector_load %arg6[%swap3A_658, %swap3A_659] {strides = array<i32>} : memref<2x832xi32, #tpu.memory_space<vmem>>, vector<16xi32>,
      tpu.vector_store %arg6[%swap3A_658, %swap3A_659], %bitcast3A_651 {strides = array<i32>} : memref<2x832xi32, #tpu.memory_space<vmem>>, vector<16xi32>,
    }
    %scan3A_105 = arith.constant 32 : i32
    %dma_start3A_106 = arith.constant 1 : i32
    %dma_start3A_107 = arith.constant 832 : i32
    %dma_start3A_108 = arith.constant 0 : i32
    %dma_start3A_109 = tpu.memref_slice %arg7[%dma_start3A_107, %dma_start3A_108] : memref<1664x64xf32, #tpu.memory_space<vmem>> -> memref<832x64xf32, #tpu.memory_space<vmem>>
    %dma_start3A_110 = arith.constant 0 : i32
    %dma_start3A_111 = tpu.memref_slice %arg6[%dma_start3A_106, %dma_start3A_110] : memref<2x832xi32, #tpu.memory_space<vmem>> -> memref<1x832xi32, #tpu.memory_space<vmem>>
    %dma_start3A_112 = tpu.memref_squeeze %dma_start3A_111 : memref<1x832xi32, #tpu.memory_space<vmem>> -> memref<832xi32, #tpu.memory_space<vmem>>
    %dma_start3A_113 = arith.constant 0 : i32
    %dma_start3A_114 = arith.constant 0 : i32
    %dma_start3A_115 = tpu.memref_slice %arg3[%dma_start3A_113, %dma_start3A_114] : memref<1000000x64xf32, #tpu.memory_space<hbm>> -> memref<1000000x64xf32, #tpu.memory_space<hbm>>
    tpu.enqueue_indirect_dma source(%dma_start3A_115 : memref<1000000x64xf32, #tpu.memory_space<hbm>>) target(%dma_start3A_109 : memref<832x64xf32, #tpu.memory_space<vmem>>) offsets(%dma_start3A_112 : memref<832xi32, #tpu.memory_space<vmem>>) semaphore(%arg9 : memref<!tpu.dma_semaphore, #tpu.memory_space<semaphore_mem>>)
    %dma_wait3A_116 = arith.constant 0 : i32
    %dma_wait3A_117 = arith.constant 0 : i32
    %dma_wait3A_118 = arith.constant 0 : i32
    %dma_wait3A_119 = tpu.memref_slice %arg7[%dma_wait3A_117, %dma_wait3A_118] : memref<1664x64xf32, #tpu.memory_space<vmem>> -> memref<832x64xf32, #tpu.memory_space<vmem>>
    %dma_wait3A_120 = arith.constant 0 : i32
    %dma_wait3A_121 = tpu.memref_slice %arg6[%dma_wait3A_116, %dma_wait3A_120] : memref<2x832xi32, #tpu.memory_space<vmem>> -> memref<1x832xi32, #tpu.memory_space<vmem>>
    %dma_wait3A_122 = tpu.memref_squeeze %dma_wait3A_121 : memref<1x832xi32, #tpu.memory_space<vmem>> -> memref<832xi32, #tpu.memory_space<vmem>>
    %dma_wait3A_123 = arith.constant 0 : i32
    %dma_wait3A_124 = arith.constant 0 : i32
    %dma_wait3A_125 = tpu.memref_slice %arg3[%dma_wait3A_123, %dma_wait3A_124] : memref<1000000x64xf32, #tpu.memory_space<hbm>> -> memref<1000000x64xf32, #tpu.memory_space<hbm>>
    tpu.wait_indirect_dma semaphore(%arg8 : memref<!tpu.dma_semaphore, #tpu.memory_space<semaphore_mem>>) src(%dma_wait3A_125 : memref<1000000x64xf32, #tpu.memory_space<hbm>>) dst(%dma_wait3A_119 : memref<832x64xf32, #tpu.memory_space<vmem>>)
    %add3A_126 = arith.constant 64 : i32
    %add3A_127 = arith.addi %mul3A_2, %add3A_126 : i32
    %scan3A_128 = arith.constant 0 : i32
    %scan3A_129 = arith.constant 32 : i32
    %scan3A_130 = arith.addi %scan3A_128, %scan3A_129 : i32
    %scan3A_131 = arith.constant 1 : i32
    scf.for %scan3A_640 = %scan3A_128 to %scan3A_130 step %scan3A_131  : i32 {
      %mul3A_641 = arith.constant 26 : i32
      %mul3A_642 = arith.muli %scan3A_640, %mul3A_641 : i32
      %add3A_643 = arith.constant 0 : i32
      %add3A_644 = arith.addi %add3A_643, %mul3A_642 : i32
      %add3A_645 = arith.addi %add3A_127, %scan3A_640 : i32
      %dma_start3A_646 = arith.constant 0 : i32
      %dma_start3A_647 = tpu.memref_slice %arg7[%add3A_644, %dma_start3A_646] : memref<1664x64xf32, #tpu.memory_space<vmem>> -> memref<26x64xf32, #tpu.memory_space<vmem>>
      %dma_start3A_648 = arith.constant 0 : i32
      %dma_start3A_649 = arith.constant 0 : i32
      %dma_start3A_650 = tpu.memref_slice %arg4[%add3A_645, %dma_start3A_648, %dma_start3A_649] : memref<16384x32x128xf32, #tpu.memory_space<hbm>> -> memref<1x26x64xf32, #tpu.memory_space<hbm>>
      %dma_start3A_651 = tpu.memref_squeeze %dma_start3A_650 : memref<1x26x64xf32, #tpu.memory_space<hbm>> -> memref<26x64xf32, #tpu.memory_space<hbm>>
      %dma_start3A_652 = arith.constant 0 : i32
      %dma_start3A_653 = arith.constant 0 : i32
      %dma_start3A_654 = tpu.memref_slice %arg4[%add3A_645, %dma_start3A_652, %dma_start3A_653] : memref<16384x32x128xf32, #tpu.memory_space<hbm>> -> memref<1x26x64xf32, #tpu.memory_space<hbm>>
      %dma_start3A_655 = tpu.memref_squeeze %dma_start3A_654 : memref<1x26x64xf32, #tpu.memory_space<hbm>> -> memref<26x64xf32, #tpu.memory_space<hbm>>
      %dma_start3A_656 = arith.constant 0 : i32
      %dma_start3A_657 = tpu.memref_slice %arg7[%add3A_644, %dma_start3A_656] : memref<1664x64xf32, #tpu.memory_space<vmem>> -> memref<26x64xf32, #tpu.memory_space<vmem>>
      tpu.enqueue_dma source(%dma_start3A_657 : memref<26x64xf32, #tpu.memory_space<vmem>>) target(%dma_start3A_655 : memref<26x64xf32, #tpu.memory_space<hbm>>) target_semaphore(%arg10 : memref<!tpu.dma_semaphore, #tpu.memory_space<semaphore_mem>>)
    }
    %scan3A_132 = arith.constant 32 : i32
    %scan3A_133 = arith.constant 0 : i32
    %scan3A_134 = arith.constant 32 : i32
    %scan3A_135 = arith.addi %scan3A_133, %scan3A_134 : i32
    %scan3A_136 = arith.constant 1 : i32
    scf.for %scan3A_640 = %scan3A_133 to %scan3A_135 step %scan3A_136  : i32 {
      %mul3A_641 = arith.constant 26 : i32
      %mul3A_642 = arith.muli %scan3A_640, %mul3A_641 : i32
      %add3A_643 = arith.constant 0 : i32
      %add3A_644 = arith.addi %add3A_643, %mul3A_642 : i32
      %add3A_645 = arith.addi %add3A_127, %scan3A_640 : i32
      %dma_wait3A_646 = arith.constant 0 : i32
      %dma_wait3A_647 = tpu.memref_slice %arg7[%add3A_644, %dma_wait3A_646] : memref<1664x64xf32, #tpu.memory_space<vmem>> -> memref<26x64xf32, #tpu.memory_space<vmem>>
      %dma_wait3A_648 = arith.constant 0 : i32
      %dma_wait3A_649 = arith.constant 0 : i32
      %dma_wait3A_650 = tpu.memref_slice %arg4[%add3A_645, %dma_wait3A_648, %dma_wait3A_649] : memref<16384x32x128xf32, #tpu.memory_space<hbm>> -> memref<1x26x64xf32, #tpu.memory_space<hbm>>
      %dma_wait3A_651 = tpu.memref_squeeze %dma_wait3A_650 : memref<1x26x64xf32, #tpu.memory_space<hbm>> -> memref<26x64xf32, #tpu.memory_space<hbm>>
      %dma_wait3A_652 = arith.constant 0 : i32
      %dma_wait3A_653 = arith.constant 0 : i32
      %dma_wait3A_654 = tpu.memref_slice %arg4[%add3A_645, %dma_wait3A_652, %dma_wait3A_653] : memref<16384x32x128xf32, #tpu.memory_space<hbm>> -> memref<1x26x64xf32, #tpu.memory_space<hbm>>
      %dma_wait3A_655 = tpu.memref_squeeze %dma_wait3A_654 : memref<1x26x64xf32, #tpu.memory_space<hbm>> -> memref<26x64xf32, #tpu.memory_space<hbm>>
      %dma_wait3A_656 = arith.constant 0 : i32
      %dma_wait3A_657 = tpu.memref_slice %arg7[%add3A_644, %dma_wait3A_656] : memref<1664x64xf32, #tpu.memory_space<vmem>> -> memref<26x64xf32, #tpu.memory_space<vmem>>
      tpu.wait_dma2 semaphore(%arg10 : memref<!tpu.dma_semaphore, #tpu.memory_space<semaphore_mem>>) src(%dma_wait3A_657 : memref<26x64xf32, #tpu.memory_space<vmem>>) dst(%dma_wait3A_655 : memref<26x64xf32, #tpu.memory_space<hbm>>)
    }
    %scan3A_137 = arith.constant 32 : i32
    %add3A_138 = arith.constant 128 : i32
    %add3A_139 = arith.addi %mul3A_2, %add3A_138 : i32
    "tpu.region"() ({
      %run_scoped3A = tpu.sem_alloc : memref<!tpu.dma_semaphore, #tpu.memory_space<semaphore_mem>>
      %dma_start3A_640 = arith.constant 0 : i32
      %dma_start3A_641 = tpu.memref_slice %arg2[%add3A_139, %dma_start3A_640] : memref<16384x32xf32, #tpu.memory_space<hbm>> -> memref<32x32xf32, #tpu.memory_space<hbm>>
      %dma_start3A_642 = arith.constant 0 : i32
      %dma_start3A_643 = tpu.memref_slice %arg2[%add3A_139, %dma_start3A_642] : memref<16384x32xf32, #tpu.memory_space<hbm>> -> memref<32x32xf32, #tpu.memory_space<hbm>>
      tpu.enqueue_dma source(%dma_start3A_643 : memref<32x32xf32, #tpu.memory_space<hbm>>) target(%arg5 : memref<32x32xf32, #tpu.memory_space<vmem>>) target_semaphore(%run_scoped3A : memref<!tpu.dma_semaphore, #tpu.memory_space<semaphore_mem>>)
      %dma_wait3A_644 = arith.constant 0 : i32
      %dma_wait3A_645 = tpu.memref_slice %arg2[%add3A_139, %dma_wait3A_644] : memref<16384x32xf32, #tpu.memory_space<hbm>> -> memref<32x32xf32, #tpu.memory_space<hbm>>
      %dma_wait3A_646 = arith.constant 0 : i32
      %dma_wait3A_647 = tpu.memref_slice %arg2[%add3A_139, %dma_wait3A_646] : memref<16384x32xf32, #tpu.memory_space<hbm>> -> memref<32x32xf32, #tpu.memory_space<hbm>>
      tpu.wait_dma2 semaphore(%run_scoped3A : memref<!tpu.dma_semaphore, #tpu.memory_space<semaphore_mem>>) src(%dma_wait3A_647 : memref<32x32xf32, #tpu.memory_space<hbm>>) dst(%arg5 : memref<32x32xf32, #tpu.memory_space<vmem>>)
      tpu.yield
    }) : () -> ()
    %scan3A_140 = arith.constant 0 : i32
    %scan3A_141 = arith.constant 0 : i32
    %scan3A_142 = arith.constant 32 : i32
    %scan3A_143 = arith.addi %scan3A_141, %scan3A_142 : i32
    %scan3A_144 = arith.constant 1 : i32
    scf.for %scan3A_640 = %scan3A_141 to %scan3A_143 step %scan3A_144  : i32 {
      %get3A = arith.index_cast %scan3A_640 : i32 to index
      %get3A_641 = arith.constant 0 : index
      %get3A_642 = tpu.vector_load %arg5[%get3A, %get3A_641] {strides = array<i32>} : memref<32x32xf32, #tpu.memory_space<vmem>>, vector<16xf32>,
      %bitcast3A = vector.bitcast %get3A_642 : vector<16xf32> to vector<16xi32>
      %mul3A_643 = arith.constant 26 : i32
      %mul3A_644 = arith.muli %scan3A_640, %mul3A_643 : i32
      %swap3A = arith.constant 0 : i32
      %swap3A_645 = arith.index_cast %swap3A : i32 to index
      %swap3A_646 = arith.index_cast %mul3A_644 : i32 to index
      %swap3A_647 = tpu.vector_load %arg6[%swap3A_645, %swap3A_646] {strides = array<i32>} : memref<2x832xi32, #tpu.memory_space<vmem>>, vector<16xi32>,
      tpu.vector_store %arg6[%swap3A_645, %swap3A_646], %bitcast3A {strides = array<i32>} : memref<2x832xi32, #tpu.memory_space<vmem>>, vector<16xi32>,
      %get3A_648 = arith.index_cast %scan3A_640 : i32 to index
      %get3A_649 = arith.constant 10 : index
      %get3A_650 = tpu.vector_load %arg5[%get3A_648, %get3A_649] {strides = array<i32>} : memref<32x32xf32, #tpu.memory_space<vmem>>, vector<16xf32>,
      %bitcast3A_651 = vector.bitcast %get3A_650 : vector<16xf32> to vector<16xi32>
      %mul3A_652 = arith.constant 26 : i32
      %mul3A_653 = arith.muli %scan3A_640, %mul3A_652 : i32
      %add3A_654 = arith.constant 26 : i32
      %add3A_655 = arith.addi %mul3A_653, %add3A_654 : i32
      %sub3A = arith.constant 16 : i32
      %sub3A_656 = arith.subi %add3A_655, %sub3A : i32
      %swap3A_657 = arith.constant 0 : i32
      %swap3A_658 = arith.index_cast %swap3A_657 : i32 to index
      %swap3A_659 = arith.index_cast %sub3A_656 : i32 to index
      %swap3A_660 = tpu.vector_load %arg6[%swap3A_658, %swap3A_659] {strides = array<i32>} : memref<2x832xi32, #tpu.memory_space<vmem>>, vector<16xi32>,
      tpu.vector_store %arg6[%swap3A_658, %swap3A_659], %bitcast3A_651 {strides = array<i32>} : memref<2x832xi32, #tpu.memory_space<vmem>>, vector<16xi32>,
    }
    %scan3A_145 = arith.constant 32 : i32
    %dma_start3A_146 = arith.constant 0 : i32
    %dma_start3A_147 = arith.constant 0 : i32
    %dma_start3A_148 = arith.constant 0 : i32
    %dma_start3A_149 = tpu.memref_slice %arg7[%dma_start3A_147, %dma_start3A_148] : memref<1664x64xf32, #tpu.memory_space<vmem>> -> memref<832x64xf32, #tpu.memory_space<vmem>>
    %dma_start3A_150 = arith.constant 0 : i32
    %dma_start3A_151 = tpu.memref_slice %arg6[%dma_start3A_146, %dma_start3A_150] : memref<2x832xi32, #tpu.memory_space<vmem>> -> memref<1x832xi32, #tpu.memory_space<vmem>>
    %dma_start3A_152 = tpu.memref_squeeze %dma_start3A_151 : memref<1x832xi32, #tpu.memory_space<vmem>> -> memref<832xi32, #tpu.memory_space<vmem>>
    %dma_start3A_153 = arith.constant 0 : i32
    %dma_start3A_154 = arith.constant 0 : i32
    %dma_start3A_155 = tpu.memref_slice %arg3[%dma_start3A_153, %dma_start3A_154] : memref<1000000x64xf32, #tpu.memory_space<hbm>> -> memref<1000000x64xf32, #tpu.memory_space<hbm>>
    tpu.enqueue_indirect_dma source(%dma_start3A_155 : memref<1000000x64xf32, #tpu.memory_space<hbm>>) target(%dma_start3A_149 : memref<832x64xf32, #tpu.memory_space<vmem>>) offsets(%dma_start3A_152 : memref<832xi32, #tpu.memory_space<vmem>>) semaphore(%arg8 : memref<!tpu.dma_semaphore, #tpu.memory_space<semaphore_mem>>)
    %dma_wait3A_156 = arith.constant 1 : i32
    %dma_wait3A_157 = arith.constant 832 : i32
    %dma_wait3A_158 = arith.constant 0 : i32
    %dma_wait3A_159 = tpu.memref_slice %arg7[%dma_wait3A_157, %dma_wait3A_158] : memref<1664x64xf32, #tpu.memory_space<vmem>> -> memref<832x64xf32, #tpu.memory_space<vmem>>
    %dma_wait3A_160 = arith.constant 0 : i32
    %dma_wait3A_161 = tpu.memref_slice %arg6[%dma_wait3A_156, %dma_wait3A_160] : memref<2x832xi32, #tpu.memory_space<vmem>> -> memref<1x832xi32, #tpu.memory_space<vmem>>
    %dma_wait3A_162 = tpu.memref_squeeze %dma_wait3A_161 : memref<1x832xi32, #tpu.memory_space<vmem>> -> memref<832xi32, #tpu.memory_space<vmem>>
    %dma_wait3A_163 = arith.constant 0 : i32
    %dma_wait3A_164 = arith.constant 0 : i32
    %dma_wait3A_165 = tpu.memref_slice %arg3[%dma_wait3A_163, %dma_wait3A_164] : memref<1000000x64xf32, #tpu.memory_space<hbm>> -> memref<1000000x64xf32, #tpu.memory_space<hbm>>
    tpu.wait_indirect_dma semaphore(%arg9 : memref<!tpu.dma_semaphore, #tpu.memory_space<semaphore_mem>>) src(%dma_wait3A_165 : memref<1000000x64xf32, #tpu.memory_space<hbm>>) dst(%dma_wait3A_159 : memref<832x64xf32, #tpu.memory_space<vmem>>)
    %add3A_166 = arith.constant 96 : i32
    %add3A_167 = arith.addi %mul3A_2, %add3A_166 : i32
    %scan3A_168 = arith.constant 0 : i32
    %scan3A_169 = arith.constant 32 : i32
    %scan3A_170 = arith.addi %scan3A_168, %scan3A_169 : i32
    %scan3A_171 = arith.constant 1 : i32
    scf.for %scan3A_640 = %scan3A_168 to %scan3A_170 step %scan3A_171  : i32 {
      %mul3A_641 = arith.constant 26 : i32
      %mul3A_642 = arith.muli %scan3A_640, %mul3A_641 : i32
      %add3A_643 = arith.constant 832 : i32
      %add3A_644 = arith.addi %add3A_643, %mul3A_642 : i32
      %add3A_645 = arith.addi %add3A_167, %scan3A_640 : i32
      %dma_start3A_646 = arith.constant 0 : i32
      %dma_start3A_647 = tpu.memref_slice %arg7[%add3A_644, %dma_start3A_646] : memref<1664x64xf32, #tpu.memory_space<vmem>> -> memref<26x64xf32, #tpu.memory_space<vmem>>
      %dma_start3A_648 = arith.constant 0 : i32
      %dma_start3A_649 = arith.constant 0 : i32
      %dma_start3A_650 = tpu.memref_slice %arg4[%add3A_645, %dma_start3A_648, %dma_start3A_649] : memref<16384x32x128xf32, #tpu.memory_space<hbm>> -> memref<1x26x64xf32, #tpu.memory_space<hbm>>
      %dma_start3A_651 = tpu.memref_squeeze %dma_start3A_650 : memref<1x26x64xf32, #tpu.memory_space<hbm>> -> memref<26x64xf32, #tpu.memory_space<hbm>>
      %dma_start3A_652 = arith.constant 0 : i32
      %dma_start3A_653 = arith.constant 0 : i32
      %dma_start3A_654 = tpu.memref_slice %arg4[%add3A_645, %dma_start3A_652, %dma_start3A_653] : memref<16384x32x128xf32, #tpu.memory_space<hbm>> -> memref<1x26x64xf32, #tpu.memory_space<hbm>>
      %dma_start3A_655 = tpu.memref_squeeze %dma_start3A_654 : memref<1x26x64xf32, #tpu.memory_space<hbm>> -> memref<26x64xf32, #tpu.memory_space<hbm>>
      %dma_start3A_656 = arith.constant 0 : i32
      %dma_start3A_657 = tpu.memref_slice %arg7[%add3A_644, %dma_start3A_656] : memref<1664x64xf32, #tpu.memory_space<vmem>> -> memref<26x64xf32, #tpu.memory_space<vmem>>
      tpu.enqueue_dma source(%dma_start3A_657 : memref<26x64xf32, #tpu.memory_space<vmem>>) target(%dma_start3A_655 : memref<26x64xf32, #tpu.memory_space<hbm>>) target_semaphore(%arg11 : memref<!tpu.dma_semaphore, #tpu.memory_space<semaphore_mem>>)
    }
    %scan3A_172 = arith.constant 32 : i32
    %scan3A_173 = arith.constant 0 : i32
    %scan3A_174 = arith.constant 32 : i32
    %scan3A_175 = arith.addi %scan3A_173, %scan3A_174 : i32
    %scan3A_176 = arith.constant 1 : i32
    scf.for %scan3A_640 = %scan3A_173 to %scan3A_175 step %scan3A_176  : i32 {
      %mul3A_641 = arith.constant 26 : i32
      %mul3A_642 = arith.muli %scan3A_640, %mul3A_641 : i32
      %add3A_643 = arith.constant 832 : i32
      %add3A_644 = arith.addi %add3A_643, %mul3A_642 : i32
      %add3A_645 = arith.addi %add3A_167, %scan3A_640 : i32
      %dma_wait3A_646 = arith.constant 0 : i32
      %dma_wait3A_647 = tpu.memref_slice %arg7[%add3A_644, %dma_wait3A_646] : memref<1664x64xf32, #tpu.memory_space<vmem>> -> memref<26x64xf32, #tpu.memory_space<vmem>>
      %dma_wait3A_648 = arith.constant 0 : i32
      %dma_wait3A_649 = arith.constant 0 : i32
      %dma_wait3A_650 = tpu.memref_slice %arg4[%add3A_645, %dma_wait3A_648, %dma_wait3A_649] : memref<16384x32x128xf32, #tpu.memory_space<hbm>> -> memref<1x26x64xf32, #tpu.memory_space<hbm>>
      %dma_wait3A_651 = tpu.memref_squeeze %dma_wait3A_650 : memref<1x26x64xf32, #tpu.memory_space<hbm>> -> memref<26x64xf32, #tpu.memory_space<hbm>>
      %dma_wait3A_652 = arith.constant 0 : i32
      %dma_wait3A_653 = arith.constant 0 : i32
      %dma_wait3A_654 = tpu.memref_slice %arg4[%add3A_645, %dma_wait3A_652, %dma_wait3A_653] : memref<16384x32x128xf32, #tpu.memory_space<hbm>> -> memref<1x26x64xf32, #tpu.memory_space<hbm>>
      %dma_wait3A_655 = tpu.memref_squeeze %dma_wait3A_654 : memref<1x26x64xf32, #tpu.memory_space<hbm>> -> memref<26x64xf32, #tpu.memory_space<hbm>>
      %dma_wait3A_656 = arith.constant 0 : i32
      %dma_wait3A_657 = tpu.memref_slice %arg7[%add3A_644, %dma_wait3A_656] : memref<1664x64xf32, #tpu.memory_space<vmem>> -> memref<26x64xf32, #tpu.memory_space<vmem>>
      tpu.wait_dma2 semaphore(%arg11 : memref<!tpu.dma_semaphore, #tpu.memory_space<semaphore_mem>>) src(%dma_wait3A_657 : memref<26x64xf32, #tpu.memory_space<vmem>>) dst(%dma_wait3A_655 : memref<26x64xf32, #tpu.memory_space<hbm>>)
    }
    %scan3A_177 = arith.constant 32 : i32
    %add3A_178 = arith.constant 160 : i32
    %add3A_179 = arith.addi %mul3A_2, %add3A_178 : i32
    "tpu.region"() ({
      %run_scoped3A = tpu.sem_alloc : memref<!tpu.dma_semaphore, #tpu.memory_space<semaphore_mem>>
      %dma_start3A_640 = arith.constant 0 : i32
      %dma_start3A_641 = tpu.memref_slice %arg2[%add3A_179, %dma_start3A_640] : memref<16384x32xf32, #tpu.memory_space<hbm>> -> memref<32x32xf32, #tpu.memory_space<hbm>>
      %dma_start3A_642 = arith.constant 0 : i32
      %dma_start3A_643 = tpu.memref_slice %arg2[%add3A_179, %dma_start3A_642] : memref<16384x32xf32, #tpu.memory_space<hbm>> -> memref<32x32xf32, #tpu.memory_space<hbm>>
      tpu.enqueue_dma source(%dma_start3A_643 : memref<32x32xf32, #tpu.memory_space<hbm>>) target(%arg5 : memref<32x32xf32, #tpu.memory_space<vmem>>) target_semaphore(%run_scoped3A : memref<!tpu.dma_semaphore, #tpu.memory_space<semaphore_mem>>)
      %dma_wait3A_644 = arith.constant 0 : i32
      %dma_wait3A_645 = tpu.memref_slice %arg2[%add3A_179, %dma_wait3A_644] : memref<16384x32xf32, #tpu.memory_space<hbm>> -> memref<32x32xf32, #tpu.memory_space<hbm>>
      %dma_wait3A_646 = arith.constant 0 : i32
      %dma_wait3A_647 = tpu.memref_slice %arg2[%add3A_179, %dma_wait3A_646] : memref<16384x32xf32, #tpu.memory_space<hbm>> -> memref<32x32xf32, #tpu.memory_space<hbm>>
      tpu.wait_dma2 semaphore(%run_scoped3A : memref<!tpu.dma_semaphore, #tpu.memory_space<semaphore_mem>>) src(%dma_wait3A_647 : memref<32x32xf32, #tpu.memory_space<hbm>>) dst(%arg5 : memref<32x32xf32, #tpu.memory_space<vmem>>)
      tpu.yield
    }) : () -> ()
    %scan3A_180 = arith.constant 0 : i32
    %scan3A_181 = arith.constant 0 : i32
    %scan3A_182 = arith.constant 32 : i32
    %scan3A_183 = arith.addi %scan3A_181, %scan3A_182 : i32
    %scan3A_184 = arith.constant 1 : i32
    scf.for %scan3A_640 = %scan3A_181 to %scan3A_183 step %scan3A_184  : i32 {
      %get3A = arith.index_cast %scan3A_640 : i32 to index
      %get3A_641 = arith.constant 0 : index
      %get3A_642 = tpu.vector_load %arg5[%get3A, %get3A_641] {strides = array<i32>} : memref<32x32xf32, #tpu.memory_space<vmem>>, vector<16xf32>,
      %bitcast3A = vector.bitcast %get3A_642 : vector<16xf32> to vector<16xi32>
      %mul3A_643 = arith.constant 26 : i32
      %mul3A_644 = arith.muli %scan3A_640, %mul3A_643 : i32
      %swap3A = arith.constant 1 : i32
      %swap3A_645 = arith.index_cast %swap3A : i32 to index
      %swap3A_646 = arith.index_cast %mul3A_644 : i32 to index
      %swap3A_647 = tpu.vector_load %arg6[%swap3A_645, %swap3A_646] {strides = array<i32>} : memref<2x832xi32, #tpu.memory_space<vmem>>, vector<16xi32>,
      tpu.vector_store %arg6[%swap3A_645, %swap3A_646], %bitcast3A {strides = array<i32>} : memref<2x832xi32, #tpu.memory_space<vmem>>, vector<16xi32>,
      %get3A_648 = arith.index_cast %scan3A_640 : i32 to index
      %get3A_649 = arith.constant 10 : index
      %get3A_650 = tpu.vector_load %arg5[%get3A_648, %get3A_649] {strides = array<i32>} : memref<32x32xf32, #tpu.memory_space<vmem>>, vector<16xf32>,
      %bitcast3A_651 = vector.bitcast %get3A_650 : vector<16xf32> to vector<16xi32>
      %mul3A_652 = arith.constant 26 : i32
      %mul3A_653 = arith.muli %scan3A_640, %mul3A_652 : i32
      %add3A_654 = arith.constant 26 : i32
      %add3A_655 = arith.addi %mul3A_653, %add3A_654 : i32
      %sub3A = arith.constant 16 : i32
      %sub3A_656 = arith.subi %add3A_655, %sub3A : i32
      %swap3A_657 = arith.constant 1 : i32
      %swap3A_658 = arith.index_cast %swap3A_657 : i32 to index
      %swap3A_659 = arith.index_cast %sub3A_656 : i32 to index
      %swap3A_660 = tpu.vector_load %arg6[%swap3A_658, %swap3A_659] {strides = array<i32>} : memref<2x832xi32, #tpu.memory_space<vmem>>, vector<16xi32>,
      tpu.vector_store %arg6[%swap3A_658, %swap3A_659], %bitcast3A_651 {strides = array<i32>} : memref<2x832xi32, #tpu.memory_space<vmem>>, vector<16xi32>,
    }
    %scan3A_185 = arith.constant 32 : i32
    %dma_start3A_186 = arith.constant 1 : i32
    %dma_start3A_187 = arith.constant 832 : i32
    %dma_start3A_188 = arith.constant 0 : i32
    %dma_start3A_189 = tpu.memref_slice %arg7[%dma_start3A_187, %dma_start3A_188] : memref<1664x64xf32, #tpu.memory_space<vmem>> -> memref<832x64xf32, #tpu.memory_space<vmem>>
    %dma_start3A_190 = arith.constant 0 : i32
    %dma_start3A_191 = tpu.memref_slice %arg6[%dma_start3A_186, %dma_start3A_190] : memref<2x832xi32, #tpu.memory_space<vmem>> -> memref<1x832xi32, #tpu.memory_space<vmem>>
    %dma_start3A_192 = tpu.memref_squeeze %dma_start3A_191 : memref<1x832xi32, #tpu.memory_space<vmem>> -> memref<832xi32, #tpu.memory_space<vmem>>
    %dma_start3A_193 = arith.constant 0 : i32
    %dma_start3A_194 = arith.constant 0 : i32
    %dma_start3A_195 = tpu.memref_slice %arg3[%dma_start3A_193, %dma_start3A_194] : memref<1000000x64xf32, #tpu.memory_space<hbm>> -> memref<1000000x64xf32, #tpu.memory_space<hbm>>
    tpu.enqueue_indirect_dma source(%dma_start3A_195 : memref<1000000x64xf32, #tpu.memory_space<hbm>>) target(%dma_start3A_189 : memref<832x64xf32, #tpu.memory_space<vmem>>) offsets(%dma_start3A_192 : memref<832xi32, #tpu.memory_space<vmem>>) semaphore(%arg9 : memref<!tpu.dma_semaphore, #tpu.memory_space<semaphore_mem>>)
    %dma_wait3A_196 = arith.constant 0 : i32
    %dma_wait3A_197 = arith.constant 0 : i32
    %dma_wait3A_198 = arith.constant 0 : i32
    %dma_wait3A_199 = tpu.memref_slice %arg7[%dma_wait3A_197, %dma_wait3A_198] : memref<1664x64xf32, #tpu.memory_space<vmem>> -> memref<832x64xf32, #tpu.memory_space<vmem>>
    %dma_wait3A_200 = arith.constant 0 : i32
    %dma_wait3A_201 = tpu.memref_slice %arg6[%dma_wait3A_196, %dma_wait3A_200] : memref<2x832xi32, #tpu.memory_space<vmem>> -> memref<1x832xi32, #tpu.memory_space<vmem>>
    %dma_wait3A_202 = tpu.memref_squeeze %dma_wait3A_201 : memref<1x832xi32, #tpu.memory_space<vmem>> -> memref<832xi32, #tpu.memory_space<vmem>>
    %dma_wait3A_203 = arith.constant 0 : i32
    %dma_wait3A_204 = arith.constant 0 : i32
    %dma_wait3A_205 = tpu.memref_slice %arg3[%dma_wait3A_203, %dma_wait3A_204] : memref<1000000x64xf32, #tpu.memory_space<hbm>> -> memref<1000000x64xf32, #tpu.memory_space<hbm>>
    tpu.wait_indirect_dma semaphore(%arg8 : memref<!tpu.dma_semaphore, #tpu.memory_space<semaphore_mem>>) src(%dma_wait3A_205 : memref<1000000x64xf32, #tpu.memory_space<hbm>>) dst(%dma_wait3A_199 : memref<832x64xf32, #tpu.memory_space<vmem>>)
    %add3A_206 = arith.constant 128 : i32
    %add3A_207 = arith.addi %mul3A_2, %add3A_206 : i32
    %scan3A_208 = arith.constant 0 : i32
    %scan3A_209 = arith.constant 32 : i32
    %scan3A_210 = arith.addi %scan3A_208, %scan3A_209 : i32
    %scan3A_211 = arith.constant 1 : i32
    scf.for %scan3A_640 = %scan3A_208 to %scan3A_210 step %scan3A_211  : i32 {
      %mul3A_641 = arith.constant 26 : i32
      %mul3A_642 = arith.muli %scan3A_640, %mul3A_641 : i32
      %add3A_643 = arith.constant 0 : i32
      %add3A_644 = arith.addi %add3A_643, %mul3A_642 : i32
      %add3A_645 = arith.addi %add3A_207, %scan3A_640 : i32
      %dma_start3A_646 = arith.constant 0 : i32
      %dma_start3A_647 = tpu.memref_slice %arg7[%add3A_644, %dma_start3A_646] : memref<1664x64xf32, #tpu.memory_space<vmem>> -> memref<26x64xf32, #tpu.memory_space<vmem>>
      %dma_start3A_648 = arith.constant 0 : i32
      %dma_start3A_649 = arith.constant 0 : i32
      %dma_start3A_650 = tpu.memref_slice %arg4[%add3A_645, %dma_start3A_648, %dma_start3A_649] : memref<16384x32x128xf32, #tpu.memory_space<hbm>> -> memref<1x26x64xf32, #tpu.memory_space<hbm>>
      %dma_start3A_651 = tpu.memref_squeeze %dma_start3A_650 : memref<1x26x64xf32, #tpu.memory_space<hbm>> -> memref<26x64xf32, #tpu.memory_space<hbm>>
      %dma_start3A_652 = arith.constant 0 : i32
      %dma_start3A_653 = arith.constant 0 : i32
      %dma_start3A_654 = tpu.memref_slice %arg4[%add3A_645, %dma_start3A_652, %dma_start3A_653] : memref<16384x32x128xf32, #tpu.memory_space<hbm>> -> memref<1x26x64xf32, #tpu.memory_space<hbm>>
      %dma_start3A_655 = tpu.memref_squeeze %dma_start3A_654 : memref<1x26x64xf32, #tpu.memory_space<hbm>> -> memref<26x64xf32, #tpu.memory_space<hbm>>
      %dma_start3A_656 = arith.constant 0 : i32
      %dma_start3A_657 = tpu.memref_slice %arg7[%add3A_644, %dma_start3A_656] : memref<1664x64xf32, #tpu.memory_space<vmem>> -> memref<26x64xf32, #tpu.memory_space<vmem>>
      tpu.enqueue_dma source(%dma_start3A_657 : memref<26x64xf32, #tpu.memory_space<vmem>>) target(%dma_start3A_655 : memref<26x64xf32, #tpu.memory_space<hbm>>) target_semaphore(%arg10 : memref<!tpu.dma_semaphore, #tpu.memory_space<semaphore_mem>>)
    }
    %scan3A_212 = arith.constant 32 : i32
    %scan3A_213 = arith.constant 0 : i32
    %scan3A_214 = arith.constant 32 : i32
    %scan3A_215 = arith.addi %scan3A_213, %scan3A_214 : i32
    %scan3A_216 = arith.constant 1 : i32
    scf.for %scan3A_640 = %scan3A_213 to %scan3A_215 step %scan3A_216  : i32 {
      %mul3A_641 = arith.constant 26 : i32
      %mul3A_642 = arith.muli %scan3A_640, %mul3A_641 : i32
      %add3A_643 = arith.constant 0 : i32
      %add3A_644 = arith.addi %add3A_643, %mul3A_642 : i32
      %add3A_645 = arith.addi %add3A_207, %scan3A_640 : i32
      %dma_wait3A_646 = arith.constant 0 : i32
      %dma_wait3A_647 = tpu.memref_slice %arg7[%add3A_644, %dma_wait3A_646] : memref<1664x64xf32, #tpu.memory_space<vmem>> -> memref<26x64xf32, #tpu.memory_space<vmem>>
      %dma_wait3A_648 = arith.constant 0 : i32
      %dma_wait3A_649 = arith.constant 0 : i32
      %dma_wait3A_650 = tpu.memref_slice %arg4[%add3A_645, %dma_wait3A_648, %dma_wait3A_649] : memref<16384x32x128xf32, #tpu.memory_space<hbm>> -> memref<1x26x64xf32, #tpu.memory_space<hbm>>
      %dma_wait3A_651 = tpu.memref_squeeze %dma_wait3A_650 : memref<1x26x64xf32, #tpu.memory_space<hbm>> -> memref<26x64xf32, #tpu.memory_space<hbm>>
      %dma_wait3A_652 = arith.constant 0 : i32
      %dma_wait3A_653 = arith.constant 0 : i32
      %dma_wait3A_654 = tpu.memref_slice %arg4[%add3A_645, %dma_wait3A_652, %dma_wait3A_653] : memref<16384x32x128xf32, #tpu.memory_space<hbm>> -> memref<1x26x64xf32, #tpu.memory_space<hbm>>
      %dma_wait3A_655 = tpu.memref_squeeze %dma_wait3A_654 : memref<1x26x64xf32, #tpu.memory_space<hbm>> -> memref<26x64xf32, #tpu.memory_space<hbm>>
      %dma_wait3A_656 = arith.constant 0 : i32
      %dma_wait3A_657 = tpu.memref_slice %arg7[%add3A_644, %dma_wait3A_656] : memref<1664x64xf32, #tpu.memory_space<vmem>> -> memref<26x64xf32, #tpu.memory_space<vmem>>
      tpu.wait_dma2 semaphore(%arg10 : memref<!tpu.dma_semaphore, #tpu.memory_space<semaphore_mem>>) src(%dma_wait3A_657 : memref<26x64xf32, #tpu.memory_space<vmem>>) dst(%dma_wait3A_655 : memref<26x64xf32, #tpu.memory_space<hbm>>)
    }
    %scan3A_217 = arith.constant 32 : i32
    %add3A_218 = arith.constant 192 : i32
    %add3A_219 = arith.addi %mul3A_2, %add3A_218 : i32
    "tpu.region"() ({
      %run_scoped3A = tpu.sem_alloc : memref<!tpu.dma_semaphore, #tpu.memory_space<semaphore_mem>>
      %dma_start3A_640 = arith.constant 0 : i32
      %dma_start3A_641 = tpu.memref_slice %arg2[%add3A_219, %dma_start3A_640] : memref<16384x32xf32, #tpu.memory_space<hbm>> -> memref<32x32xf32, #tpu.memory_space<hbm>>
      %dma_start3A_642 = arith.constant 0 : i32
      %dma_start3A_643 = tpu.memref_slice %arg2[%add3A_219, %dma_start3A_642] : memref<16384x32xf32, #tpu.memory_space<hbm>> -> memref<32x32xf32, #tpu.memory_space<hbm>>
      tpu.enqueue_dma source(%dma_start3A_643 : memref<32x32xf32, #tpu.memory_space<hbm>>) target(%arg5 : memref<32x32xf32, #tpu.memory_space<vmem>>) target_semaphore(%run_scoped3A : memref<!tpu.dma_semaphore, #tpu.memory_space<semaphore_mem>>)
      %dma_wait3A_644 = arith.constant 0 : i32
      %dma_wait3A_645 = tpu.memref_slice %arg2[%add3A_219, %dma_wait3A_644] : memref<16384x32xf32, #tpu.memory_space<hbm>> -> memref<32x32xf32, #tpu.memory_space<hbm>>
      %dma_wait3A_646 = arith.constant 0 : i32
      %dma_wait3A_647 = tpu.memref_slice %arg2[%add3A_219, %dma_wait3A_646] : memref<16384x32xf32, #tpu.memory_space<hbm>> -> memref<32x32xf32, #tpu.memory_space<hbm>>
      tpu.wait_dma2 semaphore(%run_scoped3A : memref<!tpu.dma_semaphore, #tpu.memory_space<semaphore_mem>>) src(%dma_wait3A_647 : memref<32x32xf32, #tpu.memory_space<hbm>>) dst(%arg5 : memref<32x32xf32, #tpu.memory_space<vmem>>)
      tpu.yield
    }) : () -> ()
    %scan3A_220 = arith.constant 0 : i32
    %scan3A_221 = arith.constant 0 : i32
    %scan3A_222 = arith.constant 32 : i32
    %scan3A_223 = arith.addi %scan3A_221, %scan3A_222 : i32
    %scan3A_224 = arith.constant 1 : i32
    scf.for %scan3A_640 = %scan3A_221 to %scan3A_223 step %scan3A_224  : i32 {
      %get3A = arith.index_cast %scan3A_640 : i32 to index
      %get3A_641 = arith.constant 0 : index
      %get3A_642 = tpu.vector_load %arg5[%get3A, %get3A_641] {strides = array<i32>} : memref<32x32xf32, #tpu.memory_space<vmem>>, vector<16xf32>,
      %bitcast3A = vector.bitcast %get3A_642 : vector<16xf32> to vector<16xi32>
      %mul3A_643 = arith.constant 26 : i32
      %mul3A_644 = arith.muli %scan3A_640, %mul3A_643 : i32
      %swap3A = arith.constant 0 : i32
      %swap3A_645 = arith.index_cast %swap3A : i32 to index
      %swap3A_646 = arith.index_cast %mul3A_644 : i32 to index
      %swap3A_647 = tpu.vector_load %arg6[%swap3A_645, %swap3A_646] {strides = array<i32>} : memref<2x832xi32, #tpu.memory_space<vmem>>, vector<16xi32>,
      tpu.vector_store %arg6[%swap3A_645, %swap3A_646], %bitcast3A {strides = array<i32>} : memref<2x832xi32, #tpu.memory_space<vmem>>, vector<16xi32>,
      %get3A_648 = arith.index_cast %scan3A_640 : i32 to index
      %get3A_649 = arith.constant 10 : index
      %get3A_650 = tpu.vector_load %arg5[%get3A_648, %get3A_649] {strides = array<i32>} : memref<32x32xf32, #tpu.memory_space<vmem>>, vector<16xf32>,
      %bitcast3A_651 = vector.bitcast %get3A_650 : vector<16xf32> to vector<16xi32>
      %mul3A_652 = arith.constant 26 : i32
      %mul3A_653 = arith.muli %scan3A_640, %mul3A_652 : i32
      %add3A_654 = arith.constant 26 : i32
      %add3A_655 = arith.addi %mul3A_653, %add3A_654 : i32
      %sub3A = arith.constant 16 : i32
      %sub3A_656 = arith.subi %add3A_655, %sub3A : i32
      %swap3A_657 = arith.constant 0 : i32
      %swap3A_658 = arith.index_cast %swap3A_657 : i32 to index
      %swap3A_659 = arith.index_cast %sub3A_656 : i32 to index
      %swap3A_660 = tpu.vector_load %arg6[%swap3A_658, %swap3A_659] {strides = array<i32>} : memref<2x832xi32, #tpu.memory_space<vmem>>, vector<16xi32>,
      tpu.vector_store %arg6[%swap3A_658, %swap3A_659], %bitcast3A_651 {strides = array<i32>} : memref<2x832xi32, #tpu.memory_space<vmem>>, vector<16xi32>,
    }
    %scan3A_225 = arith.constant 32 : i32
    %dma_start3A_226 = arith.constant 0 : i32
    %dma_start3A_227 = arith.constant 0 : i32
    %dma_start3A_228 = arith.constant 0 : i32
    %dma_start3A_229 = tpu.memref_slice %arg7[%dma_start3A_227, %dma_start3A_228] : memref<1664x64xf32, #tpu.memory_space<vmem>> -> memref<832x64xf32, #tpu.memory_space<vmem>>
    %dma_start3A_230 = arith.constant 0 : i32
    %dma_start3A_231 = tpu.memref_slice %arg6[%dma_start3A_226, %dma_start3A_230] : memref<2x832xi32, #tpu.memory_space<vmem>> -> memref<1x832xi32, #tpu.memory_space<vmem>>
    %dma_start3A_232 = tpu.memref_squeeze %dma_start3A_231 : memref<1x832xi32, #tpu.memory_space<vmem>> -> memref<832xi32, #tpu.memory_space<vmem>>
    %dma_start3A_233 = arith.constant 0 : i32
    %dma_start3A_234 = arith.constant 0 : i32
    %dma_start3A_235 = tpu.memref_slice %arg3[%dma_start3A_233, %dma_start3A_234] : memref<1000000x64xf32, #tpu.memory_space<hbm>> -> memref<1000000x64xf32, #tpu.memory_space<hbm>>
    tpu.enqueue_indirect_dma source(%dma_start3A_235 : memref<1000000x64xf32, #tpu.memory_space<hbm>>) target(%dma_start3A_229 : memref<832x64xf32, #tpu.memory_space<vmem>>) offsets(%dma_start3A_232 : memref<832xi32, #tpu.memory_space<vmem>>) semaphore(%arg8 : memref<!tpu.dma_semaphore, #tpu.memory_space<semaphore_mem>>)
    %dma_wait3A_236 = arith.constant 1 : i32
    %dma_wait3A_237 = arith.constant 832 : i32
    %dma_wait3A_238 = arith.constant 0 : i32
    %dma_wait3A_239 = tpu.memref_slice %arg7[%dma_wait3A_237, %dma_wait3A_238] : memref<1664x64xf32, #tpu.memory_space<vmem>> -> memref<832x64xf32, #tpu.memory_space<vmem>>
    %dma_wait3A_240 = arith.constant 0 : i32
    %dma_wait3A_241 = tpu.memref_slice %arg6[%dma_wait3A_236, %dma_wait3A_240] : memref<2x832xi32, #tpu.memory_space<vmem>> -> memref<1x832xi32, #tpu.memory_space<vmem>>
    %dma_wait3A_242 = tpu.memref_squeeze %dma_wait3A_241 : memref<1x832xi32, #tpu.memory_space<vmem>> -> memref<832xi32, #tpu.memory_space<vmem>>
    %dma_wait3A_243 = arith.constant 0 : i32
    %dma_wait3A_244 = arith.constant 0 : i32
    %dma_wait3A_245 = tpu.memref_slice %arg3[%dma_wait3A_243, %dma_wait3A_244] : memref<1000000x64xf32, #tpu.memory_space<hbm>> -> memref<1000000x64xf32, #tpu.memory_space<hbm>>
    tpu.wait_indirect_dma semaphore(%arg9 : memref<!tpu.dma_semaphore, #tpu.memory_space<semaphore_mem>>) src(%dma_wait3A_245 : memref<1000000x64xf32, #tpu.memory_space<hbm>>) dst(%dma_wait3A_239 : memref<832x64xf32, #tpu.memory_space<vmem>>)
    %add3A_246 = arith.constant 160 : i32
    %add3A_247 = arith.addi %mul3A_2, %add3A_246 : i32
    %scan3A_248 = arith.constant 0 : i32
    %scan3A_249 = arith.constant 32 : i32
    %scan3A_250 = arith.addi %scan3A_248, %scan3A_249 : i32
    %scan3A_251 = arith.constant 1 : i32
    scf.for %scan3A_640 = %scan3A_248 to %scan3A_250 step %scan3A_251  : i32 {
      %mul3A_641 = arith.constant 26 : i32
      %mul3A_642 = arith.muli %scan3A_640, %mul3A_641 : i32
      %add3A_643 = arith.constant 832 : i32
      %add3A_644 = arith.addi %add3A_643, %mul3A_642 : i32
      %add3A_645 = arith.addi %add3A_247, %scan3A_640 : i32
      %dma_start3A_646 = arith.constant 0 : i32
      %dma_start3A_647 = tpu.memref_slice %arg7[%add3A_644, %dma_start3A_646] : memref<1664x64xf32, #tpu.memory_space<vmem>> -> memref<26x64xf32, #tpu.memory_space<vmem>>
      %dma_start3A_648 = arith.constant 0 : i32
      %dma_start3A_649 = arith.constant 0 : i32
      %dma_start3A_650 = tpu.memref_slice %arg4[%add3A_645, %dma_start3A_648, %dma_start3A_649] : memref<16384x32x128xf32, #tpu.memory_space<hbm>> -> memref<1x26x64xf32, #tpu.memory_space<hbm>>
      %dma_start3A_651 = tpu.memref_squeeze %dma_start3A_650 : memref<1x26x64xf32, #tpu.memory_space<hbm>> -> memref<26x64xf32, #tpu.memory_space<hbm>>
      %dma_start3A_652 = arith.constant 0 : i32
      %dma_start3A_653 = arith.constant 0 : i32
      %dma_start3A_654 = tpu.memref_slice %arg4[%add3A_645, %dma_start3A_652, %dma_start3A_653] : memref<16384x32x128xf32, #tpu.memory_space<hbm>> -> memref<1x26x64xf32, #tpu.memory_space<hbm>>
      %dma_start3A_655 = tpu.memref_squeeze %dma_start3A_654 : memref<1x26x64xf32, #tpu.memory_space<hbm>> -> memref<26x64xf32, #tpu.memory_space<hbm>>
      %dma_start3A_656 = arith.constant 0 : i32
      %dma_start3A_657 = tpu.memref_slice %arg7[%add3A_644, %dma_start3A_656] : memref<1664x64xf32, #tpu.memory_space<vmem>> -> memref<26x64xf32, #tpu.memory_space<vmem>>
      tpu.enqueue_dma source(%dma_start3A_657 : memref<26x64xf32, #tpu.memory_space<vmem>>) target(%dma_start3A_655 : memref<26x64xf32, #tpu.memory_space<hbm>>) target_semaphore(%arg11 : memref<!tpu.dma_semaphore, #tpu.memory_space<semaphore_mem>>)
    }
    %scan3A_252 = arith.constant 32 : i32
    %scan3A_253 = arith.constant 0 : i32
    %scan3A_254 = arith.constant 32 : i32
    %scan3A_255 = arith.addi %scan3A_253, %scan3A_254 : i32
    %scan3A_256 = arith.constant 1 : i32
    scf.for %scan3A_640 = %scan3A_253 to %scan3A_255 step %scan3A_256  : i32 {
      %mul3A_641 = arith.constant 26 : i32
      %mul3A_642 = arith.muli %scan3A_640, %mul3A_641 : i32
      %add3A_643 = arith.constant 832 : i32
      %add3A_644 = arith.addi %add3A_643, %mul3A_642 : i32
      %add3A_645 = arith.addi %add3A_247, %scan3A_640 : i32
      %dma_wait3A_646 = arith.constant 0 : i32
      %dma_wait3A_647 = tpu.memref_slice %arg7[%add3A_644, %dma_wait3A_646] : memref<1664x64xf32, #tpu.memory_space<vmem>> -> memref<26x64xf32, #tpu.memory_space<vmem>>
      %dma_wait3A_648 = arith.constant 0 : i32
      %dma_wait3A_649 = arith.constant 0 : i32
      %dma_wait3A_650 = tpu.memref_slice %arg4[%add3A_645, %dma_wait3A_648, %dma_wait3A_649] : memref<16384x32x128xf32, #tpu.memory_space<hbm>> -> memref<1x26x64xf32, #tpu.memory_space<hbm>>
      %dma_wait3A_651 = tpu.memref_squeeze %dma_wait3A_650 : memref<1x26x64xf32, #tpu.memory_space<hbm>> -> memref<26x64xf32, #tpu.memory_space<hbm>>
      %dma_wait3A_652 = arith.constant 0 : i32
      %dma_wait3A_653 = arith.constant 0 : i32
      %dma_wait3A_654 = tpu.memref_slice %arg4[%add3A_645, %dma_wait3A_652, %dma_wait3A_653] : memref<16384x32x128xf32, #tpu.memory_space<hbm>> -> memref<1x26x64xf32, #tpu.memory_space<hbm>>
      %dma_wait3A_655 = tpu.memref_squeeze %dma_wait3A_654 : memref<1x26x64xf32, #tpu.memory_space<hbm>> -> memref<26x64xf32, #tpu.memory_space<hbm>>
      %dma_wait3A_656 = arith.constant 0 : i32
      %dma_wait3A_657 = tpu.memref_slice %arg7[%add3A_644, %dma_wait3A_656] : memref<1664x64xf32, #tpu.memory_space<vmem>> -> memref<26x64xf32, #tpu.memory_space<vmem>>
      tpu.wait_dma2 semaphore(%arg11 : memref<!tpu.dma_semaphore, #tpu.memory_space<semaphore_mem>>) src(%dma_wait3A_657 : memref<26x64xf32, #tpu.memory_space<vmem>>) dst(%dma_wait3A_655 : memref<26x64xf32, #tpu.memory_space<hbm>>)
    }
    %scan3A_257 = arith.constant 32 : i32
    %add3A_258 = arith.constant 224 : i32
    %add3A_259 = arith.addi %mul3A_2, %add3A_258 : i32
    "tpu.region"() ({
      %run_scoped3A = tpu.sem_alloc : memref<!tpu.dma_semaphore, #tpu.memory_space<semaphore_mem>>
      %dma_start3A_640 = arith.constant 0 : i32
      %dma_start3A_641 = tpu.memref_slice %arg2[%add3A_259, %dma_start3A_640] : memref<16384x32xf32, #tpu.memory_space<hbm>> -> memref<32x32xf32, #tpu.memory_space<hbm>>
      %dma_start3A_642 = arith.constant 0 : i32
      %dma_start3A_643 = tpu.memref_slice %arg2[%add3A_259, %dma_start3A_642] : memref<16384x32xf32, #tpu.memory_space<hbm>> -> memref<32x32xf32, #tpu.memory_space<hbm>>
      tpu.enqueue_dma source(%dma_start3A_643 : memref<32x32xf32, #tpu.memory_space<hbm>>) target(%arg5 : memref<32x32xf32, #tpu.memory_space<vmem>>) target_semaphore(%run_scoped3A : memref<!tpu.dma_semaphore, #tpu.memory_space<semaphore_mem>>)
      %dma_wait3A_644 = arith.constant 0 : i32
      %dma_wait3A_645 = tpu.memref_slice %arg2[%add3A_259, %dma_wait3A_644] : memref<16384x32xf32, #tpu.memory_space<hbm>> -> memref<32x32xf32, #tpu.memory_space<hbm>>
      %dma_wait3A_646 = arith.constant 0 : i32
      %dma_wait3A_647 = tpu.memref_slice %arg2[%add3A_259, %dma_wait3A_646] : memref<16384x32xf32, #tpu.memory_space<hbm>> -> memref<32x32xf32, #tpu.memory_space<hbm>>
      tpu.wait_dma2 semaphore(%run_scoped3A : memref<!tpu.dma_semaphore, #tpu.memory_space<semaphore_mem>>) src(%dma_wait3A_647 : memref<32x32xf32, #tpu.memory_space<hbm>>) dst(%arg5 : memref<32x32xf32, #tpu.memory_space<vmem>>)
      tpu.yield
    }) : () -> ()
    %scan3A_260 = arith.constant 0 : i32
    %scan3A_261 = arith.constant 0 : i32
    %scan3A_262 = arith.constant 32 : i32
    %scan3A_263 = arith.addi %scan3A_261, %scan3A_262 : i32
    %scan3A_264 = arith.constant 1 : i32
    scf.for %scan3A_640 = %scan3A_261 to %scan3A_263 step %scan3A_264  : i32 {
      %get3A = arith.index_cast %scan3A_640 : i32 to index
      %get3A_641 = arith.constant 0 : index
      %get3A_642 = tpu.vector_load %arg5[%get3A, %get3A_641] {strides = array<i32>} : memref<32x32xf32, #tpu.memory_space<vmem>>, vector<16xf32>,
      %bitcast3A = vector.bitcast %get3A_642 : vector<16xf32> to vector<16xi32>
      %mul3A_643 = arith.constant 26 : i32
      %mul3A_644 = arith.muli %scan3A_640, %mul3A_643 : i32
      %swap3A = arith.constant 1 : i32
      %swap3A_645 = arith.index_cast %swap3A : i32 to index
      %swap3A_646 = arith.index_cast %mul3A_644 : i32 to index
      %swap3A_647 = tpu.vector_load %arg6[%swap3A_645, %swap3A_646] {strides = array<i32>} : memref<2x832xi32, #tpu.memory_space<vmem>>, vector<16xi32>,
      tpu.vector_store %arg6[%swap3A_645, %swap3A_646], %bitcast3A {strides = array<i32>} : memref<2x832xi32, #tpu.memory_space<vmem>>, vector<16xi32>,
      %get3A_648 = arith.index_cast %scan3A_640 : i32 to index
      %get3A_649 = arith.constant 10 : index
      %get3A_650 = tpu.vector_load %arg5[%get3A_648, %get3A_649] {strides = array<i32>} : memref<32x32xf32, #tpu.memory_space<vmem>>, vector<16xf32>,
      %bitcast3A_651 = vector.bitcast %get3A_650 : vector<16xf32> to vector<16xi32>
      %mul3A_652 = arith.constant 26 : i32
      %mul3A_653 = arith.muli %scan3A_640, %mul3A_652 : i32
      %add3A_654 = arith.constant 26 : i32
      %add3A_655 = arith.addi %mul3A_653, %add3A_654 : i32
      %sub3A = arith.constant 16 : i32
      %sub3A_656 = arith.subi %add3A_655, %sub3A : i32
      %swap3A_657 = arith.constant 1 : i32
      %swap3A_658 = arith.index_cast %swap3A_657 : i32 to index
      %swap3A_659 = arith.index_cast %sub3A_656 : i32 to index
      %swap3A_660 = tpu.vector_load %arg6[%swap3A_658, %swap3A_659] {strides = array<i32>} : memref<2x832xi32, #tpu.memory_space<vmem>>, vector<16xi32>,
      tpu.vector_store %arg6[%swap3A_658, %swap3A_659], %bitcast3A_651 {strides = array<i32>} : memref<2x832xi32, #tpu.memory_space<vmem>>, vector<16xi32>,
    }
    %scan3A_265 = arith.constant 32 : i32
    %dma_start3A_266 = arith.constant 1 : i32
    %dma_start3A_267 = arith.constant 832 : i32
    %dma_start3A_268 = arith.constant 0 : i32
    %dma_start3A_269 = tpu.memref_slice %arg7[%dma_start3A_267, %dma_start3A_268] : memref<1664x64xf32, #tpu.memory_space<vmem>> -> memref<832x64xf32, #tpu.memory_space<vmem>>
    %dma_start3A_270 = arith.constant 0 : i32
    %dma_start3A_271 = tpu.memref_slice %arg6[%dma_start3A_266, %dma_start3A_270] : memref<2x832xi32, #tpu.memory_space<vmem>> -> memref<1x832xi32, #tpu.memory_space<vmem>>
    %dma_start3A_272 = tpu.memref_squeeze %dma_start3A_271 : memref<1x832xi32, #tpu.memory_space<vmem>> -> memref<832xi32, #tpu.memory_space<vmem>>
    %dma_start3A_273 = arith.constant 0 : i32
    %dma_start3A_274 = arith.constant 0 : i32
    %dma_start3A_275 = tpu.memref_slice %arg3[%dma_start3A_273, %dma_start3A_274] : memref<1000000x64xf32, #tpu.memory_space<hbm>> -> memref<1000000x64xf32, #tpu.memory_space<hbm>>
    tpu.enqueue_indirect_dma source(%dma_start3A_275 : memref<1000000x64xf32, #tpu.memory_space<hbm>>) target(%dma_start3A_269 : memref<832x64xf32, #tpu.memory_space<vmem>>) offsets(%dma_start3A_272 : memref<832xi32, #tpu.memory_space<vmem>>) semaphore(%arg9 : memref<!tpu.dma_semaphore, #tpu.memory_space<semaphore_mem>>)
    %dma_wait3A_276 = arith.constant 0 : i32
    %dma_wait3A_277 = arith.constant 0 : i32
    %dma_wait3A_278 = arith.constant 0 : i32
    %dma_wait3A_279 = tpu.memref_slice %arg7[%dma_wait3A_277, %dma_wait3A_278] : memref<1664x64xf32, #tpu.memory_space<vmem>> -> memref<832x64xf32, #tpu.memory_space<vmem>>
    %dma_wait3A_280 = arith.constant 0 : i32
    %dma_wait3A_281 = tpu.memref_slice %arg6[%dma_wait3A_276, %dma_wait3A_280] : memref<2x832xi32, #tpu.memory_space<vmem>> -> memref<1x832xi32, #tpu.memory_space<vmem>>
    %dma_wait3A_282 = tpu.memref_squeeze %dma_wait3A_281 : memref<1x832xi32, #tpu.memory_space<vmem>> -> memref<832xi32, #tpu.memory_space<vmem>>
    %dma_wait3A_283 = arith.constant 0 : i32
    %dma_wait3A_284 = arith.constant 0 : i32
    %dma_wait3A_285 = tpu.memref_slice %arg3[%dma_wait3A_283, %dma_wait3A_284] : memref<1000000x64xf32, #tpu.memory_space<hbm>> -> memref<1000000x64xf32, #tpu.memory_space<hbm>>
    tpu.wait_indirect_dma semaphore(%arg8 : memref<!tpu.dma_semaphore, #tpu.memory_space<semaphore_mem>>) src(%dma_wait3A_285 : memref<1000000x64xf32, #tpu.memory_space<hbm>>) dst(%dma_wait3A_279 : memref<832x64xf32, #tpu.memory_space<vmem>>)
    %add3A_286 = arith.constant 192 : i32
    %add3A_287 = arith.addi %mul3A_2, %add3A_286 : i32
    %scan3A_288 = arith.constant 0 : i32
    %scan3A_289 = arith.constant 32 : i32
    %scan3A_290 = arith.addi %scan3A_288, %scan3A_289 : i32
    %scan3A_291 = arith.constant 1 : i32
    scf.for %scan3A_640 = %scan3A_288 to %scan3A_290 step %scan3A_291  : i32 {
      %mul3A_641 = arith.constant 26 : i32
      %mul3A_642 = arith.muli %scan3A_640, %mul3A_641 : i32
      %add3A_643 = arith.constant 0 : i32
      %add3A_644 = arith.addi %add3A_643, %mul3A_642 : i32
      %add3A_645 = arith.addi %add3A_287, %scan3A_640 : i32
      %dma_start3A_646 = arith.constant 0 : i32
      %dma_start3A_647 = tpu.memref_slice %arg7[%add3A_644, %dma_start3A_646] : memref<1664x64xf32, #tpu.memory_space<vmem>> -> memref<26x64xf32, #tpu.memory_space<vmem>>
      %dma_start3A_648 = arith.constant 0 : i32
      %dma_start3A_649 = arith.constant 0 : i32
      %dma_start3A_650 = tpu.memref_slice %arg4[%add3A_645, %dma_start3A_648, %dma_start3A_649] : memref<16384x32x128xf32, #tpu.memory_space<hbm>> -> memref<1x26x64xf32, #tpu.memory_space<hbm>>
      %dma_start3A_651 = tpu.memref_squeeze %dma_start3A_650 : memref<1x26x64xf32, #tpu.memory_space<hbm>> -> memref<26x64xf32, #tpu.memory_space<hbm>>
      %dma_start3A_652 = arith.constant 0 : i32
      %dma_start3A_653 = arith.constant 0 : i32
      %dma_start3A_654 = tpu.memref_slice %arg4[%add3A_645, %dma_start3A_652, %dma_start3A_653] : memref<16384x32x128xf32, #tpu.memory_space<hbm>> -> memref<1x26x64xf32, #tpu.memory_space<hbm>>
      %dma_start3A_655 = tpu.memref_squeeze %dma_start3A_654 : memref<1x26x64xf32, #tpu.memory_space<hbm>> -> memref<26x64xf32, #tpu.memory_space<hbm>>
      %dma_start3A_656 = arith.constant 0 : i32
      %dma_start3A_657 = tpu.memref_slice %arg7[%add3A_644, %dma_start3A_656] : memref<1664x64xf32, #tpu.memory_space<vmem>> -> memref<26x64xf32, #tpu.memory_space<vmem>>
      tpu.enqueue_dma source(%dma_start3A_657 : memref<26x64xf32, #tpu.memory_space<vmem>>) target(%dma_start3A_655 : memref<26x64xf32, #tpu.memory_space<hbm>>) target_semaphore(%arg10 : memref<!tpu.dma_semaphore, #tpu.memory_space<semaphore_mem>>)
    }
    %scan3A_292 = arith.constant 32 : i32
    %scan3A_293 = arith.constant 0 : i32
    %scan3A_294 = arith.constant 32 : i32
    %scan3A_295 = arith.addi %scan3A_293, %scan3A_294 : i32
    %scan3A_296 = arith.constant 1 : i32
    scf.for %scan3A_640 = %scan3A_293 to %scan3A_295 step %scan3A_296  : i32 {
      %mul3A_641 = arith.constant 26 : i32
      %mul3A_642 = arith.muli %scan3A_640, %mul3A_641 : i32
      %add3A_643 = arith.constant 0 : i32
      %add3A_644 = arith.addi %add3A_643, %mul3A_642 : i32
      %add3A_645 = arith.addi %add3A_287, %scan3A_640 : i32
      %dma_wait3A_646 = arith.constant 0 : i32
      %dma_wait3A_647 = tpu.memref_slice %arg7[%add3A_644, %dma_wait3A_646] : memref<1664x64xf32, #tpu.memory_space<vmem>> -> memref<26x64xf32, #tpu.memory_space<vmem>>
      %dma_wait3A_648 = arith.constant 0 : i32
      %dma_wait3A_649 = arith.constant 0 : i32
      %dma_wait3A_650 = tpu.memref_slice %arg4[%add3A_645, %dma_wait3A_648, %dma_wait3A_649] : memref<16384x32x128xf32, #tpu.memory_space<hbm>> -> memref<1x26x64xf32, #tpu.memory_space<hbm>>
      %dma_wait3A_651 = tpu.memref_squeeze %dma_wait3A_650 : memref<1x26x64xf32, #tpu.memory_space<hbm>> -> memref<26x64xf32, #tpu.memory_space<hbm>>
      %dma_wait3A_652 = arith.constant 0 : i32
      %dma_wait3A_653 = arith.constant 0 : i32
      %dma_wait3A_654 = tpu.memref_slice %arg4[%add3A_645, %dma_wait3A_652, %dma_wait3A_653] : memref<16384x32x128xf32, #tpu.memory_space<hbm>> -> memref<1x26x64xf32, #tpu.memory_space<hbm>>
      %dma_wait3A_655 = tpu.memref_squeeze %dma_wait3A_654 : memref<1x26x64xf32, #tpu.memory_space<hbm>> -> memref<26x64xf32, #tpu.memory_space<hbm>>
      %dma_wait3A_656 = arith.constant 0 : i32
      %dma_wait3A_657 = tpu.memref_slice %arg7[%add3A_644, %dma_wait3A_656] : memref<1664x64xf32, #tpu.memory_space<vmem>> -> memref<26x64xf32, #tpu.memory_space<vmem>>
      tpu.wait_dma2 semaphore(%arg10 : memref<!tpu.dma_semaphore, #tpu.memory_space<semaphore_mem>>) src(%dma_wait3A_657 : memref<26x64xf32, #tpu.memory_space<vmem>>) dst(%dma_wait3A_655 : memref<26x64xf32, #tpu.memory_space<hbm>>)
    }
    %scan3A_297 = arith.constant 32 : i32
    %add3A_298 = arith.constant 256 : i32
    %add3A_299 = arith.addi %mul3A_2, %add3A_298 : i32
    "tpu.region"() ({
      %run_scoped3A = tpu.sem_alloc : memref<!tpu.dma_semaphore, #tpu.memory_space<semaphore_mem>>
      %dma_start3A_640 = arith.constant 0 : i32
      %dma_start3A_641 = tpu.memref_slice %arg2[%add3A_299, %dma_start3A_640] : memref<16384x32xf32, #tpu.memory_space<hbm>> -> memref<32x32xf32, #tpu.memory_space<hbm>>
      %dma_start3A_642 = arith.constant 0 : i32
      %dma_start3A_643 = tpu.memref_slice %arg2[%add3A_299, %dma_start3A_642] : memref<16384x32xf32, #tpu.memory_space<hbm>> -> memref<32x32xf32, #tpu.memory_space<hbm>>
      tpu.enqueue_dma source(%dma_start3A_643 : memref<32x32xf32, #tpu.memory_space<hbm>>) target(%arg5 : memref<32x32xf32, #tpu.memory_space<vmem>>) target_semaphore(%run_scoped3A : memref<!tpu.dma_semaphore, #tpu.memory_space<semaphore_mem>>)
      %dma_wait3A_644 = arith.constant 0 : i32
      %dma_wait3A_645 = tpu.memref_slice %arg2[%add3A_299, %dma_wait3A_644] : memref<16384x32xf32, #tpu.memory_space<hbm>> -> memref<32x32xf32, #tpu.memory_space<hbm>>
      %dma_wait3A_646 = arith.constant 0 : i32
      %dma_wait3A_647 = tpu.memref_slice %arg2[%add3A_299, %dma_wait3A_646] : memref<16384x32xf32, #tpu.memory_space<hbm>> -> memref<32x32xf32, #tpu.memory_space<hbm>>
      tpu.wait_dma2 semaphore(%run_scoped3A : memref<!tpu.dma_semaphore, #tpu.memory_space<semaphore_mem>>) src(%dma_wait3A_647 : memref<32x32xf32, #tpu.memory_space<hbm>>) dst(%arg5 : memref<32x32xf32, #tpu.memory_space<vmem>>)
      tpu.yield
    }) : () -> ()
    %scan3A_300 = arith.constant 0 : i32
    %scan3A_301 = arith.constant 0 : i32
    %scan3A_302 = arith.constant 32 : i32
    %scan3A_303 = arith.addi %scan3A_301, %scan3A_302 : i32
    %scan3A_304 = arith.constant 1 : i32
    scf.for %scan3A_640 = %scan3A_301 to %scan3A_303 step %scan3A_304  : i32 {
      %get3A = arith.index_cast %scan3A_640 : i32 to index
      %get3A_641 = arith.constant 0 : index
      %get3A_642 = tpu.vector_load %arg5[%get3A, %get3A_641] {strides = array<i32>} : memref<32x32xf32, #tpu.memory_space<vmem>>, vector<16xf32>,
      %bitcast3A = vector.bitcast %get3A_642 : vector<16xf32> to vector<16xi32>
      %mul3A_643 = arith.constant 26 : i32
      %mul3A_644 = arith.muli %scan3A_640, %mul3A_643 : i32
      %swap3A = arith.constant 0 : i32
      %swap3A_645 = arith.index_cast %swap3A : i32 to index
      %swap3A_646 = arith.index_cast %mul3A_644 : i32 to index
      %swap3A_647 = tpu.vector_load %arg6[%swap3A_645, %swap3A_646] {strides = array<i32>} : memref<2x832xi32, #tpu.memory_space<vmem>>, vector<16xi32>,
      tpu.vector_store %arg6[%swap3A_645, %swap3A_646], %bitcast3A {strides = array<i32>} : memref<2x832xi32, #tpu.memory_space<vmem>>, vector<16xi32>,
      %get3A_648 = arith.index_cast %scan3A_640 : i32 to index
      %get3A_649 = arith.constant 10 : index
      %get3A_650 = tpu.vector_load %arg5[%get3A_648, %get3A_649] {strides = array<i32>} : memref<32x32xf32, #tpu.memory_space<vmem>>, vector<16xf32>,
      %bitcast3A_651 = vector.bitcast %get3A_650 : vector<16xf32> to vector<16xi32>
      %mul3A_652 = arith.constant 26 : i32
      %mul3A_653 = arith.muli %scan3A_640, %mul3A_652 : i32
      %add3A_654 = arith.constant 26 : i32
      %add3A_655 = arith.addi %mul3A_653, %add3A_654 : i32
      %sub3A = arith.constant 16 : i32
      %sub3A_656 = arith.subi %add3A_655, %sub3A : i32
      %swap3A_657 = arith.constant 0 : i32
      %swap3A_658 = arith.index_cast %swap3A_657 : i32 to index
      %swap3A_659 = arith.index_cast %sub3A_656 : i32 to index
      %swap3A_660 = tpu.vector_load %arg6[%swap3A_658, %swap3A_659] {strides = array<i32>} : memref<2x832xi32, #tpu.memory_space<vmem>>, vector<16xi32>,
      tpu.vector_store %arg6[%swap3A_658, %swap3A_659], %bitcast3A_651 {strides = array<i32>} : memref<2x832xi32, #tpu.memory_space<vmem>>, vector<16xi32>,
    }
    %scan3A_305 = arith.constant 32 : i32
    %dma_start3A_306 = arith.constant 0 : i32
    %dma_start3A_307 = arith.constant 0 : i32
    %dma_start3A_308 = arith.constant 0 : i32
    %dma_start3A_309 = tpu.memref_slice %arg7[%dma_start3A_307, %dma_start3A_308] : memref<1664x64xf32, #tpu.memory_space<vmem>> -> memref<832x64xf32, #tpu.memory_space<vmem>>
    %dma_start3A_310 = arith.constant 0 : i32
    %dma_start3A_311 = tpu.memref_slice %arg6[%dma_start3A_306, %dma_start3A_310] : memref<2x832xi32, #tpu.memory_space<vmem>> -> memref<1x832xi32, #tpu.memory_space<vmem>>
    %dma_start3A_312 = tpu.memref_squeeze %dma_start3A_311 : memref<1x832xi32, #tpu.memory_space<vmem>> -> memref<832xi32, #tpu.memory_space<vmem>>
    %dma_start3A_313 = arith.constant 0 : i32
    %dma_start3A_314 = arith.constant 0 : i32
    %dma_start3A_315 = tpu.memref_slice %arg3[%dma_start3A_313, %dma_start3A_314] : memref<1000000x64xf32, #tpu.memory_space<hbm>> -> memref<1000000x64xf32, #tpu.memory_space<hbm>>
    tpu.enqueue_indirect_dma source(%dma_start3A_315 : memref<1000000x64xf32, #tpu.memory_space<hbm>>) target(%dma_start3A_309 : memref<832x64xf32, #tpu.memory_space<vmem>>) offsets(%dma_start3A_312 : memref<832xi32, #tpu.memory_space<vmem>>) semaphore(%arg8 : memref<!tpu.dma_semaphore, #tpu.memory_space<semaphore_mem>>)
    %dma_wait3A_316 = arith.constant 1 : i32
    %dma_wait3A_317 = arith.constant 832 : i32
    %dma_wait3A_318 = arith.constant 0 : i32
    %dma_wait3A_319 = tpu.memref_slice %arg7[%dma_wait3A_317, %dma_wait3A_318] : memref<1664x64xf32, #tpu.memory_space<vmem>> -> memref<832x64xf32, #tpu.memory_space<vmem>>
    %dma_wait3A_320 = arith.constant 0 : i32
    %dma_wait3A_321 = tpu.memref_slice %arg6[%dma_wait3A_316, %dma_wait3A_320] : memref<2x832xi32, #tpu.memory_space<vmem>> -> memref<1x832xi32, #tpu.memory_space<vmem>>
    %dma_wait3A_322 = tpu.memref_squeeze %dma_wait3A_321 : memref<1x832xi32, #tpu.memory_space<vmem>> -> memref<832xi32, #tpu.memory_space<vmem>>
    %dma_wait3A_323 = arith.constant 0 : i32
    %dma_wait3A_324 = arith.constant 0 : i32
    %dma_wait3A_325 = tpu.memref_slice %arg3[%dma_wait3A_323, %dma_wait3A_324] : memref<1000000x64xf32, #tpu.memory_space<hbm>> -> memref<1000000x64xf32, #tpu.memory_space<hbm>>
    tpu.wait_indirect_dma semaphore(%arg9 : memref<!tpu.dma_semaphore, #tpu.memory_space<semaphore_mem>>) src(%dma_wait3A_325 : memref<1000000x64xf32, #tpu.memory_space<hbm>>) dst(%dma_wait3A_319 : memref<832x64xf32, #tpu.memory_space<vmem>>)
    %add3A_326 = arith.constant 224 : i32
    %add3A_327 = arith.addi %mul3A_2, %add3A_326 : i32
    %scan3A_328 = arith.constant 0 : i32
    %scan3A_329 = arith.constant 32 : i32
    %scan3A_330 = arith.addi %scan3A_328, %scan3A_329 : i32
    %scan3A_331 = arith.constant 1 : i32
    scf.for %scan3A_640 = %scan3A_328 to %scan3A_330 step %scan3A_331  : i32 {
      %mul3A_641 = arith.constant 26 : i32
      %mul3A_642 = arith.muli %scan3A_640, %mul3A_641 : i32
      %add3A_643 = arith.constant 832 : i32
      %add3A_644 = arith.addi %add3A_643, %mul3A_642 : i32
      %add3A_645 = arith.addi %add3A_327, %scan3A_640 : i32
      %dma_start3A_646 = arith.constant 0 : i32
      %dma_start3A_647 = tpu.memref_slice %arg7[%add3A_644, %dma_start3A_646] : memref<1664x64xf32, #tpu.memory_space<vmem>> -> memref<26x64xf32, #tpu.memory_space<vmem>>
      %dma_start3A_648 = arith.constant 0 : i32
      %dma_start3A_649 = arith.constant 0 : i32
      %dma_start3A_650 = tpu.memref_slice %arg4[%add3A_645, %dma_start3A_648, %dma_start3A_649] : memref<16384x32x128xf32, #tpu.memory_space<hbm>> -> memref<1x26x64xf32, #tpu.memory_space<hbm>>
      %dma_start3A_651 = tpu.memref_squeeze %dma_start3A_650 : memref<1x26x64xf32, #tpu.memory_space<hbm>> -> memref<26x64xf32, #tpu.memory_space<hbm>>
      %dma_start3A_652 = arith.constant 0 : i32
      %dma_start3A_653 = arith.constant 0 : i32
      %dma_start3A_654 = tpu.memref_slice %arg4[%add3A_645, %dma_start3A_652, %dma_start3A_653] : memref<16384x32x128xf32, #tpu.memory_space<hbm>> -> memref<1x26x64xf32, #tpu.memory_space<hbm>>
      %dma_start3A_655 = tpu.memref_squeeze %dma_start3A_654 : memref<1x26x64xf32, #tpu.memory_space<hbm>> -> memref<26x64xf32, #tpu.memory_space<hbm>>
      %dma_start3A_656 = arith.constant 0 : i32
      %dma_start3A_657 = tpu.memref_slice %arg7[%add3A_644, %dma_start3A_656] : memref<1664x64xf32, #tpu.memory_space<vmem>> -> memref<26x64xf32, #tpu.memory_space<vmem>>
      tpu.enqueue_dma source(%dma_start3A_657 : memref<26x64xf32, #tpu.memory_space<vmem>>) target(%dma_start3A_655 : memref<26x64xf32, #tpu.memory_space<hbm>>) target_semaphore(%arg11 : memref<!tpu.dma_semaphore, #tpu.memory_space<semaphore_mem>>)
    }
    %scan3A_332 = arith.constant 32 : i32
    %scan3A_333 = arith.constant 0 : i32
    %scan3A_334 = arith.constant 32 : i32
    %scan3A_335 = arith.addi %scan3A_333, %scan3A_334 : i32
    %scan3A_336 = arith.constant 1 : i32
    scf.for %scan3A_640 = %scan3A_333 to %scan3A_335 step %scan3A_336  : i32 {
      %mul3A_641 = arith.constant 26 : i32
      %mul3A_642 = arith.muli %scan3A_640, %mul3A_641 : i32
      %add3A_643 = arith.constant 832 : i32
      %add3A_644 = arith.addi %add3A_643, %mul3A_642 : i32
      %add3A_645 = arith.addi %add3A_327, %scan3A_640 : i32
      %dma_wait3A_646 = arith.constant 0 : i32
      %dma_wait3A_647 = tpu.memref_slice %arg7[%add3A_644, %dma_wait3A_646] : memref<1664x64xf32, #tpu.memory_space<vmem>> -> memref<26x64xf32, #tpu.memory_space<vmem>>
      %dma_wait3A_648 = arith.constant 0 : i32
      %dma_wait3A_649 = arith.constant 0 : i32
      %dma_wait3A_650 = tpu.memref_slice %arg4[%add3A_645, %dma_wait3A_648, %dma_wait3A_649] : memref<16384x32x128xf32, #tpu.memory_space<hbm>> -> memref<1x26x64xf32, #tpu.memory_space<hbm>>
      %dma_wait3A_651 = tpu.memref_squeeze %dma_wait3A_650 : memref<1x26x64xf32, #tpu.memory_space<hbm>> -> memref<26x64xf32, #tpu.memory_space<hbm>>
      %dma_wait3A_652 = arith.constant 0 : i32
      %dma_wait3A_653 = arith.constant 0 : i32
      %dma_wait3A_654 = tpu.memref_slice %arg4[%add3A_645, %dma_wait3A_652, %dma_wait3A_653] : memref<16384x32x128xf32, #tpu.memory_space<hbm>> -> memref<1x26x64xf32, #tpu.memory_space<hbm>>
      %dma_wait3A_655 = tpu.memref_squeeze %dma_wait3A_654 : memref<1x26x64xf32, #tpu.memory_space<hbm>> -> memref<26x64xf32, #tpu.memory_space<hbm>>
      %dma_wait3A_656 = arith.constant 0 : i32
      %dma_wait3A_657 = tpu.memref_slice %arg7[%add3A_644, %dma_wait3A_656] : memref<1664x64xf32, #tpu.memory_space<vmem>> -> memref<26x64xf32, #tpu.memory_space<vmem>>
      tpu.wait_dma2 semaphore(%arg11 : memref<!tpu.dma_semaphore, #tpu.memory_space<semaphore_mem>>) src(%dma_wait3A_657 : memref<26x64xf32, #tpu.memory_space<vmem>>) dst(%dma_wait3A_655 : memref<26x64xf32, #tpu.memory_space<hbm>>)
    }
    %scan3A_337 = arith.constant 32 : i32
    %add3A_338 = arith.constant 288 : i32
    %add3A_339 = arith.addi %mul3A_2, %add3A_338 : i32
    "tpu.region"() ({
      %run_scoped3A = tpu.sem_alloc : memref<!tpu.dma_semaphore, #tpu.memory_space<semaphore_mem>>
      %dma_start3A_640 = arith.constant 0 : i32
      %dma_start3A_641 = tpu.memref_slice %arg2[%add3A_339, %dma_start3A_640] : memref<16384x32xf32, #tpu.memory_space<hbm>> -> memref<32x32xf32, #tpu.memory_space<hbm>>
      %dma_start3A_642 = arith.constant 0 : i32
      %dma_start3A_643 = tpu.memref_slice %arg2[%add3A_339, %dma_start3A_642] : memref<16384x32xf32, #tpu.memory_space<hbm>> -> memref<32x32xf32, #tpu.memory_space<hbm>>
      tpu.enqueue_dma source(%dma_start3A_643 : memref<32x32xf32, #tpu.memory_space<hbm>>) target(%arg5 : memref<32x32xf32, #tpu.memory_space<vmem>>) target_semaphore(%run_scoped3A : memref<!tpu.dma_semaphore, #tpu.memory_space<semaphore_mem>>)
      %dma_wait3A_644 = arith.constant 0 : i32
      %dma_wait3A_645 = tpu.memref_slice %arg2[%add3A_339, %dma_wait3A_644] : memref<16384x32xf32, #tpu.memory_space<hbm>> -> memref<32x32xf32, #tpu.memory_space<hbm>>
      %dma_wait3A_646 = arith.constant 0 : i32
      %dma_wait3A_647 = tpu.memref_slice %arg2[%add3A_339, %dma_wait3A_646] : memref<16384x32xf32, #tpu.memory_space<hbm>> -> memref<32x32xf32, #tpu.memory_space<hbm>>
      tpu.wait_dma2 semaphore(%run_scoped3A : memref<!tpu.dma_semaphore, #tpu.memory_space<semaphore_mem>>) src(%dma_wait3A_647 : memref<32x32xf32, #tpu.memory_space<hbm>>) dst(%arg5 : memref<32x32xf32, #tpu.memory_space<vmem>>)
      tpu.yield
    }) : () -> ()
    %scan3A_340 = arith.constant 0 : i32
    %scan3A_341 = arith.constant 0 : i32
    %scan3A_342 = arith.constant 32 : i32
    %scan3A_343 = arith.addi %scan3A_341, %scan3A_342 : i32
    %scan3A_344 = arith.constant 1 : i32
    scf.for %scan3A_640 = %scan3A_341 to %scan3A_343 step %scan3A_344  : i32 {
      %get3A = arith.index_cast %scan3A_640 : i32 to index
      %get3A_641 = arith.constant 0 : index
      %get3A_642 = tpu.vector_load %arg5[%get3A, %get3A_641] {strides = array<i32>} : memref<32x32xf32, #tpu.memory_space<vmem>>, vector<16xf32>,
      %bitcast3A = vector.bitcast %get3A_642 : vector<16xf32> to vector<16xi32>
      %mul3A_643 = arith.constant 26 : i32
      %mul3A_644 = arith.muli %scan3A_640, %mul3A_643 : i32
      %swap3A = arith.constant 1 : i32
      %swap3A_645 = arith.index_cast %swap3A : i32 to index
      %swap3A_646 = arith.index_cast %mul3A_644 : i32 to index
      %swap3A_647 = tpu.vector_load %arg6[%swap3A_645, %swap3A_646] {strides = array<i32>} : memref<2x832xi32, #tpu.memory_space<vmem>>, vector<16xi32>,
      tpu.vector_store %arg6[%swap3A_645, %swap3A_646], %bitcast3A {strides = array<i32>} : memref<2x832xi32, #tpu.memory_space<vmem>>, vector<16xi32>,
      %get3A_648 = arith.index_cast %scan3A_640 : i32 to index
      %get3A_649 = arith.constant 10 : index
      %get3A_650 = tpu.vector_load %arg5[%get3A_648, %get3A_649] {strides = array<i32>} : memref<32x32xf32, #tpu.memory_space<vmem>>, vector<16xf32>,
      %bitcast3A_651 = vector.bitcast %get3A_650 : vector<16xf32> to vector<16xi32>
      %mul3A_652 = arith.constant 26 : i32
      %mul3A_653 = arith.muli %scan3A_640, %mul3A_652 : i32
      %add3A_654 = arith.constant 26 : i32
      %add3A_655 = arith.addi %mul3A_653, %add3A_654 : i32
      %sub3A = arith.constant 16 : i32
      %sub3A_656 = arith.subi %add3A_655, %sub3A : i32
      %swap3A_657 = arith.constant 1 : i32
      %swap3A_658 = arith.index_cast %swap3A_657 : i32 to index
      %swap3A_659 = arith.index_cast %sub3A_656 : i32 to index
      %swap3A_660 = tpu.vector_load %arg6[%swap3A_658, %swap3A_659] {strides = array<i32>} : memref<2x832xi32, #tpu.memory_space<vmem>>, vector<16xi32>,
      tpu.vector_store %arg6[%swap3A_658, %swap3A_659], %bitcast3A_651 {strides = array<i32>} : memref<2x832xi32, #tpu.memory_space<vmem>>, vector<16xi32>,
    }
    %scan3A_345 = arith.constant 32 : i32
    %dma_start3A_346 = arith.constant 1 : i32
    %dma_start3A_347 = arith.constant 832 : i32
    %dma_start3A_348 = arith.constant 0 : i32
    %dma_start3A_349 = tpu.memref_slice %arg7[%dma_start3A_347, %dma_start3A_348] : memref<1664x64xf32, #tpu.memory_space<vmem>> -> memref<832x64xf32, #tpu.memory_space<vmem>>
    %dma_start3A_350 = arith.constant 0 : i32
    %dma_start3A_351 = tpu.memref_slice %arg6[%dma_start3A_346, %dma_start3A_350] : memref<2x832xi32, #tpu.memory_space<vmem>> -> memref<1x832xi32, #tpu.memory_space<vmem>>
    %dma_start3A_352 = tpu.memref_squeeze %dma_start3A_351 : memref<1x832xi32, #tpu.memory_space<vmem>> -> memref<832xi32, #tpu.memory_space<vmem>>
    %dma_start3A_353 = arith.constant 0 : i32
    %dma_start3A_354 = arith.constant 0 : i32
    %dma_start3A_355 = tpu.memref_slice %arg3[%dma_start3A_353, %dma_start3A_354] : memref<1000000x64xf32, #tpu.memory_space<hbm>> -> memref<1000000x64xf32, #tpu.memory_space<hbm>>
    tpu.enqueue_indirect_dma source(%dma_start3A_355 : memref<1000000x64xf32, #tpu.memory_space<hbm>>) target(%dma_start3A_349 : memref<832x64xf32, #tpu.memory_space<vmem>>) offsets(%dma_start3A_352 : memref<832xi32, #tpu.memory_space<vmem>>) semaphore(%arg9 : memref<!tpu.dma_semaphore, #tpu.memory_space<semaphore_mem>>)
    %dma_wait3A_356 = arith.constant 0 : i32
    %dma_wait3A_357 = arith.constant 0 : i32
    %dma_wait3A_358 = arith.constant 0 : i32
    %dma_wait3A_359 = tpu.memref_slice %arg7[%dma_wait3A_357, %dma_wait3A_358] : memref<1664x64xf32, #tpu.memory_space<vmem>> -> memref<832x64xf32, #tpu.memory_space<vmem>>
    %dma_wait3A_360 = arith.constant 0 : i32
    %dma_wait3A_361 = tpu.memref_slice %arg6[%dma_wait3A_356, %dma_wait3A_360] : memref<2x832xi32, #tpu.memory_space<vmem>> -> memref<1x832xi32, #tpu.memory_space<vmem>>
    %dma_wait3A_362 = tpu.memref_squeeze %dma_wait3A_361 : memref<1x832xi32, #tpu.memory_space<vmem>> -> memref<832xi32, #tpu.memory_space<vmem>>
    %dma_wait3A_363 = arith.constant 0 : i32
    %dma_wait3A_364 = arith.constant 0 : i32
    %dma_wait3A_365 = tpu.memref_slice %arg3[%dma_wait3A_363, %dma_wait3A_364] : memref<1000000x64xf32, #tpu.memory_space<hbm>> -> memref<1000000x64xf32, #tpu.memory_space<hbm>>
    tpu.wait_indirect_dma semaphore(%arg8 : memref<!tpu.dma_semaphore, #tpu.memory_space<semaphore_mem>>) src(%dma_wait3A_365 : memref<1000000x64xf32, #tpu.memory_space<hbm>>) dst(%dma_wait3A_359 : memref<832x64xf32, #tpu.memory_space<vmem>>)
    %add3A_366 = arith.constant 256 : i32
    %add3A_367 = arith.addi %mul3A_2, %add3A_366 : i32
    %scan3A_368 = arith.constant 0 : i32
    %scan3A_369 = arith.constant 32 : i32
    %scan3A_370 = arith.addi %scan3A_368, %scan3A_369 : i32
    %scan3A_371 = arith.constant 1 : i32
    scf.for %scan3A_640 = %scan3A_368 to %scan3A_370 step %scan3A_371  : i32 {
      %mul3A_641 = arith.constant 26 : i32
      %mul3A_642 = arith.muli %scan3A_640, %mul3A_641 : i32
      %add3A_643 = arith.constant 0 : i32
      %add3A_644 = arith.addi %add3A_643, %mul3A_642 : i32
      %add3A_645 = arith.addi %add3A_367, %scan3A_640 : i32
      %dma_start3A_646 = arith.constant 0 : i32
      %dma_start3A_647 = tpu.memref_slice %arg7[%add3A_644, %dma_start3A_646] : memref<1664x64xf32, #tpu.memory_space<vmem>> -> memref<26x64xf32, #tpu.memory_space<vmem>>
      %dma_start3A_648 = arith.constant 0 : i32
      %dma_start3A_649 = arith.constant 0 : i32
      %dma_start3A_650 = tpu.memref_slice %arg4[%add3A_645, %dma_start3A_648, %dma_start3A_649] : memref<16384x32x128xf32, #tpu.memory_space<hbm>> -> memref<1x26x64xf32, #tpu.memory_space<hbm>>
      %dma_start3A_651 = tpu.memref_squeeze %dma_start3A_650 : memref<1x26x64xf32, #tpu.memory_space<hbm>> -> memref<26x64xf32, #tpu.memory_space<hbm>>
      %dma_start3A_652 = arith.constant 0 : i32
      %dma_start3A_653 = arith.constant 0 : i32
      %dma_start3A_654 = tpu.memref_slice %arg4[%add3A_645, %dma_start3A_652, %dma_start3A_653] : memref<16384x32x128xf32, #tpu.memory_space<hbm>> -> memref<1x26x64xf32, #tpu.memory_space<hbm>>
      %dma_start3A_655 = tpu.memref_squeeze %dma_start3A_654 : memref<1x26x64xf32, #tpu.memory_space<hbm>> -> memref<26x64xf32, #tpu.memory_space<hbm>>
      %dma_start3A_656 = arith.constant 0 : i32
      %dma_start3A_657 = tpu.memref_slice %arg7[%add3A_644, %dma_start3A_656] : memref<1664x64xf32, #tpu.memory_space<vmem>> -> memref<26x64xf32, #tpu.memory_space<vmem>>
      tpu.enqueue_dma source(%dma_start3A_657 : memref<26x64xf32, #tpu.memory_space<vmem>>) target(%dma_start3A_655 : memref<26x64xf32, #tpu.memory_space<hbm>>) target_semaphore(%arg10 : memref<!tpu.dma_semaphore, #tpu.memory_space<semaphore_mem>>)
    }
    %scan3A_372 = arith.constant 32 : i32
    %scan3A_373 = arith.constant 0 : i32
    %scan3A_374 = arith.constant 32 : i32
    %scan3A_375 = arith.addi %scan3A_373, %scan3A_374 : i32
    %scan3A_376 = arith.constant 1 : i32
    scf.for %scan3A_640 = %scan3A_373 to %scan3A_375 step %scan3A_376  : i32 {
      %mul3A_641 = arith.constant 26 : i32
      %mul3A_642 = arith.muli %scan3A_640, %mul3A_641 : i32
      %add3A_643 = arith.constant 0 : i32
      %add3A_644 = arith.addi %add3A_643, %mul3A_642 : i32
      %add3A_645 = arith.addi %add3A_367, %scan3A_640 : i32
      %dma_wait3A_646 = arith.constant 0 : i32
      %dma_wait3A_647 = tpu.memref_slice %arg7[%add3A_644, %dma_wait3A_646] : memref<1664x64xf32, #tpu.memory_space<vmem>> -> memref<26x64xf32, #tpu.memory_space<vmem>>
      %dma_wait3A_648 = arith.constant 0 : i32
      %dma_wait3A_649 = arith.constant 0 : i32
      %dma_wait3A_650 = tpu.memref_slice %arg4[%add3A_645, %dma_wait3A_648, %dma_wait3A_649] : memref<16384x32x128xf32, #tpu.memory_space<hbm>> -> memref<1x26x64xf32, #tpu.memory_space<hbm>>
      %dma_wait3A_651 = tpu.memref_squeeze %dma_wait3A_650 : memref<1x26x64xf32, #tpu.memory_space<hbm>> -> memref<26x64xf32, #tpu.memory_space<hbm>>
      %dma_wait3A_652 = arith.constant 0 : i32
      %dma_wait3A_653 = arith.constant 0 : i32
      %dma_wait3A_654 = tpu.memref_slice %arg4[%add3A_645, %dma_wait3A_652, %dma_wait3A_653] : memref<16384x32x128xf32, #tpu.memory_space<hbm>> -> memref<1x26x64xf32, #tpu.memory_space<hbm>>
      %dma_wait3A_655 = tpu.memref_squeeze %dma_wait3A_654 : memref<1x26x64xf32, #tpu.memory_space<hbm>> -> memref<26x64xf32, #tpu.memory_space<hbm>>
      %dma_wait3A_656 = arith.constant 0 : i32
      %dma_wait3A_657 = tpu.memref_slice %arg7[%add3A_644, %dma_wait3A_656] : memref<1664x64xf32, #tpu.memory_space<vmem>> -> memref<26x64xf32, #tpu.memory_space<vmem>>
      tpu.wait_dma2 semaphore(%arg10 : memref<!tpu.dma_semaphore, #tpu.memory_space<semaphore_mem>>) src(%dma_wait3A_657 : memref<26x64xf32, #tpu.memory_space<vmem>>) dst(%dma_wait3A_655 : memref<26x64xf32, #tpu.memory_space<hbm>>)
    }
    %scan3A_377 = arith.constant 32 : i32
    %add3A_378 = arith.constant 320 : i32
    %add3A_379 = arith.addi %mul3A_2, %add3A_378 : i32
    "tpu.region"() ({
      %run_scoped3A = tpu.sem_alloc : memref<!tpu.dma_semaphore, #tpu.memory_space<semaphore_mem>>
      %dma_start3A_640 = arith.constant 0 : i32
      %dma_start3A_641 = tpu.memref_slice %arg2[%add3A_379, %dma_start3A_640] : memref<16384x32xf32, #tpu.memory_space<hbm>> -> memref<32x32xf32, #tpu.memory_space<hbm>>
      %dma_start3A_642 = arith.constant 0 : i32
      %dma_start3A_643 = tpu.memref_slice %arg2[%add3A_379, %dma_start3A_642] : memref<16384x32xf32, #tpu.memory_space<hbm>> -> memref<32x32xf32, #tpu.memory_space<hbm>>
      tpu.enqueue_dma source(%dma_start3A_643 : memref<32x32xf32, #tpu.memory_space<hbm>>) target(%arg5 : memref<32x32xf32, #tpu.memory_space<vmem>>) target_semaphore(%run_scoped3A : memref<!tpu.dma_semaphore, #tpu.memory_space<semaphore_mem>>)
      %dma_wait3A_644 = arith.constant 0 : i32
      %dma_wait3A_645 = tpu.memref_slice %arg2[%add3A_379, %dma_wait3A_644] : memref<16384x32xf32, #tpu.memory_space<hbm>> -> memref<32x32xf32, #tpu.memory_space<hbm>>
      %dma_wait3A_646 = arith.constant 0 : i32
      %dma_wait3A_647 = tpu.memref_slice %arg2[%add3A_379, %dma_wait3A_646] : memref<16384x32xf32, #tpu.memory_space<hbm>> -> memref<32x32xf32, #tpu.memory_space<hbm>>
      tpu.wait_dma2 semaphore(%run_scoped3A : memref<!tpu.dma_semaphore, #tpu.memory_space<semaphore_mem>>) src(%dma_wait3A_647 : memref<32x32xf32, #tpu.memory_space<hbm>>) dst(%arg5 : memref<32x32xf32, #tpu.memory_space<vmem>>)
      tpu.yield
    }) : () -> ()
    %scan3A_380 = arith.constant 0 : i32
    %scan3A_381 = arith.constant 0 : i32
    %scan3A_382 = arith.constant 32 : i32
    %scan3A_383 = arith.addi %scan3A_381, %scan3A_382 : i32
    %scan3A_384 = arith.constant 1 : i32
    scf.for %scan3A_640 = %scan3A_381 to %scan3A_383 step %scan3A_384  : i32 {
      %get3A = arith.index_cast %scan3A_640 : i32 to index
      %get3A_641 = arith.constant 0 : index
      %get3A_642 = tpu.vector_load %arg5[%get3A, %get3A_641] {strides = array<i32>} : memref<32x32xf32, #tpu.memory_space<vmem>>, vector<16xf32>,
      %bitcast3A = vector.bitcast %get3A_642 : vector<16xf32> to vector<16xi32>
      %mul3A_643 = arith.constant 26 : i32
      %mul3A_644 = arith.muli %scan3A_640, %mul3A_643 : i32
      %swap3A = arith.constant 0 : i32
      %swap3A_645 = arith.index_cast %swap3A : i32 to index
      %swap3A_646 = arith.index_cast %mul3A_644 : i32 to index
      %swap3A_647 = tpu.vector_load %arg6[%swap3A_645, %swap3A_646] {strides = array<i32>} : memref<2x832xi32, #tpu.memory_space<vmem>>, vector<16xi32>,
      tpu.vector_store %arg6[%swap3A_645, %swap3A_646], %bitcast3A {strides = array<i32>} : memref<2x832xi32, #tpu.memory_space<vmem>>, vector<16xi32>,
      %get3A_648 = arith.index_cast %scan3A_640 : i32 to index
      %get3A_649 = arith.constant 10 : index
      %get3A_650 = tpu.vector_load %arg5[%get3A_648, %get3A_649] {strides = array<i32>} : memref<32x32xf32, #tpu.memory_space<vmem>>, vector<16xf32>,
      %bitcast3A_651 = vector.bitcast %get3A_650 : vector<16xf32> to vector<16xi32>
      %mul3A_652 = arith.constant 26 : i32
      %mul3A_653 = arith.muli %scan3A_640, %mul3A_652 : i32
      %add3A_654 = arith.constant 26 : i32
      %add3A_655 = arith.addi %mul3A_653, %add3A_654 : i32
      %sub3A = arith.constant 16 : i32
      %sub3A_656 = arith.subi %add3A_655, %sub3A : i32
      %swap3A_657 = arith.constant 0 : i32
      %swap3A_658 = arith.index_cast %swap3A_657 : i32 to index
      %swap3A_659 = arith.index_cast %sub3A_656 : i32 to index
      %swap3A_660 = tpu.vector_load %arg6[%swap3A_658, %swap3A_659] {strides = array<i32>} : memref<2x832xi32, #tpu.memory_space<vmem>>, vector<16xi32>,
      tpu.vector_store %arg6[%swap3A_658, %swap3A_659], %bitcast3A_651 {strides = array<i32>} : memref<2x832xi32, #tpu.memory_space<vmem>>, vector<16xi32>,
    }
    %scan3A_385 = arith.constant 32 : i32
    %dma_start3A_386 = arith.constant 0 : i32
    %dma_start3A_387 = arith.constant 0 : i32
    %dma_start3A_388 = arith.constant 0 : i32
    %dma_start3A_389 = tpu.memref_slice %arg7[%dma_start3A_387, %dma_start3A_388] : memref<1664x64xf32, #tpu.memory_space<vmem>> -> memref<832x64xf32, #tpu.memory_space<vmem>>
    %dma_start3A_390 = arith.constant 0 : i32
    %dma_start3A_391 = tpu.memref_slice %arg6[%dma_start3A_386, %dma_start3A_390] : memref<2x832xi32, #tpu.memory_space<vmem>> -> memref<1x832xi32, #tpu.memory_space<vmem>>
    %dma_start3A_392 = tpu.memref_squeeze %dma_start3A_391 : memref<1x832xi32, #tpu.memory_space<vmem>> -> memref<832xi32, #tpu.memory_space<vmem>>
    %dma_start3A_393 = arith.constant 0 : i32
    %dma_start3A_394 = arith.constant 0 : i32
    %dma_start3A_395 = tpu.memref_slice %arg3[%dma_start3A_393, %dma_start3A_394] : memref<1000000x64xf32, #tpu.memory_space<hbm>> -> memref<1000000x64xf32, #tpu.memory_space<hbm>>
    tpu.enqueue_indirect_dma source(%dma_start3A_395 : memref<1000000x64xf32, #tpu.memory_space<hbm>>) target(%dma_start3A_389 : memref<832x64xf32, #tpu.memory_space<vmem>>) offsets(%dma_start3A_392 : memref<832xi32, #tpu.memory_space<vmem>>) semaphore(%arg8 : memref<!tpu.dma_semaphore, #tpu.memory_space<semaphore_mem>>)
    %dma_wait3A_396 = arith.constant 1 : i32
    %dma_wait3A_397 = arith.constant 832 : i32
    %dma_wait3A_398 = arith.constant 0 : i32
    %dma_wait3A_399 = tpu.memref_slice %arg7[%dma_wait3A_397, %dma_wait3A_398] : memref<1664x64xf32, #tpu.memory_space<vmem>> -> memref<832x64xf32, #tpu.memory_space<vmem>>
    %dma_wait3A_400 = arith.constant 0 : i32
    %dma_wait3A_401 = tpu.memref_slice %arg6[%dma_wait3A_396, %dma_wait3A_400] : memref<2x832xi32, #tpu.memory_space<vmem>> -> memref<1x832xi32, #tpu.memory_space<vmem>>
    %dma_wait3A_402 = tpu.memref_squeeze %dma_wait3A_401 : memref<1x832xi32, #tpu.memory_space<vmem>> -> memref<832xi32, #tpu.memory_space<vmem>>
    %dma_wait3A_403 = arith.constant 0 : i32
    %dma_wait3A_404 = arith.constant 0 : i32
    %dma_wait3A_405 = tpu.memref_slice %arg3[%dma_wait3A_403, %dma_wait3A_404] : memref<1000000x64xf32, #tpu.memory_space<hbm>> -> memref<1000000x64xf32, #tpu.memory_space<hbm>>
    tpu.wait_indirect_dma semaphore(%arg9 : memref<!tpu.dma_semaphore, #tpu.memory_space<semaphore_mem>>) src(%dma_wait3A_405 : memref<1000000x64xf32, #tpu.memory_space<hbm>>) dst(%dma_wait3A_399 : memref<832x64xf32, #tpu.memory_space<vmem>>)
    %add3A_406 = arith.constant 288 : i32
    %add3A_407 = arith.addi %mul3A_2, %add3A_406 : i32
    %scan3A_408 = arith.constant 0 : i32
    %scan3A_409 = arith.constant 32 : i32
    %scan3A_410 = arith.addi %scan3A_408, %scan3A_409 : i32
    %scan3A_411 = arith.constant 1 : i32
    scf.for %scan3A_640 = %scan3A_408 to %scan3A_410 step %scan3A_411  : i32 {
      %mul3A_641 = arith.constant 26 : i32
      %mul3A_642 = arith.muli %scan3A_640, %mul3A_641 : i32
      %add3A_643 = arith.constant 832 : i32
      %add3A_644 = arith.addi %add3A_643, %mul3A_642 : i32
      %add3A_645 = arith.addi %add3A_407, %scan3A_640 : i32
      %dma_start3A_646 = arith.constant 0 : i32
      %dma_start3A_647 = tpu.memref_slice %arg7[%add3A_644, %dma_start3A_646] : memref<1664x64xf32, #tpu.memory_space<vmem>> -> memref<26x64xf32, #tpu.memory_space<vmem>>
      %dma_start3A_648 = arith.constant 0 : i32
      %dma_start3A_649 = arith.constant 0 : i32
      %dma_start3A_650 = tpu.memref_slice %arg4[%add3A_645, %dma_start3A_648, %dma_start3A_649] : memref<16384x32x128xf32, #tpu.memory_space<hbm>> -> memref<1x26x64xf32, #tpu.memory_space<hbm>>
      %dma_start3A_651 = tpu.memref_squeeze %dma_start3A_650 : memref<1x26x64xf32, #tpu.memory_space<hbm>> -> memref<26x64xf32, #tpu.memory_space<hbm>>
      %dma_start3A_652 = arith.constant 0 : i32
      %dma_start3A_653 = arith.constant 0 : i32
      %dma_start3A_654 = tpu.memref_slice %arg4[%add3A_645, %dma_start3A_652, %dma_start3A_653] : memref<16384x32x128xf32, #tpu.memory_space<hbm>> -> memref<1x26x64xf32, #tpu.memory_space<hbm>>
      %dma_start3A_655 = tpu.memref_squeeze %dma_start3A_654 : memref<1x26x64xf32, #tpu.memory_space<hbm>> -> memref<26x64xf32, #tpu.memory_space<hbm>>
      %dma_start3A_656 = arith.constant 0 : i32
      %dma_start3A_657 = tpu.memref_slice %arg7[%add3A_644, %dma_start3A_656] : memref<1664x64xf32, #tpu.memory_space<vmem>> -> memref<26x64xf32, #tpu.memory_space<vmem>>
      tpu.enqueue_dma source(%dma_start3A_657 : memref<26x64xf32, #tpu.memory_space<vmem>>) target(%dma_start3A_655 : memref<26x64xf32, #tpu.memory_space<hbm>>) target_semaphore(%arg11 : memref<!tpu.dma_semaphore, #tpu.memory_space<semaphore_mem>>)
    }
    %scan3A_412 = arith.constant 32 : i32
    %scan3A_413 = arith.constant 0 : i32
    %scan3A_414 = arith.constant 32 : i32
    %scan3A_415 = arith.addi %scan3A_413, %scan3A_414 : i32
    %scan3A_416 = arith.constant 1 : i32
    scf.for %scan3A_640 = %scan3A_413 to %scan3A_415 step %scan3A_416  : i32 {
      %mul3A_641 = arith.constant 26 : i32
      %mul3A_642 = arith.muli %scan3A_640, %mul3A_641 : i32
      %add3A_643 = arith.constant 832 : i32
      %add3A_644 = arith.addi %add3A_643, %mul3A_642 : i32
      %add3A_645 = arith.addi %add3A_407, %scan3A_640 : i32
      %dma_wait3A_646 = arith.constant 0 : i32
      %dma_wait3A_647 = tpu.memref_slice %arg7[%add3A_644, %dma_wait3A_646] : memref<1664x64xf32, #tpu.memory_space<vmem>> -> memref<26x64xf32, #tpu.memory_space<vmem>>
      %dma_wait3A_648 = arith.constant 0 : i32
      %dma_wait3A_649 = arith.constant 0 : i32
      %dma_wait3A_650 = tpu.memref_slice %arg4[%add3A_645, %dma_wait3A_648, %dma_wait3A_649] : memref<16384x32x128xf32, #tpu.memory_space<hbm>> -> memref<1x26x64xf32, #tpu.memory_space<hbm>>
      %dma_wait3A_651 = tpu.memref_squeeze %dma_wait3A_650 : memref<1x26x64xf32, #tpu.memory_space<hbm>> -> memref<26x64xf32, #tpu.memory_space<hbm>>
      %dma_wait3A_652 = arith.constant 0 : i32
      %dma_wait3A_653 = arith.constant 0 : i32
      %dma_wait3A_654 = tpu.memref_slice %arg4[%add3A_645, %dma_wait3A_652, %dma_wait3A_653] : memref<16384x32x128xf32, #tpu.memory_space<hbm>> -> memref<1x26x64xf32, #tpu.memory_space<hbm>>
      %dma_wait3A_655 = tpu.memref_squeeze %dma_wait3A_654 : memref<1x26x64xf32, #tpu.memory_space<hbm>> -> memref<26x64xf32, #tpu.memory_space<hbm>>
      %dma_wait3A_656 = arith.constant 0 : i32
      %dma_wait3A_657 = tpu.memref_slice %arg7[%add3A_644, %dma_wait3A_656] : memref<1664x64xf32, #tpu.memory_space<vmem>> -> memref<26x64xf32, #tpu.memory_space<vmem>>
      tpu.wait_dma2 semaphore(%arg11 : memref<!tpu.dma_semaphore, #tpu.memory_space<semaphore_mem>>) src(%dma_wait3A_657 : memref<26x64xf32, #tpu.memory_space<vmem>>) dst(%dma_wait3A_655 : memref<26x64xf32, #tpu.memory_space<hbm>>)
    }
    %scan3A_417 = arith.constant 32 : i32
    %add3A_418 = arith.constant 352 : i32
    %add3A_419 = arith.addi %mul3A_2, %add3A_418 : i32
    "tpu.region"() ({
      %run_scoped3A = tpu.sem_alloc : memref<!tpu.dma_semaphore, #tpu.memory_space<semaphore_mem>>
      %dma_start3A_640 = arith.constant 0 : i32
      %dma_start3A_641 = tpu.memref_slice %arg2[%add3A_419, %dma_start3A_640] : memref<16384x32xf32, #tpu.memory_space<hbm>> -> memref<32x32xf32, #tpu.memory_space<hbm>>
      %dma_start3A_642 = arith.constant 0 : i32
      %dma_start3A_643 = tpu.memref_slice %arg2[%add3A_419, %dma_start3A_642] : memref<16384x32xf32, #tpu.memory_space<hbm>> -> memref<32x32xf32, #tpu.memory_space<hbm>>
      tpu.enqueue_dma source(%dma_start3A_643 : memref<32x32xf32, #tpu.memory_space<hbm>>) target(%arg5 : memref<32x32xf32, #tpu.memory_space<vmem>>) target_semaphore(%run_scoped3A : memref<!tpu.dma_semaphore, #tpu.memory_space<semaphore_mem>>)
      %dma_wait3A_644 = arith.constant 0 : i32
      %dma_wait3A_645 = tpu.memref_slice %arg2[%add3A_419, %dma_wait3A_644] : memref<16384x32xf32, #tpu.memory_space<hbm>> -> memref<32x32xf32, #tpu.memory_space<hbm>>
      %dma_wait3A_646 = arith.constant 0 : i32
      %dma_wait3A_647 = tpu.memref_slice %arg2[%add3A_419, %dma_wait3A_646] : memref<16384x32xf32, #tpu.memory_space<hbm>> -> memref<32x32xf32, #tpu.memory_space<hbm>>
      tpu.wait_dma2 semaphore(%run_scoped3A : memref<!tpu.dma_semaphore, #tpu.memory_space<semaphore_mem>>) src(%dma_wait3A_647 : memref<32x32xf32, #tpu.memory_space<hbm>>) dst(%arg5 : memref<32x32xf32, #tpu.memory_space<vmem>>)
      tpu.yield
    }) : () -> ()
    %scan3A_420 = arith.constant 0 : i32
    %scan3A_421 = arith.constant 0 : i32
    %scan3A_422 = arith.constant 32 : i32
    %scan3A_423 = arith.addi %scan3A_421, %scan3A_422 : i32
    %scan3A_424 = arith.constant 1 : i32
    scf.for %scan3A_640 = %scan3A_421 to %scan3A_423 step %scan3A_424  : i32 {
      %get3A = arith.index_cast %scan3A_640 : i32 to index
      %get3A_641 = arith.constant 0 : index
      %get3A_642 = tpu.vector_load %arg5[%get3A, %get3A_641] {strides = array<i32>} : memref<32x32xf32, #tpu.memory_space<vmem>>, vector<16xf32>,
      %bitcast3A = vector.bitcast %get3A_642 : vector<16xf32> to vector<16xi32>
      %mul3A_643 = arith.constant 26 : i32
      %mul3A_644 = arith.muli %scan3A_640, %mul3A_643 : i32
      %swap3A = arith.constant 1 : i32
      %swap3A_645 = arith.index_cast %swap3A : i32 to index
      %swap3A_646 = arith.index_cast %mul3A_644 : i32 to index
      %swap3A_647 = tpu.vector_load %arg6[%swap3A_645, %swap3A_646] {strides = array<i32>} : memref<2x832xi32, #tpu.memory_space<vmem>>, vector<16xi32>,
      tpu.vector_store %arg6[%swap3A_645, %swap3A_646], %bitcast3A {strides = array<i32>} : memref<2x832xi32, #tpu.memory_space<vmem>>, vector<16xi32>,
      %get3A_648 = arith.index_cast %scan3A_640 : i32 to index
      %get3A_649 = arith.constant 10 : index
      %get3A_650 = tpu.vector_load %arg5[%get3A_648, %get3A_649] {strides = array<i32>} : memref<32x32xf32, #tpu.memory_space<vmem>>, vector<16xf32>,
      %bitcast3A_651 = vector.bitcast %get3A_650 : vector<16xf32> to vector<16xi32>
      %mul3A_652 = arith.constant 26 : i32
      %mul3A_653 = arith.muli %scan3A_640, %mul3A_652 : i32
      %add3A_654 = arith.constant 26 : i32
      %add3A_655 = arith.addi %mul3A_653, %add3A_654 : i32
      %sub3A = arith.constant 16 : i32
      %sub3A_656 = arith.subi %add3A_655, %sub3A : i32
      %swap3A_657 = arith.constant 1 : i32
      %swap3A_658 = arith.index_cast %swap3A_657 : i32 to index
      %swap3A_659 = arith.index_cast %sub3A_656 : i32 to index
      %swap3A_660 = tpu.vector_load %arg6[%swap3A_658, %swap3A_659] {strides = array<i32>} : memref<2x832xi32, #tpu.memory_space<vmem>>, vector<16xi32>,
      tpu.vector_store %arg6[%swap3A_658, %swap3A_659], %bitcast3A_651 {strides = array<i32>} : memref<2x832xi32, #tpu.memory_space<vmem>>, vector<16xi32>,
    }
    %scan3A_425 = arith.constant 32 : i32
    %dma_start3A_426 = arith.constant 1 : i32
    %dma_start3A_427 = arith.constant 832 : i32
    %dma_start3A_428 = arith.constant 0 : i32
    %dma_start3A_429 = tpu.memref_slice %arg7[%dma_start3A_427, %dma_start3A_428] : memref<1664x64xf32, #tpu.memory_space<vmem>> -> memref<832x64xf32, #tpu.memory_space<vmem>>
    %dma_start3A_430 = arith.constant 0 : i32
    %dma_start3A_431 = tpu.memref_slice %arg6[%dma_start3A_426, %dma_start3A_430] : memref<2x832xi32, #tpu.memory_space<vmem>> -> memref<1x832xi32, #tpu.memory_space<vmem>>
    %dma_start3A_432 = tpu.memref_squeeze %dma_start3A_431 : memref<1x832xi32, #tpu.memory_space<vmem>> -> memref<832xi32, #tpu.memory_space<vmem>>
    %dma_start3A_433 = arith.constant 0 : i32
    %dma_start3A_434 = arith.constant 0 : i32
    %dma_start3A_435 = tpu.memref_slice %arg3[%dma_start3A_433, %dma_start3A_434] : memref<1000000x64xf32, #tpu.memory_space<hbm>> -> memref<1000000x64xf32, #tpu.memory_space<hbm>>
    tpu.enqueue_indirect_dma source(%dma_start3A_435 : memref<1000000x64xf32, #tpu.memory_space<hbm>>) target(%dma_start3A_429 : memref<832x64xf32, #tpu.memory_space<vmem>>) offsets(%dma_start3A_432 : memref<832xi32, #tpu.memory_space<vmem>>) semaphore(%arg9 : memref<!tpu.dma_semaphore, #tpu.memory_space<semaphore_mem>>)
    %dma_wait3A_436 = arith.constant 0 : i32
    %dma_wait3A_437 = arith.constant 0 : i32
    %dma_wait3A_438 = arith.constant 0 : i32
    %dma_wait3A_439 = tpu.memref_slice %arg7[%dma_wait3A_437, %dma_wait3A_438] : memref<1664x64xf32, #tpu.memory_space<vmem>> -> memref<832x64xf32, #tpu.memory_space<vmem>>
    %dma_wait3A_440 = arith.constant 0 : i32
    %dma_wait3A_441 = tpu.memref_slice %arg6[%dma_wait3A_436, %dma_wait3A_440] : memref<2x832xi32, #tpu.memory_space<vmem>> -> memref<1x832xi32, #tpu.memory_space<vmem>>
    %dma_wait3A_442 = tpu.memref_squeeze %dma_wait3A_441 : memref<1x832xi32, #tpu.memory_space<vmem>> -> memref<832xi32, #tpu.memory_space<vmem>>
    %dma_wait3A_443 = arith.constant 0 : i32
    %dma_wait3A_444 = arith.constant 0 : i32
    %dma_wait3A_445 = tpu.memref_slice %arg3[%dma_wait3A_443, %dma_wait3A_444] : memref<1000000x64xf32, #tpu.memory_space<hbm>> -> memref<1000000x64xf32, #tpu.memory_space<hbm>>
    tpu.wait_indirect_dma semaphore(%arg8 : memref<!tpu.dma_semaphore, #tpu.memory_space<semaphore_mem>>) src(%dma_wait3A_445 : memref<1000000x64xf32, #tpu.memory_space<hbm>>) dst(%dma_wait3A_439 : memref<832x64xf32, #tpu.memory_space<vmem>>)
    %add3A_446 = arith.constant 320 : i32
    %add3A_447 = arith.addi %mul3A_2, %add3A_446 : i32
    %scan3A_448 = arith.constant 0 : i32
    %scan3A_449 = arith.constant 32 : i32
    %scan3A_450 = arith.addi %scan3A_448, %scan3A_449 : i32
    %scan3A_451 = arith.constant 1 : i32
    scf.for %scan3A_640 = %scan3A_448 to %scan3A_450 step %scan3A_451  : i32 {
      %mul3A_641 = arith.constant 26 : i32
      %mul3A_642 = arith.muli %scan3A_640, %mul3A_641 : i32
      %add3A_643 = arith.constant 0 : i32
      %add3A_644 = arith.addi %add3A_643, %mul3A_642 : i32
      %add3A_645 = arith.addi %add3A_447, %scan3A_640 : i32
      %dma_start3A_646 = arith.constant 0 : i32
      %dma_start3A_647 = tpu.memref_slice %arg7[%add3A_644, %dma_start3A_646] : memref<1664x64xf32, #tpu.memory_space<vmem>> -> memref<26x64xf32, #tpu.memory_space<vmem>>
      %dma_start3A_648 = arith.constant 0 : i32
      %dma_start3A_649 = arith.constant 0 : i32
      %dma_start3A_650 = tpu.memref_slice %arg4[%add3A_645, %dma_start3A_648, %dma_start3A_649] : memref<16384x32x128xf32, #tpu.memory_space<hbm>> -> memref<1x26x64xf32, #tpu.memory_space<hbm>>
      %dma_start3A_651 = tpu.memref_squeeze %dma_start3A_650 : memref<1x26x64xf32, #tpu.memory_space<hbm>> -> memref<26x64xf32, #tpu.memory_space<hbm>>
      %dma_start3A_652 = arith.constant 0 : i32
      %dma_start3A_653 = arith.constant 0 : i32
      %dma_start3A_654 = tpu.memref_slice %arg4[%add3A_645, %dma_start3A_652, %dma_start3A_653] : memref<16384x32x128xf32, #tpu.memory_space<hbm>> -> memref<1x26x64xf32, #tpu.memory_space<hbm>>
      %dma_start3A_655 = tpu.memref_squeeze %dma_start3A_654 : memref<1x26x64xf32, #tpu.memory_space<hbm>> -> memref<26x64xf32, #tpu.memory_space<hbm>>
      %dma_start3A_656 = arith.constant 0 : i32
      %dma_start3A_657 = tpu.memref_slice %arg7[%add3A_644, %dma_start3A_656] : memref<1664x64xf32, #tpu.memory_space<vmem>> -> memref<26x64xf32, #tpu.memory_space<vmem>>
      tpu.enqueue_dma source(%dma_start3A_657 : memref<26x64xf32, #tpu.memory_space<vmem>>) target(%dma_start3A_655 : memref<26x64xf32, #tpu.memory_space<hbm>>) target_semaphore(%arg10 : memref<!tpu.dma_semaphore, #tpu.memory_space<semaphore_mem>>)
    }
    %scan3A_452 = arith.constant 32 : i32
    %scan3A_453 = arith.constant 0 : i32
    %scan3A_454 = arith.constant 32 : i32
    %scan3A_455 = arith.addi %scan3A_453, %scan3A_454 : i32
    %scan3A_456 = arith.constant 1 : i32
    scf.for %scan3A_640 = %scan3A_453 to %scan3A_455 step %scan3A_456  : i32 {
      %mul3A_641 = arith.constant 26 : i32
      %mul3A_642 = arith.muli %scan3A_640, %mul3A_641 : i32
      %add3A_643 = arith.constant 0 : i32
      %add3A_644 = arith.addi %add3A_643, %mul3A_642 : i32
      %add3A_645 = arith.addi %add3A_447, %scan3A_640 : i32
      %dma_wait3A_646 = arith.constant 0 : i32
      %dma_wait3A_647 = tpu.memref_slice %arg7[%add3A_644, %dma_wait3A_646] : memref<1664x64xf32, #tpu.memory_space<vmem>> -> memref<26x64xf32, #tpu.memory_space<vmem>>
      %dma_wait3A_648 = arith.constant 0 : i32
      %dma_wait3A_649 = arith.constant 0 : i32
      %dma_wait3A_650 = tpu.memref_slice %arg4[%add3A_645, %dma_wait3A_648, %dma_wait3A_649] : memref<16384x32x128xf32, #tpu.memory_space<hbm>> -> memref<1x26x64xf32, #tpu.memory_space<hbm>>
      %dma_wait3A_651 = tpu.memref_squeeze %dma_wait3A_650 : memref<1x26x64xf32, #tpu.memory_space<hbm>> -> memref<26x64xf32, #tpu.memory_space<hbm>>
      %dma_wait3A_652 = arith.constant 0 : i32
      %dma_wait3A_653 = arith.constant 0 : i32
      %dma_wait3A_654 = tpu.memref_slice %arg4[%add3A_645, %dma_wait3A_652, %dma_wait3A_653] : memref<16384x32x128xf32, #tpu.memory_space<hbm>> -> memref<1x26x64xf32, #tpu.memory_space<hbm>>
      %dma_wait3A_655 = tpu.memref_squeeze %dma_wait3A_654 : memref<1x26x64xf32, #tpu.memory_space<hbm>> -> memref<26x64xf32, #tpu.memory_space<hbm>>
      %dma_wait3A_656 = arith.constant 0 : i32
      %dma_wait3A_657 = tpu.memref_slice %arg7[%add3A_644, %dma_wait3A_656] : memref<1664x64xf32, #tpu.memory_space<vmem>> -> memref<26x64xf32, #tpu.memory_space<vmem>>
      tpu.wait_dma2 semaphore(%arg10 : memref<!tpu.dma_semaphore, #tpu.memory_space<semaphore_mem>>) src(%dma_wait3A_657 : memref<26x64xf32, #tpu.memory_space<vmem>>) dst(%dma_wait3A_655 : memref<26x64xf32, #tpu.memory_space<hbm>>)
    }
    %scan3A_457 = arith.constant 32 : i32
    %add3A_458 = arith.constant 384 : i32
    %add3A_459 = arith.addi %mul3A_2, %add3A_458 : i32
    "tpu.region"() ({
      %run_scoped3A = tpu.sem_alloc : memref<!tpu.dma_semaphore, #tpu.memory_space<semaphore_mem>>
      %dma_start3A_640 = arith.constant 0 : i32
      %dma_start3A_641 = tpu.memref_slice %arg2[%add3A_459, %dma_start3A_640] : memref<16384x32xf32, #tpu.memory_space<hbm>> -> memref<32x32xf32, #tpu.memory_space<hbm>>
      %dma_start3A_642 = arith.constant 0 : i32
      %dma_start3A_643 = tpu.memref_slice %arg2[%add3A_459, %dma_start3A_642] : memref<16384x32xf32, #tpu.memory_space<hbm>> -> memref<32x32xf32, #tpu.memory_space<hbm>>
      tpu.enqueue_dma source(%dma_start3A_643 : memref<32x32xf32, #tpu.memory_space<hbm>>) target(%arg5 : memref<32x32xf32, #tpu.memory_space<vmem>>) target_semaphore(%run_scoped3A : memref<!tpu.dma_semaphore, #tpu.memory_space<semaphore_mem>>)
      %dma_wait3A_644 = arith.constant 0 : i32
      %dma_wait3A_645 = tpu.memref_slice %arg2[%add3A_459, %dma_wait3A_644] : memref<16384x32xf32, #tpu.memory_space<hbm>> -> memref<32x32xf32, #tpu.memory_space<hbm>>
      %dma_wait3A_646 = arith.constant 0 : i32
      %dma_wait3A_647 = tpu.memref_slice %arg2[%add3A_459, %dma_wait3A_646] : memref<16384x32xf32, #tpu.memory_space<hbm>> -> memref<32x32xf32, #tpu.memory_space<hbm>>
      tpu.wait_dma2 semaphore(%run_scoped3A : memref<!tpu.dma_semaphore, #tpu.memory_space<semaphore_mem>>) src(%dma_wait3A_647 : memref<32x32xf32, #tpu.memory_space<hbm>>) dst(%arg5 : memref<32x32xf32, #tpu.memory_space<vmem>>)
      tpu.yield
    }) : () -> ()
    %scan3A_460 = arith.constant 0 : i32
    %scan3A_461 = arith.constant 0 : i32
    %scan3A_462 = arith.constant 32 : i32
    %scan3A_463 = arith.addi %scan3A_461, %scan3A_462 : i32
    %scan3A_464 = arith.constant 1 : i32
    scf.for %scan3A_640 = %scan3A_461 to %scan3A_463 step %scan3A_464  : i32 {
      %get3A = arith.index_cast %scan3A_640 : i32 to index
      %get3A_641 = arith.constant 0 : index
      %get3A_642 = tpu.vector_load %arg5[%get3A, %get3A_641] {strides = array<i32>} : memref<32x32xf32, #tpu.memory_space<vmem>>, vector<16xf32>,
      %bitcast3A = vector.bitcast %get3A_642 : vector<16xf32> to vector<16xi32>
      %mul3A_643 = arith.constant 26 : i32
      %mul3A_644 = arith.muli %scan3A_640, %mul3A_643 : i32
      %swap3A = arith.constant 0 : i32
      %swap3A_645 = arith.index_cast %swap3A : i32 to index
      %swap3A_646 = arith.index_cast %mul3A_644 : i32 to index
      %swap3A_647 = tpu.vector_load %arg6[%swap3A_645, %swap3A_646] {strides = array<i32>} : memref<2x832xi32, #tpu.memory_space<vmem>>, vector<16xi32>,
      tpu.vector_store %arg6[%swap3A_645, %swap3A_646], %bitcast3A {strides = array<i32>} : memref<2x832xi32, #tpu.memory_space<vmem>>, vector<16xi32>,
      %get3A_648 = arith.index_cast %scan3A_640 : i32 to index
      %get3A_649 = arith.constant 10 : index
      %get3A_650 = tpu.vector_load %arg5[%get3A_648, %get3A_649] {strides = array<i32>} : memref<32x32xf32, #tpu.memory_space<vmem>>, vector<16xf32>,
      %bitcast3A_651 = vector.bitcast %get3A_650 : vector<16xf32> to vector<16xi32>
      %mul3A_652 = arith.constant 26 : i32
      %mul3A_653 = arith.muli %scan3A_640, %mul3A_652 : i32
      %add3A_654 = arith.constant 26 : i32
      %add3A_655 = arith.addi %mul3A_653, %add3A_654 : i32
      %sub3A = arith.constant 16 : i32
      %sub3A_656 = arith.subi %add3A_655, %sub3A : i32
      %swap3A_657 = arith.constant 0 : i32
      %swap3A_658 = arith.index_cast %swap3A_657 : i32 to index
      %swap3A_659 = arith.index_cast %sub3A_656 : i32 to index
      %swap3A_660 = tpu.vector_load %arg6[%swap3A_658, %swap3A_659] {strides = array<i32>} : memref<2x832xi32, #tpu.memory_space<vmem>>, vector<16xi32>,
      tpu.vector_store %arg6[%swap3A_658, %swap3A_659], %bitcast3A_651 {strides = array<i32>} : memref<2x832xi32, #tpu.memory_space<vmem>>, vector<16xi32>,
    }
    %scan3A_465 = arith.constant 32 : i32
    %dma_start3A_466 = arith.constant 0 : i32
    %dma_start3A_467 = arith.constant 0 : i32
    %dma_start3A_468 = arith.constant 0 : i32
    %dma_start3A_469 = tpu.memref_slice %arg7[%dma_start3A_467, %dma_start3A_468] : memref<1664x64xf32, #tpu.memory_space<vmem>> -> memref<832x64xf32, #tpu.memory_space<vmem>>
    %dma_start3A_470 = arith.constant 0 : i32
    %dma_start3A_471 = tpu.memref_slice %arg6[%dma_start3A_466, %dma_start3A_470] : memref<2x832xi32, #tpu.memory_space<vmem>> -> memref<1x832xi32, #tpu.memory_space<vmem>>
    %dma_start3A_472 = tpu.memref_squeeze %dma_start3A_471 : memref<1x832xi32, #tpu.memory_space<vmem>> -> memref<832xi32, #tpu.memory_space<vmem>>
    %dma_start3A_473 = arith.constant 0 : i32
    %dma_start3A_474 = arith.constant 0 : i32
    %dma_start3A_475 = tpu.memref_slice %arg3[%dma_start3A_473, %dma_start3A_474] : memref<1000000x64xf32, #tpu.memory_space<hbm>> -> memref<1000000x64xf32, #tpu.memory_space<hbm>>
    tpu.enqueue_indirect_dma source(%dma_start3A_475 : memref<1000000x64xf32, #tpu.memory_space<hbm>>) target(%dma_start3A_469 : memref<832x64xf32, #tpu.memory_space<vmem>>) offsets(%dma_start3A_472 : memref<832xi32, #tpu.memory_space<vmem>>) semaphore(%arg8 : memref<!tpu.dma_semaphore, #tpu.memory_space<semaphore_mem>>)
    %dma_wait3A_476 = arith.constant 1 : i32
    %dma_wait3A_477 = arith.constant 832 : i32
    %dma_wait3A_478 = arith.constant 0 : i32
    %dma_wait3A_479 = tpu.memref_slice %arg7[%dma_wait3A_477, %dma_wait3A_478] : memref<1664x64xf32, #tpu.memory_space<vmem>> -> memref<832x64xf32, #tpu.memory_space<vmem>>
    %dma_wait3A_480 = arith.constant 0 : i32
    %dma_wait3A_481 = tpu.memref_slice %arg6[%dma_wait3A_476, %dma_wait3A_480] : memref<2x832xi32, #tpu.memory_space<vmem>> -> memref<1x832xi32, #tpu.memory_space<vmem>>
    %dma_wait3A_482 = tpu.memref_squeeze %dma_wait3A_481 : memref<1x832xi32, #tpu.memory_space<vmem>> -> memref<832xi32, #tpu.memory_space<vmem>>
    %dma_wait3A_483 = arith.constant 0 : i32
    %dma_wait3A_484 = arith.constant 0 : i32
    %dma_wait3A_485 = tpu.memref_slice %arg3[%dma_wait3A_483, %dma_wait3A_484] : memref<1000000x64xf32, #tpu.memory_space<hbm>> -> memref<1000000x64xf32, #tpu.memory_space<hbm>>
    tpu.wait_indirect_dma semaphore(%arg9 : memref<!tpu.dma_semaphore, #tpu.memory_space<semaphore_mem>>) src(%dma_wait3A_485 : memref<1000000x64xf32, #tpu.memory_space<hbm>>) dst(%dma_wait3A_479 : memref<832x64xf32, #tpu.memory_space<vmem>>)
    %add3A_486 = arith.constant 352 : i32
    %add3A_487 = arith.addi %mul3A_2, %add3A_486 : i32
    %scan3A_488 = arith.constant 0 : i32
    %scan3A_489 = arith.constant 32 : i32
    %scan3A_490 = arith.addi %scan3A_488, %scan3A_489 : i32
    %scan3A_491 = arith.constant 1 : i32
    scf.for %scan3A_640 = %scan3A_488 to %scan3A_490 step %scan3A_491  : i32 {
      %mul3A_641 = arith.constant 26 : i32
      %mul3A_642 = arith.muli %scan3A_640, %mul3A_641 : i32
      %add3A_643 = arith.constant 832 : i32
      %add3A_644 = arith.addi %add3A_643, %mul3A_642 : i32
      %add3A_645 = arith.addi %add3A_487, %scan3A_640 : i32
      %dma_start3A_646 = arith.constant 0 : i32
      %dma_start3A_647 = tpu.memref_slice %arg7[%add3A_644, %dma_start3A_646] : memref<1664x64xf32, #tpu.memory_space<vmem>> -> memref<26x64xf32, #tpu.memory_space<vmem>>
      %dma_start3A_648 = arith.constant 0 : i32
      %dma_start3A_649 = arith.constant 0 : i32
      %dma_start3A_650 = tpu.memref_slice %arg4[%add3A_645, %dma_start3A_648, %dma_start3A_649] : memref<16384x32x128xf32, #tpu.memory_space<hbm>> -> memref<1x26x64xf32, #tpu.memory_space<hbm>>
      %dma_start3A_651 = tpu.memref_squeeze %dma_start3A_650 : memref<1x26x64xf32, #tpu.memory_space<hbm>> -> memref<26x64xf32, #tpu.memory_space<hbm>>
      %dma_start3A_652 = arith.constant 0 : i32
      %dma_start3A_653 = arith.constant 0 : i32
      %dma_start3A_654 = tpu.memref_slice %arg4[%add3A_645, %dma_start3A_652, %dma_start3A_653] : memref<16384x32x128xf32, #tpu.memory_space<hbm>> -> memref<1x26x64xf32, #tpu.memory_space<hbm>>
      %dma_start3A_655 = tpu.memref_squeeze %dma_start3A_654 : memref<1x26x64xf32, #tpu.memory_space<hbm>> -> memref<26x64xf32, #tpu.memory_space<hbm>>
      %dma_start3A_656 = arith.constant 0 : i32
      %dma_start3A_657 = tpu.memref_slice %arg7[%add3A_644, %dma_start3A_656] : memref<1664x64xf32, #tpu.memory_space<vmem>> -> memref<26x64xf32, #tpu.memory_space<vmem>>
      tpu.enqueue_dma source(%dma_start3A_657 : memref<26x64xf32, #tpu.memory_space<vmem>>) target(%dma_start3A_655 : memref<26x64xf32, #tpu.memory_space<hbm>>) target_semaphore(%arg11 : memref<!tpu.dma_semaphore, #tpu.memory_space<semaphore_mem>>)
    }
    %scan3A_492 = arith.constant 32 : i32
    %scan3A_493 = arith.constant 0 : i32
    %scan3A_494 = arith.constant 32 : i32
    %scan3A_495 = arith.addi %scan3A_493, %scan3A_494 : i32
    %scan3A_496 = arith.constant 1 : i32
    scf.for %scan3A_640 = %scan3A_493 to %scan3A_495 step %scan3A_496  : i32 {
      %mul3A_641 = arith.constant 26 : i32
      %mul3A_642 = arith.muli %scan3A_640, %mul3A_641 : i32
      %add3A_643 = arith.constant 832 : i32
      %add3A_644 = arith.addi %add3A_643, %mul3A_642 : i32
      %add3A_645 = arith.addi %add3A_487, %scan3A_640 : i32
      %dma_wait3A_646 = arith.constant 0 : i32
      %dma_wait3A_647 = tpu.memref_slice %arg7[%add3A_644, %dma_wait3A_646] : memref<1664x64xf32, #tpu.memory_space<vmem>> -> memref<26x64xf32, #tpu.memory_space<vmem>>
      %dma_wait3A_648 = arith.constant 0 : i32
      %dma_wait3A_649 = arith.constant 0 : i32
      %dma_wait3A_650 = tpu.memref_slice %arg4[%add3A_645, %dma_wait3A_648, %dma_wait3A_649] : memref<16384x32x128xf32, #tpu.memory_space<hbm>> -> memref<1x26x64xf32, #tpu.memory_space<hbm>>
      %dma_wait3A_651 = tpu.memref_squeeze %dma_wait3A_650 : memref<1x26x64xf32, #tpu.memory_space<hbm>> -> memref<26x64xf32, #tpu.memory_space<hbm>>
      %dma_wait3A_652 = arith.constant 0 : i32
      %dma_wait3A_653 = arith.constant 0 : i32
      %dma_wait3A_654 = tpu.memref_slice %arg4[%add3A_645, %dma_wait3A_652, %dma_wait3A_653] : memref<16384x32x128xf32, #tpu.memory_space<hbm>> -> memref<1x26x64xf32, #tpu.memory_space<hbm>>
      %dma_wait3A_655 = tpu.memref_squeeze %dma_wait3A_654 : memref<1x26x64xf32, #tpu.memory_space<hbm>> -> memref<26x64xf32, #tpu.memory_space<hbm>>
      %dma_wait3A_656 = arith.constant 0 : i32
      %dma_wait3A_657 = tpu.memref_slice %arg7[%add3A_644, %dma_wait3A_656] : memref<1664x64xf32, #tpu.memory_space<vmem>> -> memref<26x64xf32, #tpu.memory_space<vmem>>
      tpu.wait_dma2 semaphore(%arg11 : memref<!tpu.dma_semaphore, #tpu.memory_space<semaphore_mem>>) src(%dma_wait3A_657 : memref<26x64xf32, #tpu.memory_space<vmem>>) dst(%dma_wait3A_655 : memref<26x64xf32, #tpu.memory_space<hbm>>)
    }
    %scan3A_497 = arith.constant 32 : i32
    %add3A_498 = arith.constant 416 : i32
    %add3A_499 = arith.addi %mul3A_2, %add3A_498 : i32
    "tpu.region"() ({
      %run_scoped3A = tpu.sem_alloc : memref<!tpu.dma_semaphore, #tpu.memory_space<semaphore_mem>>
      %dma_start3A_640 = arith.constant 0 : i32
      %dma_start3A_641 = tpu.memref_slice %arg2[%add3A_499, %dma_start3A_640] : memref<16384x32xf32, #tpu.memory_space<hbm>> -> memref<32x32xf32, #tpu.memory_space<hbm>>
      %dma_start3A_642 = arith.constant 0 : i32
      %dma_start3A_643 = tpu.memref_slice %arg2[%add3A_499, %dma_start3A_642] : memref<16384x32xf32, #tpu.memory_space<hbm>> -> memref<32x32xf32, #tpu.memory_space<hbm>>
      tpu.enqueue_dma source(%dma_start3A_643 : memref<32x32xf32, #tpu.memory_space<hbm>>) target(%arg5 : memref<32x32xf32, #tpu.memory_space<vmem>>) target_semaphore(%run_scoped3A : memref<!tpu.dma_semaphore, #tpu.memory_space<semaphore_mem>>)
      %dma_wait3A_644 = arith.constant 0 : i32
      %dma_wait3A_645 = tpu.memref_slice %arg2[%add3A_499, %dma_wait3A_644] : memref<16384x32xf32, #tpu.memory_space<hbm>> -> memref<32x32xf32, #tpu.memory_space<hbm>>
      %dma_wait3A_646 = arith.constant 0 : i32
      %dma_wait3A_647 = tpu.memref_slice %arg2[%add3A_499, %dma_wait3A_646] : memref<16384x32xf32, #tpu.memory_space<hbm>> -> memref<32x32xf32, #tpu.memory_space<hbm>>
      tpu.wait_dma2 semaphore(%run_scoped3A : memref<!tpu.dma_semaphore, #tpu.memory_space<semaphore_mem>>) src(%dma_wait3A_647 : memref<32x32xf32, #tpu.memory_space<hbm>>) dst(%arg5 : memref<32x32xf32, #tpu.memory_space<vmem>>)
      tpu.yield
    }) : () -> ()
    %scan3A_500 = arith.constant 0 : i32
    %scan3A_501 = arith.constant 0 : i32
    %scan3A_502 = arith.constant 32 : i32
    %scan3A_503 = arith.addi %scan3A_501, %scan3A_502 : i32
    %scan3A_504 = arith.constant 1 : i32
    scf.for %scan3A_640 = %scan3A_501 to %scan3A_503 step %scan3A_504  : i32 {
      %get3A = arith.index_cast %scan3A_640 : i32 to index
      %get3A_641 = arith.constant 0 : index
      %get3A_642 = tpu.vector_load %arg5[%get3A, %get3A_641] {strides = array<i32>} : memref<32x32xf32, #tpu.memory_space<vmem>>, vector<16xf32>,
      %bitcast3A = vector.bitcast %get3A_642 : vector<16xf32> to vector<16xi32>
      %mul3A_643 = arith.constant 26 : i32
      %mul3A_644 = arith.muli %scan3A_640, %mul3A_643 : i32
      %swap3A = arith.constant 1 : i32
      %swap3A_645 = arith.index_cast %swap3A : i32 to index
      %swap3A_646 = arith.index_cast %mul3A_644 : i32 to index
      %swap3A_647 = tpu.vector_load %arg6[%swap3A_645, %swap3A_646] {strides = array<i32>} : memref<2x832xi32, #tpu.memory_space<vmem>>, vector<16xi32>,
      tpu.vector_store %arg6[%swap3A_645, %swap3A_646], %bitcast3A {strides = array<i32>} : memref<2x832xi32, #tpu.memory_space<vmem>>, vector<16xi32>,
      %get3A_648 = arith.index_cast %scan3A_640 : i32 to index
      %get3A_649 = arith.constant 10 : index
      %get3A_650 = tpu.vector_load %arg5[%get3A_648, %get3A_649] {strides = array<i32>} : memref<32x32xf32, #tpu.memory_space<vmem>>, vector<16xf32>,
      %bitcast3A_651 = vector.bitcast %get3A_650 : vector<16xf32> to vector<16xi32>
      %mul3A_652 = arith.constant 26 : i32
      %mul3A_653 = arith.muli %scan3A_640, %mul3A_652 : i32
      %add3A_654 = arith.constant 26 : i32
      %add3A_655 = arith.addi %mul3A_653, %add3A_654 : i32
      %sub3A = arith.constant 16 : i32
      %sub3A_656 = arith.subi %add3A_655, %sub3A : i32
      %swap3A_657 = arith.constant 1 : i32
      %swap3A_658 = arith.index_cast %swap3A_657 : i32 to index
      %swap3A_659 = arith.index_cast %sub3A_656 : i32 to index
      %swap3A_660 = tpu.vector_load %arg6[%swap3A_658, %swap3A_659] {strides = array<i32>} : memref<2x832xi32, #tpu.memory_space<vmem>>, vector<16xi32>,
      tpu.vector_store %arg6[%swap3A_658, %swap3A_659], %bitcast3A_651 {strides = array<i32>} : memref<2x832xi32, #tpu.memory_space<vmem>>, vector<16xi32>,
    }
    %scan3A_505 = arith.constant 32 : i32
    %dma_start3A_506 = arith.constant 1 : i32
    %dma_start3A_507 = arith.constant 832 : i32
    %dma_start3A_508 = arith.constant 0 : i32
    %dma_start3A_509 = tpu.memref_slice %arg7[%dma_start3A_507, %dma_start3A_508] : memref<1664x64xf32, #tpu.memory_space<vmem>> -> memref<832x64xf32, #tpu.memory_space<vmem>>
    %dma_start3A_510 = arith.constant 0 : i32
    %dma_start3A_511 = tpu.memref_slice %arg6[%dma_start3A_506, %dma_start3A_510] : memref<2x832xi32, #tpu.memory_space<vmem>> -> memref<1x832xi32, #tpu.memory_space<vmem>>
    %dma_start3A_512 = tpu.memref_squeeze %dma_start3A_511 : memref<1x832xi32, #tpu.memory_space<vmem>> -> memref<832xi32, #tpu.memory_space<vmem>>
    %dma_start3A_513 = arith.constant 0 : i32
    %dma_start3A_514 = arith.constant 0 : i32
    %dma_start3A_515 = tpu.memref_slice %arg3[%dma_start3A_513, %dma_start3A_514] : memref<1000000x64xf32, #tpu.memory_space<hbm>> -> memref<1000000x64xf32, #tpu.memory_space<hbm>>
    tpu.enqueue_indirect_dma source(%dma_start3A_515 : memref<1000000x64xf32, #tpu.memory_space<hbm>>) target(%dma_start3A_509 : memref<832x64xf32, #tpu.memory_space<vmem>>) offsets(%dma_start3A_512 : memref<832xi32, #tpu.memory_space<vmem>>) semaphore(%arg9 : memref<!tpu.dma_semaphore, #tpu.memory_space<semaphore_mem>>)
    %dma_wait3A_516 = arith.constant 0 : i32
    %dma_wait3A_517 = arith.constant 0 : i32
    %dma_wait3A_518 = arith.constant 0 : i32
    %dma_wait3A_519 = tpu.memref_slice %arg7[%dma_wait3A_517, %dma_wait3A_518] : memref<1664x64xf32, #tpu.memory_space<vmem>> -> memref<832x64xf32, #tpu.memory_space<vmem>>
    %dma_wait3A_520 = arith.constant 0 : i32
    %dma_wait3A_521 = tpu.memref_slice %arg6[%dma_wait3A_516, %dma_wait3A_520] : memref<2x832xi32, #tpu.memory_space<vmem>> -> memref<1x832xi32, #tpu.memory_space<vmem>>
    %dma_wait3A_522 = tpu.memref_squeeze %dma_wait3A_521 : memref<1x832xi32, #tpu.memory_space<vmem>> -> memref<832xi32, #tpu.memory_space<vmem>>
    %dma_wait3A_523 = arith.constant 0 : i32
    %dma_wait3A_524 = arith.constant 0 : i32
    %dma_wait3A_525 = tpu.memref_slice %arg3[%dma_wait3A_523, %dma_wait3A_524] : memref<1000000x64xf32, #tpu.memory_space<hbm>> -> memref<1000000x64xf32, #tpu.memory_space<hbm>>
    tpu.wait_indirect_dma semaphore(%arg8 : memref<!tpu.dma_semaphore, #tpu.memory_space<semaphore_mem>>) src(%dma_wait3A_525 : memref<1000000x64xf32, #tpu.memory_space<hbm>>) dst(%dma_wait3A_519 : memref<832x64xf32, #tpu.memory_space<vmem>>)
    %add3A_526 = arith.constant 384 : i32
    %add3A_527 = arith.addi %mul3A_2, %add3A_526 : i32
    %scan3A_528 = arith.constant 0 : i32
    %scan3A_529 = arith.constant 32 : i32
    %scan3A_530 = arith.addi %scan3A_528, %scan3A_529 : i32
    %scan3A_531 = arith.constant 1 : i32
    scf.for %scan3A_640 = %scan3A_528 to %scan3A_530 step %scan3A_531  : i32 {
      %mul3A_641 = arith.constant 26 : i32
      %mul3A_642 = arith.muli %scan3A_640, %mul3A_641 : i32
      %add3A_643 = arith.constant 0 : i32
      %add3A_644 = arith.addi %add3A_643, %mul3A_642 : i32
      %add3A_645 = arith.addi %add3A_527, %scan3A_640 : i32
      %dma_start3A_646 = arith.constant 0 : i32
      %dma_start3A_647 = tpu.memref_slice %arg7[%add3A_644, %dma_start3A_646] : memref<1664x64xf32, #tpu.memory_space<vmem>> -> memref<26x64xf32, #tpu.memory_space<vmem>>
      %dma_start3A_648 = arith.constant 0 : i32
      %dma_start3A_649 = arith.constant 0 : i32
      %dma_start3A_650 = tpu.memref_slice %arg4[%add3A_645, %dma_start3A_648, %dma_start3A_649] : memref<16384x32x128xf32, #tpu.memory_space<hbm>> -> memref<1x26x64xf32, #tpu.memory_space<hbm>>
      %dma_start3A_651 = tpu.memref_squeeze %dma_start3A_650 : memref<1x26x64xf32, #tpu.memory_space<hbm>> -> memref<26x64xf32, #tpu.memory_space<hbm>>
      %dma_start3A_652 = arith.constant 0 : i32
      %dma_start3A_653 = arith.constant 0 : i32
      %dma_start3A_654 = tpu.memref_slice %arg4[%add3A_645, %dma_start3A_652, %dma_start3A_653] : memref<16384x32x128xf32, #tpu.memory_space<hbm>> -> memref<1x26x64xf32, #tpu.memory_space<hbm>>
      %dma_start3A_655 = tpu.memref_squeeze %dma_start3A_654 : memref<1x26x64xf32, #tpu.memory_space<hbm>> -> memref<26x64xf32, #tpu.memory_space<hbm>>
      %dma_start3A_656 = arith.constant 0 : i32
      %dma_start3A_657 = tpu.memref_slice %arg7[%add3A_644, %dma_start3A_656] : memref<1664x64xf32, #tpu.memory_space<vmem>> -> memref<26x64xf32, #tpu.memory_space<vmem>>
      tpu.enqueue_dma source(%dma_start3A_657 : memref<26x64xf32, #tpu.memory_space<vmem>>) target(%dma_start3A_655 : memref<26x64xf32, #tpu.memory_space<hbm>>) target_semaphore(%arg10 : memref<!tpu.dma_semaphore, #tpu.memory_space<semaphore_mem>>)
    }
    %scan3A_532 = arith.constant 32 : i32
    %scan3A_533 = arith.constant 0 : i32
    %scan3A_534 = arith.constant 32 : i32
    %scan3A_535 = arith.addi %scan3A_533, %scan3A_534 : i32
    %scan3A_536 = arith.constant 1 : i32
    scf.for %scan3A_640 = %scan3A_533 to %scan3A_535 step %scan3A_536  : i32 {
      %mul3A_641 = arith.constant 26 : i32
      %mul3A_642 = arith.muli %scan3A_640, %mul3A_641 : i32
      %add3A_643 = arith.constant 0 : i32
      %add3A_644 = arith.addi %add3A_643, %mul3A_642 : i32
      %add3A_645 = arith.addi %add3A_527, %scan3A_640 : i32
      %dma_wait3A_646 = arith.constant 0 : i32
      %dma_wait3A_647 = tpu.memref_slice %arg7[%add3A_644, %dma_wait3A_646] : memref<1664x64xf32, #tpu.memory_space<vmem>> -> memref<26x64xf32, #tpu.memory_space<vmem>>
      %dma_wait3A_648 = arith.constant 0 : i32
      %dma_wait3A_649 = arith.constant 0 : i32
      %dma_wait3A_650 = tpu.memref_slice %arg4[%add3A_645, %dma_wait3A_648, %dma_wait3A_649] : memref<16384x32x128xf32, #tpu.memory_space<hbm>> -> memref<1x26x64xf32, #tpu.memory_space<hbm>>
      %dma_wait3A_651 = tpu.memref_squeeze %dma_wait3A_650 : memref<1x26x64xf32, #tpu.memory_space<hbm>> -> memref<26x64xf32, #tpu.memory_space<hbm>>
      %dma_wait3A_652 = arith.constant 0 : i32
      %dma_wait3A_653 = arith.constant 0 : i32
      %dma_wait3A_654 = tpu.memref_slice %arg4[%add3A_645, %dma_wait3A_652, %dma_wait3A_653] : memref<16384x32x128xf32, #tpu.memory_space<hbm>> -> memref<1x26x64xf32, #tpu.memory_space<hbm>>
      %dma_wait3A_655 = tpu.memref_squeeze %dma_wait3A_654 : memref<1x26x64xf32, #tpu.memory_space<hbm>> -> memref<26x64xf32, #tpu.memory_space<hbm>>
      %dma_wait3A_656 = arith.constant 0 : i32
      %dma_wait3A_657 = tpu.memref_slice %arg7[%add3A_644, %dma_wait3A_656] : memref<1664x64xf32, #tpu.memory_space<vmem>> -> memref<26x64xf32, #tpu.memory_space<vmem>>
      tpu.wait_dma2 semaphore(%arg10 : memref<!tpu.dma_semaphore, #tpu.memory_space<semaphore_mem>>) src(%dma_wait3A_657 : memref<26x64xf32, #tpu.memory_space<vmem>>) dst(%dma_wait3A_655 : memref<26x64xf32, #tpu.memory_space<hbm>>)
    }
    %scan3A_537 = arith.constant 32 : i32
    %add3A_538 = arith.constant 448 : i32
    %add3A_539 = arith.addi %mul3A_2, %add3A_538 : i32
    "tpu.region"() ({
      %run_scoped3A = tpu.sem_alloc : memref<!tpu.dma_semaphore, #tpu.memory_space<semaphore_mem>>
      %dma_start3A_640 = arith.constant 0 : i32
      %dma_start3A_641 = tpu.memref_slice %arg2[%add3A_539, %dma_start3A_640] : memref<16384x32xf32, #tpu.memory_space<hbm>> -> memref<32x32xf32, #tpu.memory_space<hbm>>
      %dma_start3A_642 = arith.constant 0 : i32
      %dma_start3A_643 = tpu.memref_slice %arg2[%add3A_539, %dma_start3A_642] : memref<16384x32xf32, #tpu.memory_space<hbm>> -> memref<32x32xf32, #tpu.memory_space<hbm>>
      tpu.enqueue_dma source(%dma_start3A_643 : memref<32x32xf32, #tpu.memory_space<hbm>>) target(%arg5 : memref<32x32xf32, #tpu.memory_space<vmem>>) target_semaphore(%run_scoped3A : memref<!tpu.dma_semaphore, #tpu.memory_space<semaphore_mem>>)
      %dma_wait3A_644 = arith.constant 0 : i32
      %dma_wait3A_645 = tpu.memref_slice %arg2[%add3A_539, %dma_wait3A_644] : memref<16384x32xf32, #tpu.memory_space<hbm>> -> memref<32x32xf32, #tpu.memory_space<hbm>>
      %dma_wait3A_646 = arith.constant 0 : i32
      %dma_wait3A_647 = tpu.memref_slice %arg2[%add3A_539, %dma_wait3A_646] : memref<16384x32xf32, #tpu.memory_space<hbm>> -> memref<32x32xf32, #tpu.memory_space<hbm>>
      tpu.wait_dma2 semaphore(%run_scoped3A : memref<!tpu.dma_semaphore, #tpu.memory_space<semaphore_mem>>) src(%dma_wait3A_647 : memref<32x32xf32, #tpu.memory_space<hbm>>) dst(%arg5 : memref<32x32xf32, #tpu.memory_space<vmem>>)
      tpu.yield
    }) : () -> ()
    %scan3A_540 = arith.constant 0 : i32
    %scan3A_541 = arith.constant 0 : i32
    %scan3A_542 = arith.constant 32 : i32
    %scan3A_543 = arith.addi %scan3A_541, %scan3A_542 : i32
    %scan3A_544 = arith.constant 1 : i32
    scf.for %scan3A_640 = %scan3A_541 to %scan3A_543 step %scan3A_544  : i32 {
      %get3A = arith.index_cast %scan3A_640 : i32 to index
      %get3A_641 = arith.constant 0 : index
      %get3A_642 = tpu.vector_load %arg5[%get3A, %get3A_641] {strides = array<i32>} : memref<32x32xf32, #tpu.memory_space<vmem>>, vector<16xf32>,
      %bitcast3A = vector.bitcast %get3A_642 : vector<16xf32> to vector<16xi32>
      %mul3A_643 = arith.constant 26 : i32
      %mul3A_644 = arith.muli %scan3A_640, %mul3A_643 : i32
      %swap3A = arith.constant 0 : i32
      %swap3A_645 = arith.index_cast %swap3A : i32 to index
      %swap3A_646 = arith.index_cast %mul3A_644 : i32 to index
      %swap3A_647 = tpu.vector_load %arg6[%swap3A_645, %swap3A_646] {strides = array<i32>} : memref<2x832xi32, #tpu.memory_space<vmem>>, vector<16xi32>,
      tpu.vector_store %arg6[%swap3A_645, %swap3A_646], %bitcast3A {strides = array<i32>} : memref<2x832xi32, #tpu.memory_space<vmem>>, vector<16xi32>,
      %get3A_648 = arith.index_cast %scan3A_640 : i32 to index
      %get3A_649 = arith.constant 10 : index
      %get3A_650 = tpu.vector_load %arg5[%get3A_648, %get3A_649] {strides = array<i32>} : memref<32x32xf32, #tpu.memory_space<vmem>>, vector<16xf32>,
      %bitcast3A_651 = vector.bitcast %get3A_650 : vector<16xf32> to vector<16xi32>
      %mul3A_652 = arith.constant 26 : i32
      %mul3A_653 = arith.muli %scan3A_640, %mul3A_652 : i32
      %add3A_654 = arith.constant 26 : i32
      %add3A_655 = arith.addi %mul3A_653, %add3A_654 : i32
      %sub3A = arith.constant 16 : i32
      %sub3A_656 = arith.subi %add3A_655, %sub3A : i32
      %swap3A_657 = arith.constant 0 : i32
      %swap3A_658 = arith.index_cast %swap3A_657 : i32 to index
      %swap3A_659 = arith.index_cast %sub3A_656 : i32 to index
      %swap3A_660 = tpu.vector_load %arg6[%swap3A_658, %swap3A_659] {strides = array<i32>} : memref<2x832xi32, #tpu.memory_space<vmem>>, vector<16xi32>,
      tpu.vector_store %arg6[%swap3A_658, %swap3A_659], %bitcast3A_651 {strides = array<i32>} : memref<2x832xi32, #tpu.memory_space<vmem>>, vector<16xi32>,
    }
    %scan3A_545 = arith.constant 32 : i32
    %dma_start3A_546 = arith.constant 0 : i32
    %dma_start3A_547 = arith.constant 0 : i32
    %dma_start3A_548 = arith.constant 0 : i32
    %dma_start3A_549 = tpu.memref_slice %arg7[%dma_start3A_547, %dma_start3A_548] : memref<1664x64xf32, #tpu.memory_space<vmem>> -> memref<832x64xf32, #tpu.memory_space<vmem>>
    %dma_start3A_550 = arith.constant 0 : i32
    %dma_start3A_551 = tpu.memref_slice %arg6[%dma_start3A_546, %dma_start3A_550] : memref<2x832xi32, #tpu.memory_space<vmem>> -> memref<1x832xi32, #tpu.memory_space<vmem>>
    %dma_start3A_552 = tpu.memref_squeeze %dma_start3A_551 : memref<1x832xi32, #tpu.memory_space<vmem>> -> memref<832xi32, #tpu.memory_space<vmem>>
    %dma_start3A_553 = arith.constant 0 : i32
    %dma_start3A_554 = arith.constant 0 : i32
    %dma_start3A_555 = tpu.memref_slice %arg3[%dma_start3A_553, %dma_start3A_554] : memref<1000000x64xf32, #tpu.memory_space<hbm>> -> memref<1000000x64xf32, #tpu.memory_space<hbm>>
    tpu.enqueue_indirect_dma source(%dma_start3A_555 : memref<1000000x64xf32, #tpu.memory_space<hbm>>) target(%dma_start3A_549 : memref<832x64xf32, #tpu.memory_space<vmem>>) offsets(%dma_start3A_552 : memref<832xi32, #tpu.memory_space<vmem>>) semaphore(%arg8 : memref<!tpu.dma_semaphore, #tpu.memory_space<semaphore_mem>>)
    %dma_wait3A_556 = arith.constant 1 : i32
    %dma_wait3A_557 = arith.constant 832 : i32
    %dma_wait3A_558 = arith.constant 0 : i32
    %dma_wait3A_559 = tpu.memref_slice %arg7[%dma_wait3A_557, %dma_wait3A_558] : memref<1664x64xf32, #tpu.memory_space<vmem>> -> memref<832x64xf32, #tpu.memory_space<vmem>>
    %dma_wait3A_560 = arith.constant 0 : i32
    %dma_wait3A_561 = tpu.memref_slice %arg6[%dma_wait3A_556, %dma_wait3A_560] : memref<2x832xi32, #tpu.memory_space<vmem>> -> memref<1x832xi32, #tpu.memory_space<vmem>>
    %dma_wait3A_562 = tpu.memref_squeeze %dma_wait3A_561 : memref<1x832xi32, #tpu.memory_space<vmem>> -> memref<832xi32, #tpu.memory_space<vmem>>
    %dma_wait3A_563 = arith.constant 0 : i32
    %dma_wait3A_564 = arith.constant 0 : i32
    %dma_wait3A_565 = tpu.memref_slice %arg3[%dma_wait3A_563, %dma_wait3A_564] : memref<1000000x64xf32, #tpu.memory_space<hbm>> -> memref<1000000x64xf32, #tpu.memory_space<hbm>>
    tpu.wait_indirect_dma semaphore(%arg9 : memref<!tpu.dma_semaphore, #tpu.memory_space<semaphore_mem>>) src(%dma_wait3A_565 : memref<1000000x64xf32, #tpu.memory_space<hbm>>) dst(%dma_wait3A_559 : memref<832x64xf32, #tpu.memory_space<vmem>>)
    %add3A_566 = arith.constant 416 : i32
    %add3A_567 = arith.addi %mul3A_2, %add3A_566 : i32
    %scan3A_568 = arith.constant 0 : i32
    %scan3A_569 = arith.constant 32 : i32
    %scan3A_570 = arith.addi %scan3A_568, %scan3A_569 : i32
    %scan3A_571 = arith.constant 1 : i32
    scf.for %scan3A_640 = %scan3A_568 to %scan3A_570 step %scan3A_571  : i32 {
      %mul3A_641 = arith.constant 26 : i32
      %mul3A_642 = arith.muli %scan3A_640, %mul3A_641 : i32
      %add3A_643 = arith.constant 832 : i32
      %add3A_644 = arith.addi %add3A_643, %mul3A_642 : i32
      %add3A_645 = arith.addi %add3A_567, %scan3A_640 : i32
      %dma_start3A_646 = arith.constant 0 : i32
      %dma_start3A_647 = tpu.memref_slice %arg7[%add3A_644, %dma_start3A_646] : memref<1664x64xf32, #tpu.memory_space<vmem>> -> memref<26x64xf32, #tpu.memory_space<vmem>>
      %dma_start3A_648 = arith.constant 0 : i32
      %dma_start3A_649 = arith.constant 0 : i32
      %dma_start3A_650 = tpu.memref_slice %arg4[%add3A_645, %dma_start3A_648, %dma_start3A_649] : memref<16384x32x128xf32, #tpu.memory_space<hbm>> -> memref<1x26x64xf32, #tpu.memory_space<hbm>>
      %dma_start3A_651 = tpu.memref_squeeze %dma_start3A_650 : memref<1x26x64xf32, #tpu.memory_space<hbm>> -> memref<26x64xf32, #tpu.memory_space<hbm>>
      %dma_start3A_652 = arith.constant 0 : i32
      %dma_start3A_653 = arith.constant 0 : i32
      %dma_start3A_654 = tpu.memref_slice %arg4[%add3A_645, %dma_start3A_652, %dma_start3A_653] : memref<16384x32x128xf32, #tpu.memory_space<hbm>> -> memref<1x26x64xf32, #tpu.memory_space<hbm>>
      %dma_start3A_655 = tpu.memref_squeeze %dma_start3A_654 : memref<1x26x64xf32, #tpu.memory_space<hbm>> -> memref<26x64xf32, #tpu.memory_space<hbm>>
      %dma_start3A_656 = arith.constant 0 : i32
      %dma_start3A_657 = tpu.memref_slice %arg7[%add3A_644, %dma_start3A_656] : memref<1664x64xf32, #tpu.memory_space<vmem>> -> memref<26x64xf32, #tpu.memory_space<vmem>>
      tpu.enqueue_dma source(%dma_start3A_657 : memref<26x64xf32, #tpu.memory_space<vmem>>) target(%dma_start3A_655 : memref<26x64xf32, #tpu.memory_space<hbm>>) target_semaphore(%arg11 : memref<!tpu.dma_semaphore, #tpu.memory_space<semaphore_mem>>)
    }
    %scan3A_572 = arith.constant 32 : i32
    %scan3A_573 = arith.constant 0 : i32
    %scan3A_574 = arith.constant 32 : i32
    %scan3A_575 = arith.addi %scan3A_573, %scan3A_574 : i32
    %scan3A_576 = arith.constant 1 : i32
    scf.for %scan3A_640 = %scan3A_573 to %scan3A_575 step %scan3A_576  : i32 {
      %mul3A_641 = arith.constant 26 : i32
      %mul3A_642 = arith.muli %scan3A_640, %mul3A_641 : i32
      %add3A_643 = arith.constant 832 : i32
      %add3A_644 = arith.addi %add3A_643, %mul3A_642 : i32
      %add3A_645 = arith.addi %add3A_567, %scan3A_640 : i32
      %dma_wait3A_646 = arith.constant 0 : i32
      %dma_wait3A_647 = tpu.memref_slice %arg7[%add3A_644, %dma_wait3A_646] : memref<1664x64xf32, #tpu.memory_space<vmem>> -> memref<26x64xf32, #tpu.memory_space<vmem>>
      %dma_wait3A_648 = arith.constant 0 : i32
      %dma_wait3A_649 = arith.constant 0 : i32
      %dma_wait3A_650 = tpu.memref_slice %arg4[%add3A_645, %dma_wait3A_648, %dma_wait3A_649] : memref<16384x32x128xf32, #tpu.memory_space<hbm>> -> memref<1x26x64xf32, #tpu.memory_space<hbm>>
      %dma_wait3A_651 = tpu.memref_squeeze %dma_wait3A_650 : memref<1x26x64xf32, #tpu.memory_space<hbm>> -> memref<26x64xf32, #tpu.memory_space<hbm>>
      %dma_wait3A_652 = arith.constant 0 : i32
      %dma_wait3A_653 = arith.constant 0 : i32
      %dma_wait3A_654 = tpu.memref_slice %arg4[%add3A_645, %dma_wait3A_652, %dma_wait3A_653] : memref<16384x32x128xf32, #tpu.memory_space<hbm>> -> memref<1x26x64xf32, #tpu.memory_space<hbm>>
      %dma_wait3A_655 = tpu.memref_squeeze %dma_wait3A_654 : memref<1x26x64xf32, #tpu.memory_space<hbm>> -> memref<26x64xf32, #tpu.memory_space<hbm>>
      %dma_wait3A_656 = arith.constant 0 : i32
      %dma_wait3A_657 = tpu.memref_slice %arg7[%add3A_644, %dma_wait3A_656] : memref<1664x64xf32, #tpu.memory_space<vmem>> -> memref<26x64xf32, #tpu.memory_space<vmem>>
      tpu.wait_dma2 semaphore(%arg11 : memref<!tpu.dma_semaphore, #tpu.memory_space<semaphore_mem>>) src(%dma_wait3A_657 : memref<26x64xf32, #tpu.memory_space<vmem>>) dst(%dma_wait3A_655 : memref<26x64xf32, #tpu.memory_space<hbm>>)
    }
    %scan3A_577 = arith.constant 32 : i32
    %add3A_578 = arith.constant 480 : i32
    %add3A_579 = arith.addi %mul3A_2, %add3A_578 : i32
    "tpu.region"() ({
      %run_scoped3A = tpu.sem_alloc : memref<!tpu.dma_semaphore, #tpu.memory_space<semaphore_mem>>
      %dma_start3A_640 = arith.constant 0 : i32
      %dma_start3A_641 = tpu.memref_slice %arg2[%add3A_579, %dma_start3A_640] : memref<16384x32xf32, #tpu.memory_space<hbm>> -> memref<32x32xf32, #tpu.memory_space<hbm>>
      %dma_start3A_642 = arith.constant 0 : i32
      %dma_start3A_643 = tpu.memref_slice %arg2[%add3A_579, %dma_start3A_642] : memref<16384x32xf32, #tpu.memory_space<hbm>> -> memref<32x32xf32, #tpu.memory_space<hbm>>
      tpu.enqueue_dma source(%dma_start3A_643 : memref<32x32xf32, #tpu.memory_space<hbm>>) target(%arg5 : memref<32x32xf32, #tpu.memory_space<vmem>>) target_semaphore(%run_scoped3A : memref<!tpu.dma_semaphore, #tpu.memory_space<semaphore_mem>>)
      %dma_wait3A_644 = arith.constant 0 : i32
      %dma_wait3A_645 = tpu.memref_slice %arg2[%add3A_579, %dma_wait3A_644] : memref<16384x32xf32, #tpu.memory_space<hbm>> -> memref<32x32xf32, #tpu.memory_space<hbm>>
      %dma_wait3A_646 = arith.constant 0 : i32
      %dma_wait3A_647 = tpu.memref_slice %arg2[%add3A_579, %dma_wait3A_646] : memref<16384x32xf32, #tpu.memory_space<hbm>> -> memref<32x32xf32, #tpu.memory_space<hbm>>
      tpu.wait_dma2 semaphore(%run_scoped3A : memref<!tpu.dma_semaphore, #tpu.memory_space<semaphore_mem>>) src(%dma_wait3A_647 : memref<32x32xf32, #tpu.memory_space<hbm>>) dst(%arg5 : memref<32x32xf32, #tpu.memory_space<vmem>>)
      tpu.yield
    }) : () -> ()
    %scan3A_580 = arith.constant 0 : i32
    %scan3A_581 = arith.constant 0 : i32
    %scan3A_582 = arith.constant 32 : i32
    %scan3A_583 = arith.addi %scan3A_581, %scan3A_582 : i32
    %scan3A_584 = arith.constant 1 : i32
    scf.for %scan3A_640 = %scan3A_581 to %scan3A_583 step %scan3A_584  : i32 {
      %get3A = arith.index_cast %scan3A_640 : i32 to index
      %get3A_641 = arith.constant 0 : index
      %get3A_642 = tpu.vector_load %arg5[%get3A, %get3A_641] {strides = array<i32>} : memref<32x32xf32, #tpu.memory_space<vmem>>, vector<16xf32>,
      %bitcast3A = vector.bitcast %get3A_642 : vector<16xf32> to vector<16xi32>
      %mul3A_643 = arith.constant 26 : i32
      %mul3A_644 = arith.muli %scan3A_640, %mul3A_643 : i32
      %swap3A = arith.constant 1 : i32
      %swap3A_645 = arith.index_cast %swap3A : i32 to index
      %swap3A_646 = arith.index_cast %mul3A_644 : i32 to index
      %swap3A_647 = tpu.vector_load %arg6[%swap3A_645, %swap3A_646] {strides = array<i32>} : memref<2x832xi32, #tpu.memory_space<vmem>>, vector<16xi32>,
      tpu.vector_store %arg6[%swap3A_645, %swap3A_646], %bitcast3A {strides = array<i32>} : memref<2x832xi32, #tpu.memory_space<vmem>>, vector<16xi32>,
      %get3A_648 = arith.index_cast %scan3A_640 : i32 to index
      %get3A_649 = arith.constant 10 : index
      %get3A_650 = tpu.vector_load %arg5[%get3A_648, %get3A_649] {strides = array<i32>} : memref<32x32xf32, #tpu.memory_space<vmem>>, vector<16xf32>,
      %bitcast3A_651 = vector.bitcast %get3A_650 : vector<16xf32> to vector<16xi32>
      %mul3A_652 = arith.constant 26 : i32
      %mul3A_653 = arith.muli %scan3A_640, %mul3A_652 : i32
      %add3A_654 = arith.constant 26 : i32
      %add3A_655 = arith.addi %mul3A_653, %add3A_654 : i32
      %sub3A = arith.constant 16 : i32
      %sub3A_656 = arith.subi %add3A_655, %sub3A : i32
      %swap3A_657 = arith.constant 1 : i32
      %swap3A_658 = arith.index_cast %swap3A_657 : i32 to index
      %swap3A_659 = arith.index_cast %sub3A_656 : i32 to index
      %swap3A_660 = tpu.vector_load %arg6[%swap3A_658, %swap3A_659] {strides = array<i32>} : memref<2x832xi32, #tpu.memory_space<vmem>>, vector<16xi32>,
      tpu.vector_store %arg6[%swap3A_658, %swap3A_659], %bitcast3A_651 {strides = array<i32>} : memref<2x832xi32, #tpu.memory_space<vmem>>, vector<16xi32>,
    }
    %scan3A_585 = arith.constant 32 : i32
    %dma_start3A_586 = arith.constant 1 : i32
    %dma_start3A_587 = arith.constant 832 : i32
    %dma_start3A_588 = arith.constant 0 : i32
    %dma_start3A_589 = tpu.memref_slice %arg7[%dma_start3A_587, %dma_start3A_588] : memref<1664x64xf32, #tpu.memory_space<vmem>> -> memref<832x64xf32, #tpu.memory_space<vmem>>
    %dma_start3A_590 = arith.constant 0 : i32
    %dma_start3A_591 = tpu.memref_slice %arg6[%dma_start3A_586, %dma_start3A_590] : memref<2x832xi32, #tpu.memory_space<vmem>> -> memref<1x832xi32, #tpu.memory_space<vmem>>
    %dma_start3A_592 = tpu.memref_squeeze %dma_start3A_591 : memref<1x832xi32, #tpu.memory_space<vmem>> -> memref<832xi32, #tpu.memory_space<vmem>>
    %dma_start3A_593 = arith.constant 0 : i32
    %dma_start3A_594 = arith.constant 0 : i32
    %dma_start3A_595 = tpu.memref_slice %arg3[%dma_start3A_593, %dma_start3A_594] : memref<1000000x64xf32, #tpu.memory_space<hbm>> -> memref<1000000x64xf32, #tpu.memory_space<hbm>>
    tpu.enqueue_indirect_dma source(%dma_start3A_595 : memref<1000000x64xf32, #tpu.memory_space<hbm>>) target(%dma_start3A_589 : memref<832x64xf32, #tpu.memory_space<vmem>>) offsets(%dma_start3A_592 : memref<832xi32, #tpu.memory_space<vmem>>) semaphore(%arg9 : memref<!tpu.dma_semaphore, #tpu.memory_space<semaphore_mem>>)
    %dma_wait3A_596 = arith.constant 0 : i32
    %dma_wait3A_597 = arith.constant 0 : i32
    %dma_wait3A_598 = arith.constant 0 : i32
    %dma_wait3A_599 = tpu.memref_slice %arg7[%dma_wait3A_597, %dma_wait3A_598] : memref<1664x64xf32, #tpu.memory_space<vmem>> -> memref<832x64xf32, #tpu.memory_space<vmem>>
    %dma_wait3A_600 = arith.constant 0 : i32
    %dma_wait3A_601 = tpu.memref_slice %arg6[%dma_wait3A_596, %dma_wait3A_600] : memref<2x832xi32, #tpu.memory_space<vmem>> -> memref<1x832xi32, #tpu.memory_space<vmem>>
    %dma_wait3A_602 = tpu.memref_squeeze %dma_wait3A_601 : memref<1x832xi32, #tpu.memory_space<vmem>> -> memref<832xi32, #tpu.memory_space<vmem>>
    %dma_wait3A_603 = arith.constant 0 : i32
    %dma_wait3A_604 = arith.constant 0 : i32
    %dma_wait3A_605 = tpu.memref_slice %arg3[%dma_wait3A_603, %dma_wait3A_604] : memref<1000000x64xf32, #tpu.memory_space<hbm>> -> memref<1000000x64xf32, #tpu.memory_space<hbm>>
    tpu.wait_indirect_dma semaphore(%arg8 : memref<!tpu.dma_semaphore, #tpu.memory_space<semaphore_mem>>) src(%dma_wait3A_605 : memref<1000000x64xf32, #tpu.memory_space<hbm>>) dst(%dma_wait3A_599 : memref<832x64xf32, #tpu.memory_space<vmem>>)
    %add3A_606 = arith.constant 448 : i32
    %add3A_607 = arith.addi %mul3A_2, %add3A_606 : i32
    %scan3A_608 = arith.constant 0 : i32
    %scan3A_609 = arith.constant 32 : i32
    %scan3A_610 = arith.addi %scan3A_608, %scan3A_609 : i32
    %scan3A_611 = arith.constant 1 : i32
    scf.for %scan3A_640 = %scan3A_608 to %scan3A_610 step %scan3A_611  : i32 {
      %mul3A_641 = arith.constant 26 : i32
      %mul3A_642 = arith.muli %scan3A_640, %mul3A_641 : i32
      %add3A_643 = arith.constant 0 : i32
      %add3A_644 = arith.addi %add3A_643, %mul3A_642 : i32
      %add3A_645 = arith.addi %add3A_607, %scan3A_640 : i32
      %dma_start3A_646 = arith.constant 0 : i32
      %dma_start3A_647 = tpu.memref_slice %arg7[%add3A_644, %dma_start3A_646] : memref<1664x64xf32, #tpu.memory_space<vmem>> -> memref<26x64xf32, #tpu.memory_space<vmem>>
      %dma_start3A_648 = arith.constant 0 : i32
      %dma_start3A_649 = arith.constant 0 : i32
      %dma_start3A_650 = tpu.memref_slice %arg4[%add3A_645, %dma_start3A_648, %dma_start3A_649] : memref<16384x32x128xf32, #tpu.memory_space<hbm>> -> memref<1x26x64xf32, #tpu.memory_space<hbm>>
      %dma_start3A_651 = tpu.memref_squeeze %dma_start3A_650 : memref<1x26x64xf32, #tpu.memory_space<hbm>> -> memref<26x64xf32, #tpu.memory_space<hbm>>
      %dma_start3A_652 = arith.constant 0 : i32
      %dma_start3A_653 = arith.constant 0 : i32
      %dma_start3A_654 = tpu.memref_slice %arg4[%add3A_645, %dma_start3A_652, %dma_start3A_653] : memref<16384x32x128xf32, #tpu.memory_space<hbm>> -> memref<1x26x64xf32, #tpu.memory_space<hbm>>
      %dma_start3A_655 = tpu.memref_squeeze %dma_start3A_654 : memref<1x26x64xf32, #tpu.memory_space<hbm>> -> memref<26x64xf32, #tpu.memory_space<hbm>>
      %dma_start3A_656 = arith.constant 0 : i32
      %dma_start3A_657 = tpu.memref_slice %arg7[%add3A_644, %dma_start3A_656] : memref<1664x64xf32, #tpu.memory_space<vmem>> -> memref<26x64xf32, #tpu.memory_space<vmem>>
      tpu.enqueue_dma source(%dma_start3A_657 : memref<26x64xf32, #tpu.memory_space<vmem>>) target(%dma_start3A_655 : memref<26x64xf32, #tpu.memory_space<hbm>>) target_semaphore(%arg10 : memref<!tpu.dma_semaphore, #tpu.memory_space<semaphore_mem>>)
    }
    %scan3A_612 = arith.constant 32 : i32
    %scan3A_613 = arith.constant 0 : i32
    %scan3A_614 = arith.constant 32 : i32
    %scan3A_615 = arith.addi %scan3A_613, %scan3A_614 : i32
    %scan3A_616 = arith.constant 1 : i32
    scf.for %scan3A_640 = %scan3A_613 to %scan3A_615 step %scan3A_616  : i32 {
      %mul3A_641 = arith.constant 26 : i32
      %mul3A_642 = arith.muli %scan3A_640, %mul3A_641 : i32
      %add3A_643 = arith.constant 0 : i32
      %add3A_644 = arith.addi %add3A_643, %mul3A_642 : i32
      %add3A_645 = arith.addi %add3A_607, %scan3A_640 : i32
      %dma_wait3A_646 = arith.constant 0 : i32
      %dma_wait3A_647 = tpu.memref_slice %arg7[%add3A_644, %dma_wait3A_646] : memref<1664x64xf32, #tpu.memory_space<vmem>> -> memref<26x64xf32, #tpu.memory_space<vmem>>
      %dma_wait3A_648 = arith.constant 0 : i32
      %dma_wait3A_649 = arith.constant 0 : i32
      %dma_wait3A_650 = tpu.memref_slice %arg4[%add3A_645, %dma_wait3A_648, %dma_wait3A_649] : memref<16384x32x128xf32, #tpu.memory_space<hbm>> -> memref<1x26x64xf32, #tpu.memory_space<hbm>>
      %dma_wait3A_651 = tpu.memref_squeeze %dma_wait3A_650 : memref<1x26x64xf32, #tpu.memory_space<hbm>> -> memref<26x64xf32, #tpu.memory_space<hbm>>
      %dma_wait3A_652 = arith.constant 0 : i32
      %dma_wait3A_653 = arith.constant 0 : i32
      %dma_wait3A_654 = tpu.memref_slice %arg4[%add3A_645, %dma_wait3A_652, %dma_wait3A_653] : memref<16384x32x128xf32, #tpu.memory_space<hbm>> -> memref<1x26x64xf32, #tpu.memory_space<hbm>>
      %dma_wait3A_655 = tpu.memref_squeeze %dma_wait3A_654 : memref<1x26x64xf32, #tpu.memory_space<hbm>> -> memref<26x64xf32, #tpu.memory_space<hbm>>
      %dma_wait3A_656 = arith.constant 0 : i32
      %dma_wait3A_657 = tpu.memref_slice %arg7[%add3A_644, %dma_wait3A_656] : memref<1664x64xf32, #tpu.memory_space<vmem>> -> memref<26x64xf32, #tpu.memory_space<vmem>>
      tpu.wait_dma2 semaphore(%arg10 : memref<!tpu.dma_semaphore, #tpu.memory_space<semaphore_mem>>) src(%dma_wait3A_657 : memref<26x64xf32, #tpu.memory_space<vmem>>) dst(%dma_wait3A_655 : memref<26x64xf32, #tpu.memory_space<hbm>>)
    }
    %scan3A_617 = arith.constant 32 : i32
    %dma_wait3A_618 = arith.constant 1 : i32
    %dma_wait3A_619 = arith.constant 832 : i32
    %dma_wait3A_620 = arith.constant 0 : i32
    %dma_wait3A_621 = tpu.memref_slice %arg7[%dma_wait3A_619, %dma_wait3A_620] : memref<1664x64xf32, #tpu.memory_space<vmem>> -> memref<832x64xf32, #tpu.memory_space<vmem>>
    %dma_wait3A_622 = arith.constant 0 : i32
    %dma_wait3A_623 = tpu.memref_slice %arg6[%dma_wait3A_618, %dma_wait3A_622] : memref<2x832xi32, #tpu.memory_space<vmem>> -> memref<1x832xi32, #tpu.memory_space<vmem>>
    %dma_wait3A_624 = tpu.memref_squeeze %dma_wait3A_623 : memref<1x832xi32, #tpu.memory_space<vmem>> -> memref<832xi32, #tpu.memory_space<vmem>>
    %dma_wait3A_625 = arith.constant 0 : i32
    %dma_wait3A_626 = arith.constant 0 : i32
    %dma_wait3A_627 = tpu.memref_slice %arg3[%dma_wait3A_625, %dma_wait3A_626] : memref<1000000x64xf32, #tpu.memory_space<hbm>> -> memref<1000000x64xf32, #tpu.memory_space<hbm>>
    tpu.wait_indirect_dma semaphore(%arg9 : memref<!tpu.dma_semaphore, #tpu.memory_space<semaphore_mem>>) src(%dma_wait3A_627 : memref<1000000x64xf32, #tpu.memory_space<hbm>>) dst(%dma_wait3A_621 : memref<832x64xf32, #tpu.memory_space<vmem>>)
    %add3A_628 = arith.constant 480 : i32
    %add3A_629 = arith.addi %mul3A_2, %add3A_628 : i32
    %scan3A_630 = arith.constant 0 : i32
    %scan3A_631 = arith.constant 32 : i32
    %scan3A_632 = arith.addi %scan3A_630, %scan3A_631 : i32
    %scan3A_633 = arith.constant 1 : i32
    scf.for %scan3A_640 = %scan3A_630 to %scan3A_632 step %scan3A_633  : i32 {
      %mul3A_641 = arith.constant 26 : i32
      %mul3A_642 = arith.muli %scan3A_640, %mul3A_641 : i32
      %add3A_643 = arith.constant 832 : i32
      %add3A_644 = arith.addi %add3A_643, %mul3A_642 : i32
      %add3A_645 = arith.addi %add3A_629, %scan3A_640 : i32
      %dma_start3A_646 = arith.constant 0 : i32
      %dma_start3A_647 = tpu.memref_slice %arg7[%add3A_644, %dma_start3A_646] : memref<1664x64xf32, #tpu.memory_space<vmem>> -> memref<26x64xf32, #tpu.memory_space<vmem>>
      %dma_start3A_648 = arith.constant 0 : i32
      %dma_start3A_649 = arith.constant 0 : i32
      %dma_start3A_650 = tpu.memref_slice %arg4[%add3A_645, %dma_start3A_648, %dma_start3A_649] : memref<16384x32x128xf32, #tpu.memory_space<hbm>> -> memref<1x26x64xf32, #tpu.memory_space<hbm>>
      %dma_start3A_651 = tpu.memref_squeeze %dma_start3A_650 : memref<1x26x64xf32, #tpu.memory_space<hbm>> -> memref<26x64xf32, #tpu.memory_space<hbm>>
      %dma_start3A_652 = arith.constant 0 : i32
      %dma_start3A_653 = arith.constant 0 : i32
      %dma_start3A_654 = tpu.memref_slice %arg4[%add3A_645, %dma_start3A_652, %dma_start3A_653] : memref<16384x32x128xf32, #tpu.memory_space<hbm>> -> memref<1x26x64xf32, #tpu.memory_space<hbm>>
      %dma_start3A_655 = tpu.memref_squeeze %dma_start3A_654 : memref<1x26x64xf32, #tpu.memory_space<hbm>> -> memref<26x64xf32, #tpu.memory_space<hbm>>
      %dma_start3A_656 = arith.constant 0 : i32
      %dma_start3A_657 = tpu.memref_slice %arg7[%add3A_644, %dma_start3A_656] : memref<1664x64xf32, #tpu.memory_space<vmem>> -> memref<26x64xf32, #tpu.memory_space<vmem>>
      tpu.enqueue_dma source(%dma_start3A_657 : memref<26x64xf32, #tpu.memory_space<vmem>>) target(%dma_start3A_655 : memref<26x64xf32, #tpu.memory_space<hbm>>) target_semaphore(%arg11 : memref<!tpu.dma_semaphore, #tpu.memory_space<semaphore_mem>>)
    }
    %scan3A_634 = arith.constant 32 : i32
    %scan3A_635 = arith.constant 0 : i32
    %scan3A_636 = arith.constant 32 : i32
    %scan3A_637 = arith.addi %scan3A_635, %scan3A_636 : i32
    %scan3A_638 = arith.constant 1 : i32
    scf.for %scan3A_640 = %scan3A_635 to %scan3A_637 step %scan3A_638  : i32 {
      %mul3A_641 = arith.constant 26 : i32
      %mul3A_642 = arith.muli %scan3A_640, %mul3A_641 : i32
      %add3A_643 = arith.constant 832 : i32
      %add3A_644 = arith.addi %add3A_643, %mul3A_642 : i32
      %add3A_645 = arith.addi %add3A_629, %scan3A_640 : i32
      %dma_wait3A_646 = arith.constant 0 : i32
      %dma_wait3A_647 = tpu.memref_slice %arg7[%add3A_644, %dma_wait3A_646] : memref<1664x64xf32, #tpu.memory_space<vmem>> -> memref<26x64xf32, #tpu.memory_space<vmem>>
      %dma_wait3A_648 = arith.constant 0 : i32
      %dma_wait3A_649 = arith.constant 0 : i32
      %dma_wait3A_650 = tpu.memref_slice %arg4[%add3A_645, %dma_wait3A_648, %dma_wait3A_649] : memref<16384x32x128xf32, #tpu.memory_space<hbm>> -> memref<1x26x64xf32, #tpu.memory_space<hbm>>
      %dma_wait3A_651 = tpu.memref_squeeze %dma_wait3A_650 : memref<1x26x64xf32, #tpu.memory_space<hbm>> -> memref<26x64xf32, #tpu.memory_space<hbm>>
      %dma_wait3A_652 = arith.constant 0 : i32
      %dma_wait3A_653 = arith.constant 0 : i32
      %dma_wait3A_654 = tpu.memref_slice %arg4[%add3A_645, %dma_wait3A_652, %dma_wait3A_653] : memref<16384x32x128xf32, #tpu.memory_space<hbm>> -> memref<1x26x64xf32, #tpu.memory_space<hbm>>
      %dma_wait3A_655 = tpu.memref_squeeze %dma_wait3A_654 : memref<1x26x64xf32, #tpu.memory_space<hbm>> -> memref<26x64xf32, #tpu.memory_space<hbm>>
      %dma_wait3A_656 = arith.constant 0 : i32
      %dma_wait3A_657 = tpu.memref_slice %arg7[%add3A_644, %dma_wait3A_656] : memref<1664x64xf32, #tpu.memory_space<vmem>> -> memref<26x64xf32, #tpu.memory_space<vmem>>
      tpu.wait_dma2 semaphore(%arg11 : memref<!tpu.dma_semaphore, #tpu.memory_space<semaphore_mem>>) src(%dma_wait3A_657 : memref<26x64xf32, #tpu.memory_space<vmem>>) dst(%dma_wait3A_655 : memref<26x64xf32, #tpu.memory_space<hbm>>)
    }
    %scan3A_639 = arith.constant 32 : i32
    return
  }
}

</mosaic_0001>

<sc_bundles>
// kernel: kernel.3.cloned.1.call-start
scs
__scs_entry_jumppad:
0x0: {  	(pc) =	sbr.rel $0x88, $3  }
0x1: {  	(tag) =	ssettag $0x0;
	lr =	simm.s32 $0x1  }
0x2: {  	[smem:$0x3F9F] =	sst lr;
	_ =	strace $0xD0000000  }
0x3: {  	_ = 	snop  }
0x4: {  	_ = 	snop  }
0x5: {  	_ = 	snop  }
0x6: {  	_ = 	snop  }
0x7: {  	_ = 	snop  }
__scs_overlays_trampoline_lowered:
0x8: {  	[smem:$0x3FAE] =	sst s0  }
0x9: {  	[smem:$0x3FAF] =	sst s1  }
0xa: {  	[smem:$0x3FB0] =	sst s2  }
0xb: {  	[smem:$0x3FB1] =	sst s3  }
0xc: {  	[smem:$0x3FB2] =	sst s4  }
0xd: {  	[smem:$0x3FB3] =	sst s5  }
0xe: {  	[smem:$0x3FB4] =	sst s6  }
0xf: {  	[smem:$0x3FB5] =	sst s7  }
0x10: {  	[smem:$0x3FB6] =	sst s8  }
0x11: {  	[smem:$0x3FB7] =	sst s9;
	s0 =	simm.s32 @!p0 $0x0  }
0x12: {  	s1 =	sld [smem:$0x3F9D];
	s0 =	simm.s32 @p0 $0x1  }
0x13: {  	[smem:$0x3FB8] =	sst s0;
	s0 =	simm.s32 @!p1 $0x0  }
0x14: {  	s2 =	sld [smem:$0x3F9C];
	s0 =	simm.s32 @p1 $0x1  }
0x15: {  	[smem:$0x3FB9] =	sst s0;
	s0 =	simm.s32 @!p2 $0x0  }
0x16: {  	s3 =	sld [smem:$0x3FDB];
	s0 =	simm.s32 @p2 $0x1  }
0x17: {  	s4 =	simm.s32 $0x1BF5;
	[smem:$0x3FBB] =	sst s0  }
0x18: {  	s0 =	sld [smem:$0x3F9E];
	_ =	swait.ge [sflag:s4], $0x0  }
0x19: {  	s7 =	sld [smem:$0x3F9F]  }
0x1a: {  	s8 =	sadd.s32 $0xFFFFE003, lr  }
0x1b: {  	s9 =	sadd.s32 $0xFFFFFEF7, lr;
	s5 =	simm.s32 $0xFFFFFFFF;
	p2 =	slt.u32 s8, $0xFFFFF086  }
0x1c: {  	p1 =	slt.u32 s9, $0xF7A;
	s5 =	simm.s32 @!p2 $0x0  }
0x1d: {  	s5 =	simm.s32 @p1 $0x1;
	p0 =	seq.s32 s7, s2  }
0x1e: {  	s7 =	smul.u32 @!p0 $0xF7A, s2;
	p2 =	seq.s32 @!p0 s5, $0x0  }
0x1f: {  	s9 =	smul.u32 $0xF7A, s1;
	s8 =	simm.s32 @!p0 $0x1BF5;
	p2 =	por !p2, p0  }
0x20: {  	[sflag:s8] =	ssyncset.s32 @!p0 $0xFFFFF086;
	s6 =	sadd.s32 @!p0 s3, s7;
	s7 =	simm.s32 @!p0 $0x108  }
0x21: {  	s3 =	sadd.s32 s3, s9;
	s6 =	sadd.s32 @!p0 $0x88, s6;
	s7 =	simm.s32 @p2 $0x1082  }
0x22: {  	[simem:s7], [sflag:s8] =	dma.local @!p0 [hbm:s6], $0xF7A  }
0x23: {  	s9 =	sor.u32 $0xD0000000, s2;
	s6 =	simm.s32 $0x108;
	_ =	swait.ge @!p0 [sflag:s8], $0x0  }
0x24: {  	s3 =	sadd.s32 $0x88, s3;
	s6 =	simm.s32 @!p1 $0x1082;
	[sflag:s4] =	ssyncset.s32 $0xFFFFF086  }
0x25: {  	[simem:s6], [sflag:s4] =	dma.local [hbm:s3], $0xF7A  }
0x26: {  	[smem:$0x3F9F] =	sst s1;
	(tag) =	ssettag s2;
	_ =	strace s9  }
0x27: {  	s1 =	sld [smem:$0x3FAF]  }
0x28: {  	s2 =	sld [smem:$0x3FB0]  }
0x29: {  	s4 =	sld [smem:$0x3FB2]  }
0x2a: {  	p0 =	seq.s32 s5, $0x0;
	s5 =	sld [smem:$0x3FB3]  }
0x2b: {  	s6 =	sld [smem:$0x3FB4]  }
0x2c: {  	s7 =	sld [smem:$0x3FB5]  }
0x2d: {  	s3 =	simm.s32 $0x108;
	s8 =	sld [smem:$0x3FB6]  }
0x2e: {  	s3 =	simm.s32 @!p0 $0x1082;
	s9 =	sld [smem:$0x3FB7]  }
0x2f: {  	lr =	sadd.s32 s0, s3;
	s0 =	sld [smem:$0x3FAE]  }
0x30: {  	s3 =	sld [smem:$0x3FB1]  }
0x31: {  	[smem:$0x3FBA] =	sst s10  }
0x32: {  	s10 =	sld [smem:$0x3FB8];
	_ =	sdelay $0x3  }
0x33: {  	p0 =	seq.s32 s10, $0x1;
	s10 =	sld [smem:$0x3FBA];
	_ =	sdelay $0x3  }
0x34: {  	[smem:$0x3FBA] =	sst s10  }
0x35: {  	s10 =	sld [smem:$0x3FB9];
	_ =	sdelay $0x3  }
0x36: {  	p1 =	seq.s32 s10, $0x1;
	s10 =	sld [smem:$0x3FBA];
	_ =	sdelay $0x3  }
0x37: {  	[smem:$0x3FBA] =	sst s10  }
0x38: {  	s10 =	sld [smem:$0x3FBB]  }
0x39: {  	_ = 	snop;
	(pc) =	sbr.ind lr, $3  }
0x3a: {  	_ = 	snop  }
0x3b: {  	_ = 	snop  }
0x3c: {  	p2 =	seq.s32 s10, $0x1;
	s10 =	sld [smem:$0x3FBA]  }
0x3d: {  	_ =	shalt  }
0x3e: {  	_ =	shalt  }
0x3f: {  	_ =	shalt  }
0x40: {  	_ =	shalt  }
0x41: {  	_ =	shalt  }
0x42: {  	_ =	shalt  }
0x43: {  	_ =	shalt  }
0x44: {  	_ =	shalt  }
0x45: {  	_ =	shalt  }
0x46: {  	_ =	shalt  }
0x47: {  	_ =	shalt  }
0x48: {  	_ =	shalt  }
0x49: {  	_ =	shalt  }
0x4a: {  	_ =	shalt  }
0x4b: {  	_ =	shalt  }
0x4c: {  	_ =	shalt  }
0x4d: {  	_ =	shalt  }
0x4e: {  	_ =	shalt  }
0x4f: {  	_ =	shalt  }
0x50: {  	_ =	shalt  }
0x51: {  	_ =	shalt  }
0x52: {  	_ =	shalt  }
0x53: {  	_ =	shalt  }
0x54: {  	_ =	shalt  }
0x55: {  	_ =	shalt  }
0x56: {  	_ =	shalt  }
0x57: {  	_ =	shalt  }
0x58: {  	_ =	shalt  }
0x59: {  	_ =	shalt  }
0x5a: {  	_ =	shalt  }
0x5b: {  	_ =	shalt  }
0x5c: {  	_ =	shalt  }
0x5d: {  	_ =	shalt  }
0x5e: {  	_ =	shalt  }
0x5f: {  	_ =	shalt  }
0x60: {  	_ =	shalt  }
0x61: {  	_ =	shalt  }
0x62: {  	_ =	shalt  }
0x63: {  	_ =	shalt  }
0x64: {  	_ =	shalt  }
0x65: {  	_ =	shalt  }
0x66: {  	_ =	shalt  }
0x67: {  	_ =	shalt  }
0x68: {  	_ =	shalt  }
0x69: {  	_ =	shalt  }
0x6a: {  	_ =	shalt  }
0x6b: {  	_ =	shalt  }
0x6c: {  	_ =	shalt  }
0x6d: {  	_ =	shalt  }
0x6e: {  	_ =	shalt  }
0x6f: {  	_ =	shalt  }
0x70: {  	_ =	shalt  }
0x71: {  	_ =	shalt  }
0x72: {  	_ =	shalt  }
0x73: {  	_ =	shalt  }
0x74: {  	_ =	shalt  }
0x75: {  	_ =	shalt  }
0x76: {  	_ =	shalt  }
0x77: {  	_ =	shalt  }
0x78: {  	_ =	shalt  }
0x79: {  	_ =	shalt  }
0x7a: {  	_ =	shalt  }
0x7b: {  	_ =	shalt  }
0x7c: {  	_ =	shalt  }
0x7d: {  	_ =	shalt  }
0x7e: {  	_ =	shalt  }
0x7f: {  	_ =	shalt  }
0x80: {  	_ =	shalt  }
0x81: {  	_ =	shalt  }
0x82: {  	_ =	shalt  }
0x83: {  	_ =	shalt  }
0x84: {  	_ =	shalt  }
0x85: {  	_ =	shalt  }
0x86: {  	_ =	shalt  }
0x87: {  	_ =	shalt  }
.Lfunc_end0:
.L_simem_size_0:
called_computation.1_lowered:
.L_overlay_start_0:
0x88: {  	s2 =	sld [smem:$0x3FD9]  }
0x89: {  	s3 =	sld [smem:$0x3FFE];
	_ =	sdelay $0x1  }
0x8a: {  	s1 =	srdreg.scid  }
0x8b: {  	s0 =	sand.u32 $0x1, s1  }
0x8c: {  	s17 =	sshll.u32 s0, $0xA;
	s2 =	sadd.s32 s3, s2  }
0x8d: {  	s2 =	sadd.s32 s2, s17  }
0x8e: {  	[smem:$0x3FC6] =	sst s2  }
0x8f: {  	_ = 	snop  }
0x90: {  	s2 =	sld [smem:$0x3FD0];
	(tm) =	ssettm $0x1  }
0x91: {  	s18 =	sld [smem:$0x3FFB];
	_ =	sdelay $0x3  }
0x92: {  	_ =	strace s18  }
0x93: {  	s3 =	sld [smem:$0x3FFC];
	_ =	sdelay $0x3  }
0x94: {  	_ =	strace s3  }
0x95: {  	s3 =	sld [smem:$0x3FFD];
	_ =	sdelay $0x3  }
0x96: {  	_ =	strace s3  }
0x97: {  	_ =	strace $0x8FFFFFFF  }
0x98: {  	s19 =	sld [smem:$0x3FDB];
	_ =	sdelay $0x1  }
0x99: {  	s4 =	simm.s32 $_scs_section_size  }
0x9a: {  	s5 =	simm.s32 $_size__tile_overlayer_lowered;
	s6 =	simm.s32 $_tile_overlayer_lowered  }
0x9b: {  	s22 =	simm.s32 $0x1BFF;
	s21 =	sshll.u32 s6, $0x1;
	s3 =	sadd.s32 s4, s19  }
0x9c: {  	s7 =	simm.s32 $0x0;
	s20 =	sshll.u32 s5, $0x1;
	s5 =	sadd.s32 s21, s3  }
0x9d: {  	[timem:s7], [sflag:s22] =	dma.local [hbm:s5], s20  }
0x9e: {  	_ =	swait.ge [sflag:s22], s20  }
0x9f: {  	s4 =	ssub.s32 $0x0, s20;
	[sflag:s22] =	ssyncset.done $0x0  }
0xa0: {  	[sflag:s22] =	ssyncadd.s32 s4;
	_ =	sdelay $0x1  }
0xa1: {  	s23 =	simm.s32 $0x1B8B  }
0xa2: {  	_ =	swait.ge [sflag:s23], $0x1  }
0xa3: {  	[sflag:s23] =	ssyncset.done $0x0  }
0xa4: {  	s25 =	simm.s32 $0x1B8E;
	s24 =	sld [smem:$0x3FFE];
	[sflag:s23] =	ssyncadd.s32 $0xFFFFFFFF  }
0xa5: {  	s26 =	simm.s32 $execute0_lowered;
	[smem:$0x3FD2] =	sst s25  }
0xa6: {  	s5 =	sshll.u32 s26, $0x1;
	_ =	strace $0x80000046;
	[dreg:$0x1] =	wrdreg $0xFFFFFFFF  }
0xa7: {  	s28 =	simm.s32 $_size_execute0_lowered;
	s3 =	sadd.s32 s3, s5;
	[dreg:$0x0] =	wrdreg $0x0  }
0xa8: {  	s5 =	sshll.u32 s28, $0x1;
	[dreg:$0x2] =	wrdreg s3  }
0xa9: {  	[dreg:$0x3] =	wrdreg s5  }
0xaa: {  	[dreg:$0x4] =	wrdreg $0xC0  }
0xab: {  	_ =	task [dreg:s7], $0x5FFFF  }
0xac: {  	[dreg:$0x1] =	wrdreg $0xFFFFFFFF  }
0xad: {  	[dreg:$0x0] =	wrdreg $0x60  }
0xae: {  	[dreg:$0x2] =	wrdreg s2  }
0xaf: {  	[dreg:$0x3] =	wrdreg s24  }
0xb0: {  	[dreg:$0x4] =	wrdreg $0x9  }
0xb1: {  	_ =	task.clear_ibuf [dreg:s7], $0x5FFFF;
	_ =	strace $0x90000046  }
0xb2: {  	s29 =	simm.s32 $0x9;
	_ =	strace $0x80000048  }
0xb3: {  	_ =	swait.ge [sflag:s29], $0x1  }
0xb4: {  	[sflag:s29] =	ssyncadd.s32 $0xFFFFFFFF  }
0xb5: {  	_ =	strace $0x90000048  }
0xb6: {  	_ =	sfence  }
0xb7: {  	s30 =	sld [smem:$0x0];
	_ =	sdelay $0x2  }
0xb8: {  	s31 =	sshll.u32 s1, $0xD;
	s1 =	sshrl.u32 s1, $0x2  }
0xb9: {  	s3 =	sand.u32 $0x4000, s31;
	s1 =	sadd.s32 s1, s30  }
0xba: {  	s0 =	sor.u32 s3, s0;
	s1 =	sshll.u32 s1, $0x11  }
0xbb: {  	s0 =	sor.u32 s1, s0  }
0xbc: {  	s0 =	sadd.s32 $0x8F2B, s0  }
0xbd: {  	[sflag:s0] =	ssyncadd.remote.s32 $0x1  }
0xbe: {  	_ =	sfence.sel $0xFFFF  }
0xbf: {  	[dreg:$0x0] =	wrdreg $0xFFFFFFFF;
	(pc) =	sbr.abs _section_cstart, $3  }
0xc0: {  	[dreg:$0x1] =	wrdreg $0xFFFFFFFF  }
0xc1: {  	_ =	task.clear_ibuf [dreg:s7], $0x2FFFF;
	_ =	strace $0x9FFFFFFF  }
0xc2: {  	(tm) =	ssettm $0x7FFFFFFF  }
0xc3: {  	_ =	shalt  }
tec
execute0_lowered:
.L_overlay_start_1:
0x0: {  	(tag) =	ssettag $0x1  }
0x1: {  	s0 =	rddreg [dreg:$0x0]  }
0x2: {  	s1 =	rddreg [dreg:$0x1]  }
0x3: {  	s3 =	simm.s32 $0x0;
	s2 =	srdreg.scid;
	s7 =	stileid.u32  }
0x4: {  	s28 =	simm.s32 $0x340;
	[smem:$0x7FF] =	sst s3;
	s2 =	sand.u32 $0x1, s2  }
0x5: {  	s4 =	sshll.u32 s7, $0xC;
	s3 =	sadd.s32 $0xF42E00, s1;
	s25 =	sshll.u32 s7, $0x13  }
0x6: {  	_ =	strace $0x80000047;
	s5 =	sshll.u32 s2, $0xB;
	s6 =	ssub.s32 $0x2, s2  }
0x7: {  	s2 =	sshll.u32 s2, $0x12;
	s5 =	sor.u32 s5, s4;
	s4 =	sadd.s32 $0xA00, s1  }
0x8: {  	s20 =	sshrl.u32 s6, $0x1;
	s1 =	sor.u32 s2, s25;
	s5 =	sadd.s32 s0, s5  }
0x9: {  	s21 =	ssub.s32 s6, s20;
	s26 =	sadd.s32 s25, s4;
	s11 =	sor.u32 $0x4000, s1  }
0xa: {  	s12 =	sor.u32 $0x8000, s1;
	s13 =	sor.u32 $0xC000, s1;
	s14 =	sor.u32 $0x10000, s1  }
0xb: {  	s15 =	sor.u32 $0x14000, s1;
	s22 =	sadd.s32 $0x80, s5;
	[dreg:$0x3] =	wrdreg s5  }
0xc: {  	s16 =	sor.u32 $0x18000, s1;
	s23 =	sadd.s32 $0x100, s5;
	[dreg:$0x4] =	wrdreg s22  }
0xd: {  	s17 =	sor.u32 $0x1C000, s1;
	s24 =	sadd.s32 $0x180, s5;
	[dreg:$0x5] =	wrdreg s23  }
0xe: {  	s18 =	sor.u32 $0x20000, s1;
	s0 =	smax.u32 s21, $0x1;
	[dreg:$0x6] =	wrdreg s24  }
0xf: {  	s19 =	sor.u32 $0x24000, s1;
	s30 =	sadd.s32 $0x200, s5;
	[dreg:$0x7] =	wrdreg s0  }
0x10: {  	s20 =	sor.u32 $0x28000, s1;
	s31 =	sadd.s32 $0x280, s5;
	[dreg:$0x8] =	wrdreg s30  }
0x11: {  	s10 =	sadd.s32 s2, s26;
	s2 =	sadd.s32 $0x380, s5;
	[dreg:$0x9] =	wrdreg s31  }
0x12: {  	s29 =	sadd.s32 s1, s4;
	s6 =	sadd.s32 $0x400, s5;
	[dreg:$0xb] =	wrdreg s2  }
0x13: {  	s21 =	sor.u32 $0x2C000, s1;
	s7 =	sadd.s32 $0x480, s5;
	[dreg:$0xc] =	wrdreg s6  }
0x14: {  	s25 =	sadd.s32 $0x3C000, s29;
	s8 =	sadd.s32 $0x500, s5;
	[dreg:$0xd] =	wrdreg s7  }
0x15: {  	s9 =	sadd.s32 $0x580, s5;
	s26 =	sadd.s32 $0x600, s5;
	[dreg:$0xe] =	wrdreg s8  }
0x16: {  	s29 =	sadd.s32 $0x680, s5;
	s22 =	sor.u32 $0x30000, s1;
	[dreg:$0xf] =	wrdreg s9  }
0x17: {  	s23 =	sor.u32 $0x34000, s1;
	s24 =	sor.u32 $0x38000, s1;
	[dreg:$0x10] =	wrdreg s26  }
0x18: {  	s1 =	sadd.s32 $0x300, s5;
	[dreg:$0x11] =	wrdreg s29;
	s30 =	sadd.s32 $0x700, s5  }
0x19: {  	s31 =	sadd.s32 $0x780, s5;
	s26 =	simm.s32 $0x5;
	s2 =	simm.s32 $0x40  }
0x1a: {  	s6 =	simm.s32 $0x80;
	s7 =	simm.s32 $0x3;
	[dreg:$0xa] =	wrdreg s1  }
0x1b: {  	s8 =	simm.s32 $0x2;
	s9 =	simm.s32 $0x4;
	[dreg:$0x12] =	wrdreg s30  }
0x1c: {  	s5 =	simm.s32 $0x0;
	[dreg:$0x13] =	wrdreg s31;
	s1 =	simm.s32 $0x1  }
.LBB2_1:
0x1d: {  	s0 =	simm.s32 $0x0;
	s29 =	rddreg [dreg:$0x3]  }
0x1e: {  	[tilespmem:s0], [sflag:$0x5] =	stream.linear.gather [hbm4b:s29+s0], $0x400, $0x38;
	[tilespmem:$0x1AA80] =	vst v63  }
0x1f: {  	_ =	swait.ge [sflag:s26], $0x400  }
0x20: {  	[sflag:s26] =	ssyncset.done $0x0  }
0x21: {  	[sflag:s26] =	ssyncadd.s32 $0xFFFFFC00  }
0x22: {  	s30 =	simm.s32 $0x68;
	s31 =	simm.s32 $0x0;
	s29 =	simm.s32 $0x0;
	v0 =	vld [tilespmem:s0+$0x0]  }
.LBB2_2:
0x23: {  	p0 =	sne.s32 s30, $0xC98;
	_ =	sdelay $0x2  }
0x24: {  	s0 =	sshra.s32 s31, $0x2;
	s31 =	smov.u32 s30  }
0x25: {  	[tilespmem:s0+$0x400] =	vst v0  }
0x26: {  	v0 =	vld [tilespmem:s29+$0xA];
	_ =	sdelay $0x1  }
.Ltmp0:
0x27: {  	(pc) =	sbr.rel @p0 .LBB2_2-.Ltmp0, $3  }
0x28: {  	_ =	sdelay $0x1  }
0x29: {  	s29 =	sadd.s32 $0x20, s29;
	[tilespmem:s0+$0x40A] =	vst v0  }
0x2a: {  	s30 =	sadd.s32 $0x68, s30;
	v0 =	vld [tilespmem:s29+$0x0]  }
0x2b: {  	_ =	sdelay $0x2  }
0x2c: {  	s0 =	sshra.s32 s31, $0x2  }
0x2d: {  	[tilespmem:s0+$0x400] =	vst v0  }
0x2e: {  	v0 =	vld [tilespmem:s29+$0xA];
	_ =	sdelay $0x4  }
0x2f: {  	s29 =	simm.s32 $0xA80;
	[tilespmem:s0+$0x40A] =	vst v0;
	s0 =	simm.s32 $0x400  }
0x30: {  	[tilespmem:s29], [sflag:$0x1] =	stream.indirect.gather [hbm4b:s3+s28], $0x40, s0, s28, $0xb8;
	[tilespmem:$0x1AA80] =	vst v63  }
0x31: {  	s29 =	simm.s32 $0x0;
	s0 =	rddreg [dreg:$0x4]  }
0x32: {  	[tilespmem:s29], [sflag:$0x5] =	stream.linear.gather [hbm4b:s0+s29], $0x400, $0x38;
	[tilespmem:$0x1AA80] =	vst v63  }
0x33: {  	_ =	swait.ge [sflag:s26], $0x400  }
0x34: {  	[sflag:s26] =	ssyncset.done $0x0  }
0x35: {  	[sflag:s26] =	ssyncadd.s32 $0xFFFFFC00  }
0x36: {  	s30 =	simm.s32 $0xA;
	s31 =	simm.s32 $0x24;
	v0 =	vld [tilespmem:s29+$0x0]  }
.LBB2_4:
0x37: {  	p0 =	sne.s32 s31, $0x330;
	_ =	sdelay $0x1  }
0x38: {  	s0 =	sadd.s32 $0xFFFFFFF6, s30  }
0x39: {  	s0 =	sand.u32 $0x3FE, s0  }
0x3a: {  	[tilespmem:s0+$0x740] =	vst v0  }
0x3b: {  	v0 =	vld [tilespmem:s29+$0xA];
	_ =	sdelay $0x1  }
.Ltmp1:
0x3c: {  	(pc) =	sbr.rel @p0 .LBB2_4-.Ltmp1, $4  }
0x3d: {  	_ = 	snop  }
0x3e: {  	s0 =	sand.u32 $0x7FE, s30;
	s30 =	smov.u32 s31  }
0x3f: {  	s29 =	sadd.s32 $0x20, s29;
	[tilespmem:s0+$0x740] =	vst v0  }
0x40: {  	s31 =	sadd.s32 $0x1A, s31;
	v0 =	vld [tilespmem:s29+$0x0]  }
0x41: {  	_ =	sdelay $0x1  }
0x42: {  	s0 =	sadd.s32 $0xFFFFFFF6, s30  }
0x43: {  	s0 =	sand.u32 $0x3FE, s0  }
0x44: {  	[tilespmem:s0+$0x740] =	vst v0  }
0x45: {  	v0 =	vld [tilespmem:s29+$0xA];
	_ =	sdelay $0x3  }
0x46: {  	s0 =	sand.u32 $0x7FE, s30  }
0x47: {  	s29 =	simm.s32 $0xDA80;
	[tilespmem:s0+$0x740] =	vst v0;
	s0 =	simm.s32 $0x740  }
0x48: {  	[tilespmem:s29], [sflag:$0x2] =	stream.indirect.gather [hbm4b:s3+s28], $0x40, s0, s28, $0xb8;
	[tilespmem:$0x1AA80] =	vst v63  }
0x49: {  	_ =	swait.ge [sflag:s1], $0xD000  }
0x4a: {  	s31 =	simm.s32 $0x1100;
	s30 =	simm.s32 $0x200;
	[sflag:s1] =	ssyncset.done $0x0  }
0x4b: {  	s29 =	simm.s32 $0xA80;
	s0 =	sadd.s32 $0x0, s10;
	[sflag:s1] =	ssyncadd.s32 $0xFFFF3000  }
.LBB2_6:
0x4c: {  	[hbm4b:s0+s2] =	stream.strided.scatter [tilespmem:s29], [sflag:$0x3], $0x680, s6, s2, $0x38;
	[tilespmem:$0x1AA80] =	vst v63  }
0x4d: {  	s0 =	smov.u32 s30;
	s29 =	smov.u32 s31;
	p0 =	sne.s32 s30, $0x3E00  }
.Ltmp2:
0x4e: {  	s30 =	sadd.s32 $0x200, s30;
	(pc) =	sbr.rel @p0 .LBB2_6-.Ltmp2, $2  }
0x4f: {  	_ =	sdelay $0x2  }
0x50: {  	s31 =	sadd.s32 $0x680, s31;
	s0 =	sadd.s32 s0, s10  }
0x51: {  	[hbm4b:s0+s2] =	stream.strided.scatter [tilespmem:s29], [sflag:$0x3], $0x680, s6, s2, $0x38;
	[tilespmem:$0x1AA80] =	vst v63  }
0x52: {  	_ =	swait.ge [sflag:s7], $0x680  }
0x53: {  	[sflag:s7] =	ssyncset.done $0x0  }
0x54: {  	[sflag:s7] =	ssyncadd.s32 $0xFFFFF980  }
0x55: {  	_ =	swait.ge [sflag:s7], $0x680  }
0x56: {  	[sflag:s7] =	ssyncset.done $0x0  }
0x57: {  	[sflag:s7] =	ssyncadd.s32 $0xFFFFF980  }
0x58: {  	_ =	swait.ge [sflag:s7], $0x680  }
0x59: {  	[sflag:s7] =	ssyncset.done $0x0  }
0x5a: {  	[sflag:s7] =	ssyncadd.s32 $0xFFFFF980  }
0x5b: {  	_ =	swait.ge [sflag:s7], $0x680  }
0x5c: {  	[sflag:s7] =	ssyncset.done $0x0  }
0x5d: {  	[sflag:s7] =	ssyncadd.s32 $0xFFFFF980  }
0x5e: {  	_ =	swait.ge [sflag:s7], $0x680  }
0x5f: {  	[sflag:s7] =	ssyncset.done $0x0  }
0x60: {  	[sflag:s7] =	ssyncadd.s32 $0xFFFFF980  }
0x61: {  	_ =	swait.ge [sflag:s7], $0x680  }
0x62: {  	[sflag:s7] =	ssyncset.done $0x0  }
0x63: {  	[sflag:s7] =	ssyncadd.s32 $0xFFFFF980  }
0x64: {  	_ =	swait.ge [sflag:s7], $0x680  }
0x65: {  	[sflag:s7] =	ssyncset.done $0x0  }
0x66: {  	[sflag:s7] =	ssyncadd.s32 $0xFFFFF980  }
0x67: {  	_ =	swait.ge [sflag:s7], $0x680  }
0x68: {  	[sflag:s7] =	ssyncset.done $0x0  }
0x69: {  	[sflag:s7] =	ssyncadd.s32 $0xFFFFF980  }
0x6a: {  	_ =	swait.ge [sflag:s7], $0x680  }
0x6b: {  	[sflag:s7] =	ssyncset.done $0x0  }
0x6c: {  	[sflag:s7] =	ssyncadd.s32 $0xFFFFF980  }
0x6d: {  	_ =	swait.ge [sflag:s7], $0x680  }
0x6e: {  	[sflag:s7] =	ssyncset.done $0x0  }
0x6f: {  	[sflag:s7] =	ssyncadd.s32 $0xFFFFF980  }
0x70: {  	_ =	swait.ge [sflag:s7], $0x680  }
0x71: {  	[sflag:s7] =	ssyncset.done $0x0  }
0x72: {  	[sflag:s7] =	ssyncadd.s32 $0xFFFFF980  }
0x73: {  	_ =	swait.ge [sflag:s7], $0x680  }
0x74: {  	[sflag:s7] =	ssyncset.done $0x0  }
0x75: {  	[sflag:s7] =	ssyncadd.s32 $0xFFFFF980  }
0x76: {  	_ =	swait.ge [sflag:s7], $0x680  }
0x77: {  	[sflag:s7] =	ssyncset.done $0x0  }
0x78: {  	[sflag:s7] =	ssyncadd.s32 $0xFFFFF980  }
0x79: {  	_ =	swait.ge [sflag:s7], $0x680  }
0x7a: {  	[sflag:s7] =	ssyncset.done $0x0  }
0x7b: {  	[sflag:s7] =	ssyncadd.s32 $0xFFFFF980  }
0x7c: {  	_ =	swait.ge [sflag:s7], $0x680  }
0x7d: {  	[sflag:s7] =	ssyncset.done $0x0  }
0x7e: {  	[sflag:s7] =	ssyncadd.s32 $0xFFFFF980  }
0x7f: {  	_ =	swait.ge [sflag:s7], $0x680  }
0x80: {  	[sflag:s7] =	ssyncset.done $0x0  }
0x81: {  	[sflag:s7] =	ssyncadd.s32 $0xFFFFF980  }
0x82: {  	_ =	swait.ge [sflag:s7], $0x680  }
0x83: {  	[sflag:s7] =	ssyncset.done $0x0  }
0x84: {  	[sflag:s7] =	ssyncadd.s32 $0xFFFFF980  }
0x85: {  	_ =	swait.ge [sflag:s7], $0x680  }
0x86: {  	[sflag:s7] =	ssyncset.done $0x0  }
0x87: {  	[sflag:s7] =	ssyncadd.s32 $0xFFFFF980  }
0x88: {  	_ =	swait.ge [sflag:s7], $0x680  }
0x89: {  	[sflag:s7] =	ssyncset.done $0x0  }
0x8a: {  	[sflag:s7] =	ssyncadd.s32 $0xFFFFF980  }
0x8b: {  	_ =	swait.ge [sflag:s7], $0x680  }
0x8c: {  	[sflag:s7] =	ssyncset.done $0x0  }
0x8d: {  	[sflag:s7] =	ssyncadd.s32 $0xFFFFF980  }
0x8e: {  	_ =	swait.ge [sflag:s7], $0x680  }
0x8f: {  	[sflag:s7] =	ssyncset.done $0x0  }
0x90: {  	[sflag:s7] =	ssyncadd.s32 $0xFFFFF980  }
0x91: {  	_ =	swait.ge [sflag:s7], $0x680  }
0x92: {  	[sflag:s7] =	ssyncset.done $0x0  }
0x93: {  	[sflag:s7] =	ssyncadd.s32 $0xFFFFF980  }
0x94: {  	_ =	swait.ge [sflag:s7], $0x680  }
0x95: {  	[sflag:s7] =	ssyncset.done $0x0  }
0x96: {  	[sflag:s7] =	ssyncadd.s32 $0xFFFFF980  }
0x97: {  	_ =	swait.ge [sflag:s7], $0x680  }
0x98: {  	[sflag:s7] =	ssyncset.done $0x0  }
0x99: {  	[sflag:s7] =	ssyncadd.s32 $0xFFFFF980  }
0x9a: {  	_ =	swait.ge [sflag:s7], $0x680  }
0x9b: {  	[sflag:s7] =	ssyncset.done $0x0  }
0x9c: {  	[sflag:s7] =	ssyncadd.s32 $0xFFFFF980  }
0x9d: {  	_ =	swait.ge [sflag:s7], $0x680  }
0x9e: {  	[sflag:s7] =	ssyncset.done $0x0  }
0x9f: {  	[sflag:s7] =	ssyncadd.s32 $0xFFFFF980  }
0xa0: {  	_ =	swait.ge [sflag:s7], $0x680  }
0xa1: {  	[sflag:s7] =	ssyncset.done $0x0  }
0xa2: {  	[sflag:s7] =	ssyncadd.s32 $0xFFFFF980  }
0xa3: {  	_ =	swait.ge [sflag:s7], $0x680  }
0xa4: {  	[sflag:s7] =	ssyncset.done $0x0  }
0xa5: {  	[sflag:s7] =	ssyncadd.s32 $0xFFFFF980  }
0xa6: {  	_ =	swait.ge [sflag:s7], $0x680  }
0xa7: {  	[sflag:s7] =	ssyncset.done $0x0  }
0xa8: {  	[sflag:s7] =	ssyncadd.s32 $0xFFFFF980  }
0xa9: {  	_ =	swait.ge [sflag:s7], $0x680  }
0xaa: {  	[sflag:s7] =	ssyncset.done $0x0  }
0xab: {  	[sflag:s7] =	ssyncadd.s32 $0xFFFFF980  }
0xac: {  	_ =	swait.ge [sflag:s7], $0x680  }
0xad: {  	[sflag:s7] =	ssyncset.done $0x0  }
0xae: {  	[sflag:s7] =	ssyncadd.s32 $0xFFFFF980  }
0xaf: {  	_ =	swait.ge [sflag:s7], $0x680  }
0xb0: {  	[sflag:s7] =	ssyncset.done $0x0  }
0xb1: {  	s29 =	simm.s32 $0x0;
	s0 =	rddreg [dreg:$0x5];
	[sflag:s7] =	ssyncadd.s32 $0xFFFFF980  }
0xb2: {  	[tilespmem:s29], [sflag:$0x5] =	stream.linear.gather [hbm4b:s0+s29], $0x400, $0x38;
	[tilespmem:$0x1AA80] =	vst v63  }
0xb3: {  	_ =	swait.ge [sflag:s26], $0x400  }
0xb4: {  	[sflag:s26] =	ssyncset.done $0x0  }
0xb5: {  	[sflag:s26] =	ssyncadd.s32 $0xFFFFFC00  }
0xb6: {  	s31 =	simm.s32 $0x68;
	s30 =	simm.s32 $0x0;
	v0 =	vld [tilespmem:s29+$0x0]  }
.LBB2_8:
0xb7: {  	p0 =	sne.s32 s31, $0xC98;
	_ =	sdelay $0x2  }
0xb8: {  	s0 =	sshra.s32 s29, $0x2;
	s29 =	smov.u32 s31  }
0xb9: {  	[tilespmem:s0+$0x400] =	vst v0  }
0xba: {  	v0 =	vld [tilespmem:s30+$0xA];
	_ =	sdelay $0x1  }
.Ltmp3:
0xbb: {  	(pc) =	sbr.rel @p0 .LBB2_8-.Ltmp3, $3  }
0xbc: {  	_ =	sdelay $0x1  }
0xbd: {  	s30 =	sadd.s32 $0x20, s30;
	[tilespmem:s0+$0x40A] =	vst v0  }
0xbe: {  	s31 =	sadd.s32 $0x68, s31;
	v0 =	vld [tilespmem:s30+$0x0]  }
0xbf: {  	_ =	sdelay $0x2  }
0xc0: {  	s0 =	sshra.s32 s29, $0x2  }
0xc1: {  	[tilespmem:s0+$0x400] =	vst v0  }
0xc2: {  	v0 =	vld [tilespmem:s30+$0xA];
	_ =	sdelay $0x4  }
0xc3: {  	s31 =	simm.s32 $0x400;
	s29 =	simm.s32 $0xA80;
	[tilespmem:s0+$0x40A] =	vst v0  }
0xc4: {  	[tilespmem:s29], [sflag:$0x1] =	stream.indirect.gather [hbm4b:s3+s28], $0x40, s31, s28, $0xb8;
	[tilespmem:$0x1AA80] =	vst v63  }
0xc5: {  	s31 =	sadd.s32 $0x0, s11;
	_ =	swait.ge [sflag:s8], $0xD000  }
0xc6: {  	s30 =	simm.s32 $0x200;
	s0 =	sand.u32 $0x1FFC7E00, s31;
	[sflag:s8] =	ssyncset.done $0x0  }
0xc7: {  	s29 =	simm.s32 $0xDA80;
	s0 =	sadd.s32 s4, s0;
	[sflag:s8] =	ssyncadd.s32 $0xFFFF3000  }
0xc8: {  	[hbm4b:s0+s2] =	stream.strided.scatter [tilespmem:s29], [sflag:$0x4], $0x680, s6, s2, $0x38;
	[tilespmem:$0x1AA80] =	vst v63  }
.LBB2_10:
0xc9: {  	p0 =	sne.s32 s30, $0x3E00  }
.Ltmp4:
0xca: {  	_ = 	snop;
	(pc) =	sbr.rel @p0 .LBB2_10-.Ltmp4, $4  }
0xcb: {  	s0 =	sadd.s32 s30, s11  }
0xcc: {  	s0 =	sand.u32 $0x1FFC7E00, s0  }
0xcd: {  	s30 =	sadd.s32 $0x200, s30;
	s29 =	sadd.s32 $0x680, s29;
	s0 =	sadd.s32 s4, s0  }
0xce: {  	[hbm4b:s0+s2] =	stream.strided.scatter [tilespmem:s29], [sflag:$0x4], $0x680, s6, s2, $0x38;
	[tilespmem:$0x1AA80] =	vst v63  }
0xcf: {  	_ =	swait.ge [sflag:s9], $0x680  }
0xd0: {  	[sflag:s9] =	ssyncset.done $0x0  }
0xd1: {  	[sflag:s9] =	ssyncadd.s32 $0xFFFFF980  }
0xd2: {  	_ =	swait.ge [sflag:s9], $0x680  }
0xd3: {  	[sflag:s9] =	ssyncset.done $0x0  }
0xd4: {  	[sflag:s9] =	ssyncadd.s32 $0xFFFFF980  }
0xd5: {  	_ =	swait.ge [sflag:s9], $0x680  }
0xd6: {  	[sflag:s9] =	ssyncset.done $0x0  }
0xd7: {  	[sflag:s9] =	ssyncadd.s32 $0xFFFFF980  }
0xd8: {  	_ =	swait.ge [sflag:s9], $0x680  }
0xd9: {  	[sflag:s9] =	ssyncset.done $0x0  }
0xda: {  	[sflag:s9] =	ssyncadd.s32 $0xFFFFF980  }
0xdb: {  	_ =	swait.ge [sflag:s9], $0x680  }
0xdc: {  	[sflag:s9] =	ssyncset.done $0x0  }
0xdd: {  	[sflag:s9] =	ssyncadd.s32 $0xFFFFF980  }
0xde: {  	_ =	swait.ge [sflag:s9], $0x680  }
0xdf: {  	[sflag:s9] =	ssyncset.done $0x0  }
0xe0: {  	[sflag:s9] =	ssyncadd.s32 $0xFFFFF980  }
0xe1: {  	_ =	swait.ge [sflag:s9], $0x680  }
0xe2: {  	[sflag:s9] =	ssyncset.done $0x0  }
0xe3: {  	[sflag:s9] =	ssyncadd.s32 $0xFFFFF980  }
0xe4: {  	_ =	swait.ge [sflag:s9], $0x680  }
0xe5: {  	[sflag:s9] =	ssyncset.done $0x0  }
0xe6: {  	[sflag:s9] =	ssyncadd.s32 $0xFFFFF980  }
0xe7: {  	_ =	swait.ge [sflag:s9], $0x680  }
0xe8: {  	[sflag:s9] =	ssyncset.done $0x0  }
0xe9: {  	[sflag:s9] =	ssyncadd.s32 $0xFFFFF980  }
0xea: {  	_ =	swait.ge [sflag:s9], $0x680  }
0xeb: {  	[sflag:s9] =	ssyncset.done $0x0  }
0xec: {  	[sflag:s9] =	ssyncadd.s32 $0xFFFFF980  }
0xed: {  	_ =	swait.ge [sflag:s9], $0x680  }
0xee: {  	[sflag:s9] =	ssyncset.done $0x0  }
0xef: {  	[sflag:s9] =	ssyncadd.s32 $0xFFFFF980  }
0xf0: {  	_ =	swait.ge [sflag:s9], $0x680  }
0xf1: {  	[sflag:s9] =	ssyncset.done $0x0  }
0xf2: {  	[sflag:s9] =	ssyncadd.s32 $0xFFFFF980  }
0xf3: {  	_ =	swait.ge [sflag:s9], $0x680  }
0xf4: {  	[sflag:s9] =	ssyncset.done $0x0  }
0xf5: {  	[sflag:s9] =	ssyncadd.s32 $0xFFFFF980  }
0xf6: {  	_ =	swait.ge [sflag:s9], $0x680  }
0xf7: {  	[sflag:s9] =	ssyncset.done $0x0  }
0xf8: {  	[sflag:s9] =	ssyncadd.s32 $0xFFFFF980  }
0xf9: {  	_ =	swait.ge [sflag:s9], $0x680  }
0xfa: {  	[sflag:s9] =	ssyncset.done $0x0  }
0xfb: {  	[sflag:s9] =	ssyncadd.s32 $0xFFFFF980  }
0xfc: {  	_ =	swait.ge [sflag:s9], $0x680  }
0xfd: {  	[sflag:s9] =	ssyncset.done $0x0  }
0xfe: {  	[sflag:s9] =	ssyncadd.s32 $0xFFFFF980  }
0xff: {  	_ =	swait.ge [sflag:s9], $0x680  }
0x100: {  	[sflag:s9] =	ssyncset.done $0x0  }
0x101: {  	[sflag:s9] =	ssyncadd.s32 $0xFFFFF980  }
0x102: {  	_ =	swait.ge [sflag:s9], $0x680  }
0x103: {  	[sflag:s9] =	ssyncset.done $0x0  }
0x104: {  	[sflag:s9] =	ssyncadd.s32 $0xFFFFF980  }
0x105: {  	_ =	swait.ge [sflag:s9], $0x680  }
0x106: {  	[sflag:s9] =	ssyncset.done $0x0  }
0x107: {  	[sflag:s9] =	ssyncadd.s32 $0xFFFFF980  }
0x108: {  	_ =	swait.ge [sflag:s9], $0x680  }
0x109: {  	[sflag:s9] =	ssyncset.done $0x0  }
0x10a: {  	[sflag:s9] =	ssyncadd.s32 $0xFFFFF980  }
0x10b: {  	_ =	swait.ge [sflag:s9], $0x680  }
0x10c: {  	[sflag:s9] =	ssyncset.done $0x0  }
0x10d: {  	[sflag:s9] =	ssyncadd.s32 $0xFFFFF980  }
0x10e: {  	_ =	swait.ge [sflag:s9], $0x680  }
0x10f: {  	[sflag:s9] =	ssyncset.done $0x0  }
0x110: {  	[sflag:s9] =	ssyncadd.s32 $0xFFFFF980  }
0x111: {  	_ =	swait.ge [sflag:s9], $0x680  }
0x112: {  	[sflag:s9] =	ssyncset.done $0x0  }
0x113: {  	[sflag:s9] =	ssyncadd.s32 $0xFFFFF980  }
0x114: {  	_ =	swait.ge [sflag:s9], $0x680  }
0x115: {  	[sflag:s9] =	ssyncset.done $0x0  }
0x116: {  	[sflag:s9] =	ssyncadd.s32 $0xFFFFF980  }
0x117: {  	_ =	swait.ge [sflag:s9], $0x680  }
0x118: {  	[sflag:s9] =	ssyncset.done $0x0  }
0x119: {  	[sflag:s9] =	ssyncadd.s32 $0xFFFFF980  }
0x11a: {  	_ =	swait.ge [sflag:s9], $0x680  }
0x11b: {  	[sflag:s9] =	ssyncset.done $0x0  }
0x11c: {  	[sflag:s9] =	ssyncadd.s32 $0xFFFFF980  }
0x11d: {  	_ =	swait.ge [sflag:s9], $0x680  }
0x11e: {  	[sflag:s9] =	ssyncset.done $0x0  }
0x11f: {  	[sflag:s9] =	ssyncadd.s32 $0xFFFFF980  }
0x120: {  	_ =	swait.ge [sflag:s9], $0x680  }
0x121: {  	[sflag:s9] =	ssyncset.done $0x0  }
0x122: {  	[sflag:s9] =	ssyncadd.s32 $0xFFFFF980  }
0x123: {  	_ =	swait.ge [sflag:s9], $0x680  }
0x124: {  	[sflag:s9] =	ssyncset.done $0x0  }
0x125: {  	[sflag:s9] =	ssyncadd.s32 $0xFFFFF980  }
0x126: {  	_ =	swait.ge [sflag:s9], $0x680  }
0x127: {  	[sflag:s9] =	ssyncset.done $0x0  }
0x128: {  	[sflag:s9] =	ssyncadd.s32 $0xFFFFF980  }
0x129: {  	_ =	swait.ge [sflag:s9], $0x680  }
0x12a: {  	[sflag:s9] =	ssyncset.done $0x0  }
0x12b: {  	[sflag:s9] =	ssyncadd.s32 $0xFFFFF980  }
0x12c: {  	_ =	swait.ge [sflag:s9], $0x680  }
0x12d: {  	[sflag:s9] =	ssyncset.done $0x0  }
0x12e: {  	s29 =	simm.s32 $0x0;
	s0 =	rddreg [dreg:$0x6];
	[sflag:s9] =	ssyncadd.s32 $0xFFFFF980  }
0x12f: {  	[tilespmem:s29], [sflag:$0x5] =	stream.linear.gather [hbm4b:s0+s29], $0x400, $0x38;
	[tilespmem:$0x1AA80] =	vst v63  }
0x130: {  	_ =	swait.ge [sflag:s26], $0x400  }
0x131: {  	[sflag:s26] =	ssyncset.done $0x0  }
0x132: {  	[sflag:s26] =	ssyncadd.s32 $0xFFFFFC00  }
0x133: {  	s30 =	simm.s32 $0xA;
	s31 =	simm.s32 $0x24;
	v0 =	vld [tilespmem:s29+$0x0]  }
.LBB2_12:
0x134: {  	p0 =	sne.s32 s31, $0x330;
	_ =	sdelay $0x1  }
0x135: {  	s0 =	sadd.s32 $0xFFFFFFF6, s30  }
0x136: {  	s0 =	sand.u32 $0x3FE, s0  }
0x137: {  	[tilespmem:s0+$0x740] =	vst v0  }
0x138: {  	v0 =	vld [tilespmem:s29+$0xA];
	_ =	sdelay $0x1  }
.Ltmp5:
0x139: {  	(pc) =	sbr.rel @p0 .LBB2_12-.Ltmp5, $4  }
0x13a: {  	_ = 	snop  }
0x13b: {  	s0 =	sand.u32 $0x7FE, s30;
	s30 =	smov.u32 s31  }
0x13c: {  	s29 =	sadd.s32 $0x20, s29;
	[tilespmem:s0+$0x740] =	vst v0  }
0x13d: {  	s31 =	sadd.s32 $0x1A, s31;
	v0 =	vld [tilespmem:s29+$0x0]  }
0x13e: {  	_ =	sdelay $0x1  }
0x13f: {  	s0 =	sadd.s32 $0xFFFFFFF6, s30  }
0x140: {  	s0 =	sand.u32 $0x3FE, s0  }
0x141: {  	[tilespmem:s0+$0x740] =	vst v0  }
0x142: {  	v0 =	vld [tilespmem:s29+$0xA];
	_ =	sdelay $0x3  }
0x143: {  	s31 =	sand.u32 $0x7FE, s30  }
0x144: {  	s29 =	simm.s32 $0xDA80;
	[tilespmem:s31+$0x740] =	vst v0;
	s31 =	simm.s32 $0x740  }
0x145: {  	[tilespmem:s29], [sflag:$0x2] =	stream.indirect.gather [hbm4b:s3+s28], $0x40, s31, s28, $0xb8;
	[tilespmem:$0x1AA80] =	vst v63  }
0x146: {  	s31 =	sadd.s32 $0x0, s12;
	_ =	swait.ge [sflag:s1], $0xD000  }
0x147: {  	s30 =	simm.s32 $0x200;
	s0 =	sand.u32 $0x1FFCBE00, s31;
	[sflag:s1] =	ssyncset.done $0x0  }
0x148: {  	s29 =	simm.s32 $0xA80;
	s0 =	sadd.s32 s4, s0;
	[sflag:s1] =	ssyncadd.s32 $0xFFFF3000  }
0x149: {  	[hbm4b:s0+s2] =	stream.strided.scatter [tilespmem:s29], [sflag:$0x3], $0x680, s6, s2, $0x38;
	[tilespmem:$0x1AA80] =	vst v63  }
.LBB2_14:
0x14a: {  	p0 =	sne.s32 s30, $0x3E00  }
.Ltmp6:
0x14b: {  	_ = 	snop;
	(pc) =	sbr.rel @p0 .LBB2_14-.Ltmp6, $4  }
0x14c: {  	s0 =	sadd.s32 s30, s12  }
0x14d: {  	s0 =	sand.u32 $0x1FFCBE00, s0  }
0x14e: {  	s30 =	sadd.s32 $0x200, s30;
	s29 =	sadd.s32 $0x680, s29;
	s0 =	sadd.s32 s4, s0  }
0x14f: {  	[hbm4b:s0+s2] =	stream.strided.scatter [tilespmem:s29], [sflag:$0x3], $0x680, s6, s2, $0x38;
	[tilespmem:$0x1AA80] =	vst v63  }
0x150: {  	_ =	swait.ge [sflag:s7], $0x680  }
0x151: {  	[sflag:s7] =	ssyncset.done $0x0  }
0x152: {  	[sflag:s7] =	ssyncadd.s32 $0xFFFFF980  }
0x153: {  	_ =	swait.ge [sflag:s7], $0x680  }
0x154: {  	[sflag:s7] =	ssyncset.done $0x0  }
0x155: {  	[sflag:s7] =	ssyncadd.s32 $0xFFFFF980  }
0x156: {  	_ =	swait.ge [sflag:s7], $0x680  }
0x157: {  	[sflag:s7] =	ssyncset.done $0x0  }
0x158: {  	[sflag:s7] =	ssyncadd.s32 $0xFFFFF980  }
0x159: {  	_ =	swait.ge [sflag:s7], $0x680  }
0x15a: {  	[sflag:s7] =	ssyncset.done $0x0  }
0x15b: {  	[sflag:s7] =	ssyncadd.s32 $0xFFFFF980  }
0x15c: {  	_ =	swait.ge [sflag:s7], $0x680  }
0x15d: {  	[sflag:s7] =	ssyncset.done $0x0  }
0x15e: {  	[sflag:s7] =	ssyncadd.s32 $0xFFFFF980  }
0x15f: {  	_ =	swait.ge [sflag:s7], $0x680  }
0x160: {  	[sflag:s7] =	ssyncset.done $0x0  }
0x161: {  	[sflag:s7] =	ssyncadd.s32 $0xFFFFF980  }
0x162: {  	_ =	swait.ge [sflag:s7], $0x680  }
0x163: {  	[sflag:s7] =	ssyncset.done $0x0  }
0x164: {  	[sflag:s7] =	ssyncadd.s32 $0xFFFFF980  }
0x165: {  	_ =	swait.ge [sflag:s7], $0x680  }
0x166: {  	[sflag:s7] =	ssyncset.done $0x0  }
0x167: {  	[sflag:s7] =	ssyncadd.s32 $0xFFFFF980  }
0x168: {  	_ =	swait.ge [sflag:s7], $0x680  }
0x169: {  	[sflag:s7] =	ssyncset.done $0x0  }
0x16a: {  	[sflag:s7] =	ssyncadd.s32 $0xFFFFF980  }
0x16b: {  	_ =	swait.ge [sflag:s7], $0x680  }
0x16c: {  	[sflag:s7] =	ssyncset.done $0x0  }
0x16d: {  	[sflag:s7] =	ssyncadd.s32 $0xFFFFF980  }
0x16e: {  	_ =	swait.ge [sflag:s7], $0x680  }
0x16f: {  	[sflag:s7] =	ssyncset.done $0x0  }
0x170: {  	[sflag:s7] =	ssyncadd.s32 $0xFFFFF980  }
0x171: {  	_ =	swait.ge [sflag:s7], $0x680  }
0x172: {  	[sflag:s7] =	ssyncset.done $0x0  }
0x173: {  	[sflag:s7] =	ssyncadd.s32 $0xFFFFF980  }
0x174: {  	_ =	swait.ge [sflag:s7], $0x680  }
0x175: {  	[sflag:s7] =	ssyncset.done $0x0  }
0x176: {  	[sflag:s7] =	ssyncadd.s32 $0xFFFFF980  }
0x177: {  	_ =	swait.ge [sflag:s7], $0x680  }
0x178: {  	[sflag:s7] =	ssyncset.done $0x0  }
0x179: {  	[sflag:s7] =	ssyncadd.s32 $0xFFFFF980  }
0x17a: {  	_ =	swait.ge [sflag:s7], $0x680  }
0x17b: {  	[sflag:s7] =	ssyncset.done $0x0  }
0x17c: {  	[sflag:s7] =	ssyncadd.s32 $0xFFFFF980  }
0x17d: {  	_ =	swait.ge [sflag:s7], $0x680  }
0x17e: {  	[sflag:s7] =	ssyncset.done $0x0  }
0x17f: {  	[sflag:s7] =	ssyncadd.s32 $0xFFFFF980  }
0x180: {  	_ =	swait.ge [sflag:s7], $0x680  }
0x181: {  	[sflag:s7] =	ssyncset.done $0x0  }
0x182: {  	[sflag:s7] =	ssyncadd.s32 $0xFFFFF980  }
0x183: {  	_ =	swait.ge [sflag:s7], $0x680  }
0x184: {  	[sflag:s7] =	ssyncset.done $0x0  }
0x185: {  	[sflag:s7] =	ssyncadd.s32 $0xFFFFF980  }
0x186: {  	_ =	swait.ge [sflag:s7], $0x680  }
0x187: {  	[sflag:s7] =	ssyncset.done $0x0  }
0x188: {  	[sflag:s7] =	ssyncadd.s32 $0xFFFFF980  }
0x189: {  	_ =	swait.ge [sflag:s7], $0x680  }
0x18a: {  	[sflag:s7] =	ssyncset.done $0x0  }
0x18b: {  	[sflag:s7] =	ssyncadd.s32 $0xFFFFF980  }
0x18c: {  	_ =	swait.ge [sflag:s7], $0x680  }
0x18d: {  	[sflag:s7] =	ssyncset.done $0x0  }
0x18e: {  	[sflag:s7] =	ssyncadd.s32 $0xFFFFF980  }
0x18f: {  	_ =	swait.ge [sflag:s7], $0x680  }
0x190: {  	[sflag:s7] =	ssyncset.done $0x0  }
0x191: {  	[sflag:s7] =	ssyncadd.s32 $0xFFFFF980  }
0x192: {  	_ =	swait.ge [sflag:s7], $0x680  }
0x193: {  	[sflag:s7] =	ssyncset.done $0x0  }
0x194: {  	[sflag:s7] =	ssyncadd.s32 $0xFFFFF980  }
0x195: {  	_ =	swait.ge [sflag:s7], $0x680  }
0x196: {  	[sflag:s7] =	ssyncset.done $0x0  }
0x197: {  	[sflag:s7] =	ssyncadd.s32 $0xFFFFF980  }
0x198: {  	_ =	swait.ge [sflag:s7], $0x680  }
0x199: {  	[sflag:s7] =	ssyncset.done $0x0  }
0x19a: {  	[sflag:s7] =	ssyncadd.s32 $0xFFFFF980  }
0x19b: {  	_ =	swait.ge [sflag:s7], $0x680  }
0x19c: {  	[sflag:s7] =	ssyncset.done $0x0  }
0x19d: {  	[sflag:s7] =	ssyncadd.s32 $0xFFFFF980  }
0x19e: {  	_ =	swait.ge [sflag:s7], $0x680  }
0x19f: {  	[sflag:s7] =	ssyncset.done $0x0  }
0x1a0: {  	[sflag:s7] =	ssyncadd.s32 $0xFFFFF980  }
0x1a1: {  	_ =	swait.ge [sflag:s7], $0x680  }
0x1a2: {  	[sflag:s7] =	ssyncset.done $0x0  }
0x1a3: {  	[sflag:s7] =	ssyncadd.s32 $0xFFFFF980  }
0x1a4: {  	_ =	swait.ge [sflag:s7], $0x680  }
0x1a5: {  	[sflag:s7] =	ssyncset.done $0x0  }
0x1a6: {  	[sflag:s7] =	ssyncadd.s32 $0xFFFFF980  }
0x1a7: {  	_ =	swait.ge [sflag:s7], $0x680  }
0x1a8: {  	[sflag:s7] =	ssyncset.done $0x0  }
0x1a9: {  	[sflag:s7] =	ssyncadd.s32 $0xFFFFF980  }
0x1aa: {  	_ =	swait.ge [sflag:s7], $0x680  }
0x1ab: {  	[sflag:s7] =	ssyncset.done $0x0  }
0x1ac: {  	[sflag:s7] =	ssyncadd.s32 $0xFFFFF980  }
0x1ad: {  	_ =	swait.ge [sflag:s7], $0x680  }
0x1ae: {  	[sflag:s7] =	ssyncset.done $0x0  }
0x1af: {  	s29 =	simm.s32 $0x0;
	s0 =	rddreg [dreg:$0x8];
	[sflag:s7] =	ssyncadd.s32 $0xFFFFF980  }
0x1b0: {  	[tilespmem:s29], [sflag:$0x5] =	stream.linear.gather [hbm4b:s0+s29], $0x400, $0x38;
	[tilespmem:$0x1AA80] =	vst v63  }
0x1b1: {  	_ =	swait.ge [sflag:s26], $0x400  }
0x1b2: {  	[sflag:s26] =	ssyncset.done $0x0  }
0x1b3: {  	[sflag:s26] =	ssyncadd.s32 $0xFFFFFC00  }
0x1b4: {  	s31 =	simm.s32 $0x68;
	s30 =	simm.s32 $0x0;
	v0 =	vld [tilespmem:s29+$0x0]  }
.LBB2_16:
0x1b5: {  	p0 =	sne.s32 s31, $0xC98;
	_ =	sdelay $0x2  }
0x1b6: {  	s0 =	sshra.s32 s29, $0x2;
	s29 =	smov.u32 s31  }
0x1b7: {  	[tilespmem:s0+$0x400] =	vst v0  }
0x1b8: {  	v0 =	vld [tilespmem:s30+$0xA];
	_ =	sdelay $0x1  }
.Ltmp7:
0x1b9: {  	(pc) =	sbr.rel @p0 .LBB2_16-.Ltmp7, $3  }
0x1ba: {  	_ =	sdelay $0x1  }
0x1bb: {  	s30 =	sadd.s32 $0x20, s30;
	[tilespmem:s0+$0x40A] =	vst v0  }
0x1bc: {  	s31 =	sadd.s32 $0x68, s31;
	v0 =	vld [tilespmem:s30+$0x0]  }
0x1bd: {  	_ =	sdelay $0x2  }
0x1be: {  	s0 =	sshra.s32 s29, $0x2  }
0x1bf: {  	[tilespmem:s0+$0x400] =	vst v0  }
0x1c0: {  	v0 =	vld [tilespmem:s30+$0xA];
	_ =	sdelay $0x4  }
0x1c1: {  	s31 =	simm.s32 $0x400;
	s29 =	simm.s32 $0xA80;
	[tilespmem:s0+$0x40A] =	vst v0  }
0x1c2: {  	[tilespmem:s29], [sflag:$0x1] =	stream.indirect.gather [hbm4b:s3+s28], $0x40, s31, s28, $0xb8;
	[tilespmem:$0x1AA80] =	vst v63  }
0x1c3: {  	s31 =	sadd.s32 $0x0, s13;
	_ =	swait.ge [sflag:s8], $0xD000  }
0x1c4: {  	s30 =	simm.s32 $0x200;
	s0 =	sand.u32 $0x1FFCFE00, s31;
	[sflag:s8] =	ssyncset.done $0x0  }
0x1c5: {  	s29 =	simm.s32 $0xDA80;
	s0 =	sadd.s32 s4, s0;
	[sflag:s8] =	ssyncadd.s32 $0xFFFF3000  }
0x1c6: {  	[hbm4b:s0+s2] =	stream.strided.scatter [tilespmem:s29], [sflag:$0x4], $0x680, s6, s2, $0x38;
	[tilespmem:$0x1AA80] =	vst v63  }
.LBB2_18:
0x1c7: {  	p0 =	sne.s32 s30, $0x3E00  }
.Ltmp8:
0x1c8: {  	_ = 	snop;
	(pc) =	sbr.rel @p0 .LBB2_18-.Ltmp8, $4  }
0x1c9: {  	s0 =	sadd.s32 s30, s13  }
0x1ca: {  	s0 =	sand.u32 $0x1FFCFE00, s0  }
0x1cb: {  	s30 =	sadd.s32 $0x200, s30;
	s29 =	sadd.s32 $0x680, s29;
	s0 =	sadd.s32 s4, s0  }
0x1cc: {  	[hbm4b:s0+s2] =	stream.strided.scatter [tilespmem:s29], [sflag:$0x4], $0x680, s6, s2, $0x38;
	[tilespmem:$0x1AA80] =	vst v63  }
0x1cd: {  	_ =	swait.ge [sflag:s9], $0x680  }
0x1ce: {  	[sflag:s9] =	ssyncset.done $0x0  }
0x1cf: {  	[sflag:s9] =	ssyncadd.s32 $0xFFFFF980  }
0x1d0: {  	_ =	swait.ge [sflag:s9], $0x680  }
0x1d1: {  	[sflag:s9] =	ssyncset.done $0x0  }
0x1d2: {  	[sflag:s9] =	ssyncadd.s32 $0xFFFFF980  }
0x1d3: {  	_ =	swait.ge [sflag:s9], $0x680  }
0x1d4: {  	[sflag:s9] =	ssyncset.done $0x0  }
0x1d5: {  	[sflag:s9] =	ssyncadd.s32 $0xFFFFF980  }
0x1d6: {  	_ =	swait.ge [sflag:s9], $0x680  }
0x1d7: {  	[sflag:s9] =	ssyncset.done $0x0  }
0x1d8: {  	[sflag:s9] =	ssyncadd.s32 $0xFFFFF980  }
0x1d9: {  	_ =	swait.ge [sflag:s9], $0x680  }
0x1da: {  	[sflag:s9] =	ssyncset.done $0x0  }
0x1db: {  	[sflag:s9] =	ssyncadd.s32 $0xFFFFF980  }
0x1dc: {  	_ =	swait.ge [sflag:s9], $0x680  }
0x1dd: {  	[sflag:s9] =	ssyncset.done $0x0  }
0x1de: {  	[sflag:s9] =	ssyncadd.s32 $0xFFFFF980  }
0x1df: {  	_ =	swait.ge [sflag:s9], $0x680  }
0x1e0: {  	[sflag:s9] =	ssyncset.done $0x0  }
0x1e1: {  	[sflag:s9] =	ssyncadd.s32 $0xFFFFF980  }
0x1e2: {  	_ =	swait.ge [sflag:s9], $0x680  }
0x1e3: {  	[sflag:s9] =	ssyncset.done $0x0  }
0x1e4: {  	[sflag:s9] =	ssyncadd.s32 $0xFFFFF980  }
0x1e5: {  	_ =	swait.ge [sflag:s9], $0x680  }
0x1e6: {  	[sflag:s9] =	ssyncset.done $0x0  }
0x1e7: {  	[sflag:s9] =	ssyncadd.s32 $0xFFFFF980  }
0x1e8: {  	_ =	swait.ge [sflag:s9], $0x680  }
0x1e9: {  	[sflag:s9] =	ssyncset.done $0x0  }
0x1ea: {  	[sflag:s9] =	ssyncadd.s32 $0xFFFFF980  }
0x1eb: {  	_ =	swait.ge [sflag:s9], $0x680  }
0x1ec: {  	[sflag:s9] =	ssyncset.done $0x0  }
0x1ed: {  	[sflag:s9] =	ssyncadd.s32 $0xFFFFF980  }
0x1ee: {  	_ =	swait.ge [sflag:s9], $0x680  }
0x1ef: {  	[sflag:s9] =	ssyncset.done $0x0  }
0x1f0: {  	[sflag:s9] =	ssyncadd.s32 $0xFFFFF980  }
0x1f1: {  	_ =	swait.ge [sflag:s9], $0x680  }
0x1f2: {  	[sflag:s9] =	ssyncset.done $0x0  }
0x1f3: {  	[sflag:s9] =	ssyncadd.s32 $0xFFFFF980  }
0x1f4: {  	_ =	swait.ge [sflag:s9], $0x680  }
0x1f5: {  	[sflag:s9] =	ssyncset.done $0x0  }
0x1f6: {  	[sflag:s9] =	ssyncadd.s32 $0xFFFFF980  }
0x1f7: {  	_ =	swait.ge [sflag:s9], $0x680  }
0x1f8: {  	[sflag:s9] =	ssyncset.done $0x0  }
0x1f9: {  	[sflag:s9] =	ssyncadd.s32 $0xFFFFF980  }
0x1fa: {  	_ =	swait.ge [sflag:s9], $0x680  }
0x1fb: {  	[sflag:s9] =	ssyncset.done $0x0  }
0x1fc: {  	[sflag:s9] =	ssyncadd.s32 $0xFFFFF980  }
0x1fd: {  	_ =	swait.ge [sflag:s9], $0x680  }
0x1fe: {  	[sflag:s9] =	ssyncset.done $0x0  }
0x1ff: {  	[sflag:s9] =	ssyncadd.s32 $0xFFFFF980  }
0x200: {  	_ =	swait.ge [sflag:s9], $0x680  }
0x201: {  	[sflag:s9] =	ssyncset.done $0x0  }
0x202: {  	[sflag:s9] =	ssyncadd.s32 $0xFFFFF980  }
0x203: {  	_ =	swait.ge [sflag:s9], $0x680  }
0x204: {  	[sflag:s9] =	ssyncset.done $0x0  }
0x205: {  	[sflag:s9] =	ssyncadd.s32 $0xFFFFF980  }
0x206: {  	_ =	swait.ge [sflag:s9], $0x680  }
0x207: {  	[sflag:s9] =	ssyncset.done $0x0  }
0x208: {  	[sflag:s9] =	ssyncadd.s32 $0xFFFFF980  }
0x209: {  	_ =	swait.ge [sflag:s9], $0x680  }
0x20a: {  	[sflag:s9] =	ssyncset.done $0x0  }
0x20b: {  	[sflag:s9] =	ssyncadd.s32 $0xFFFFF980  }
0x20c: {  	_ =	swait.ge [sflag:s9], $0x680  }
0x20d: {  	[sflag:s9] =	ssyncset.done $0x0  }
0x20e: {  	[sflag:s9] =	ssyncadd.s32 $0xFFFFF980  }
0x20f: {  	_ =	swait.ge [sflag:s9], $0x680  }
0x210: {  	[sflag:s9] =	ssyncset.done $0x0  }
0x211: {  	[sflag:s9] =	ssyncadd.s32 $0xFFFFF980  }
0x212: {  	_ =	swait.ge [sflag:s9], $0x680  }
0x213: {  	[sflag:s9] =	ssyncset.done $0x0  }
0x214: {  	[sflag:s9] =	ssyncadd.s32 $0xFFFFF980  }
0x215: {  	_ =	swait.ge [sflag:s9], $0x680  }
0x216: {  	[sflag:s9] =	ssyncset.done $0x0  }
0x217: {  	[sflag:s9] =	ssyncadd.s32 $0xFFFFF980  }
0x218: {  	_ =	swait.ge [sflag:s9], $0x680  }
0x219: {  	[sflag:s9] =	ssyncset.done $0x0  }
0x21a: {  	[sflag:s9] =	ssyncadd.s32 $0xFFFFF980  }
0x21b: {  	_ =	swait.ge [sflag:s9], $0x680  }
0x21c: {  	[sflag:s9] =	ssyncset.done $0x0  }
0x21d: {  	[sflag:s9] =	ssyncadd.s32 $0xFFFFF980  }
0x21e: {  	_ =	swait.ge [sflag:s9], $0x680  }
0x21f: {  	[sflag:s9] =	ssyncset.done $0x0  }
0x220: {  	[sflag:s9] =	ssyncadd.s32 $0xFFFFF980  }
0x221: {  	_ =	swait.ge [sflag:s9], $0x680  }
0x222: {  	[sflag:s9] =	ssyncset.done $0x0  }
0x223: {  	[sflag:s9] =	ssyncadd.s32 $0xFFFFF980  }
0x224: {  	_ =	swait.ge [sflag:s9], $0x680  }
0x225: {  	[sflag:s9] =	ssyncset.done $0x0  }
0x226: {  	[sflag:s9] =	ssyncadd.s32 $0xFFFFF980  }
0x227: {  	_ =	swait.ge [sflag:s9], $0x680  }
0x228: {  	[sflag:s9] =	ssyncset.done $0x0  }
0x229: {  	[sflag:s9] =	ssyncadd.s32 $0xFFFFF980  }
0x22a: {  	_ =	swait.ge [sflag:s9], $0x680  }
0x22b: {  	[sflag:s9] =	ssyncset.done $0x0  }
0x22c: {  	s29 =	simm.s32 $0x0;
	s0 =	rddreg [dreg:$0x9];
	[sflag:s9] =	ssyncadd.s32 $0xFFFFF980  }
0x22d: {  	[tilespmem:s29], [sflag:$0x5] =	stream.linear.gather [hbm4b:s0+s29], $0x400, $0x38;
	[tilespmem:$0x1AA80] =	vst v63  }
0x22e: {  	_ =	swait.ge [sflag:s26], $0x400  }
0x22f: {  	[sflag:s26] =	ssyncset.done $0x0  }
0x230: {  	[sflag:s26] =	ssyncadd.s32 $0xFFFFFC00  }
0x231: {  	s30 =	simm.s32 $0xA;
	s31 =	simm.s32 $0x24;
	v0 =	vld [tilespmem:s29+$0x0]  }
.LBB2_20:
0x232: {  	p0 =	sne.s32 s31, $0x330;
	_ =	sdelay $0x1  }
0x233: {  	s0 =	sadd.s32 $0xFFFFFFF6, s30  }
0x234: {  	s0 =	sand.u32 $0x3FE, s0  }
0x235: {  	[tilespmem:s0+$0x740] =	vst v0  }
0x236: {  	v0 =	vld [tilespmem:s29+$0xA];
	_ =	sdelay $0x1  }
.Ltmp9:
0x237: {  	(pc) =	sbr.rel @p0 .LBB2_20-.Ltmp9, $4  }
0x238: {  	_ = 	snop  }
0x239: {  	s0 =	sand.u32 $0x7FE, s30;
	s30 =	smov.u32 s31  }
0x23a: {  	s29 =	sadd.s32 $0x20, s29;
	[tilespmem:s0+$0x740] =	vst v0  }
0x23b: {  	s31 =	sadd.s32 $0x1A, s31;
	v0 =	vld [tilespmem:s29+$0x0]  }
0x23c: {  	_ =	sdelay $0x1  }
0x23d: {  	s0 =	sadd.s32 $0xFFFFFFF6, s30  }
0x23e: {  	s0 =	sand.u32 $0x3FE, s0  }
0x23f: {  	[tilespmem:s0+$0x740] =	vst v0  }
0x240: {  	v0 =	vld [tilespmem:s29+$0xA];
	_ =	sdelay $0x3  }
0x241: {  	s31 =	sand.u32 $0x7FE, s30  }
0x242: {  	s29 =	simm.s32 $0xDA80;
	[tilespmem:s31+$0x740] =	vst v0;
	s31 =	simm.s32 $0x740  }
0x243: {  	[tilespmem:s29], [sflag:$0x2] =	stream.indirect.gather [hbm4b:s3+s28], $0x40, s31, s28, $0xb8;
	[tilespmem:$0x1AA80] =	vst v63  }
0x244: {  	s31 =	sadd.s32 $0x0, s14;
	_ =	swait.ge [sflag:s1], $0xD000  }
0x245: {  	s30 =	simm.s32 $0x200;
	s0 =	sand.u32 $0x1FFD3E00, s31;
	[sflag:s1] =	ssyncset.done $0x0  }
0x246: {  	s29 =	simm.s32 $0xA80;
	s0 =	sadd.s32 s4, s0;
	[sflag:s1] =	ssyncadd.s32 $0xFFFF3000  }
0x247: {  	[hbm4b:s0+s2] =	stream.strided.scatter [tilespmem:s29], [sflag:$0x3], $0x680, s6, s2, $0x38;
	[tilespmem:$0x1AA80] =	vst v63  }
.LBB2_22:
0x248: {  	p0 =	sne.s32 s30, $0x3E00  }
.Ltmp10:
0x249: {  	_ = 	snop;
	(pc) =	sbr.rel @p0 .LBB2_22-.Ltmp10, $4  }
0x24a: {  	s0 =	sadd.s32 s30, s14  }
0x24b: {  	s0 =	sand.u32 $0x1FFD3E00, s0  }
0x24c: {  	s30 =	sadd.s32 $0x200, s30;
	s29 =	sadd.s32 $0x680, s29;
	s0 =	sadd.s32 s4, s0  }
0x24d: {  	[hbm4b:s0+s2] =	stream.strided.scatter [tilespmem:s29], [sflag:$0x3], $0x680, s6, s2, $0x38;
	[tilespmem:$0x1AA80] =	vst v63  }
0x24e: {  	_ =	swait.ge [sflag:s7], $0x680  }
0x24f: {  	[sflag:s7] =	ssyncset.done $0x0  }
0x250: {  	[sflag:s7] =	ssyncadd.s32 $0xFFFFF980  }
0x251: {  	_ =	swait.ge [sflag:s7], $0x680  }
0x252: {  	[sflag:s7] =	ssyncset.done $0x0  }
0x253: {  	[sflag:s7] =	ssyncadd.s32 $0xFFFFF980  }
0x254: {  	_ =	swait.ge [sflag:s7], $0x680  }
0x255: {  	[sflag:s7] =	ssyncset.done $0x0  }
0x256: {  	[sflag:s7] =	ssyncadd.s32 $0xFFFFF980  }
0x257: {  	_ =	swait.ge [sflag:s7], $0x680  }
0x258: {  	[sflag:s7] =	ssyncset.done $0x0  }
0x259: {  	[sflag:s7] =	ssyncadd.s32 $0xFFFFF980  }
0x25a: {  	_ =	swait.ge [sflag:s7], $0x680  }
0x25b: {  	[sflag:s7] =	ssyncset.done $0x0  }
0x25c: {  	[sflag:s7] =	ssyncadd.s32 $0xFFFFF980  }
0x25d: {  	_ =	swait.ge [sflag:s7], $0x680  }
0x25e: {  	[sflag:s7] =	ssyncset.done $0x0  }
0x25f: {  	[sflag:s7] =	ssyncadd.s32 $0xFFFFF980  }
0x260: {  	_ =	swait.ge [sflag:s7], $0x680  }
0x261: {  	[sflag:s7] =	ssyncset.done $0x0  }
0x262: {  	[sflag:s7] =	ssyncadd.s32 $0xFFFFF980  }
0x263: {  	_ =	swait.ge [sflag:s7], $0x680  }
0x264: {  	[sflag:s7] =	ssyncset.done $0x0  }
0x265: {  	[sflag:s7] =	ssyncadd.s32 $0xFFFFF980  }
0x266: {  	_ =	swait.ge [sflag:s7], $0x680  }
0x267: {  	[sflag:s7] =	ssyncset.done $0x0  }
0x268: {  	[sflag:s7] =	ssyncadd.s32 $0xFFFFF980  }
0x269: {  	_ =	swait.ge [sflag:s7], $0x680  }
0x26a: {  	[sflag:s7] =	ssyncset.done $0x0  }
0x26b: {  	[sflag:s7] =	ssyncadd.s32 $0xFFFFF980  }
0x26c: {  	_ =	swait.ge [sflag:s7], $0x680  }
0x26d: {  	[sflag:s7] =	ssyncset.done $0x0  }
0x26e: {  	[sflag:s7] =	ssyncadd.s32 $0xFFFFF980  }
0x26f: {  	_ =	swait.ge [sflag:s7], $0x680  }
0x270: {  	[sflag:s7] =	ssyncset.done $0x0  }
0x271: {  	[sflag:s7] =	ssyncadd.s32 $0xFFFFF980  }
0x272: {  	_ =	swait.ge [sflag:s7], $0x680  }
0x273: {  	[sflag:s7] =	ssyncset.done $0x0  }
0x274: {  	[sflag:s7] =	ssyncadd.s32 $0xFFFFF980  }
0x275: {  	_ =	swait.ge [sflag:s7], $0x680  }
0x276: {  	[sflag:s7] =	ssyncset.done $0x0  }
0x277: {  	[sflag:s7] =	ssyncadd.s32 $0xFFFFF980  }
0x278: {  	_ =	swait.ge [sflag:s7], $0x680  }
0x279: {  	[sflag:s7] =	ssyncset.done $0x0  }
0x27a: {  	[sflag:s7] =	ssyncadd.s32 $0xFFFFF980  }
0x27b: {  	_ =	swait.ge [sflag:s7], $0x680  }
0x27c: {  	[sflag:s7] =	ssyncset.done $0x0  }
0x27d: {  	[sflag:s7] =	ssyncadd.s32 $0xFFFFF980  }
0x27e: {  	_ =	swait.ge [sflag:s7], $0x680  }
0x27f: {  	[sflag:s7] =	ssyncset.done $0x0  }
0x280: {  	[sflag:s7] =	ssyncadd.s32 $0xFFFFF980  }
0x281: {  	_ =	swait.ge [sflag:s7], $0x680  }
0x282: {  	[sflag:s7] =	ssyncset.done $0x0  }
0x283: {  	[sflag:s7] =	ssyncadd.s32 $0xFFFFF980  }
0x284: {  	_ =	swait.ge [sflag:s7], $0x680  }
0x285: {  	[sflag:s7] =	ssyncset.done $0x0  }
0x286: {  	[sflag:s7] =	ssyncadd.s32 $0xFFFFF980  }
0x287: {  	_ =	swait.ge [sflag:s7], $0x680  }
0x288: {  	[sflag:s7] =	ssyncset.done $0x0  }
0x289: {  	[sflag:s7] =	ssyncadd.s32 $0xFFFFF980  }
0x28a: {  	_ =	swait.ge [sflag:s7], $0x680  }
0x28b: {  	[sflag:s7] =	ssyncset.done $0x0  }
0x28c: {  	[sflag:s7] =	ssyncadd.s32 $0xFFFFF980  }
0x28d: {  	_ =	swait.ge [sflag:s7], $0x680  }
0x28e: {  	[sflag:s7] =	ssyncset.done $0x0  }
0x28f: {  	[sflag:s7] =	ssyncadd.s32 $0xFFFFF980  }
0x290: {  	_ =	swait.ge [sflag:s7], $0x680  }
0x291: {  	[sflag:s7] =	ssyncset.done $0x0  }
0x292: {  	[sflag:s7] =	ssyncadd.s32 $0xFFFFF980  }
0x293: {  	_ =	swait.ge [sflag:s7], $0x680  }
0x294: {  	[sflag:s7] =	ssyncset.done $0x0  }
0x295: {  	[sflag:s7] =	ssyncadd.s32 $0xFFFFF980  }
0x296: {  	_ =	swait.ge [sflag:s7], $0x680  }
0x297: {  	[sflag:s7] =	ssyncset.done $0x0  }
0x298: {  	[sflag:s7] =	ssyncadd.s32 $0xFFFFF980  }
0x299: {  	_ =	swait.ge [sflag:s7], $0x680  }
0x29a: {  	[sflag:s7] =	ssyncset.done $0x0  }
0x29b: {  	[sflag:s7] =	ssyncadd.s32 $0xFFFFF980  }
0x29c: {  	_ =	swait.ge [sflag:s7], $0x680  }
0x29d: {  	[sflag:s7] =	ssyncset.done $0x0  }
0x29e: {  	[sflag:s7] =	ssyncadd.s32 $0xFFFFF980  }
0x29f: {  	_ =	swait.ge [sflag:s7], $0x680  }
0x2a0: {  	[sflag:s7] =	ssyncset.done $0x0  }
0x2a1: {  	[sflag:s7] =	ssyncadd.s32 $0xFFFFF980  }
0x2a2: {  	_ =	swait.ge [sflag:s7], $0x680  }
0x2a3: {  	[sflag:s7] =	ssyncset.done $0x0  }
0x2a4: {  	[sflag:s7] =	ssyncadd.s32 $0xFFFFF980  }
0x2a5: {  	_ =	swait.ge [sflag:s7], $0x680  }
0x2a6: {  	[sflag:s7] =	ssyncset.done $0x0  }
0x2a7: {  	[sflag:s7] =	ssyncadd.s32 $0xFFFFF980  }
0x2a8: {  	_ =	swait.ge [sflag:s7], $0x680  }
0x2a9: {  	[sflag:s7] =	ssyncset.done $0x0  }
0x2aa: {  	[sflag:s7] =	ssyncadd.s32 $0xFFFFF980  }
0x2ab: {  	_ =	swait.ge [sflag:s7], $0x680  }
0x2ac: {  	[sflag:s7] =	ssyncset.done $0x0  }
0x2ad: {  	s29 =	simm.s32 $0x0;
	s0 =	rddreg [dreg:$0xa];
	[sflag:s7] =	ssyncadd.s32 $0xFFFFF980  }
0x2ae: {  	[tilespmem:s29], [sflag:$0x5] =	stream.linear.gather [hbm4b:s0+s29], $0x400, $0x38;
	[tilespmem:$0x1AA80] =	vst v63  }
0x2af: {  	_ =	swait.ge [sflag:s26], $0x400  }
0x2b0: {  	[sflag:s26] =	ssyncset.done $0x0  }
0x2b1: {  	[sflag:s26] =	ssyncadd.s32 $0xFFFFFC00  }
0x2b2: {  	s31 =	simm.s32 $0x68;
	s30 =	simm.s32 $0x0;
	v0 =	vld [tilespmem:s29+$0x0]  }
.LBB2_24:
0x2b3: {  	p0 =	sne.s32 s31, $0xC98;
	_ =	sdelay $0x2  }
0x2b4: {  	s0 =	sshra.s32 s29, $0x2;
	s29 =	smov.u32 s31  }
0x2b5: {  	[tilespmem:s0+$0x400] =	vst v0  }
0x2b6: {  	v0 =	vld [tilespmem:s30+$0xA];
	_ =	sdelay $0x1  }
.Ltmp11:
0x2b7: {  	(pc) =	sbr.rel @p0 .LBB2_24-.Ltmp11, $3  }
0x2b8: {  	_ =	sdelay $0x1  }
0x2b9: {  	s30 =	sadd.s32 $0x20, s30;
	[tilespmem:s0+$0x40A] =	vst v0  }
0x2ba: {  	s31 =	sadd.s32 $0x68, s31;
	v0 =	vld [tilespmem:s30+$0x0]  }
0x2bb: {  	_ =	sdelay $0x2  }
0x2bc: {  	s0 =	sshra.s32 s29, $0x2  }
0x2bd: {  	[tilespmem:s0+$0x400] =	vst v0  }
0x2be: {  	v0 =	vld [tilespmem:s30+$0xA];
	_ =	sdelay $0x4  }
0x2bf: {  	s31 =	simm.s32 $0x400;
	s29 =	simm.s32 $0xA80;
	[tilespmem:s0+$0x40A] =	vst v0  }
0x2c0: {  	[tilespmem:s29], [sflag:$0x1] =	stream.indirect.gather [hbm4b:s3+s28], $0x40, s31, s28, $0xb8;
	[tilespmem:$0x1AA80] =	vst v63  }
0x2c1: {  	s31 =	sadd.s32 $0x0, s15;
	_ =	swait.ge [sflag:s8], $0xD000  }
0x2c2: {  	s30 =	simm.s32 $0x200;
	s0 =	sand.u32 $0x1FFD7E00, s31;
	[sflag:s8] =	ssyncset.done $0x0  }
0x2c3: {  	s29 =	simm.s32 $0xDA80;
	s0 =	sadd.s32 s4, s0;
	[sflag:s8] =	ssyncadd.s32 $0xFFFF3000  }
0x2c4: {  	[hbm4b:s0+s2] =	stream.strided.scatter [tilespmem:s29], [sflag:$0x4], $0x680, s6, s2, $0x38;
	[tilespmem:$0x1AA80] =	vst v63  }
.LBB2_26:
0x2c5: {  	p0 =	sne.s32 s30, $0x3E00  }
.Ltmp12:
0x2c6: {  	_ = 	snop;
	(pc) =	sbr.rel @p0 .LBB2_26-.Ltmp12, $4  }
0x2c7: {  	s0 =	sadd.s32 s30, s15  }
0x2c8: {  	s0 =	sand.u32 $0x1FFD7E00, s0  }
0x2c9: {  	s30 =	sadd.s32 $0x200, s30;
	s29 =	sadd.s32 $0x680, s29;
	s0 =	sadd.s32 s4, s0  }
0x2ca: {  	[hbm4b:s0+s2] =	stream.strided.scatter [tilespmem:s29], [sflag:$0x4], $0x680, s6, s2, $0x38;
	[tilespmem:$0x1AA80] =	vst v63  }
0x2cb: {  	_ =	swait.ge [sflag:s9], $0x680  }
0x2cc: {  	[sflag:s9] =	ssyncset.done $0x0  }
0x2cd: {  	[sflag:s9] =	ssyncadd.s32 $0xFFFFF980  }
0x2ce: {  	_ =	swait.ge [sflag:s9], $0x680  }
0x2cf: {  	[sflag:s9] =	ssyncset.done $0x0  }
0x2d0: {  	[sflag:s9] =	ssyncadd.s32 $0xFFFFF980  }
0x2d1: {  	_ =	swait.ge [sflag:s9], $0x680  }
0x2d2: {  	[sflag:s9] =	ssyncset.done $0x0  }
0x2d3: {  	[sflag:s9] =	ssyncadd.s32 $0xFFFFF980  }
0x2d4: {  	_ =	swait.ge [sflag:s9], $0x680  }
0x2d5: {  	[sflag:s9] =	ssyncset.done $0x0  }
0x2d6: {  	[sflag:s9] =	ssyncadd.s32 $0xFFFFF980  }
0x2d7: {  	_ =	swait.ge [sflag:s9], $0x680  }
0x2d8: {  	[sflag:s9] =	ssyncset.done $0x0  }
0x2d9: {  	[sflag:s9] =	ssyncadd.s32 $0xFFFFF980  }
0x2da: {  	_ =	swait.ge [sflag:s9], $0x680  }
0x2db: {  	[sflag:s9] =	ssyncset.done $0x0  }
0x2dc: {  	[sflag:s9] =	ssyncadd.s32 $0xFFFFF980  }
0x2dd: {  	_ =	swait.ge [sflag:s9], $0x680  }
0x2de: {  	[sflag:s9] =	ssyncset.done $0x0  }
0x2df: {  	[sflag:s9] =	ssyncadd.s32 $0xFFFFF980  }
0x2e0: {  	_ =	swait.ge [sflag:s9], $0x680  }
0x2e1: {  	[sflag:s9] =	ssyncset.done $0x0  }
0x2e2: {  	[sflag:s9] =	ssyncadd.s32 $0xFFFFF980  }
0x2e3: {  	_ =	swait.ge [sflag:s9], $0x680  }
0x2e4: {  	[sflag:s9] =	ssyncset.done $0x0  }
0x2e5: {  	[sflag:s9] =	ssyncadd.s32 $0xFFFFF980  }
0x2e6: {  	_ =	swait.ge [sflag:s9], $0x680  }
0x2e7: {  	[sflag:s9] =	ssyncset.done $0x0  }
0x2e8: {  	[sflag:s9] =	ssyncadd.s32 $0xFFFFF980  }
0x2e9: {  	_ =	swait.ge [sflag:s9], $0x680  }
0x2ea: {  	[sflag:s9] =	ssyncset.done $0x0  }
0x2eb: {  	[sflag:s9] =	ssyncadd.s32 $0xFFFFF980  }
0x2ec: {  	_ =	swait.ge [sflag:s9], $0x680  }
0x2ed: {  	[sflag:s9] =	ssyncset.done $0x0  }
0x2ee: {  	[sflag:s9] =	ssyncadd.s32 $0xFFFFF980  }
0x2ef: {  	_ =	swait.ge [sflag:s9], $0x680  }
0x2f0: {  	[sflag:s9] =	ssyncset.done $0x0  }
0x2f1: {  	[sflag:s9] =	ssyncadd.s32 $0xFFFFF980  }
0x2f2: {  	_ =	swait.ge [sflag:s9], $0x680  }
0x2f3: {  	[sflag:s9] =	ssyncset.done $0x0  }
0x2f4: {  	[sflag:s9] =	ssyncadd.s32 $0xFFFFF980  }
0x2f5: {  	_ =	swait.ge [sflag:s9], $0x680  }
0x2f6: {  	[sflag:s9] =	ssyncset.done $0x0  }
0x2f7: {  	[sflag:s9] =	ssyncadd.s32 $0xFFFFF980  }
0x2f8: {  	_ =	swait.ge [sflag:s9], $0x680  }
0x2f9: {  	[sflag:s9] =	ssyncset.done $0x0  }
0x2fa: {  	[sflag:s9] =	ssyncadd.s32 $0xFFFFF980  }
0x2fb: {  	_ =	swait.ge [sflag:s9], $0x680  }
0x2fc: {  	[sflag:s9] =	ssyncset.done $0x0  }
0x2fd: {  	[sflag:s9] =	ssyncadd.s32 $0xFFFFF980  }
0x2fe: {  	_ =	swait.ge [sflag:s9], $0x680  }
0x2ff: {  	[sflag:s9] =	ssyncset.done $0x0  }
0x300: {  	[sflag:s9] =	ssyncadd.s32 $0xFFFFF980  }
0x301: {  	_ =	swait.ge [sflag:s9], $0x680  }
0x302: {  	[sflag:s9] =	ssyncset.done $0x0  }
0x303: {  	[sflag:s9] =	ssyncadd.s32 $0xFFFFF980  }
0x304: {  	_ =	swait.ge [sflag:s9], $0x680  }
0x305: {  	[sflag:s9] =	ssyncset.done $0x0  }
0x306: {  	[sflag:s9] =	ssyncadd.s32 $0xFFFFF980  }
0x307: {  	_ =	swait.ge [sflag:s9], $0x680  }
0x308: {  	[sflag:s9] =	ssyncset.done $0x0  }
0x309: {  	[sflag:s9] =	ssyncadd.s32 $0xFFFFF980  }
0x30a: {  	_ =	swait.ge [sflag:s9], $0x680  }
0x30b: {  	[sflag:s9] =	ssyncset.done $0x0  }
0x30c: {  	[sflag:s9] =	ssyncadd.s32 $0xFFFFF980  }
0x30d: {  	_ =	swait.ge [sflag:s9], $0x680  }
0x30e: {  	[sflag:s9] =	ssyncset.done $0x0  }
0x30f: {  	[sflag:s9] =	ssyncadd.s32 $0xFFFFF980  }
0x310: {  	_ =	swait.ge [sflag:s9], $0x680  }
0x311: {  	[sflag:s9] =	ssyncset.done $0x0  }
0x312: {  	[sflag:s9] =	ssyncadd.s32 $0xFFFFF980  }
0x313: {  	_ =	swait.ge [sflag:s9], $0x680  }
0x314: {  	[sflag:s9] =	ssyncset.done $0x0  }
0x315: {  	[sflag:s9] =	ssyncadd.s32 $0xFFFFF980  }
0x316: {  	_ =	swait.ge [sflag:s9], $0x680  }
0x317: {  	[sflag:s9] =	ssyncset.done $0x0  }
0x318: {  	[sflag:s9] =	ssyncadd.s32 $0xFFFFF980  }
0x319: {  	_ =	swait.ge [sflag:s9], $0x680  }
0x31a: {  	[sflag:s9] =	ssyncset.done $0x0  }
0x31b: {  	[sflag:s9] =	ssyncadd.s32 $0xFFFFF980  }
0x31c: {  	_ =	swait.ge [sflag:s9], $0x680  }
0x31d: {  	[sflag:s9] =	ssyncset.done $0x0  }
0x31e: {  	[sflag:s9] =	ssyncadd.s32 $0xFFFFF980  }
0x31f: {  	_ =	swait.ge [sflag:s9], $0x680  }
0x320: {  	[sflag:s9] =	ssyncset.done $0x0  }
0x321: {  	[sflag:s9] =	ssyncadd.s32 $0xFFFFF980  }
0x322: {  	_ =	swait.ge [sflag:s9], $0x680  }
0x323: {  	[sflag:s9] =	ssyncset.done $0x0  }
0x324: {  	[sflag:s9] =	ssyncadd.s32 $0xFFFFF980  }
0x325: {  	_ =	swait.ge [sflag:s9], $0x680  }
0x326: {  	[sflag:s9] =	ssyncset.done $0x0  }
0x327: {  	[sflag:s9] =	ssyncadd.s32 $0xFFFFF980  }
0x328: {  	_ =	swait.ge [sflag:s9], $0x680  }
0x329: {  	[sflag:s9] =	ssyncset.done $0x0  }
0x32a: {  	s29 =	simm.s32 $0x0;
	s0 =	rddreg [dreg:$0xb];
	[sflag:s9] =	ssyncadd.s32 $0xFFFFF980  }
0x32b: {  	[tilespmem:s29], [sflag:$0x5] =	stream.linear.gather [hbm4b:s0+s29], $0x400, $0x38;
	[tilespmem:$0x1AA80] =	vst v63  }
0x32c: {  	_ =	swait.ge [sflag:s26], $0x400  }
0x32d: {  	[sflag:s26] =	ssyncset.done $0x0  }
0x32e: {  	[sflag:s26] =	ssyncadd.s32 $0xFFFFFC00  }
0x32f: {  	s30 =	simm.s32 $0xA;
	s31 =	simm.s32 $0x24;
	v0 =	vld [tilespmem:s29+$0x0]  }
.LBB2_28:
0x330: {  	p0 =	sne.s32 s31, $0x330;
	_ =	sdelay $0x1  }
0x331: {  	s0 =	sadd.s32 $0xFFFFFFF6, s30  }
0x332: {  	s0 =	sand.u32 $0x3FE, s0  }
0x333: {  	[tilespmem:s0+$0x740] =	vst v0  }
0x334: {  	v0 =	vld [tilespmem:s29+$0xA];
	_ =	sdelay $0x1  }
.Ltmp13:
0x335: {  	(pc) =	sbr.rel @p0 .LBB2_28-.Ltmp13, $4  }
0x336: {  	_ = 	snop  }
0x337: {  	s0 =	sand.u32 $0x7FE, s30;
	s30 =	smov.u32 s31  }
0x338: {  	s29 =	sadd.s32 $0x20, s29;
	[tilespmem:s0+$0x740] =	vst v0  }
0x339: {  	s31 =	sadd.s32 $0x1A, s31;
	v0 =	vld [tilespmem:s29+$0x0]  }
0x33a: {  	_ =	sdelay $0x1  }
0x33b: {  	s0 =	sadd.s32 $0xFFFFFFF6, s30  }
0x33c: {  	s0 =	sand.u32 $0x3FE, s0  }
0x33d: {  	[tilespmem:s0+$0x740] =	vst v0  }
0x33e: {  	v0 =	vld [tilespmem:s29+$0xA];
	_ =	sdelay $0x3  }
0x33f: {  	s31 =	sand.u32 $0x7FE, s30  }
0x340: {  	s29 =	simm.s32 $0xDA80;
	[tilespmem:s31+$0x740] =	vst v0;
	s31 =	simm.s32 $0x740  }
0x341: {  	[tilespmem:s29], [sflag:$0x2] =	stream.indirect.gather [hbm4b:s3+s28], $0x40, s31, s28, $0xb8;
	[tilespmem:$0x1AA80] =	vst v63  }
0x342: {  	s31 =	sadd.s32 $0x0, s16;
	_ =	swait.ge [sflag:s1], $0xD000  }
0x343: {  	s30 =	simm.s32 $0x200;
	s0 =	sand.u32 $0x1FFDBE00, s31;
	[sflag:s1] =	ssyncset.done $0x0  }
0x344: {  	s29 =	simm.s32 $0xA80;
	s0 =	sadd.s32 s4, s0;
	[sflag:s1] =	ssyncadd.s32 $0xFFFF3000  }
0x345: {  	[hbm4b:s0+s2] =	stream.strided.scatter [tilespmem:s29], [sflag:$0x3], $0x680, s6, s2, $0x38;
	[tilespmem:$0x1AA80] =	vst v63  }
.LBB2_30:
0x346: {  	p0 =	sne.s32 s30, $0x3E00  }
.Ltmp14:
0x347: {  	_ = 	snop;
	(pc) =	sbr.rel @p0 .LBB2_30-.Ltmp14, $4  }
0x348: {  	s0 =	sadd.s32 s30, s16  }
0x349: {  	s0 =	sand.u32 $0x1FFDBE00, s0  }
0x34a: {  	s30 =	sadd.s32 $0x200, s30;
	s29 =	sadd.s32 $0x680, s29;
	s0 =	sadd.s32 s4, s0  }
0x34b: {  	[hbm4b:s0+s2] =	stream.strided.scatter [tilespmem:s29], [sflag:$0x3], $0x680, s6, s2, $0x38;
	[tilespmem:$0x1AA80] =	vst v63  }
0x34c: {  	_ =	swait.ge [sflag:s7], $0x680  }
0x34d: {  	[sflag:s7] =	ssyncset.done $0x0  }
0x34e: {  	[sflag:s7] =	ssyncadd.s32 $0xFFFFF980  }
0x34f: {  	_ =	swait.ge [sflag:s7], $0x680  }
0x350: {  	[sflag:s7] =	ssyncset.done $0x0  }
0x351: {  	[sflag:s7] =	ssyncadd.s32 $0xFFFFF980  }
0x352: {  	_ =	swait.ge [sflag:s7], $0x680  }
0x353: {  	[sflag:s7] =	ssyncset.done $0x0  }
0x354: {  	[sflag:s7] =	ssyncadd.s32 $0xFFFFF980  }
0x355: {  	_ =	swait.ge [sflag:s7], $0x680  }
0x356: {  	[sflag:s7] =	ssyncset.done $0x0  }
0x357: {  	[sflag:s7] =	ssyncadd.s32 $0xFFFFF980  }
0x358: {  	_ =	swait.ge [sflag:s7], $0x680  }
0x359: {  	[sflag:s7] =	ssyncset.done $0x0  }
0x35a: {  	[sflag:s7] =	ssyncadd.s32 $0xFFFFF980  }
0x35b: {  	_ =	swait.ge [sflag:s7], $0x680  }
0x35c: {  	[sflag:s7] =	ssyncset.done $0x0  }
0x35d: {  	[sflag:s7] =	ssyncadd.s32 $0xFFFFF980  }
0x35e: {  	_ =	swait.ge [sflag:s7], $0x680  }
0x35f: {  	[sflag:s7] =	ssyncset.done $0x0  }
0x360: {  	[sflag:s7] =	ssyncadd.s32 $0xFFFFF980  }
0x361: {  	_ =	swait.ge [sflag:s7], $0x680  }
0x362: {  	[sflag:s7] =	ssyncset.done $0x0  }
0x363: {  	[sflag:s7] =	ssyncadd.s32 $0xFFFFF980  }
0x364: {  	_ =	swait.ge [sflag:s7], $0x680  }
0x365: {  	[sflag:s7] =	ssyncset.done $0x0  }
0x366: {  	[sflag:s7] =	ssyncadd.s32 $0xFFFFF980  }
0x367: {  	_ =	swait.ge [sflag:s7], $0x680  }
0x368: {  	[sflag:s7] =	ssyncset.done $0x0  }
0x369: {  	[sflag:s7] =	ssyncadd.s32 $0xFFFFF980  }
0x36a: {  	_ =	swait.ge [sflag:s7], $0x680  }
0x36b: {  	[sflag:s7] =	ssyncset.done $0x0  }
0x36c: {  	[sflag:s7] =	ssyncadd.s32 $0xFFFFF980  }
0x36d: {  	_ =	swait.ge [sflag:s7], $0x680  }
0x36e: {  	[sflag:s7] =	ssyncset.done $0x0  }
0x36f: {  	[sflag:s7] =	ssyncadd.s32 $0xFFFFF980  }
0x370: {  	_ =	swait.ge [sflag:s7], $0x680  }
0x371: {  	[sflag:s7] =	ssyncset.done $0x0  }
0x372: {  	[sflag:s7] =	ssyncadd.s32 $0xFFFFF980  }
0x373: {  	_ =	swait.ge [sflag:s7], $0x680  }
0x374: {  	[sflag:s7] =	ssyncset.done $0x0  }
0x375: {  	[sflag:s7] =	ssyncadd.s32 $0xFFFFF980  }
0x376: {  	_ =	swait.ge [sflag:s7], $0x680  }
0x377: {  	[sflag:s7] =	ssyncset.done $0x0  }
0x378: {  	[sflag:s7] =	ssyncadd.s32 $0xFFFFF980  }
0x379: {  	_ =	swait.ge [sflag:s7], $0x680  }
0x37a: {  	[sflag:s7] =	ssyncset.done $0x0  }
0x37b: {  	[sflag:s7] =	ssyncadd.s32 $0xFFFFF980  }
0x37c: {  	_ =	swait.ge [sflag:s7], $0x680  }
0x37d: {  	[sflag:s7] =	ssyncset.done $0x0  }
0x37e: {  	[sflag:s7] =	ssyncadd.s32 $0xFFFFF980  }
0x37f: {  	_ =	swait.ge [sflag:s7], $0x680  }
0x380: {  	[sflag:s7] =	ssyncset.done $0x0  }
0x381: {  	[sflag:s7] =	ssyncadd.s32 $0xFFFFF980  }
0x382: {  	_ =	swait.ge [sflag:s7], $0x680  }
0x383: {  	[sflag:s7] =	ssyncset.done $0x0  }
0x384: {  	[sflag:s7] =	ssyncadd.s32 $0xFFFFF980  }
0x385: {  	_ =	swait.ge [sflag:s7], $0x680  }
0x386: {  	[sflag:s7] =	ssyncset.done $0x0  }
0x387: {  	[sflag:s7] =	ssyncadd.s32 $0xFFFFF980  }
0x388: {  	_ =	swait.ge [sflag:s7], $0x680  }
0x389: {  	[sflag:s7] =	ssyncset.done $0x0  }
0x38a: {  	[sflag:s7] =	ssyncadd.s32 $0xFFFFF980  }
0x38b: {  	_ =	swait.ge [sflag:s7], $0x680  }
0x38c: {  	[sflag:s7] =	ssyncset.done $0x0  }
0x38d: {  	[sflag:s7] =	ssyncadd.s32 $0xFFFFF980  }
0x38e: {  	_ =	swait.ge [sflag:s7], $0x680  }
0x38f: {  	[sflag:s7] =	ssyncset.done $0x0  }
0x390: {  	[sflag:s7] =	ssyncadd.s32 $0xFFFFF980  }
0x391: {  	_ =	swait.ge [sflag:s7], $0x680  }
0x392: {  	[sflag:s7] =	ssyncset.done $0x0  }
0x393: {  	[sflag:s7] =	ssyncadd.s32 $0xFFFFF980  }
0x394: {  	_ =	swait.ge [sflag:s7], $0x680  }
0x395: {  	[sflag:s7] =	ssyncset.done $0x0  }
0x396: {  	[sflag:s7] =	ssyncadd.s32 $0xFFFFF980  }
0x397: {  	_ =	swait.ge [sflag:s7], $0x680  }
0x398: {  	[sflag:s7] =	ssyncset.done $0x0  }
0x399: {  	[sflag:s7] =	ssyncadd.s32 $0xFFFFF980  }
0x39a: {  	_ =	swait.ge [sflag:s7], $0x680  }
0x39b: {  	[sflag:s7] =	ssyncset.done $0x0  }
0x39c: {  	[sflag:s7] =	ssyncadd.s32 $0xFFFFF980  }
0x39d: {  	_ =	swait.ge [sflag:s7], $0x680  }
0x39e: {  	[sflag:s7] =	ssyncset.done $0x0  }
0x39f: {  	[sflag:s7] =	ssyncadd.s32 $0xFFFFF980  }
0x3a0: {  	_ =	swait.ge [sflag:s7], $0x680  }
0x3a1: {  	[sflag:s7] =	ssyncset.done $0x0  }
0x3a2: {  	[sflag:s7] =	ssyncadd.s32 $0xFFFFF980  }
0x3a3: {  	_ =	swait.ge [sflag:s7], $0x680  }
0x3a4: {  	[sflag:s7] =	ssyncset.done $0x0  }
0x3a5: {  	[sflag:s7] =	ssyncadd.s32 $0xFFFFF980  }
0x3a6: {  	_ =	swait.ge [sflag:s7], $0x680  }
0x3a7: {  	[sflag:s7] =	ssyncset.done $0x0  }
0x3a8: {  	[sflag:s7] =	ssyncadd.s32 $0xFFFFF980  }
0x3a9: {  	_ =	swait.ge [sflag:s7], $0x680  }
0x3aa: {  	[sflag:s7] =	ssyncset.done $0x0  }
0x3ab: {  	s29 =	simm.s32 $0x0;
	s0 =	rddreg [dreg:$0xc];
	[sflag:s7] =	ssyncadd.s32 $0xFFFFF980  }
0x3ac: {  	[tilespmem:s29], [sflag:$0x5] =	stream.linear.gather [hbm4b:s0+s29], $0x400, $0x38;
	[tilespmem:$0x1AA80] =	vst v63  }
0x3ad: {  	_ =	swait.ge [sflag:s26], $0x400  }
0x3ae: {  	[sflag:s26] =	ssyncset.done $0x0  }
0x3af: {  	[sflag:s26] =	ssyncadd.s32 $0xFFFFFC00  }
0x3b0: {  	s31 =	simm.s32 $0x68;
	s30 =	simm.s32 $0x0;
	v0 =	vld [tilespmem:s29+$0x0]  }
.LBB2_32:
0x3b1: {  	p0 =	sne.s32 s31, $0xC98;
	_ =	sdelay $0x2  }
0x3b2: {  	s0 =	sshra.s32 s29, $0x2;
	s29 =	smov.u32 s31  }
0x3b3: {  	[tilespmem:s0+$0x400] =	vst v0  }
0x3b4: {  	v0 =	vld [tilespmem:s30+$0xA];
	_ =	sdelay $0x1  }
.Ltmp15:
0x3b5: {  	(pc) =	sbr.rel @p0 .LBB2_32-.Ltmp15, $3  }
0x3b6: {  	_ =	sdelay $0x1  }
0x3b7: {  	s30 =	sadd.s32 $0x20, s30;
	[tilespmem:s0+$0x40A] =	vst v0  }
0x3b8: {  	s31 =	sadd.s32 $0x68, s31;
	v0 =	vld [tilespmem:s30+$0x0]  }
0x3b9: {  	_ =	sdelay $0x2  }
0x3ba: {  	s0 =	sshra.s32 s29, $0x2  }
0x3bb: {  	[tilespmem:s0+$0x400] =	vst v0  }
0x3bc: {  	v0 =	vld [tilespmem:s30+$0xA];
	_ =	sdelay $0x4  }
0x3bd: {  	s31 =	simm.s32 $0x400;
	s29 =	simm.s32 $0xA80;
	[tilespmem:s0+$0x40A] =	vst v0  }
0x3be: {  	[tilespmem:s29], [sflag:$0x1] =	stream.indirect.gather [hbm4b:s3+s28], $0x40, s31, s28, $0xb8;
	[tilespmem:$0x1AA80] =	vst v63  }
0x3bf: {  	s31 =	sadd.s32 $0x0, s17;
	_ =	swait.ge [sflag:s8], $0xD000  }
0x3c0: {  	s30 =	simm.s32 $0x200;
	s0 =	sand.u32 $0x1FFDFE00, s31;
	[sflag:s8] =	ssyncset.done $0x0  }
0x3c1: {  	s29 =	simm.s32 $0xDA80;
	s0 =	sadd.s32 s4, s0;
	[sflag:s8] =	ssyncadd.s32 $0xFFFF3000  }
0x3c2: {  	[hbm4b:s0+s2] =	stream.strided.scatter [tilespmem:s29], [sflag:$0x4], $0x680, s6, s2, $0x38;
	[tilespmem:$0x1AA80] =	vst v63  }
.LBB2_34:
0x3c3: {  	p0 =	sne.s32 s30, $0x3E00  }
.Ltmp16:
0x3c4: {  	_ = 	snop;
	(pc) =	sbr.rel @p0 .LBB2_34-.Ltmp16, $4  }
0x3c5: {  	s0 =	sadd.s32 s30, s17  }
0x3c6: {  	s0 =	sand.u32 $0x1FFDFE00, s0  }
0x3c7: {  	s30 =	sadd.s32 $0x200, s30;
	s29 =	sadd.s32 $0x680, s29;
	s0 =	sadd.s32 s4, s0  }
0x3c8: {  	[hbm4b:s0+s2] =	stream.strided.scatter [tilespmem:s29], [sflag:$0x4], $0x680, s6, s2, $0x38;
	[tilespmem:$0x1AA80] =	vst v63  }
0x3c9: {  	_ =	swait.ge [sflag:s9], $0x680  }
0x3ca: {  	[sflag:s9] =	ssyncset.done $0x0  }
0x3cb: {  	[sflag:s9] =	ssyncadd.s32 $0xFFFFF980  }
0x3cc: {  	_ =	swait.ge [sflag:s9], $0x680  }
0x3cd: {  	[sflag:s9] =	ssyncset.done $0x0  }
0x3ce: {  	[sflag:s9] =	ssyncadd.s32 $0xFFFFF980  }
0x3cf: {  	_ =	swait.ge [sflag:s9], $0x680  }
0x3d0: {  	[sflag:s9] =	ssyncset.done $0x0  }
0x3d1: {  	[sflag:s9] =	ssyncadd.s32 $0xFFFFF980  }
0x3d2: {  	_ =	swait.ge [sflag:s9], $0x680  }
0x3d3: {  	[sflag:s9] =	ssyncset.done $0x0  }
0x3d4: {  	[sflag:s9] =	ssyncadd.s32 $0xFFFFF980  }
0x3d5: {  	_ =	swait.ge [sflag:s9], $0x680  }
0x3d6: {  	[sflag:s9] =	ssyncset.done $0x0  }
0x3d7: {  	[sflag:s9] =	ssyncadd.s32 $0xFFFFF980  }
0x3d8: {  	_ =	swait.ge [sflag:s9], $0x680  }
0x3d9: {  	[sflag:s9] =	ssyncset.done $0x0  }
0x3da: {  	[sflag:s9] =	ssyncadd.s32 $0xFFFFF980  }
0x3db: {  	_ =	swait.ge [sflag:s9], $0x680  }
0x3dc: {  	[sflag:s9] =	ssyncset.done $0x0  }
0x3dd: {  	[sflag:s9] =	ssyncadd.s32 $0xFFFFF980  }
0x3de: {  	_ =	swait.ge [sflag:s9], $0x680  }
0x3df: {  	[sflag:s9] =	ssyncset.done $0x0  }
0x3e0: {  	[sflag:s9] =	ssyncadd.s32 $0xFFFFF980  }
0x3e1: {  	_ =	swait.ge [sflag:s9], $0x680  }
0x3e2: {  	[sflag:s9] =	ssyncset.done $0x0  }
0x3e3: {  	[sflag:s9] =	ssyncadd.s32 $0xFFFFF980  }
0x3e4: {  	_ =	swait.ge [sflag:s9], $0x680  }
0x3e5: {  	[sflag:s9] =	ssyncset.done $0x0  }
0x3e6: {  	[sflag:s9] =	ssyncadd.s32 $0xFFFFF980  }
0x3e7: {  	_ =	swait.ge [sflag:s9], $0x680  }
0x3e8: {  	[sflag:s9] =	ssyncset.done $0x0  }
0x3e9: {  	[sflag:s9] =	ssyncadd.s32 $0xFFFFF980  }
0x3ea: {  	_ =	swait.ge [sflag:s9], $0x680  }
0x3eb: {  	[sflag:s9] =	ssyncset.done $0x0  }
0x3ec: {  	[sflag:s9] =	ssyncadd.s32 $0xFFFFF980  }
0x3ed: {  	_ =	swait.ge [sflag:s9], $0x680  }
0x3ee: {  	[sflag:s9] =	ssyncset.done $0x0  }
0x3ef: {  	[sflag:s9] =	ssyncadd.s32 $0xFFFFF980  }
0x3f0: {  	_ =	swait.ge [sflag:s9], $0x680  }
0x3f1: {  	[sflag:s9] =	ssyncset.done $0x0  }
0x3f2: {  	[sflag:s9] =	ssyncadd.s32 $0xFFFFF980  }
0x3f3: {  	_ =	swait.ge [sflag:s9], $0x680  }
0x3f4: {  	[sflag:s9] =	ssyncset.done $0x0  }
0x3f5: {  	[sflag:s9] =	ssyncadd.s32 $0xFFFFF980  }
0x3f6: {  	_ =	swait.ge [sflag:s9], $0x680  }
0x3f7: {  	[sflag:s9] =	ssyncset.done $0x0  }
0x3f8: {  	[sflag:s9] =	ssyncadd.s32 $0xFFFFF980  }
0x3f9: {  	_ =	swait.ge [sflag:s9], $0x680  }
0x3fa: {  	[sflag:s9] =	ssyncset.done $0x0  }
0x3fb: {  	[sflag:s9] =	ssyncadd.s32 $0xFFFFF980  }
0x3fc: {  	_ =	swait.ge [sflag:s9], $0x680  }
0x3fd: {  	[sflag:s9] =	ssyncset.done $0x0  }
0x3fe: {  	[sflag:s9] =	ssyncadd.s32 $0xFFFFF980  }
0x3ff: {  	_ =	swait.ge [sflag:s9], $0x680  }
0x400: {  	[sflag:s9] =	ssyncset.done $0x0  }
0x401: {  	[sflag:s9] =	ssyncadd.s32 $0xFFFFF980  }
0x402: {  	_ =	swait.ge [sflag:s9], $0x680  }
0x403: {  	[sflag:s9] =	ssyncset.done $0x0  }
0x404: {  	[sflag:s9] =	ssyncadd.s32 $0xFFFFF980  }
0x405: {  	_ =	swait.ge [sflag:s9], $0x680  }
0x406: {  	[sflag:s9] =	ssyncset.done $0x0  }
0x407: {  	[sflag:s9] =	ssyncadd.s32 $0xFFFFF980  }
0x408: {  	_ =	swait.ge [sflag:s9], $0x680  }
0x409: {  	[sflag:s9] =	ssyncset.done $0x0  }
0x40a: {  	[sflag:s9] =	ssyncadd.s32 $0xFFFFF980  }
0x40b: {  	_ =	swait.ge [sflag:s9], $0x680  }
0x40c: {  	[sflag:s9] =	ssyncset.done $0x0  }
0x40d: {  	[sflag:s9] =	ssyncadd.s32 $0xFFFFF980  }
0x40e: {  	_ =	swait.ge [sflag:s9], $0x680  }
0x40f: {  	[sflag:s9] =	ssyncset.done $0x0  }
0x410: {  	[sflag:s9] =	ssyncadd.s32 $0xFFFFF980  }
0x411: {  	_ =	swait.ge [sflag:s9], $0x680  }
0x412: {  	[sflag:s9] =	ssyncset.done $0x0  }
0x413: {  	[sflag:s9] =	ssyncadd.s32 $0xFFFFF980  }
0x414: {  	_ =	swait.ge [sflag:s9], $0x680  }
0x415: {  	[sflag:s9] =	ssyncset.done $0x0  }
0x416: {  	[sflag:s9] =	ssyncadd.s32 $0xFFFFF980  }
0x417: {  	_ =	swait.ge [sflag:s9], $0x680  }
0x418: {  	[sflag:s9] =	ssyncset.done $0x0  }
0x419: {  	[sflag:s9] =	ssyncadd.s32 $0xFFFFF980  }
0x41a: {  	_ =	swait.ge [sflag:s9], $0x680  }
0x41b: {  	[sflag:s9] =	ssyncset.done $0x0  }
0x41c: {  	[sflag:s9] =	ssyncadd.s32 $0xFFFFF980  }
0x41d: {  	_ =	swait.ge [sflag:s9], $0x680  }
0x41e: {  	[sflag:s9] =	ssyncset.done $0x0  }
0x41f: {  	[sflag:s9] =	ssyncadd.s32 $0xFFFFF980  }
0x420: {  	_ =	swait.ge [sflag:s9], $0x680  }
0x421: {  	[sflag:s9] =	ssyncset.done $0x0  }
0x422: {  	[sflag:s9] =	ssyncadd.s32 $0xFFFFF980  }
0x423: {  	_ =	swait.ge [sflag:s9], $0x680  }
0x424: {  	[sflag:s9] =	ssyncset.done $0x0  }
0x425: {  	[sflag:s9] =	ssyncadd.s32 $0xFFFFF980  }
0x426: {  	_ =	swait.ge [sflag:s9], $0x680  }
0x427: {  	[sflag:s9] =	ssyncset.done $0x0  }
0x428: {  	s29 =	simm.s32 $0x0;
	s0 =	rddreg [dreg:$0xd];
	[sflag:s9] =	ssyncadd.s32 $0xFFFFF980  }
0x429: {  	[tilespmem:s29], [sflag:$0x5] =	stream.linear.gather [hbm4b:s0+s29], $0x400, $0x38;
	[tilespmem:$0x1AA80] =	vst v63  }
0x42a: {  	_ =	swait.ge [sflag:s26], $0x400  }
0x42b: {  	[sflag:s26] =	ssyncset.done $0x0  }
0x42c: {  	[sflag:s26] =	ssyncadd.s32 $0xFFFFFC00  }
0x42d: {  	s30 =	simm.s32 $0xA;
	s31 =	simm.s32 $0x24;
	v0 =	vld [tilespmem:s29+$0x0]  }
.LBB2_36:
0x42e: {  	p0 =	sne.s32 s31, $0x330;
	_ =	sdelay $0x1  }
0x42f: {  	s0 =	sadd.s32 $0xFFFFFFF6, s30  }
0x430: {  	s0 =	sand.u32 $0x3FE, s0  }
0x431: {  	[tilespmem:s0+$0x740] =	vst v0  }
0x432: {  	v0 =	vld [tilespmem:s29+$0xA];
	_ =	sdelay $0x1  }
.Ltmp17:
0x433: {  	(pc) =	sbr.rel @p0 .LBB2_36-.Ltmp17, $4  }
0x434: {  	_ = 	snop  }
0x435: {  	s0 =	sand.u32 $0x7FE, s30;
	s30 =	smov.u32 s31  }
0x436: {  	s29 =	sadd.s32 $0x20, s29;
	[tilespmem:s0+$0x740] =	vst v0  }
0x437: {  	s31 =	sadd.s32 $0x1A, s31;
	v0 =	vld [tilespmem:s29+$0x0]  }
0x438: {  	_ =	sdelay $0x1  }
0x439: {  	s0 =	sadd.s32 $0xFFFFFFF6, s30  }
0x43a: {  	s0 =	sand.u32 $0x3FE, s0  }
0x43b: {  	[tilespmem:s0+$0x740] =	vst v0  }
0x43c: {  	v0 =	vld [tilespmem:s29+$0xA];
	_ =	sdelay $0x3  }
0x43d: {  	s31 =	sand.u32 $0x7FE, s30  }
0x43e: {  	s29 =	simm.s32 $0xDA80;
	[tilespmem:s31+$0x740] =	vst v0;
	s31 =	simm.s32 $0x740  }
0x43f: {  	[tilespmem:s29], [sflag:$0x2] =	stream.indirect.gather [hbm4b:s3+s28], $0x40, s31, s28, $0xb8;
	[tilespmem:$0x1AA80] =	vst v63  }
0x440: {  	s31 =	sadd.s32 $0x0, s18;
	_ =	swait.ge [sflag:s1], $0xD000  }
0x441: {  	s30 =	simm.s32 $0x200;
	s0 =	sand.u32 $0x1FFE3E00, s31;
	[sflag:s1] =	ssyncset.done $0x0  }
0x442: {  	s29 =	simm.s32 $0xA80;
	s0 =	sadd.s32 s4, s0;
	[sflag:s1] =	ssyncadd.s32 $0xFFFF3000  }
0x443: {  	[hbm4b:s0+s2] =	stream.strided.scatter [tilespmem:s29], [sflag:$0x3], $0x680, s6, s2, $0x38;
	[tilespmem:$0x1AA80] =	vst v63  }
.LBB2_38:
0x444: {  	p0 =	sne.s32 s30, $0x3E00  }
.Ltmp18:
0x445: {  	_ = 	snop;
	(pc) =	sbr.rel @p0 .LBB2_38-.Ltmp18, $4  }
0x446: {  	s0 =	sadd.s32 s30, s18  }
0x447: {  	s0 =	sand.u32 $0x1FFE3E00, s0  }
0x448: {  	s30 =	sadd.s32 $0x200, s30;
	s29 =	sadd.s32 $0x680, s29;
	s0 =	sadd.s32 s4, s0  }
0x449: {  	[hbm4b:s0+s2] =	stream.strided.scatter [tilespmem:s29], [sflag:$0x3], $0x680, s6, s2, $0x38;
	[tilespmem:$0x1AA80] =	vst v63  }
0x44a: {  	_ =	swait.ge [sflag:s7], $0x680  }
0x44b: {  	[sflag:s7] =	ssyncset.done $0x0  }
0x44c: {  	[sflag:s7] =	ssyncadd.s32 $0xFFFFF980  }
0x44d: {  	_ =	swait.ge [sflag:s7], $0x680  }
0x44e: {  	[sflag:s7] =	ssyncset.done $0x0  }
0x44f: {  	[sflag:s7] =	ssyncadd.s32 $0xFFFFF980  }
0x450: {  	_ =	swait.ge [sflag:s7], $0x680  }
0x451: {  	[sflag:s7] =	ssyncset.done $0x0  }
0x452: {  	[sflag:s7] =	ssyncadd.s32 $0xFFFFF980  }
0x453: {  	_ =	swait.ge [sflag:s7], $0x680  }
0x454: {  	[sflag:s7] =	ssyncset.done $0x0  }
0x455: {  	[sflag:s7] =	ssyncadd.s32 $0xFFFFF980  }
0x456: {  	_ =	swait.ge [sflag:s7], $0x680  }
0x457: {  	[sflag:s7] =	ssyncset.done $0x0  }
0x458: {  	[sflag:s7] =	ssyncadd.s32 $0xFFFFF980  }
0x459: {  	_ =	swait.ge [sflag:s7], $0x680  }
0x45a: {  	[sflag:s7] =	ssyncset.done $0x0  }
0x45b: {  	[sflag:s7] =	ssyncadd.s32 $0xFFFFF980  }
0x45c: {  	_ =	swait.ge [sflag:s7], $0x680  }
0x45d: {  	[sflag:s7] =	ssyncset.done $0x0  }
0x45e: {  	[sflag:s7] =	ssyncadd.s32 $0xFFFFF980  }
0x45f: {  	_ =	swait.ge [sflag:s7], $0x680  }
0x460: {  	[sflag:s7] =	ssyncset.done $0x0  }
0x461: {  	[sflag:s7] =	ssyncadd.s32 $0xFFFFF980  }
0x462: {  	_ =	swait.ge [sflag:s7], $0x680  }
0x463: {  	[sflag:s7] =	ssyncset.done $0x0  }
0x464: {  	[sflag:s7] =	ssyncadd.s32 $0xFFFFF980  }
0x465: {  	_ =	swait.ge [sflag:s7], $0x680  }
0x466: {  	[sflag:s7] =	ssyncset.done $0x0  }
0x467: {  	[sflag:s7] =	ssyncadd.s32 $0xFFFFF980  }
0x468: {  	_ =	swait.ge [sflag:s7], $0x680  }
0x469: {  	[sflag:s7] =	ssyncset.done $0x0  }
0x46a: {  	[sflag:s7] =	ssyncadd.s32 $0xFFFFF980  }
0x46b: {  	_ =	swait.ge [sflag:s7], $0x680  }
0x46c: {  	[sflag:s7] =	ssyncset.done $0x0  }
0x46d: {  	[sflag:s7] =	ssyncadd.s32 $0xFFFFF980  }
0x46e: {  	_ =	swait.ge [sflag:s7], $0x680  }
0x46f: {  	[sflag:s7] =	ssyncset.done $0x0  }
0x470: {  	[sflag:s7] =	ssyncadd.s32 $0xFFFFF980  }
0x471: {  	_ =	swait.ge [sflag:s7], $0x680  }
0x472: {  	[sflag:s7] =	ssyncset.done $0x0  }
0x473: {  	[sflag:s7] =	ssyncadd.s32 $0xFFFFF980  }
0x474: {  	_ =	swait.ge [sflag:s7], $0x680  }
0x475: {  	[sflag:s7] =	ssyncset.done $0x0  }
0x476: {  	[sflag:s7] =	ssyncadd.s32 $0xFFFFF980  }
0x477: {  	_ =	swait.ge [sflag:s7], $0x680  }
0x478: {  	[sflag:s7] =	ssyncset.done $0x0  }
0x479: {  	[sflag:s7] =	ssyncadd.s32 $0xFFFFF980  }
0x47a: {  	_ =	swait.ge [sflag:s7], $0x680  }
0x47b: {  	[sflag:s7] =	ssyncset.done $0x0  }
0x47c: {  	[sflag:s7] =	ssyncadd.s32 $0xFFFFF980  }
0x47d: {  	_ =	swait.ge [sflag:s7], $0x680  }
0x47e: {  	[sflag:s7] =	ssyncset.done $0x0  }
0x47f: {  	[sflag:s7] =	ssyncadd.s32 $0xFFFFF980  }
0x480: {  	_ =	swait.ge [sflag:s7], $0x680  }
0x481: {  	[sflag:s7] =	ssyncset.done $0x0  }
0x482: {  	[sflag:s7] =	ssyncadd.s32 $0xFFFFF980  }
0x483: {  	_ =	swait.ge [sflag:s7], $0x680  }
0x484: {  	[sflag:s7] =	ssyncset.done $0x0  }
0x485: {  	[sflag:s7] =	ssyncadd.s32 $0xFFFFF980  }
0x486: {  	_ =	swait.ge [sflag:s7], $0x680  }
0x487: {  	[sflag:s7] =	ssyncset.done $0x0  }
0x488: {  	[sflag:s7] =	ssyncadd.s32 $0xFFFFF980  }
0x489: {  	_ =	swait.ge [sflag:s7], $0x680  }
0x48a: {  	[sflag:s7] =	ssyncset.done $0x0  }
0x48b: {  	[sflag:s7] =	ssyncadd.s32 $0xFFFFF980  }
0x48c: {  	_ =	swait.ge [sflag:s7], $0x680  }
0x48d: {  	[sflag:s7] =	ssyncset.done $0x0  }
0x48e: {  	[sflag:s7] =	ssyncadd.s32 $0xFFFFF980  }
0x48f: {  	_ =	swait.ge [sflag:s7], $0x680  }
0x490: {  	[sflag:s7] =	ssyncset.done $0x0  }
0x491: {  	[sflag:s7] =	ssyncadd.s32 $0xFFFFF980  }
0x492: {  	_ =	swait.ge [sflag:s7], $0x680  }
0x493: {  	[sflag:s7] =	ssyncset.done $0x0  }
0x494: {  	[sflag:s7] =	ssyncadd.s32 $0xFFFFF980  }
0x495: {  	_ =	swait.ge [sflag:s7], $0x680  }
0x496: {  	[sflag:s7] =	ssyncset.done $0x0  }
0x497: {  	[sflag:s7] =	ssyncadd.s32 $0xFFFFF980  }
0x498: {  	_ =	swait.ge [sflag:s7], $0x680  }
0x499: {  	[sflag:s7] =	ssyncset.done $0x0  }
0x49a: {  	[sflag:s7] =	ssyncadd.s32 $0xFFFFF980  }
0x49b: {  	_ =	swait.ge [sflag:s7], $0x680  }
0x49c: {  	[sflag:s7] =	ssyncset.done $0x0  }
0x49d: {  	[sflag:s7] =	ssyncadd.s32 $0xFFFFF980  }
0x49e: {  	_ =	swait.ge [sflag:s7], $0x680  }
0x49f: {  	[sflag:s7] =	ssyncset.done $0x0  }
0x4a0: {  	[sflag:s7] =	ssyncadd.s32 $0xFFFFF980  }
0x4a1: {  	_ =	swait.ge [sflag:s7], $0x680  }
0x4a2: {  	[sflag:s7] =	ssyncset.done $0x0  }
0x4a3: {  	[sflag:s7] =	ssyncadd.s32 $0xFFFFF980  }
0x4a4: {  	_ =	swait.ge [sflag:s7], $0x680  }
0x4a5: {  	[sflag:s7] =	ssyncset.done $0x0  }
0x4a6: {  	[sflag:s7] =	ssyncadd.s32 $0xFFFFF980  }
0x4a7: {  	_ =	swait.ge [sflag:s7], $0x680  }
0x4a8: {  	[sflag:s7] =	ssyncset.done $0x0  }
0x4a9: {  	s29 =	simm.s32 $0x0;
	s0 =	rddreg [dreg:$0xe];
	[sflag:s7] =	ssyncadd.s32 $0xFFFFF980  }
0x4aa: {  	[tilespmem:s29], [sflag:$0x5] =	stream.linear.gather [hbm4b:s0+s29], $0x400, $0x38;
	[tilespmem:$0x1AA80] =	vst v63  }
0x4ab: {  	_ =	swait.ge [sflag:s26], $0x400  }
0x4ac: {  	[sflag:s26] =	ssyncset.done $0x0  }
0x4ad: {  	[sflag:s26] =	ssyncadd.s32 $0xFFFFFC00  }
0x4ae: {  	s31 =	simm.s32 $0x68;
	s30 =	simm.s32 $0x0;
	v0 =	vld [tilespmem:s29+$0x0]  }
.LBB2_40:
0x4af: {  	p0 =	sne.s32 s31, $0xC98;
	_ =	sdelay $0x2  }
0x4b0: {  	s0 =	sshra.s32 s29, $0x2;
	s29 =	smov.u32 s31  }
0x4b1: {  	[tilespmem:s0+$0x400] =	vst v0  }
0x4b2: {  	v0 =	vld [tilespmem:s30+$0xA];
	_ =	sdelay $0x1  }
.Ltmp19:
0x4b3: {  	(pc) =	sbr.rel @p0 .LBB2_40-.Ltmp19, $3  }
0x4b4: {  	_ =	sdelay $0x1  }
0x4b5: {  	s30 =	sadd.s32 $0x20, s30;
	[tilespmem:s0+$0x40A] =	vst v0  }
0x4b6: {  	s31 =	sadd.s32 $0x68, s31;
	v0 =	vld [tilespmem:s30+$0x0]  }
0x4b7: {  	_ =	sdelay $0x2  }
0x4b8: {  	s0 =	sshra.s32 s29, $0x2  }
0x4b9: {  	[tilespmem:s0+$0x400] =	vst v0  }
0x4ba: {  	v0 =	vld [tilespmem:s30+$0xA];
	_ =	sdelay $0x4  }
0x4bb: {  	s31 =	simm.s32 $0x400;
	s29 =	simm.s32 $0xA80;
	[tilespmem:s0+$0x40A] =	vst v0  }
0x4bc: {  	[tilespmem:s29], [sflag:$0x1] =	stream.indirect.gather [hbm4b:s3+s28], $0x40, s31, s28, $0xb8;
	[tilespmem:$0x1AA80] =	vst v63  }
0x4bd: {  	s31 =	sadd.s32 $0x0, s19;
	_ =	swait.ge [sflag:s8], $0xD000  }
0x4be: {  	s30 =	simm.s32 $0x200;
	s0 =	sand.u32 $0x1FFE7E00, s31;
	[sflag:s8] =	ssyncset.done $0x0  }
0x4bf: {  	s29 =	simm.s32 $0xDA80;
	s0 =	sadd.s32 s4, s0;
	[sflag:s8] =	ssyncadd.s32 $0xFFFF3000  }
0x4c0: {  	[hbm4b:s0+s2] =	stream.strided.scatter [tilespmem:s29], [sflag:$0x4], $0x680, s6, s2, $0x38;
	[tilespmem:$0x1AA80] =	vst v63  }
.LBB2_42:
0x4c1: {  	p0 =	sne.s32 s30, $0x3E00  }
.Ltmp20:
0x4c2: {  	_ = 	snop;
	(pc) =	sbr.rel @p0 .LBB2_42-.Ltmp20, $4  }
0x4c3: {  	s0 =	sadd.s32 s30, s19  }
0x4c4: {  	s0 =	sand.u32 $0x1FFE7E00, s0  }
0x4c5: {  	s30 =	sadd.s32 $0x200, s30;
	s29 =	sadd.s32 $0x680, s29;
	s0 =	sadd.s32 s4, s0  }
0x4c6: {  	[hbm4b:s0+s2] =	stream.strided.scatter [tilespmem:s29], [sflag:$0x4], $0x680, s6, s2, $0x38;
	[tilespmem:$0x1AA80] =	vst v63  }
0x4c7: {  	_ =	swait.ge [sflag:s9], $0x680  }
0x4c8: {  	[sflag:s9] =	ssyncset.done $0x0  }
0x4c9: {  	[sflag:s9] =	ssyncadd.s32 $0xFFFFF980  }
0x4ca: {  	_ =	swait.ge [sflag:s9], $0x680  }
0x4cb: {  	[sflag:s9] =	ssyncset.done $0x0  }
0x4cc: {  	[sflag:s9] =	ssyncadd.s32 $0xFFFFF980  }
0x4cd: {  	_ =	swait.ge [sflag:s9], $0x680  }
0x4ce: {  	[sflag:s9] =	ssyncset.done $0x0  }
0x4cf: {  	[sflag:s9] =	ssyncadd.s32 $0xFFFFF980  }
0x4d0: {  	_ =	swait.ge [sflag:s9], $0x680  }
0x4d1: {  	[sflag:s9] =	ssyncset.done $0x0  }
0x4d2: {  	[sflag:s9] =	ssyncadd.s32 $0xFFFFF980  }
0x4d3: {  	_ =	swait.ge [sflag:s9], $0x680  }
0x4d4: {  	[sflag:s9] =	ssyncset.done $0x0  }
0x4d5: {  	[sflag:s9] =	ssyncadd.s32 $0xFFFFF980  }
0x4d6: {  	_ =	swait.ge [sflag:s9], $0x680  }
0x4d7: {  	[sflag:s9] =	ssyncset.done $0x0  }
0x4d8: {  	[sflag:s9] =	ssyncadd.s32 $0xFFFFF980  }
0x4d9: {  	_ =	swait.ge [sflag:s9], $0x680  }
0x4da: {  	[sflag:s9] =	ssyncset.done $0x0  }
0x4db: {  	[sflag:s9] =	ssyncadd.s32 $0xFFFFF980  }
0x4dc: {  	_ =	swait.ge [sflag:s9], $0x680  }
0x4dd: {  	[sflag:s9] =	ssyncset.done $0x0  }
0x4de: {  	[sflag:s9] =	ssyncadd.s32 $0xFFFFF980  }
0x4df: {  	_ =	swait.ge [sflag:s9], $0x680  }
0x4e0: {  	[sflag:s9] =	ssyncset.done $0x0  }
0x4e1: {  	[sflag:s9] =	ssyncadd.s32 $0xFFFFF980  }
0x4e2: {  	_ =	swait.ge [sflag:s9], $0x680  }
0x4e3: {  	[sflag:s9] =	ssyncset.done $0x0  }
0x4e4: {  	[sflag:s9] =	ssyncadd.s32 $0xFFFFF980  }
0x4e5: {  	_ =	swait.ge [sflag:s9], $0x680  }
0x4e6: {  	[sflag:s9] =	ssyncset.done $0x0  }
0x4e7: {  	[sflag:s9] =	ssyncadd.s32 $0xFFFFF980  }
0x4e8: {  	_ =	swait.ge [sflag:s9], $0x680  }
0x4e9: {  	[sflag:s9] =	ssyncset.done $0x0  }
0x4ea: {  	[sflag:s9] =	ssyncadd.s32 $0xFFFFF980  }
0x4eb: {  	_ =	swait.ge [sflag:s9], $0x680  }
0x4ec: {  	[sflag:s9] =	ssyncset.done $0x0  }
0x4ed: {  	[sflag:s9] =	ssyncadd.s32 $0xFFFFF980  }
0x4ee: {  	_ =	swait.ge [sflag:s9], $0x680  }
0x4ef: {  	[sflag:s9] =	ssyncset.done $0x0  }
0x4f0: {  	[sflag:s9] =	ssyncadd.s32 $0xFFFFF980  }
0x4f1: {  	_ =	swait.ge [sflag:s9], $0x680  }
0x4f2: {  	[sflag:s9] =	ssyncset.done $0x0  }
0x4f3: {  	[sflag:s9] =	ssyncadd.s32 $0xFFFFF980  }
0x4f4: {  	_ =	swait.ge [sflag:s9], $0x680  }
0x4f5: {  	[sflag:s9] =	ssyncset.done $0x0  }
0x4f6: {  	[sflag:s9] =	ssyncadd.s32 $0xFFFFF980  }
0x4f7: {  	_ =	swait.ge [sflag:s9], $0x680  }
0x4f8: {  	[sflag:s9] =	ssyncset.done $0x0  }
0x4f9: {  	[sflag:s9] =	ssyncadd.s32 $0xFFFFF980  }
0x4fa: {  	_ =	swait.ge [sflag:s9], $0x680  }
0x4fb: {  	[sflag:s9] =	ssyncset.done $0x0  }
0x4fc: {  	[sflag:s9] =	ssyncadd.s32 $0xFFFFF980  }
0x4fd: {  	_ =	swait.ge [sflag:s9], $0x680  }
0x4fe: {  	[sflag:s9] =	ssyncset.done $0x0  }
0x4ff: {  	[sflag:s9] =	ssyncadd.s32 $0xFFFFF980  }
0x500: {  	_ =	swait.ge [sflag:s9], $0x680  }
0x501: {  	[sflag:s9] =	ssyncset.done $0x0  }
0x502: {  	[sflag:s9] =	ssyncadd.s32 $0xFFFFF980  }
0x503: {  	_ =	swait.ge [sflag:s9], $0x680  }
0x504: {  	[sflag:s9] =	ssyncset.done $0x0  }
0x505: {  	[sflag:s9] =	ssyncadd.s32 $0xFFFFF980  }
0x506: {  	_ =	swait.ge [sflag:s9], $0x680  }
0x507: {  	[sflag:s9] =	ssyncset.done $0x0  }
0x508: {  	[sflag:s9] =	ssyncadd.s32 $0xFFFFF980  }
0x509: {  	_ =	swait.ge [sflag:s9], $0x680  }
0x50a: {  	[sflag:s9] =	ssyncset.done $0x0  }
0x50b: {  	[sflag:s9] =	ssyncadd.s32 $0xFFFFF980  }
0x50c: {  	_ =	swait.ge [sflag:s9], $0x680  }
0x50d: {  	[sflag:s9] =	ssyncset.done $0x0  }
0x50e: {  	[sflag:s9] =	ssyncadd.s32 $0xFFFFF980  }
0x50f: {  	_ =	swait.ge [sflag:s9], $0x680  }
0x510: {  	[sflag:s9] =	ssyncset.done $0x0  }
0x511: {  	[sflag:s9] =	ssyncadd.s32 $0xFFFFF980  }
0x512: {  	_ =	swait.ge [sflag:s9], $0x680  }
0x513: {  	[sflag:s9] =	ssyncset.done $0x0  }
0x514: {  	[sflag:s9] =	ssyncadd.s32 $0xFFFFF980  }
0x515: {  	_ =	swait.ge [sflag:s9], $0x680  }
0x516: {  	[sflag:s9] =	ssyncset.done $0x0  }
0x517: {  	[sflag:s9] =	ssyncadd.s32 $0xFFFFF980  }
0x518: {  	_ =	swait.ge [sflag:s9], $0x680  }
0x519: {  	[sflag:s9] =	ssyncset.done $0x0  }
0x51a: {  	[sflag:s9] =	ssyncadd.s32 $0xFFFFF980  }
0x51b: {  	_ =	swait.ge [sflag:s9], $0x680  }
0x51c: {  	[sflag:s9] =	ssyncset.done $0x0  }
0x51d: {  	[sflag:s9] =	ssyncadd.s32 $0xFFFFF980  }
0x51e: {  	_ =	swait.ge [sflag:s9], $0x680  }
0x51f: {  	[sflag:s9] =	ssyncset.done $0x0  }
0x520: {  	[sflag:s9] =	ssyncadd.s32 $0xFFFFF980  }
0x521: {  	_ =	swait.ge [sflag:s9], $0x680  }
0x522: {  	[sflag:s9] =	ssyncset.done $0x0  }
0x523: {  	[sflag:s9] =	ssyncadd.s32 $0xFFFFF980  }
0x524: {  	_ =	swait.ge [sflag:s9], $0x680  }
0x525: {  	[sflag:s9] =	ssyncset.done $0x0  }
0x526: {  	s29 =	simm.s32 $0x0;
	s0 =	rddreg [dreg:$0xf];
	[sflag:s9] =	ssyncadd.s32 $0xFFFFF980  }
0x527: {  	[tilespmem:s29], [sflag:$0x5] =	stream.linear.gather [hbm4b:s0+s29], $0x400, $0x38;
	[tilespmem:$0x1AA80] =	vst v63  }
0x528: {  	_ =	swait.ge [sflag:s26], $0x400  }
0x529: {  	[sflag:s26] =	ssyncset.done $0x0  }
0x52a: {  	[sflag:s26] =	ssyncadd.s32 $0xFFFFFC00  }
0x52b: {  	s30 =	simm.s32 $0xA;
	s31 =	simm.s32 $0x24;
	v0 =	vld [tilespmem:s29+$0x0]  }
.LBB2_44:
0x52c: {  	p0 =	sne.s32 s31, $0x330;
	_ =	sdelay $0x1  }
0x52d: {  	s0 =	sadd.s32 $0xFFFFFFF6, s30  }
0x52e: {  	s0 =	sand.u32 $0x3FE, s0  }
0x52f: {  	[tilespmem:s0+$0x740] =	vst v0  }
0x530: {  	v0 =	vld [tilespmem:s29+$0xA];
	_ =	sdelay $0x1  }
.Ltmp21:
0x531: {  	(pc) =	sbr.rel @p0 .LBB2_44-.Ltmp21, $4  }
0x532: {  	_ = 	snop  }
0x533: {  	s0 =	sand.u32 $0x7FE, s30;
	s30 =	smov.u32 s31  }
0x534: {  	s29 =	sadd.s32 $0x20, s29;
	[tilespmem:s0+$0x740] =	vst v0  }
0x535: {  	s31 =	sadd.s32 $0x1A, s31;
	v0 =	vld [tilespmem:s29+$0x0]  }
0x536: {  	_ =	sdelay $0x1  }
0x537: {  	s0 =	sadd.s32 $0xFFFFFFF6, s30  }
0x538: {  	s0 =	sand.u32 $0x3FE, s0  }
0x539: {  	[tilespmem:s0+$0x740] =	vst v0  }
0x53a: {  	v0 =	vld [tilespmem:s29+$0xA];
	_ =	sdelay $0x3  }
0x53b: {  	s31 =	sand.u32 $0x7FE, s30  }
0x53c: {  	s29 =	simm.s32 $0xDA80;
	[tilespmem:s31+$0x740] =	vst v0;
	s31 =	simm.s32 $0x740  }
0x53d: {  	[tilespmem:s29], [sflag:$0x2] =	stream.indirect.gather [hbm4b:s3+s28], $0x40, s31, s28, $0xb8;
	[tilespmem:$0x1AA80] =	vst v63  }
0x53e: {  	s31 =	sadd.s32 $0x0, s20;
	_ =	swait.ge [sflag:s1], $0xD000  }
0x53f: {  	s30 =	simm.s32 $0x200;
	s0 =	sand.u32 $0x1FFEBE00, s31;
	[sflag:s1] =	ssyncset.done $0x0  }
0x540: {  	s29 =	simm.s32 $0xA80;
	s0 =	sadd.s32 s4, s0;
	[sflag:s1] =	ssyncadd.s32 $0xFFFF3000  }
0x541: {  	[hbm4b:s0+s2] =	stream.strided.scatter [tilespmem:s29], [sflag:$0x3], $0x680, s6, s2, $0x38;
	[tilespmem:$0x1AA80] =	vst v63  }
.LBB2_46:
0x542: {  	p0 =	sne.s32 s30, $0x3E00  }
.Ltmp22:
0x543: {  	_ = 	snop;
	(pc) =	sbr.rel @p0 .LBB2_46-.Ltmp22, $4  }
0x544: {  	s0 =	sadd.s32 s30, s20  }
0x545: {  	s0 =	sand.u32 $0x1FFEBE00, s0  }
0x546: {  	s30 =	sadd.s32 $0x200, s30;
	s29 =	sadd.s32 $0x680, s29;
	s0 =	sadd.s32 s4, s0  }
0x547: {  	[hbm4b:s0+s2] =	stream.strided.scatter [tilespmem:s29], [sflag:$0x3], $0x680, s6, s2, $0x38;
	[tilespmem:$0x1AA80] =	vst v63  }
0x548: {  	_ =	swait.ge [sflag:s7], $0x680  }
0x549: {  	[sflag:s7] =	ssyncset.done $0x0  }
0x54a: {  	[sflag:s7] =	ssyncadd.s32 $0xFFFFF980  }
0x54b: {  	_ =	swait.ge [sflag:s7], $0x680  }
0x54c: {  	[sflag:s7] =	ssyncset.done $0x0  }
0x54d: {  	[sflag:s7] =	ssyncadd.s32 $0xFFFFF980  }
0x54e: {  	_ =	swait.ge [sflag:s7], $0x680  }
0x54f: {  	[sflag:s7] =	ssyncset.done $0x0  }
0x550: {  	[sflag:s7] =	ssyncadd.s32 $0xFFFFF980  }
0x551: {  	_ =	swait.ge [sflag:s7], $0x680  }
0x552: {  	[sflag:s7] =	ssyncset.done $0x0  }
0x553: {  	[sflag:s7] =	ssyncadd.s32 $0xFFFFF980  }
0x554: {  	_ =	swait.ge [sflag:s7], $0x680  }
0x555: {  	[sflag:s7] =	ssyncset.done $0x0  }
0x556: {  	[sflag:s7] =	ssyncadd.s32 $0xFFFFF980  }
0x557: {  	_ =	swait.ge [sflag:s7], $0x680  }
0x558: {  	[sflag:s7] =	ssyncset.done $0x0  }
0x559: {  	[sflag:s7] =	ssyncadd.s32 $0xFFFFF980  }
0x55a: {  	_ =	swait.ge [sflag:s7], $0x680  }
0x55b: {  	[sflag:s7] =	ssyncset.done $0x0  }
0x55c: {  	[sflag:s7] =	ssyncadd.s32 $0xFFFFF980  }
0x55d: {  	_ =	swait.ge [sflag:s7], $0x680  }
0x55e: {  	[sflag:s7] =	ssyncset.done $0x0  }
0x55f: {  	[sflag:s7] =	ssyncadd.s32 $0xFFFFF980  }
0x560: {  	_ =	swait.ge [sflag:s7], $0x680  }
0x561: {  	[sflag:s7] =	ssyncset.done $0x0  }
0x562: {  	[sflag:s7] =	ssyncadd.s32 $0xFFFFF980  }
0x563: {  	_ =	swait.ge [sflag:s7], $0x680  }
0x564: {  	[sflag:s7] =	ssyncset.done $0x0  }
0x565: {  	[sflag:s7] =	ssyncadd.s32 $0xFFFFF980  }
0x566: {  	_ =	swait.ge [sflag:s7], $0x680  }
0x567: {  	[sflag:s7] =	ssyncset.done $0x0  }
0x568: {  	[sflag:s7] =	ssyncadd.s32 $0xFFFFF980  }
0x569: {  	_ =	swait.ge [sflag:s7], $0x680  }
0x56a: {  	[sflag:s7] =	ssyncset.done $0x0  }
0x56b: {  	[sflag:s7] =	ssyncadd.s32 $0xFFFFF980  }
0x56c: {  	_ =	swait.ge [sflag:s7], $0x680  }
0x56d: {  	[sflag:s7] =	ssyncset.done $0x0  }
0x56e: {  	[sflag:s7] =	ssyncadd.s32 $0xFFFFF980  }
0x56f: {  	_ =	swait.ge [sflag:s7], $0x680  }
0x570: {  	[sflag:s7] =	ssyncset.done $0x0  }
0x571: {  	[sflag:s7] =	ssyncadd.s32 $0xFFFFF980  }
0x572: {  	_ =	swait.ge [sflag:s7], $0x680  }
0x573: {  	[sflag:s7] =	ssyncset.done $0x0  }
0x574: {  	[sflag:s7] =	ssyncadd.s32 $0xFFFFF980  }
0x575: {  	_ =	swait.ge [sflag:s7], $0x680  }
0x576: {  	[sflag:s7] =	ssyncset.done $0x0  }
0x577: {  	[sflag:s7] =	ssyncadd.s32 $0xFFFFF980  }
0x578: {  	_ =	swait.ge [sflag:s7], $0x680  }
0x579: {  	[sflag:s7] =	ssyncset.done $0x0  }
0x57a: {  	[sflag:s7] =	ssyncadd.s32 $0xFFFFF980  }
0x57b: {  	_ =	swait.ge [sflag:s7], $0x680  }
0x57c: {  	[sflag:s7] =	ssyncset.done $0x0  }
0x57d: {  	[sflag:s7] =	ssyncadd.s32 $0xFFFFF980  }
0x57e: {  	_ =	swait.ge [sflag:s7], $0x680  }
0x57f: {  	[sflag:s7] =	ssyncset.done $0x0  }
0x580: {  	[sflag:s7] =	ssyncadd.s32 $0xFFFFF980  }
0x581: {  	_ =	swait.ge [sflag:s7], $0x680  }
0x582: {  	[sflag:s7] =	ssyncset.done $0x0  }
0x583: {  	[sflag:s7] =	ssyncadd.s32 $0xFFFFF980  }
0x584: {  	_ =	swait.ge [sflag:s7], $0x680  }
0x585: {  	[sflag:s7] =	ssyncset.done $0x0  }
0x586: {  	[sflag:s7] =	ssyncadd.s32 $0xFFFFF980  }
0x587: {  	_ =	swait.ge [sflag:s7], $0x680  }
0x588: {  	[sflag:s7] =	ssyncset.done $0x0  }
0x589: {  	[sflag:s7] =	ssyncadd.s32 $0xFFFFF980  }
0x58a: {  	_ =	swait.ge [sflag:s7], $0x680  }
0x58b: {  	[sflag:s7] =	ssyncset.done $0x0  }
0x58c: {  	[sflag:s7] =	ssyncadd.s32 $0xFFFFF980  }
0x58d: {  	_ =	swait.ge [sflag:s7], $0x680  }
0x58e: {  	[sflag:s7] =	ssyncset.done $0x0  }
0x58f: {  	[sflag:s7] =	ssyncadd.s32 $0xFFFFF980  }
0x590: {  	_ =	swait.ge [sflag:s7], $0x680  }
0x591: {  	[sflag:s7] =	ssyncset.done $0x0  }
0x592: {  	[sflag:s7] =	ssyncadd.s32 $0xFFFFF980  }
0x593: {  	_ =	swait.ge [sflag:s7], $0x680  }
0x594: {  	[sflag:s7] =	ssyncset.done $0x0  }
0x595: {  	[sflag:s7] =	ssyncadd.s32 $0xFFFFF980  }
0x596: {  	_ =	swait.ge [sflag:s7], $0x680  }
0x597: {  	[sflag:s7] =	ssyncset.done $0x0  }
0x598: {  	[sflag:s7] =	ssyncadd.s32 $0xFFFFF980  }
0x599: {  	_ =	swait.ge [sflag:s7], $0x680  }
0x59a: {  	[sflag:s7] =	ssyncset.done $0x0  }
0x59b: {  	[sflag:s7] =	ssyncadd.s32 $0xFFFFF980  }
0x59c: {  	_ =	swait.ge [sflag:s7], $0x680  }
0x59d: {  	[sflag:s7] =	ssyncset.done $0x0  }
0x59e: {  	[sflag:s7] =	ssyncadd.s32 $0xFFFFF980  }
0x59f: {  	_ =	swait.ge [sflag:s7], $0x680  }
0x5a0: {  	[sflag:s7] =	ssyncset.done $0x0  }
0x5a1: {  	[sflag:s7] =	ssyncadd.s32 $0xFFFFF980  }
0x5a2: {  	_ =	swait.ge [sflag:s7], $0x680  }
0x5a3: {  	[sflag:s7] =	ssyncset.done $0x0  }
0x5a4: {  	[sflag:s7] =	ssyncadd.s32 $0xFFFFF980  }
0x5a5: {  	_ =	swait.ge [sflag:s7], $0x680  }
0x5a6: {  	[sflag:s7] =	ssyncset.done $0x0  }
0x5a7: {  	s29 =	simm.s32 $0x0;
	s0 =	rddreg [dreg:$0x10];
	[sflag:s7] =	ssyncadd.s32 $0xFFFFF980  }
0x5a8: {  	[tilespmem:s29], [sflag:$0x5] =	stream.linear.gather [hbm4b:s0+s29], $0x400, $0x38;
	[tilespmem:$0x1AA80] =	vst v63  }
0x5a9: {  	_ =	swait.ge [sflag:s26], $0x400  }
0x5aa: {  	[sflag:s26] =	ssyncset.done $0x0  }
0x5ab: {  	[sflag:s26] =	ssyncadd.s32 $0xFFFFFC00  }
0x5ac: {  	s31 =	simm.s32 $0x68;
	s30 =	simm.s32 $0x0;
	v0 =	vld [tilespmem:s29+$0x0]  }
.LBB2_48:
0x5ad: {  	p0 =	sne.s32 s31, $0xC98;
	_ =	sdelay $0x2  }
0x5ae: {  	s0 =	sshra.s32 s29, $0x2;
	s29 =	smov.u32 s31  }
0x5af: {  	[tilespmem:s0+$0x400] =	vst v0  }
0x5b0: {  	v0 =	vld [tilespmem:s30+$0xA];
	_ =	sdelay $0x1  }
.Ltmp23:
0x5b1: {  	(pc) =	sbr.rel @p0 .LBB2_48-.Ltmp23, $3  }
0x5b2: {  	_ =	sdelay $0x1  }
0x5b3: {  	s30 =	sadd.s32 $0x20, s30;
	[tilespmem:s0+$0x40A] =	vst v0  }
0x5b4: {  	s31 =	sadd.s32 $0x68, s31;
	v0 =	vld [tilespmem:s30+$0x0]  }
0x5b5: {  	_ =	sdelay $0x2  }
0x5b6: {  	s0 =	sshra.s32 s29, $0x2  }
0x5b7: {  	[tilespmem:s0+$0x400] =	vst v0  }
0x5b8: {  	v0 =	vld [tilespmem:s30+$0xA];
	_ =	sdelay $0x4  }
0x5b9: {  	s31 =	simm.s32 $0x400;
	s29 =	simm.s32 $0xA80;
	[tilespmem:s0+$0x40A] =	vst v0  }
0x5ba: {  	[tilespmem:s29], [sflag:$0x1] =	stream.indirect.gather [hbm4b:s3+s28], $0x40, s31, s28, $0xb8;
	[tilespmem:$0x1AA80] =	vst v63  }
0x5bb: {  	s31 =	sadd.s32 $0x0, s21;
	_ =	swait.ge [sflag:s8], $0xD000  }
0x5bc: {  	s30 =	simm.s32 $0x200;
	s0 =	sand.u32 $0x1FFEFE00, s31;
	[sflag:s8] =	ssyncset.done $0x0  }
0x5bd: {  	s29 =	simm.s32 $0xDA80;
	s0 =	sadd.s32 s4, s0;
	[sflag:s8] =	ssyncadd.s32 $0xFFFF3000  }
0x5be: {  	[hbm4b:s0+s2] =	stream.strided.scatter [tilespmem:s29], [sflag:$0x4], $0x680, s6, s2, $0x38;
	[tilespmem:$0x1AA80] =	vst v63  }
.LBB2_50:
0x5bf: {  	p0 =	sne.s32 s30, $0x3E00  }
.Ltmp24:
0x5c0: {  	_ = 	snop;
	(pc) =	sbr.rel @p0 .LBB2_50-.Ltmp24, $4  }
0x5c1: {  	s0 =	sadd.s32 s30, s21  }
0x5c2: {  	s0 =	sand.u32 $0x1FFEFE00, s0  }
0x5c3: {  	s30 =	sadd.s32 $0x200, s30;
	s29 =	sadd.s32 $0x680, s29;
	s0 =	sadd.s32 s4, s0  }
0x5c4: {  	[hbm4b:s0+s2] =	stream.strided.scatter [tilespmem:s29], [sflag:$0x4], $0x680, s6, s2, $0x38;
	[tilespmem:$0x1AA80] =	vst v63  }
0x5c5: {  	_ =	swait.ge [sflag:s9], $0x680  }
0x5c6: {  	[sflag:s9] =	ssyncset.done $0x0  }
0x5c7: {  	[sflag:s9] =	ssyncadd.s32 $0xFFFFF980  }
0x5c8: {  	_ =	swait.ge [sflag:s9], $0x680  }
0x5c9: {  	[sflag:s9] =	ssyncset.done $0x0  }
0x5ca: {  	[sflag:s9] =	ssyncadd.s32 $0xFFFFF980  }
0x5cb: {  	_ =	swait.ge [sflag:s9], $0x680  }
0x5cc: {  	[sflag:s9] =	ssyncset.done $0x0  }
0x5cd: {  	[sflag:s9] =	ssyncadd.s32 $0xFFFFF980  }
0x5ce: {  	_ =	swait.ge [sflag:s9], $0x680  }
0x5cf: {  	[sflag:s9] =	ssyncset.done $0x0  }
0x5d0: {  	[sflag:s9] =	ssyncadd.s32 $0xFFFFF980  }
0x5d1: {  	_ =	swait.ge [sflag:s9], $0x680  }
0x5d2: {  	[sflag:s9] =	ssyncset.done $0x0  }
0x5d3: {  	[sflag:s9] =	ssyncadd.s32 $0xFFFFF980  }
0x5d4: {  	_ =	swait.ge [sflag:s9], $0x680  }
0x5d5: {  	[sflag:s9] =	ssyncset.done $0x0  }
0x5d6: {  	[sflag:s9] =	ssyncadd.s32 $0xFFFFF980  }
0x5d7: {  	_ =	swait.ge [sflag:s9], $0x680  }
0x5d8: {  	[sflag:s9] =	ssyncset.done $0x0  }
0x5d9: {  	[sflag:s9] =	ssyncadd.s32 $0xFFFFF980  }
0x5da: {  	_ =	swait.ge [sflag:s9], $0x680  }
0x5db: {  	[sflag:s9] =	ssyncset.done $0x0  }
0x5dc: {  	[sflag:s9] =	ssyncadd.s32 $0xFFFFF980  }
0x5dd: {  	_ =	swait.ge [sflag:s9], $0x680  }
0x5de: {  	[sflag:s9] =	ssyncset.done $0x0  }
0x5df: {  	[sflag:s9] =	ssyncadd.s32 $0xFFFFF980  }
0x5e0: {  	_ =	swait.ge [sflag:s9], $0x680  }
0x5e1: {  	[sflag:s9] =	ssyncset.done $0x0  }
0x5e2: {  	[sflag:s9] =	ssyncadd.s32 $0xFFFFF980  }
0x5e3: {  	_ =	swait.ge [sflag:s9], $0x680  }
0x5e4: {  	[sflag:s9] =	ssyncset.done $0x0  }
0x5e5: {  	[sflag:s9] =	ssyncadd.s32 $0xFFFFF980  }
0x5e6: {  	_ =	swait.ge [sflag:s9], $0x680  }
0x5e7: {  	[sflag:s9] =	ssyncset.done $0x0  }
0x5e8: {  	[sflag:s9] =	ssyncadd.s32 $0xFFFFF980  }
0x5e9: {  	_ =	swait.ge [sflag:s9], $0x680  }
0x5ea: {  	[sflag:s9] =	ssyncset.done $0x0  }
0x5eb: {  	[sflag:s9] =	ssyncadd.s32 $0xFFFFF980  }
0x5ec: {  	_ =	swait.ge [sflag:s9], $0x680  }
0x5ed: {  	[sflag:s9] =	ssyncset.done $0x0  }
0x5ee: {  	[sflag:s9] =	ssyncadd.s32 $0xFFFFF980  }
0x5ef: {  	_ =	swait.ge [sflag:s9], $0x680  }
0x5f0: {  	[sflag:s9] =	ssyncset.done $0x0  }
0x5f1: {  	[sflag:s9] =	ssyncadd.s32 $0xFFFFF980  }
0x5f2: {  	_ =	swait.ge [sflag:s9], $0x680  }
0x5f3: {  	[sflag:s9] =	ssyncset.done $0x0  }
0x5f4: {  	[sflag:s9] =	ssyncadd.s32 $0xFFFFF980  }
0x5f5: {  	_ =	swait.ge [sflag:s9], $0x680  }
0x5f6: {  	[sflag:s9] =	ssyncset.done $0x0  }
0x5f7: {  	[sflag:s9] =	ssyncadd.s32 $0xFFFFF980  }
0x5f8: {  	_ =	swait.ge [sflag:s9], $0x680  }
0x5f9: {  	[sflag:s9] =	ssyncset.done $0x0  }
0x5fa: {  	[sflag:s9] =	ssyncadd.s32 $0xFFFFF980  }
0x5fb: {  	_ =	swait.ge [sflag:s9], $0x680  }
0x5fc: {  	[sflag:s9] =	ssyncset.done $0x0  }
0x5fd: {  	[sflag:s9] =	ssyncadd.s32 $0xFFFFF980  }
0x5fe: {  	_ =	swait.ge [sflag:s9], $0x680  }
0x5ff: {  	[sflag:s9] =	ssyncset.done $0x0  }
0x600: {  	[sflag:s9] =	ssyncadd.s32 $0xFFFFF980  }
0x601: {  	_ =	swait.ge [sflag:s9], $0x680  }
0x602: {  	[sflag:s9] =	ssyncset.done $0x0  }
0x603: {  	[sflag:s9] =	ssyncadd.s32 $0xFFFFF980  }
0x604: {  	_ =	swait.ge [sflag:s9], $0x680  }
0x605: {  	[sflag:s9] =	ssyncset.done $0x0  }
0x606: {  	[sflag:s9] =	ssyncadd.s32 $0xFFFFF980  }
0x607: {  	_ =	swait.ge [sflag:s9], $0x680  }
0x608: {  	[sflag:s9] =	ssyncset.done $0x0  }
0x609: {  	[sflag:s9] =	ssyncadd.s32 $0xFFFFF980  }
0x60a: {  	_ =	swait.ge [sflag:s9], $0x680  }
0x60b: {  	[sflag:s9] =	ssyncset.done $0x0  }
0x60c: {  	[sflag:s9] =	ssyncadd.s32 $0xFFFFF980  }
0x60d: {  	_ =	swait.ge [sflag:s9], $0x680  }
0x60e: {  	[sflag:s9] =	ssyncset.done $0x0  }
0x60f: {  	[sflag:s9] =	ssyncadd.s32 $0xFFFFF980  }
0x610: {  	_ =	swait.ge [sflag:s9], $0x680  }
0x611: {  	[sflag:s9] =	ssyncset.done $0x0  }
0x612: {  	[sflag:s9] =	ssyncadd.s32 $0xFFFFF980  }
0x613: {  	_ =	swait.ge [sflag:s9], $0x680  }
0x614: {  	[sflag:s9] =	ssyncset.done $0x0  }
0x615: {  	[sflag:s9] =	ssyncadd.s32 $0xFFFFF980  }
0x616: {  	_ =	swait.ge [sflag:s9], $0x680  }
0x617: {  	[sflag:s9] =	ssyncset.done $0x0  }
0x618: {  	[sflag:s9] =	ssyncadd.s32 $0xFFFFF980  }
0x619: {  	_ =	swait.ge [sflag:s9], $0x680  }
0x61a: {  	[sflag:s9] =	ssyncset.done $0x0  }
0x61b: {  	[sflag:s9] =	ssyncadd.s32 $0xFFFFF980  }
0x61c: {  	_ =	swait.ge [sflag:s9], $0x680  }
0x61d: {  	[sflag:s9] =	ssyncset.done $0x0  }
0x61e: {  	[sflag:s9] =	ssyncadd.s32 $0xFFFFF980  }
0x61f: {  	_ =	swait.ge [sflag:s9], $0x680  }
0x620: {  	[sflag:s9] =	ssyncset.done $0x0  }
0x621: {  	[sflag:s9] =	ssyncadd.s32 $0xFFFFF980  }
0x622: {  	_ =	swait.ge [sflag:s9], $0x680  }
0x623: {  	[sflag:s9] =	ssyncset.done $0x0  }
0x624: {  	s29 =	simm.s32 $0x0;
	s0 =	rddreg [dreg:$0x11];
	[sflag:s9] =	ssyncadd.s32 $0xFFFFF980  }
0x625: {  	[tilespmem:s29], [sflag:$0x5] =	stream.linear.gather [hbm4b:s0+s29], $0x400, $0x38;
	[tilespmem:$0x1AA80] =	vst v63  }
0x626: {  	_ =	swait.ge [sflag:s26], $0x400  }
0x627: {  	[sflag:s26] =	ssyncset.done $0x0  }
0x628: {  	[sflag:s26] =	ssyncadd.s32 $0xFFFFFC00  }
0x629: {  	s30 =	simm.s32 $0xA;
	s31 =	simm.s32 $0x24;
	v0 =	vld [tilespmem:s29+$0x0]  }
.LBB2_52:
0x62a: {  	p0 =	sne.s32 s31, $0x330;
	_ =	sdelay $0x1  }
0x62b: {  	s0 =	sadd.s32 $0xFFFFFFF6, s30  }
0x62c: {  	s0 =	sand.u32 $0x3FE, s0  }
0x62d: {  	[tilespmem:s0+$0x740] =	vst v0  }
0x62e: {  	v0 =	vld [tilespmem:s29+$0xA];
	_ =	sdelay $0x1  }
.Ltmp25:
0x62f: {  	(pc) =	sbr.rel @p0 .LBB2_52-.Ltmp25, $4  }
0x630: {  	_ = 	snop  }
0x631: {  	s0 =	sand.u32 $0x7FE, s30;
	s30 =	smov.u32 s31  }
0x632: {  	s29 =	sadd.s32 $0x20, s29;
	[tilespmem:s0+$0x740] =	vst v0  }
0x633: {  	s31 =	sadd.s32 $0x1A, s31;
	v0 =	vld [tilespmem:s29+$0x0]  }
0x634: {  	_ =	sdelay $0x1  }
0x635: {  	s0 =	sadd.s32 $0xFFFFFFF6, s30  }
0x636: {  	s0 =	sand.u32 $0x3FE, s0  }
0x637: {  	[tilespmem:s0+$0x740] =	vst v0  }
0x638: {  	v0 =	vld [tilespmem:s29+$0xA];
	_ =	sdelay $0x3  }
0x639: {  	s31 =	sand.u32 $0x7FE, s30  }
0x63a: {  	s29 =	simm.s32 $0xDA80;
	[tilespmem:s31+$0x740] =	vst v0;
	s31 =	simm.s32 $0x740  }
0x63b: {  	[tilespmem:s29], [sflag:$0x2] =	stream.indirect.gather [hbm4b:s3+s28], $0x40, s31, s28, $0xb8;
	[tilespmem:$0x1AA80] =	vst v63  }
0x63c: {  	s31 =	sadd.s32 $0x0, s22;
	_ =	swait.ge [sflag:s1], $0xD000  }
0x63d: {  	s30 =	simm.s32 $0x200;
	s0 =	sand.u32 $0x1FFF3E00, s31;
	[sflag:s1] =	ssyncset.done $0x0  }
0x63e: {  	s29 =	simm.s32 $0xA80;
	s0 =	sadd.s32 s4, s0;
	[sflag:s1] =	ssyncadd.s32 $0xFFFF3000  }
0x63f: {  	[hbm4b:s0+s2] =	stream.strided.scatter [tilespmem:s29], [sflag:$0x3], $0x680, s6, s2, $0x38;
	[tilespmem:$0x1AA80] =	vst v63  }
.LBB2_54:
0x640: {  	p0 =	sne.s32 s30, $0x3E00  }
.Ltmp26:
0x641: {  	_ = 	snop;
	(pc) =	sbr.rel @p0 .LBB2_54-.Ltmp26, $4  }
0x642: {  	s0 =	sadd.s32 s30, s22  }
0x643: {  	s0 =	sand.u32 $0x1FFF3E00, s0  }
0x644: {  	s30 =	sadd.s32 $0x200, s30;
	s29 =	sadd.s32 $0x680, s29;
	s0 =	sadd.s32 s4, s0  }
0x645: {  	[hbm4b:s0+s2] =	stream.strided.scatter [tilespmem:s29], [sflag:$0x3], $0x680, s6, s2, $0x38;
	[tilespmem:$0x1AA80] =	vst v63  }
0x646: {  	_ =	swait.ge [sflag:s7], $0x680  }
0x647: {  	[sflag:s7] =	ssyncset.done $0x0  }
0x648: {  	[sflag:s7] =	ssyncadd.s32 $0xFFFFF980  }
0x649: {  	_ =	swait.ge [sflag:s7], $0x680  }
0x64a: {  	[sflag:s7] =	ssyncset.done $0x0  }
0x64b: {  	[sflag:s7] =	ssyncadd.s32 $0xFFFFF980  }
0x64c: {  	_ =	swait.ge [sflag:s7], $0x680  }
0x64d: {  	[sflag:s7] =	ssyncset.done $0x0  }
0x64e: {  	[sflag:s7] =	ssyncadd.s32 $0xFFFFF980  }
0x64f: {  	_ =	swait.ge [sflag:s7], $0x680  }
0x650: {  	[sflag:s7] =	ssyncset.done $0x0  }
0x651: {  	[sflag:s7] =	ssyncadd.s32 $0xFFFFF980  }
0x652: {  	_ =	swait.ge [sflag:s7], $0x680  }
0x653: {  	[sflag:s7] =	ssyncset.done $0x0  }
0x654: {  	[sflag:s7] =	ssyncadd.s32 $0xFFFFF980  }
0x655: {  	_ =	swait.ge [sflag:s7], $0x680  }
0x656: {  	[sflag:s7] =	ssyncset.done $0x0  }
0x657: {  	[sflag:s7] =	ssyncadd.s32 $0xFFFFF980  }
0x658: {  	_ =	swait.ge [sflag:s7], $0x680  }
0x659: {  	[sflag:s7] =	ssyncset.done $0x0  }
0x65a: {  	[sflag:s7] =	ssyncadd.s32 $0xFFFFF980  }
0x65b: {  	_ =	swait.ge [sflag:s7], $0x680  }
0x65c: {  	[sflag:s7] =	ssyncset.done $0x0  }
0x65d: {  	[sflag:s7] =	ssyncadd.s32 $0xFFFFF980  }
0x65e: {  	_ =	swait.ge [sflag:s7], $0x680  }
0x65f: {  	[sflag:s7] =	ssyncset.done $0x0  }
0x660: {  	[sflag:s7] =	ssyncadd.s32 $0xFFFFF980  }
0x661: {  	_ =	swait.ge [sflag:s7], $0x680  }
0x662: {  	[sflag:s7] =	ssyncset.done $0x0  }
0x663: {  	[sflag:s7] =	ssyncadd.s32 $0xFFFFF980  }
0x664: {  	_ =	swait.ge [sflag:s7], $0x680  }
0x665: {  	[sflag:s7] =	ssyncset.done $0x0  }
0x666: {  	[sflag:s7] =	ssyncadd.s32 $0xFFFFF980  }
0x667: {  	_ =	swait.ge [sflag:s7], $0x680  }
0x668: {  	[sflag:s7] =	ssyncset.done $0x0  }
0x669: {  	[sflag:s7] =	ssyncadd.s32 $0xFFFFF980  }
0x66a: {  	_ =	swait.ge [sflag:s7], $0x680  }
0x66b: {  	[sflag:s7] =	ssyncset.done $0x0  }
0x66c: {  	[sflag:s7] =	ssyncadd.s32 $0xFFFFF980  }
0x66d: {  	_ =	swait.ge [sflag:s7], $0x680  }
0x66e: {  	[sflag:s7] =	ssyncset.done $0x0  }
0x66f: {  	[sflag:s7] =	ssyncadd.s32 $0xFFFFF980  }
0x670: {  	_ =	swait.ge [sflag:s7], $0x680  }
0x671: {  	[sflag:s7] =	ssyncset.done $0x0  }
0x672: {  	[sflag:s7] =	ssyncadd.s32 $0xFFFFF980  }
0x673: {  	_ =	swait.ge [sflag:s7], $0x680  }
0x674: {  	[sflag:s7] =	ssyncset.done $0x0  }
0x675: {  	[sflag:s7] =	ssyncadd.s32 $0xFFFFF980  }
0x676: {  	_ =	swait.ge [sflag:s7], $0x680  }
0x677: {  	[sflag:s7] =	ssyncset.done $0x0  }
0x678: {  	[sflag:s7] =	ssyncadd.s32 $0xFFFFF980  }
0x679: {  	_ =	swait.ge [sflag:s7], $0x680  }
0x67a: {  	[sflag:s7] =	ssyncset.done $0x0  }
0x67b: {  	[sflag:s7] =	ssyncadd.s32 $0xFFFFF980  }
0x67c: {  	_ =	swait.ge [sflag:s7], $0x680  }
0x67d: {  	[sflag:s7] =	ssyncset.done $0x0  }
0x67e: {  	[sflag:s7] =	ssyncadd.s32 $0xFFFFF980  }
0x67f: {  	_ =	swait.ge [sflag:s7], $0x680  }
0x680: {  	[sflag:s7] =	ssyncset.done $0x0  }
0x681: {  	[sflag:s7] =	ssyncadd.s32 $0xFFFFF980  }
0x682: {  	_ =	swait.ge [sflag:s7], $0x680  }
0x683: {  	[sflag:s7] =	ssyncset.done $0x0  }
0x684: {  	[sflag:s7] =	ssyncadd.s32 $0xFFFFF980  }
0x685: {  	_ =	swait.ge [sflag:s7], $0x680  }
0x686: {  	[sflag:s7] =	ssyncset.done $0x0  }
0x687: {  	[sflag:s7] =	ssyncadd.s32 $0xFFFFF980  }
0x688: {  	_ =	swait.ge [sflag:s7], $0x680  }
0x689: {  	[sflag:s7] =	ssyncset.done $0x0  }
0x68a: {  	[sflag:s7] =	ssyncadd.s32 $0xFFFFF980  }
0x68b: {  	_ =	swait.ge [sflag:s7], $0x680  }
0x68c: {  	[sflag:s7] =	ssyncset.done $0x0  }
0x68d: {  	[sflag:s7] =	ssyncadd.s32 $0xFFFFF980  }
0x68e: {  	_ =	swait.ge [sflag:s7], $0x680  }
0x68f: {  	[sflag:s7] =	ssyncset.done $0x0  }
0x690: {  	[sflag:s7] =	ssyncadd.s32 $0xFFFFF980  }
0x691: {  	_ =	swait.ge [sflag:s7], $0x680  }
0x692: {  	[sflag:s7] =	ssyncset.done $0x0  }
0x693: {  	[sflag:s7] =	ssyncadd.s32 $0xFFFFF980  }
0x694: {  	_ =	swait.ge [sflag:s7], $0x680  }
0x695: {  	[sflag:s7] =	ssyncset.done $0x0  }
0x696: {  	[sflag:s7] =	ssyncadd.s32 $0xFFFFF980  }
0x697: {  	_ =	swait.ge [sflag:s7], $0x680  }
0x698: {  	[sflag:s7] =	ssyncset.done $0x0  }
0x699: {  	[sflag:s7] =	ssyncadd.s32 $0xFFFFF980  }
0x69a: {  	_ =	swait.ge [sflag:s7], $0x680  }
0x69b: {  	[sflag:s7] =	ssyncset.done $0x0  }
0x69c: {  	[sflag:s7] =	ssyncadd.s32 $0xFFFFF980  }
0x69d: {  	_ =	swait.ge [sflag:s7], $0x680  }
0x69e: {  	[sflag:s7] =	ssyncset.done $0x0  }
0x69f: {  	[sflag:s7] =	ssyncadd.s32 $0xFFFFF980  }
0x6a0: {  	_ =	swait.ge [sflag:s7], $0x680  }
0x6a1: {  	[sflag:s7] =	ssyncset.done $0x0  }
0x6a2: {  	[sflag:s7] =	ssyncadd.s32 $0xFFFFF980  }
0x6a3: {  	_ =	swait.ge [sflag:s7], $0x680  }
0x6a4: {  	[sflag:s7] =	ssyncset.done $0x0  }
0x6a5: {  	s29 =	simm.s32 $0x0;
	s0 =	rddreg [dreg:$0x12];
	[sflag:s7] =	ssyncadd.s32 $0xFFFFF980  }
0x6a6: {  	[tilespmem:s29], [sflag:$0x5] =	stream.linear.gather [hbm4b:s0+s29], $0x400, $0x38;
	[tilespmem:$0x1AA80] =	vst v63  }
0x6a7: {  	_ =	swait.ge [sflag:s26], $0x400  }
0x6a8: {  	[sflag:s26] =	ssyncset.done $0x0  }
0x6a9: {  	[sflag:s26] =	ssyncadd.s32 $0xFFFFFC00  }
0x6aa: {  	s31 =	simm.s32 $0x68;
	s30 =	simm.s32 $0x0;
	v0 =	vld [tilespmem:s29+$0x0]  }
.LBB2_56:
0x6ab: {  	p0 =	sne.s32 s31, $0xC98;
	_ =	sdelay $0x2  }
0x6ac: {  	s0 =	sshra.s32 s29, $0x2;
	s29 =	smov.u32 s31  }
0x6ad: {  	[tilespmem:s0+$0x400] =	vst v0  }
0x6ae: {  	v0 =	vld [tilespmem:s30+$0xA];
	_ =	sdelay $0x1  }
.Ltmp27:
0x6af: {  	(pc) =	sbr.rel @p0 .LBB2_56-.Ltmp27, $3  }
0x6b0: {  	_ =	sdelay $0x1  }
0x6b1: {  	s30 =	sadd.s32 $0x20, s30;
	[tilespmem:s0+$0x40A] =	vst v0  }
0x6b2: {  	s31 =	sadd.s32 $0x68, s31;
	v0 =	vld [tilespmem:s30+$0x0]  }
0x6b3: {  	_ =	sdelay $0x2  }
0x6b4: {  	s0 =	sshra.s32 s29, $0x2  }
0x6b5: {  	[tilespmem:s0+$0x400] =	vst v0  }
0x6b6: {  	v0 =	vld [tilespmem:s30+$0xA];
	_ =	sdelay $0x4  }
0x6b7: {  	s31 =	simm.s32 $0x400;
	s29 =	simm.s32 $0xA80;
	[tilespmem:s0+$0x40A] =	vst v0  }
0x6b8: {  	[tilespmem:s29], [sflag:$0x1] =	stream.indirect.gather [hbm4b:s3+s28], $0x40, s31, s28, $0xb8;
	[tilespmem:$0x1AA80] =	vst v63  }
0x6b9: {  	s31 =	sadd.s32 $0x0, s23;
	_ =	swait.ge [sflag:s8], $0xD000  }
0x6ba: {  	s30 =	simm.s32 $0x200;
	s0 =	sand.u32 $0x1FFF7E00, s31;
	[sflag:s8] =	ssyncset.done $0x0  }
0x6bb: {  	s29 =	simm.s32 $0xDA80;
	s0 =	sadd.s32 s4, s0;
	[sflag:s8] =	ssyncadd.s32 $0xFFFF3000  }
0x6bc: {  	[hbm4b:s0+s2] =	stream.strided.scatter [tilespmem:s29], [sflag:$0x4], $0x680, s6, s2, $0x38;
	[tilespmem:$0x1AA80] =	vst v63  }
.LBB2_58:
0x6bd: {  	p0 =	sne.s32 s30, $0x3E00  }
.Ltmp28:
0x6be: {  	_ = 	snop;
	(pc) =	sbr.rel @p0 .LBB2_58-.Ltmp28, $4  }
0x6bf: {  	s0 =	sadd.s32 s30, s23  }
0x6c0: {  	s0 =	sand.u32 $0x1FFF7E00, s0  }
0x6c1: {  	s30 =	sadd.s32 $0x200, s30;
	s29 =	sadd.s32 $0x680, s29;
	s0 =	sadd.s32 s4, s0  }
0x6c2: {  	[hbm4b:s0+s2] =	stream.strided.scatter [tilespmem:s29], [sflag:$0x4], $0x680, s6, s2, $0x38;
	[tilespmem:$0x1AA80] =	vst v63  }
0x6c3: {  	_ =	swait.ge [sflag:s9], $0x680  }
0x6c4: {  	[sflag:s9] =	ssyncset.done $0x0  }
0x6c5: {  	[sflag:s9] =	ssyncadd.s32 $0xFFFFF980  }
0x6c6: {  	_ =	swait.ge [sflag:s9], $0x680  }
0x6c7: {  	[sflag:s9] =	ssyncset.done $0x0  }
0x6c8: {  	[sflag:s9] =	ssyncadd.s32 $0xFFFFF980  }
0x6c9: {  	_ =	swait.ge [sflag:s9], $0x680  }
0x6ca: {  	[sflag:s9] =	ssyncset.done $0x0  }
0x6cb: {  	[sflag:s9] =	ssyncadd.s32 $0xFFFFF980  }
0x6cc: {  	_ =	swait.ge [sflag:s9], $0x680  }
0x6cd: {  	[sflag:s9] =	ssyncset.done $0x0  }
0x6ce: {  	[sflag:s9] =	ssyncadd.s32 $0xFFFFF980  }
0x6cf: {  	_ =	swait.ge [sflag:s9], $0x680  }
0x6d0: {  	[sflag:s9] =	ssyncset.done $0x0  }
0x6d1: {  	[sflag:s9] =	ssyncadd.s32 $0xFFFFF980  }
0x6d2: {  	_ =	swait.ge [sflag:s9], $0x680  }
0x6d3: {  	[sflag:s9] =	ssyncset.done $0x0  }
0x6d4: {  	[sflag:s9] =	ssyncadd.s32 $0xFFFFF980  }
0x6d5: {  	_ =	swait.ge [sflag:s9], $0x680  }
0x6d6: {  	[sflag:s9] =	ssyncset.done $0x0  }
0x6d7: {  	[sflag:s9] =	ssyncadd.s32 $0xFFFFF980  }
0x6d8: {  	_ =	swait.ge [sflag:s9], $0x680  }
0x6d9: {  	[sflag:s9] =	ssyncset.done $0x0  }
0x6da: {  	[sflag:s9] =	ssyncadd.s32 $0xFFFFF980  }
0x6db: {  	_ =	swait.ge [sflag:s9], $0x680  }
0x6dc: {  	[sflag:s9] =	ssyncset.done $0x0  }
0x6dd: {  	[sflag:s9] =	ssyncadd.s32 $0xFFFFF980  }
0x6de: {  	_ =	swait.ge [sflag:s9], $0x680  }
0x6df: {  	[sflag:s9] =	ssyncset.done $0x0  }
0x6e0: {  	[sflag:s9] =	ssyncadd.s32 $0xFFFFF980  }
0x6e1: {  	_ =	swait.ge [sflag:s9], $0x680  }
0x6e2: {  	[sflag:s9] =	ssyncset.done $0x0  }
0x6e3: {  	[sflag:s9] =	ssyncadd.s32 $0xFFFFF980  }
0x6e4: {  	_ =	swait.ge [sflag:s9], $0x680  }
0x6e5: {  	[sflag:s9] =	ssyncset.done $0x0  }
0x6e6: {  	[sflag:s9] =	ssyncadd.s32 $0xFFFFF980  }
0x6e7: {  	_ =	swait.ge [sflag:s9], $0x680  }
0x6e8: {  	[sflag:s9] =	ssyncset.done $0x0  }
0x6e9: {  	[sflag:s9] =	ssyncadd.s32 $0xFFFFF980  }
0x6ea: {  	_ =	swait.ge [sflag:s9], $0x680  }
0x6eb: {  	[sflag:s9] =	ssyncset.done $0x0  }
0x6ec: {  	[sflag:s9] =	ssyncadd.s32 $0xFFFFF980  }
0x6ed: {  	_ =	swait.ge [sflag:s9], $0x680  }
0x6ee: {  	[sflag:s9] =	ssyncset.done $0x0  }
0x6ef: {  	[sflag:s9] =	ssyncadd.s32 $0xFFFFF980  }
0x6f0: {  	_ =	swait.ge [sflag:s9], $0x680  }
0x6f1: {  	[sflag:s9] =	ssyncset.done $0x0  }
0x6f2: {  	[sflag:s9] =	ssyncadd.s32 $0xFFFFF980  }
0x6f3: {  	_ =	swait.ge [sflag:s9], $0x680  }
0x6f4: {  	[sflag:s9] =	ssyncset.done $0x0  }
0x6f5: {  	[sflag:s9] =	ssyncadd.s32 $0xFFFFF980  }
0x6f6: {  	_ =	swait.ge [sflag:s9], $0x680  }
0x6f7: {  	[sflag:s9] =	ssyncset.done $0x0  }
0x6f8: {  	[sflag:s9] =	ssyncadd.s32 $0xFFFFF980  }
0x6f9: {  	_ =	swait.ge [sflag:s9], $0x680  }
0x6fa: {  	[sflag:s9] =	ssyncset.done $0x0  }
0x6fb: {  	[sflag:s9] =	ssyncadd.s32 $0xFFFFF980  }
0x6fc: {  	_ =	swait.ge [sflag:s9], $0x680  }
0x6fd: {  	[sflag:s9] =	ssyncset.done $0x0  }
0x6fe: {  	[sflag:s9] =	ssyncadd.s32 $0xFFFFF980  }
0x6ff: {  	_ =	swait.ge [sflag:s9], $0x680  }
0x700: {  	[sflag:s9] =	ssyncset.done $0x0  }
0x701: {  	[sflag:s9] =	ssyncadd.s32 $0xFFFFF980  }
0x702: {  	_ =	swait.ge [sflag:s9], $0x680  }
0x703: {  	[sflag:s9] =	ssyncset.done $0x0  }
0x704: {  	[sflag:s9] =	ssyncadd.s32 $0xFFFFF980  }
0x705: {  	_ =	swait.ge [sflag:s9], $0x680  }
0x706: {  	[sflag:s9] =	ssyncset.done $0x0  }
0x707: {  	[sflag:s9] =	ssyncadd.s32 $0xFFFFF980  }
0x708: {  	_ =	swait.ge [sflag:s9], $0x680  }
0x709: {  	[sflag:s9] =	ssyncset.done $0x0  }
0x70a: {  	[sflag:s9] =	ssyncadd.s32 $0xFFFFF980  }
0x70b: {  	_ =	swait.ge [sflag:s9], $0x680  }
0x70c: {  	[sflag:s9] =	ssyncset.done $0x0  }
0x70d: {  	[sflag:s9] =	ssyncadd.s32 $0xFFFFF980  }
0x70e: {  	_ =	swait.ge [sflag:s9], $0x680  }
0x70f: {  	[sflag:s9] =	ssyncset.done $0x0  }
0x710: {  	[sflag:s9] =	ssyncadd.s32 $0xFFFFF980  }
0x711: {  	_ =	swait.ge [sflag:s9], $0x680  }
0x712: {  	[sflag:s9] =	ssyncset.done $0x0  }
0x713: {  	[sflag:s9] =	ssyncadd.s32 $0xFFFFF980  }
0x714: {  	_ =	swait.ge [sflag:s9], $0x680  }
0x715: {  	[sflag:s9] =	ssyncset.done $0x0  }
0x716: {  	[sflag:s9] =	ssyncadd.s32 $0xFFFFF980  }
0x717: {  	_ =	swait.ge [sflag:s9], $0x680  }
0x718: {  	[sflag:s9] =	ssyncset.done $0x0  }
0x719: {  	[sflag:s9] =	ssyncadd.s32 $0xFFFFF980  }
0x71a: {  	_ =	swait.ge [sflag:s9], $0x680  }
0x71b: {  	[sflag:s9] =	ssyncset.done $0x0  }
0x71c: {  	[sflag:s9] =	ssyncadd.s32 $0xFFFFF980  }
0x71d: {  	_ =	swait.ge [sflag:s9], $0x680  }
0x71e: {  	[sflag:s9] =	ssyncset.done $0x0  }
0x71f: {  	[sflag:s9] =	ssyncadd.s32 $0xFFFFF980  }
0x720: {  	_ =	swait.ge [sflag:s9], $0x680  }
0x721: {  	[sflag:s9] =	ssyncset.done $0x0  }
0x722: {  	s29 =	simm.s32 $0x0;
	s0 =	rddreg [dreg:$0x13];
	[sflag:s9] =	ssyncadd.s32 $0xFFFFF980  }
0x723: {  	[tilespmem:s29], [sflag:$0x5] =	stream.linear.gather [hbm4b:s0+s29], $0x400, $0x38;
	[tilespmem:$0x1AA80] =	vst v63  }
0x724: {  	_ =	swait.ge [sflag:s26], $0x400  }
0x725: {  	[sflag:s26] =	ssyncset.done $0x0  }
0x726: {  	[sflag:s26] =	ssyncadd.s32 $0xFFFFFC00  }
0x727: {  	s30 =	simm.s32 $0xA;
	s31 =	simm.s32 $0x24;
	v0 =	vld [tilespmem:s29+$0x0]  }
.LBB2_60:
0x728: {  	p0 =	sne.s32 s31, $0x330;
	_ =	sdelay $0x1  }
0x729: {  	s0 =	sadd.s32 $0xFFFFFFF6, s30  }
0x72a: {  	s0 =	sand.u32 $0x3FE, s0  }
0x72b: {  	[tilespmem:s0+$0x740] =	vst v0  }
0x72c: {  	v0 =	vld [tilespmem:s29+$0xA];
	_ =	sdelay $0x1  }
.Ltmp29:
0x72d: {  	(pc) =	sbr.rel @p0 .LBB2_60-.Ltmp29, $4  }
0x72e: {  	_ = 	snop  }
0x72f: {  	s0 =	sand.u32 $0x7FE, s30;
	s30 =	smov.u32 s31  }
0x730: {  	s29 =	sadd.s32 $0x20, s29;
	[tilespmem:s0+$0x740] =	vst v0  }
0x731: {  	s31 =	sadd.s32 $0x1A, s31;
	v0 =	vld [tilespmem:s29+$0x0]  }
0x732: {  	_ =	sdelay $0x1  }
0x733: {  	s0 =	sadd.s32 $0xFFFFFFF6, s30  }
0x734: {  	s0 =	sand.u32 $0x3FE, s0  }
0x735: {  	[tilespmem:s0+$0x740] =	vst v0  }
0x736: {  	v0 =	vld [tilespmem:s29+$0xA];
	_ =	sdelay $0x3  }
0x737: {  	s31 =	sand.u32 $0x7FE, s30  }
0x738: {  	s29 =	simm.s32 $0xDA80;
	[tilespmem:s31+$0x740] =	vst v0;
	s31 =	simm.s32 $0x740  }
0x739: {  	[tilespmem:s29], [sflag:$0x2] =	stream.indirect.gather [hbm4b:s3+s28], $0x40, s31, s28, $0xb8;
	[tilespmem:$0x1AA80] =	vst v63  }
0x73a: {  	s31 =	sadd.s32 $0x0, s24;
	_ =	swait.ge [sflag:s1], $0xD000  }
0x73b: {  	s30 =	simm.s32 $0x200;
	s0 =	sand.u32 $0x1FFFBE00, s31;
	[sflag:s1] =	ssyncset.done $0x0  }
0x73c: {  	s29 =	simm.s32 $0xA80;
	s0 =	sadd.s32 s4, s0;
	[sflag:s1] =	ssyncadd.s32 $0xFFFF3000  }
0x73d: {  	[hbm4b:s0+s2] =	stream.strided.scatter [tilespmem:s29], [sflag:$0x3], $0x680, s6, s2, $0x38;
	[tilespmem:$0x1AA80] =	vst v63  }
.LBB2_62:
0x73e: {  	p0 =	sne.s32 s30, $0x3E00  }
.Ltmp30:
0x73f: {  	_ = 	snop;
	(pc) =	sbr.rel @p0 .LBB2_62-.Ltmp30, $4  }
0x740: {  	s0 =	sadd.s32 s30, s24  }
0x741: {  	s0 =	sand.u32 $0x1FFFBE00, s0  }
0x742: {  	s30 =	sadd.s32 $0x200, s30;
	s29 =	sadd.s32 $0x680, s29;
	s0 =	sadd.s32 s4, s0  }
0x743: {  	[hbm4b:s0+s2] =	stream.strided.scatter [tilespmem:s29], [sflag:$0x3], $0x680, s6, s2, $0x38;
	[tilespmem:$0x1AA80] =	vst v63  }
0x744: {  	_ =	swait.ge [sflag:s7], $0x680  }
0x745: {  	[sflag:s7] =	ssyncset.done $0x0  }
0x746: {  	[sflag:s7] =	ssyncadd.s32 $0xFFFFF980  }
0x747: {  	_ =	swait.ge [sflag:s7], $0x680  }
0x748: {  	[sflag:s7] =	ssyncset.done $0x0  }
0x749: {  	[sflag:s7] =	ssyncadd.s32 $0xFFFFF980  }
0x74a: {  	_ =	swait.ge [sflag:s7], $0x680  }
0x74b: {  	[sflag:s7] =	ssyncset.done $0x0  }
0x74c: {  	[sflag:s7] =	ssyncadd.s32 $0xFFFFF980  }
0x74d: {  	_ =	swait.ge [sflag:s7], $0x680  }
0x74e: {  	[sflag:s7] =	ssyncset.done $0x0  }
0x74f: {  	[sflag:s7] =	ssyncadd.s32 $0xFFFFF980  }
0x750: {  	_ =	swait.ge [sflag:s7], $0x680  }
0x751: {  	[sflag:s7] =	ssyncset.done $0x0  }
0x752: {  	[sflag:s7] =	ssyncadd.s32 $0xFFFFF980  }
0x753: {  	_ =	swait.ge [sflag:s7], $0x680  }
0x754: {  	[sflag:s7] =	ssyncset.done $0x0  }
0x755: {  	[sflag:s7] =	ssyncadd.s32 $0xFFFFF980  }
0x756: {  	_ =	swait.ge [sflag:s7], $0x680  }
0x757: {  	[sflag:s7] =	ssyncset.done $0x0  }
0x758: {  	[sflag:s7] =	ssyncadd.s32 $0xFFFFF980  }
0x759: {  	_ =	swait.ge [sflag:s7], $0x680  }
0x75a: {  	[sflag:s7] =	ssyncset.done $0x0  }
0x75b: {  	[sflag:s7] =	ssyncadd.s32 $0xFFFFF980  }
0x75c: {  	_ =	swait.ge [sflag:s7], $0x680  }
0x75d: {  	[sflag:s7] =	ssyncset.done $0x0  }
0x75e: {  	[sflag:s7] =	ssyncadd.s32 $0xFFFFF980  }
0x75f: {  	_ =	swait.ge [sflag:s7], $0x680  }
0x760: {  	[sflag:s7] =	ssyncset.done $0x0  }
0x761: {  	[sflag:s7] =	ssyncadd.s32 $0xFFFFF980  }
0x762: {  	_ =	swait.ge [sflag:s7], $0x680  }
0x763: {  	[sflag:s7] =	ssyncset.done $0x0  }
0x764: {  	[sflag:s7] =	ssyncadd.s32 $0xFFFFF980  }
0x765: {  	_ =	swait.ge [sflag:s7], $0x680  }
0x766: {  	[sflag:s7] =	ssyncset.done $0x0  }
0x767: {  	[sflag:s7] =	ssyncadd.s32 $0xFFFFF980  }
0x768: {  	_ =	swait.ge [sflag:s7], $0x680  }
0x769: {  	[sflag:s7] =	ssyncset.done $0x0  }
0x76a: {  	[sflag:s7] =	ssyncadd.s32 $0xFFFFF980  }
0x76b: {  	_ =	swait.ge [sflag:s7], $0x680  }
0x76c: {  	[sflag:s7] =	ssyncset.done $0x0  }
0x76d: {  	[sflag:s7] =	ssyncadd.s32 $0xFFFFF980  }
0x76e: {  	_ =	swait.ge [sflag:s7], $0x680  }
0x76f: {  	[sflag:s7] =	ssyncset.done $0x0  }
0x770: {  	[sflag:s7] =	ssyncadd.s32 $0xFFFFF980  }
0x771: {  	_ =	swait.ge [sflag:s7], $0x680  }
0x772: {  	[sflag:s7] =	ssyncset.done $0x0  }
0x773: {  	[sflag:s7] =	ssyncadd.s32 $0xFFFFF980  }
0x774: {  	_ =	swait.ge [sflag:s7], $0x680  }
0x775: {  	[sflag:s7] =	ssyncset.done $0x0  }
0x776: {  	[sflag:s7] =	ssyncadd.s32 $0xFFFFF980  }
0x777: {  	_ =	swait.ge [sflag:s7], $0x680  }
0x778: {  	[sflag:s7] =	ssyncset.done $0x0  }
0x779: {  	[sflag:s7] =	ssyncadd.s32 $0xFFFFF980  }
0x77a: {  	_ =	swait.ge [sflag:s7], $0x680  }
0x77b: {  	[sflag:s7] =	ssyncset.done $0x0  }
0x77c: {  	[sflag:s7] =	ssyncadd.s32 $0xFFFFF980  }
0x77d: {  	_ =	swait.ge [sflag:s7], $0x680  }
0x77e: {  	[sflag:s7] =	ssyncset.done $0x0  }
0x77f: {  	[sflag:s7] =	ssyncadd.s32 $0xFFFFF980  }
0x780: {  	_ =	swait.ge [sflag:s7], $0x680  }
0x781: {  	[sflag:s7] =	ssyncset.done $0x0  }
0x782: {  	[sflag:s7] =	ssyncadd.s32 $0xFFFFF980  }
0x783: {  	_ =	swait.ge [sflag:s7], $0x680  }
0x784: {  	[sflag:s7] =	ssyncset.done $0x0  }
0x785: {  	[sflag:s7] =	ssyncadd.s32 $0xFFFFF980  }
0x786: {  	_ =	swait.ge [sflag:s7], $0x680  }
0x787: {  	[sflag:s7] =	ssyncset.done $0x0  }
0x788: {  	[sflag:s7] =	ssyncadd.s32 $0xFFFFF980  }
0x789: {  	_ =	swait.ge [sflag:s7], $0x680  }
0x78a: {  	[sflag:s7] =	ssyncset.done $0x0  }
0x78b: {  	[sflag:s7] =	ssyncadd.s32 $0xFFFFF980  }
0x78c: {  	_ =	swait.ge [sflag:s7], $0x680  }
0x78d: {  	[sflag:s7] =	ssyncset.done $0x0  }
0x78e: {  	[sflag:s7] =	ssyncadd.s32 $0xFFFFF980  }
0x78f: {  	_ =	swait.ge [sflag:s7], $0x680  }
0x790: {  	[sflag:s7] =	ssyncset.done $0x0  }
0x791: {  	[sflag:s7] =	ssyncadd.s32 $0xFFFFF980  }
0x792: {  	_ =	swait.ge [sflag:s7], $0x680  }
0x793: {  	[sflag:s7] =	ssyncset.done $0x0  }
0x794: {  	[sflag:s7] =	ssyncadd.s32 $0xFFFFF980  }
0x795: {  	_ =	swait.ge [sflag:s7], $0x680  }
0x796: {  	[sflag:s7] =	ssyncset.done $0x0  }
0x797: {  	[sflag:s7] =	ssyncadd.s32 $0xFFFFF980  }
0x798: {  	_ =	swait.ge [sflag:s7], $0x680  }
0x799: {  	[sflag:s7] =	ssyncset.done $0x0  }
0x79a: {  	[sflag:s7] =	ssyncadd.s32 $0xFFFFF980  }
0x79b: {  	_ =	swait.ge [sflag:s7], $0x680  }
0x79c: {  	[sflag:s7] =	ssyncset.done $0x0  }
0x79d: {  	[sflag:s7] =	ssyncadd.s32 $0xFFFFF980  }
0x79e: {  	_ =	swait.ge [sflag:s7], $0x680  }
0x79f: {  	[sflag:s7] =	ssyncset.done $0x0  }
0x7a0: {  	[sflag:s7] =	ssyncadd.s32 $0xFFFFF980  }
0x7a1: {  	_ =	swait.ge [sflag:s7], $0x680  }
0x7a2: {  	[sflag:s7] =	ssyncset.done $0x0  }
0x7a3: {  	[sflag:s7] =	ssyncadd.s32 $0xFFFFF980  }
0x7a4: {  	_ =	swait.ge [sflag:s8], $0xD000  }
0x7a5: {  	s29 =	simm.s32 $0xDA80;
	s30 =	simm.s32 $0x200;
	[sflag:s8] =	ssyncset.done $0x0  }
0x7a6: {  	s0 =	sadd.s32 $0x0, s25;
	s31 =	simm.s32 $0xE100;
	[sflag:s8] =	ssyncadd.s32 $0xFFFF3000  }
.LBB2_64:
0x7a7: {  	[hbm4b:s0+s2] =	stream.strided.scatter [tilespmem:s29], [sflag:$0x4], $0x680, s6, s2, $0x38;
	[tilespmem:$0x1AA80] =	vst v63  }
0x7a8: {  	s0 =	smov.u32 s30;
	s29 =	smov.u32 s31;
	p0 =	sne.s32 s30, $0x3E00  }
.Ltmp31:
0x7a9: {  	s30 =	sadd.s32 $0x200, s30;
	(pc) =	sbr.rel @p0 .LBB2_64-.Ltmp31, $2  }
0x7aa: {  	_ =	sdelay $0x2  }
0x7ab: {  	s31 =	sadd.s32 $0x680, s31;
	s0 =	sadd.s32 s0, s25  }
0x7ac: {  	[hbm4b:s0+s2] =	stream.strided.scatter [tilespmem:s29], [sflag:$0x4], $0x680, s6, s2, $0x38;
	[tilespmem:$0x1AA80] =	vst v63  }
0x7ad: {  	_ =	swait.ge [sflag:s9], $0x680  }
0x7ae: {  	[sflag:s9] =	ssyncset.done $0x0  }
0x7af: {  	[sflag:s9] =	ssyncadd.s32 $0xFFFFF980  }
0x7b0: {  	_ =	swait.ge [sflag:s9], $0x680  }
0x7b1: {  	[sflag:s9] =	ssyncset.done $0x0  }
0x7b2: {  	[sflag:s9] =	ssyncadd.s32 $0xFFFFF980  }
0x7b3: {  	_ =	swait.ge [sflag:s9], $0x680  }
0x7b4: {  	[sflag:s9] =	ssyncset.done $0x0  }
0x7b5: {  	[sflag:s9] =	ssyncadd.s32 $0xFFFFF980  }
0x7b6: {  	_ =	swait.ge [sflag:s9], $0x680  }
0x7b7: {  	[sflag:s9] =	ssyncset.done $0x0  }
0x7b8: {  	[sflag:s9] =	ssyncadd.s32 $0xFFFFF980  }
0x7b9: {  	_ =	swait.ge [sflag:s9], $0x680  }
0x7ba: {  	[sflag:s9] =	ssyncset.done $0x0  }
0x7bb: {  	[sflag:s9] =	ssyncadd.s32 $0xFFFFF980  }
0x7bc: {  	_ =	swait.ge [sflag:s9], $0x680  }
0x7bd: {  	[sflag:s9] =	ssyncset.done $0x0  }
0x7be: {  	[sflag:s9] =	ssyncadd.s32 $0xFFFFF980  }
0x7bf: {  	_ =	swait.ge [sflag:s9], $0x680  }
0x7c0: {  	[sflag:s9] =	ssyncset.done $0x0  }
0x7c1: {  	[sflag:s9] =	ssyncadd.s32 $0xFFFFF980  }
0x7c2: {  	_ =	swait.ge [sflag:s9], $0x680  }
0x7c3: {  	[sflag:s9] =	ssyncset.done $0x0  }
0x7c4: {  	[sflag:s9] =	ssyncadd.s32 $0xFFFFF980  }
0x7c5: {  	_ =	swait.ge [sflag:s9], $0x680  }
0x7c6: {  	[sflag:s9] =	ssyncset.done $0x0  }
0x7c7: {  	[sflag:s9] =	ssyncadd.s32 $0xFFFFF980  }
0x7c8: {  	_ =	swait.ge [sflag:s9], $0x680  }
0x7c9: {  	[sflag:s9] =	ssyncset.done $0x0  }
0x7ca: {  	[sflag:s9] =	ssyncadd.s32 $0xFFFFF980  }
0x7cb: {  	_ =	swait.ge [sflag:s9], $0x680  }
0x7cc: {  	[sflag:s9] =	ssyncset.done $0x0  }
0x7cd: {  	[sflag:s9] =	ssyncadd.s32 $0xFFFFF980  }
0x7ce: {  	_ =	swait.ge [sflag:s9], $0x680  }
0x7cf: {  	[sflag:s9] =	ssyncset.done $0x0  }
0x7d0: {  	[sflag:s9] =	ssyncadd.s32 $0xFFFFF980  }
0x7d1: {  	_ =	swait.ge [sflag:s9], $0x680  }
0x7d2: {  	[sflag:s9] =	ssyncset.done $0x0  }
0x7d3: {  	[sflag:s9] =	ssyncadd.s32 $0xFFFFF980  }
0x7d4: {  	_ =	swait.ge [sflag:s9], $0x680  }
0x7d5: {  	[sflag:s9] =	ssyncset.done $0x0  }
0x7d6: {  	[sflag:s9] =	ssyncadd.s32 $0xFFFFF980  }
0x7d7: {  	_ =	swait.ge [sflag:s9], $0x680  }
0x7d8: {  	[sflag:s9] =	ssyncset.done $0x0  }
0x7d9: {  	[sflag:s9] =	ssyncadd.s32 $0xFFFFF980  }
0x7da: {  	_ =	swait.ge [sflag:s9], $0x680  }
0x7db: {  	[sflag:s9] =	ssyncset.done $0x0  }
0x7dc: {  	[sflag:s9] =	ssyncadd.s32 $0xFFFFF980  }
0x7dd: {  	_ =	swait.ge [sflag:s9], $0x680  }
0x7de: {  	[sflag:s9] =	ssyncset.done $0x0  }
0x7df: {  	[sflag:s9] =	ssyncadd.s32 $0xFFFFF980  }
0x7e0: {  	_ =	swait.ge [sflag:s9], $0x680  }
0x7e1: {  	[sflag:s9] =	ssyncset.done $0x0  }
0x7e2: {  	[sflag:s9] =	ssyncadd.s32 $0xFFFFF980  }
0x7e3: {  	_ =	swait.ge [sflag:s9], $0x680  }
0x7e4: {  	[sflag:s9] =	ssyncset.done $0x0  }
0x7e5: {  	[sflag:s9] =	ssyncadd.s32 $0xFFFFF980  }
0x7e6: {  	_ =	swait.ge [sflag:s9], $0x680  }
0x7e7: {  	[sflag:s9] =	ssyncset.done $0x0  }
0x7e8: {  	[sflag:s9] =	ssyncadd.s32 $0xFFFFF980  }
0x7e9: {  	_ =	swait.ge [sflag:s9], $0x680  }
0x7ea: {  	[sflag:s9] =	ssyncset.done $0x0  }
0x7eb: {  	[sflag:s9] =	ssyncadd.s32 $0xFFFFF980  }
0x7ec: {  	_ =	swait.ge [sflag:s9], $0x680  }
0x7ed: {  	[sflag:s9] =	ssyncset.done $0x0  }
0x7ee: {  	[sflag:s9] =	ssyncadd.s32 $0xFFFFF980  }
0x7ef: {  	_ =	swait.ge [sflag:s9], $0x680  }
0x7f0: {  	[sflag:s9] =	ssyncset.done $0x0  }
0x7f1: {  	[sflag:s9] =	ssyncadd.s32 $0xFFFFF980  }
0x7f2: {  	_ =	swait.ge [sflag:s9], $0x680  }
0x7f3: {  	[sflag:s9] =	ssyncset.done $0x0  }
0x7f4: {  	[sflag:s9] =	ssyncadd.s32 $0xFFFFF980  }
0x7f5: {  	_ =	swait.ge [sflag:s9], $0x680  }
0x7f6: {  	[sflag:s9] =	ssyncset.done $0x0  }
0x7f7: {  	[sflag:s9] =	ssyncadd.s32 $0xFFFFF980  }
0x7f8: {  	_ =	swait.ge [sflag:s9], $0x680  }
0x7f9: {  	[sflag:s9] =	ssyncset.done $0x0  }
0x7fa: {  	[sflag:s9] =	ssyncadd.s32 $0xFFFFF980  }
0x7fb: {  	_ =	swait.ge [sflag:s9], $0x680  }
0x7fc: {  	[sflag:s9] =	ssyncset.done $0x0  }
0x7fd: {  	[sflag:s9] =	ssyncadd.s32 $0xFFFFF980  }
0x7fe: {  	_ =	swait.ge [sflag:s9], $0x680  }
0x7ff: {  	[sflag:s9] =	ssyncset.done $0x0  }
0x800: {  	[sflag:s9] =	ssyncadd.s32 $0xFFFFF980  }
0x801: {  	_ =	swait.ge [sflag:s9], $0x680  }
0x802: {  	[sflag:s9] =	ssyncset.done $0x0  }
0x803: {  	[sflag:s9] =	ssyncadd.s32 $0xFFFFF980  }
0x804: {  	_ =	swait.ge [sflag:s9], $0x680  }
0x805: {  	[sflag:s9] =	ssyncset.done $0x0  }
0x806: {  	[sflag:s9] =	ssyncadd.s32 $0xFFFFF980  }
0x807: {  	_ =	swait.ge [sflag:s9], $0x680  }
0x808: {  	[sflag:s9] =	ssyncset.done $0x0  }
0x809: {  	[sflag:s9] =	ssyncadd.s32 $0xFFFFF980  }
0x80a: {  	_ =	swait.ge [sflag:s9], $0x680  }
0x80b: {  	s5 =	sadd.s32 $0x1, s5;
	s31 =	rddreg [dreg:$0x7]  }
0x80c: {  	p0 =	sne.s32 s5, s31  }
.Ltmp32:
0x80d: {  	_ = 	snop;
	(pc) =	sbr.rel @p0 .LBB2_1-.Ltmp32, $3  }
0x80e: {  	_ =	sdelay $0x1  }
0x80f: {  	[sflag:s9] =	ssyncset.done $0x0  }
0x810: {  	[sflag:s9] =	ssyncadd.s32 $0xFFFFF980  }
0x811: {  	_ =	sfence.sel $0x180000  }
0x812: {  	[bflag:$0x0] =	sbarrier.arrive $0xFFFF  }
0x813: {  	_ =	strace $0x90000047  }
0x814: {  	s0 =	stileid.u32;
	[bflag:$0x2] =	sbarrier.arrive $0xFFFF  }
0x815: {  	p0 =	sne.s32 s0, $0x0;
	s0 =	rddreg [dreg:$0x2]  }
0x816: {  	s0 =	sadd.s32 @!p0 $0x100000, s0  }
0x817: {  	[sflag:s0] =	ssyncadd.tile.s32 @!p0 $0x1;
	_ =	shalt  }
.Lfunc_end2:
_tile_overlayer_lowered:
.L_overlay_start_2:
0x818: {  	(tag) =	ssettag $0x2  }
0x819: {  	s0 =	rddreg [dreg:$0x0];
	s2 =	stileid.u32  }
0x81a: {  	s1 =	rddreg [dreg:$0x1];
	p0 =	sne.s32 s2, $0x0  }
0x81b: {  	s3 =	rddreg [dreg:$0x2];
	[bflag:$0x3] =	sbarrier.arrive $0xFFFF;
	s2 =	simm.s32 @!p0 $0x1C05  }
0x81c: {  	[timem:s3], [sflag:s2] =	dma.local @!p0 [hbm:s0], s1  }
0x81d: {  	s0 =	simm.s32 @!p0 $0x5  }
0x81e: {  	_ =	swait.ge @!p0 [sflag:s0], s1  }
0x81f: {  	s1 =	ssub.s32 @!p0 $0x0, s1;
	[sflag:s0] =	ssyncset.done @!p0 $0x0  }
0x820: {  	[sflag:s0] =	ssyncadd.s32 @!p0 s1  }
0x821: {  	[bflag:$0x3] =	sbarrier.arrive $0xFFFF  }
0x822: {  	_ =	shalt  }

// kernel: sparse-core-data-format-call.cloned.1.call-start
scs
called_computation_lowered:
.L_overlay_start_0:
0x0: {  	s2 =	sld [smem:$0x3FD9]  }
0x1: {  	s3 =	sld [smem:$0x3FFE];
	_ =	sdelay $0x1  }
0x2: {  	s1 =	srdreg.scid  }
0x3: {  	s0 =	sand.u32 $0x1, s1  }
0x4: {  	s18 =	sshll.u32 s0, $0xA;
	s2 =	sadd.s32 s3, s2  }
0x5: {  	s2 =	sadd.s32 s2, s18  }
0x6: {  	[smem:$0x3FC6] =	sst s2  }
0x7: {  	_ = 	snop  }
0x8: {  	s2 =	sld [smem:$0x3FD0];
	(tm) =	ssettm $0x1  }
0x9: {  	s19 =	sld [smem:$0x3FFB];
	_ =	sdelay $0x3  }
0xa: {  	_ =	strace s19  }
0xb: {  	s3 =	sld [smem:$0x3FFC];
	_ =	sdelay $0x3  }
0xc: {  	_ =	strace s3  }
0xd: {  	s3 =	sld [smem:$0x3FFD];
	_ =	sdelay $0x3  }
0xe: {  	_ =	strace s3  }
0xf: {  	_ =	strace $0x8FFFFFFF  }
0x10: {  	s20 =	sld [smem:$0x3FDB];
	_ =	sdelay $0x1  }
0x11: {  	s4 =	simm.s32 $_scs_section_size  }
0x12: {  	s5 =	simm.s32 $_size__tile_overlayer_lowered;
	s6 =	simm.s32 $_tile_overlayer_lowered  }
0x13: {  	s23 =	simm.s32 $0x1BFF;
	s22 =	sshll.u32 s6, $0x1;
	s3 =	sadd.s32 s4, s20  }
0x14: {  	s7 =	simm.s32 $0x0;
	s21 =	sshll.u32 s5, $0x1;
	s5 =	sadd.s32 s22, s3  }
0x15: {  	[timem:s7], [sflag:s23] =	dma.local [hbm:s5], s21  }
0x16: {  	_ =	swait.ge [sflag:s23], s21  }
0x17: {  	s4 =	ssub.s32 $0x0, s21;
	[sflag:s23] =	ssyncset.done $0x0  }
0x18: {  	[sflag:s23] =	ssyncadd.s32 s4;
	_ =	sdelay $0x1  }
0x19: {  	s24 =	simm.s32 $0x1B8B  }
0x1a: {  	_ =	swait.ge [sflag:s24], $0x1  }
0x1b: {  	[sflag:s24] =	ssyncset.done $0x0  }
0x1c: {  	s26 =	simm.s32 $0x1B8E;
	s25 =	sld [smem:$0x3FFE];
	[sflag:s24] =	ssyncadd.s32 $0xFFFFFFFF  }
0x1d: {  	s27 =	simm.s32 $execute0_lowered;
	[smem:$0x3FD2] =	sst s26  }
0x1e: {  	s5 =	sshll.u32 s27, $0x1;
	_ =	strace $0x80000049;
	[dreg:$0x1] =	wrdreg $0xFFFFFFFF  }
0x1f: {  	s28 =	simm.s32 $_size_execute0_lowered;
	s3 =	sadd.s32 s3, s5;
	[dreg:$0x0] =	wrdreg $0x0  }
0x20: {  	s5 =	sshll.u32 s28, $0x1;
	[dreg:$0x2] =	wrdreg s3  }
0x21: {  	[dreg:$0x3] =	wrdreg s5  }
0x22: {  	[dreg:$0x4] =	wrdreg $0xC0  }
0x23: {  	_ =	task [dreg:s7], $0x5FFFF  }
0x24: {  	[dreg:$0x1] =	wrdreg $0xFFFFFFFF  }
0x25: {  	[dreg:$0x0] =	wrdreg $0x60  }
0x26: {  	[dreg:$0x2] =	wrdreg s25  }
0x27: {  	[dreg:$0x3] =	wrdreg s2  }
0x28: {  	[dreg:$0x4] =	wrdreg $0x9  }
0x29: {  	_ =	task.clear_ibuf [dreg:s7], $0x5FFFF;
	_ =	strace $0x90000049  }
0x2a: {  	s29 =	simm.s32 $0x9;
	_ =	strace $0x8000004B  }
0x2b: {  	_ =	swait.ge [sflag:s29], $0x1  }
0x2c: {  	[sflag:s29] =	ssyncadd.s32 $0xFFFFFFFF  }
0x2d: {  	_ =	strace $0x9000004B  }
0x2e: {  	_ =	sfence  }
0x2f: {  	s30 =	sld [smem:$0x0];
	_ =	sdelay $0x2  }
0x30: {  	s31 =	sshll.u32 s1, $0xD;
	s1 =	sshrl.u32 s1, $0x2  }
0x31: {  	s3 =	sand.u32 $0x4000, s31;
	s1 =	sadd.s32 s1, s30  }
0x32: {  	s0 =	sor.u32 s3, s0;
	s1 =	sshll.u32 s1, $0x11  }
0x33: {  	s0 =	sor.u32 s1, s0  }
0x34: {  	s0 =	sadd.s32 $0x8F2B, s0  }
0x35: {  	[sflag:s0] =	ssyncadd.remote.s32 $0x1  }
0x36: {  	_ =	sfence.sel $0xFFFF  }
0x37: {  	[dreg:$0x0] =	wrdreg $0xFFFFFFFF;
	(pc) =	sbr.abs _section_cstart, $3  }
0x38: {  	[dreg:$0x1] =	wrdreg $0xFFFFFFFF  }
0x39: {  	_ =	task.clear_ibuf [dreg:s7], $0x2FFFF;
	_ =	strace $0x9FFFFFFF  }
0x3a: {  	(tm) =	ssettm $0x7FFFFFFF  }
0x3b: {  	_ =	shalt  }
tec
execute0_lowered:
.L_overlay_start_1:
0x0: {  	(tag) =	ssettag $0x1  }
0x1: {  	s0 =	srdreg.scid  }
0x2: {  	s1 =	sshll.u32 s0, $0x4  }
0x3: {  	s0 =	stileid.u32;
	s1 =	sand.u32 $0x10, s1  }
0x4: {  	s1 =	sor.u32 s0, s1  }
0x5: {  	s6 =	rddreg [dreg:$0x0];
	s4 =	simm.s32 $0x1;
	s2 =	sshll.u32 s1, $0x7  }
0x6: {  	s7 =	simm.s32 $0x2;
	s12 =	simm.s32 $0x0;
	s1 =	ssub.s32 $0x4000, s2  }
0x7: {  	s8 =	simm.s32 $0x20000;
	s13 =	simm.s32 $0x0;
	s3 =	sand.u32 $0xF80, s1  }
0x8: {  	s9 =	simm.s32 $0x0;
	s5 =	sshrl.u32 s1, $0xC;
	p0 =	sne.s32 s3, $0x0  }
.Ltmp0:
0x9: {  	s1 =	rddreg [dreg:$0x2];
	s4 =	simm.s32 @!p0 $0x0;
	(pc) =	sbr.rel .LBB1_1-.Ltmp0, $4  }
0xa: {  	s11 =	simm.s32 $0x0;
	s3 =	rddreg [dreg:$0x1];
	s5 =	sadd.s32 s4, s5  }
0xb: {  	_ =	strace $0x8000004A;
	s4 =	simm.s32 $0x1;
	s5 =	smul.u32 $0x1A, s5  }
0xc: {  	s6 =	sadd.s32 $0xA00, s6;
	s10 =	smov.u32 s2;
	[sflag:s4] =	ssyncpa.u1 $0x0  }
0xd: {  	p0 =	por $0x0, $0x0;
	[sflag:s7] =	ssyncpa.u1 $0x0;
	s7 =	sor.u32 $0x1, s5  }
.LBB1_4:
0xe: {  	s16 =	sshll.u32 s13, $0x3;
	s17 =	sand.u32 $0x78, s13  }
0xf: {  	s30 =	sand.u32 $0x1F800, s13;
	s12 =	sshll.u32 s12, $0x11;
	s16 =	sand.u32 $0x3C00, s16  }
0x10: {  	[tilespmem:s15+$0x810 ss:$0x81] =	vst.msk $0xffff, v2;
	s31 =	sand.u32 $0x7, s13;
	s16 =	sor.u32 s17, s16;
	s17 =	sadd.s32 s3, s30  }
0x11: {  	[tilespmem:s15+$0x1020 ss:$0x81] =	vst.msk $0xffff, v0;
	s13 =	sshll.u32 s31, $0x12;
	s12 =	sadd.s32 s12, s17;
	s16 =	sshrl.u32 s16, $0x3  }
0x12: {  	[tilespmem:s15+$0x0 ss:$0x81] =	vst.msk $0xffff, v1;
	s13 =	sor.u32 $0x400, s13;
	s12 =	sadd.s32 s16, s12  }
0x13: {  	[hbm4b:s12+s13] =	stream.strided.scatter [tilespmem:s14], [sflag:$0x2], $0x2000, s8, s13, $0x20;
	[tilespmem:$0x8080] =	vst v63  }
.LBB1_5:
0x14: {  	s14 =	sadd.s32 $0x1, s9  }
0x15: {  	s12 =	sadd.s32 $0x1000, s10;
	s16 =	smov.u32 s10;
	p2 =	sgt.s32 s14, $0x19  }
0x16: {  	s16 =	smov.u32 @p2 s12  }
0x17: {  	s14 =	simm.s32 @p2 $0x0;
	p2 =	sgt.s32 s16, $0x3FFF  }
0x18: {  	s16 =	smov.u32 @p2 s2;
	p2 =	sne.s32 s11, s7  }
.Ltmp1:
0x19: {  	p1 =	slt.u32 s11, $0x2;
	(pc) =	sbr.rel @!p2 .LBB1_6-.Ltmp1, $4  }
0x1a: {  	s15 =	simm.s32 @!p1 $0x2  }
0x1b: {  	s13 =	smov.u32 s10;
	p0 =	por !p0, !p0;
	_ =	swait.ge @!p1 [sflag:s15], $0x2000  }
0x1c: {  	s12 =	smov.u32 s9;
	[sflag:s15] =	ssyncset.done @!p1 $0x0;
	s9 =	smov.u32 s14  }
0x1d: {  	s11 =	sadd.s32 $0x1, s11;
	[sflag:s15] =	ssyncadd.s32 @!p1 $0xFFFFE000;
	s10 =	smov.u32 s16  }
.LBB1_1:
0x1e: {  	p1 =	sge.u32 s11, s5  }
0x1f: {  	s31 =	sadd.s32 $0xFFFFFFFF, s11;
	s14 =	sxor.u32 @!p1 $0xFFFFFFFF, s11  }
0x20: {  	s15 =	sshll.u32 @!p1 s10, $0x9;
	s16 =	sshll.u32 @!p1 s9, $0x4;
	s17 =	simm.s32 @!p1 $0x1000  }
0x21: {  	s14 =	sshll.u32 @!p1 s14, $0xD;
	s16 =	sand.u32 @!p1 $0x1F0, s16;
	s15 =	sadd.s32 @!p1 s6, s15  }
0x22: {  	s14 =	sand.u32 @!p1 $0x2000, s14;
	s15 =	sadd.s32 @!p1 s16, s15;
	s16 =	simm.s32 @!p1 $0x40  }
0x23: {  	[tilespmem:s14], [sflag:$0x1] =	stream.strided.gather @!p1 [hbm4b:s15+s16], $0x2000, s17, s16, $0x38;
	[tilespmem:$0x8080] =	vst v63  }
0x24: {  	p1 =	sge.u32 s31, s5  }
.Ltmp2:
0x25: {  	_ = 	snop;
	(pc) =	sbr.rel @p1 .LBB1_5-.Ltmp2, $1  }
0x26: {  	_ =	sdelay $0x3  }
0x27: {  	s14 =	simm.s32 $0x1  }
0x28: {  	_ =	swait.ge [sflag:s4], $0x2000;
	s14 =	simm.s32 @!p0 $0x0  }
0x29: {  	[sflag:s4] =	ssyncset.done $0x0;
	s15 =	sshll.u32 s14, $0xD  }
0x2a: {  	[sflag:s4] =	ssyncadd.s32 $0xFFFFE000;
	s18 =	sor.u32 $0x20, s15  }
0x2b: {  	s14 =	smul.u32 $0x8100, s14;
	v3 =	vld [tilespmem:s18+$0x10]  }
0x2c: {  	s30 =	sand.u32 $0x1, s11;
	v2 =	vld [tilespmem:s18+$0xFFFFFFF0]  }
0x2d: {  	s15 =	smul.u32 $0x8100, s30;
	s14 =	sshrl.u32 s14, $0x2;
	v0 =	vld [tilespmem:s18+$0x0]  }
0x2e: {  	v1 =	vld [tilespmem:s18+$0xFFFFFFE0];
	s16 =	sor.u32 $0x4000, s14  }
0x2f: {  	s31 =	sshrl.u32 s15, $0x2;
	s15 =	sadd.s32 $0x0, s16  }
0x30: {  	s17 =	simm.s32 $0x4;
	s18 =	sadd.s32 $0x40, s18;
	s14 =	sor.u32 $0x4000, s31;
	[tilespmem:s15+$0x1830 ss:$0x81] =	vst.msk $0xffff, v3  }
.LBB1_3:
0x31: {  	v3 =	vld [tilespmem:s18+$0x10];
	p1 =	sne.s32 s17, $0x1FC;
	[tilespmem:s15+$0x810 ss:$0x81] =	vst.msk $0xffff, v2;
	s19 =	smov.u32 s17;
	s17 =	sadd.s32 $0x4, s17  }
.Ltmp3:
0x32: {  	v2 =	vld [tilespmem:s18+$0xFFFFFFF0];
	[tilespmem:s15+$0x1020 ss:$0x81] =	vst.msk $0xffff, v0;
	(pc) =	sbr.rel @p1 .LBB1_3-.Ltmp3, $4  }
0x33: {  	v0 =	vld [tilespmem:s18+$0x0];
	[tilespmem:s15+$0x0 ss:$0x81] =	vst.msk $0xffff, v1  }
0x34: {  	s15 =	sshra.s32 s19, $0x2;
	v1 =	vld [tilespmem:s18+$0xFFFFFFE0]  }
0x35: {  	s15 =	sadd.s32 s15, s16  }
0x36: {  	s18 =	sadd.s32 $0x40, s18;
	[tilespmem:s15+$0x1830 ss:$0x81] =	vst.msk $0xffff, v3  }
.Ltmp4:
0x37: {  	_ = 	snop;
	(pc) =	sbr.rel .LBB1_4-.Ltmp4, $1  }
0x38: {  	_ =	sdelay $0x3  }
.LBB1_6:
0x39: {  	_ =	sfence.sel $0x180000  }
0x3a: {  	s2 =	simm.s32 $0x1;
	[bflag:$0x0] =	sbarrier.arrive $0xFFFF  }
0x3b: {  	s31 =	simm.s32 $0x2;
	[sflag:s2] =	ssyncpa.u1 $0x1  }
0x3c: {  	[sflag:s31] =	ssyncpa.u1 $0x1  }
0x3d: {  	p0 =	sne.s32 s0, $0x0;
	_ =	strace $0x9000004A  }
0x3e: {  	s0 =	sadd.s32 @!p0 $0x100000, s1;
	[bflag:$0x2] =	sbarrier.arrive $0xFFFF  }
0x3f: {  	[sflag:s0] =	ssyncadd.tile.s32 @!p0 $0x1;
	_ =	shalt  }
.Lfunc_end1:
_tile_overlayer_lowered:
.L_overlay_start_2:
0x40: {  	(tag) =	ssettag $0x2  }
0x41: {  	s0 =	rddreg [dreg:$0x0];
	s2 =	stileid.u32  }
0x42: {  	s1 =	rddreg [dreg:$0x1];
	p0 =	sne.s32 s2, $0x0  }
0x43: {  	s3 =	rddreg [dreg:$0x2];
	[bflag:$0x3] =	sbarrier.arrive $0xFFFF;
	s2 =	simm.s32 @!p0 $0x1C01  }
0x44: {  	[timem:s3], [sflag:s2] =	dma.local @!p0 [hbm:s0], s1  }
0x45: {  	s0 =	simm.s32 @!p0 $0x1  }
0x46: {  	_ =	swait.ge @!p0 [sflag:s0], s1  }
0x47: {  	s1 =	ssub.s32 @!p0 $0x0, s1;
	[sflag:s0] =	ssyncset.done @!p0 $0x0  }
0x48: {  	[sflag:s0] =	ssyncadd.s32 @!p0 s1  }
0x49: {  	[bflag:$0x3] =	sbarrier.arrive $0xFFFF  }
0x4a: {  	_ =	shalt  }

</sc_bundles>
